<compile_context>
chip_gen: v7x
topology: tpu7x:2x2x1
jax: 0.10.2.dev20260603
libtpu: 0.0.44.dev20260713+nightly
codegen_flags: <defaults>
</compile_context>

<pallas_src>
import functools

import jax
import jax.numpy as jnp
from jax import lax
from jax.experimental import pallas as pl
from jax.experimental.pallas import tpu as pltpu
from jax.experimental.pallas import tpu_sc as plsc

_INFEATURES = 512
_CAPACITY = 16384
_EPS = 1e-8

_NW = 32
_SC_RPW = 128
_SC_ROWS = _NW * _SC_RPW
_TC_ROWS = _CAPACITY - _SC_ROWS
_CHUNK = 32
_NCHUNK = _SC_RPW // _CHUNK
_NSLICE = _INFEATURES // 16
_RB = 4
_TC_BLOCK = 2048
_TC_STEPS = _TC_ROWS // _TC_BLOCK


def _phase1_body(x_hbm, mem_hbm, d_out, n_out, i_out,
                 xv, b0, b1, pd, pn, od, on, oi, sem0, sem1):
    wid = lax.axis_index("c") * 16 + lax.axis_index("s")
    base_row = wid * _SC_RPW

    pltpu.sync_copy(x_hbm, xv)
    xs = [xv[pl.ds(s * 16, 16)] for s in range(_NSLICE)]

    bufs = (b0, b1)
    sems = (sem0, sem1)

    def start(c, k):
        pltpu.async_copy(mem_hbm.at[pl.ds(base_row + c * _CHUNK, _CHUNK)],
                         bufs[k], sems[k])

    def wait(k):
        pltpu.make_async_copy(mem_hbm.at[pl.ds(0, _CHUNK)],
                              bufs[k], sems[k]).wait()

    def process(c, k):
        buf = bufs[k]

        def row_body(rb, _):
            r = rb * _RB
            accs = []
            for q in range(_RB):
                m = buf[r + q, pl.ds(0, 16)]
                accs.append([m * xs[0], m * m])
            for s in range(1, _NSLICE):
                xv_s = xs[s]
                for q in range(_RB):
                    m = buf[r + q, pl.ds(s * 16, 16)]
                    accs[q][0] = accs[q][0] + m * xv_s
                    accs[q][1] = accs[q][1] + m * m
            for q in range(_RB):
                pd[pl.ds((c * _CHUNK + r + q) * 16, 16)] = accs[q][0]
                pn[pl.ds((c * _CHUNK + r + q) * 16, 16)] = accs[q][1]
            return 0

        lax.fori_loop(0, _CHUNK // _RB, row_body, 0)

    start(0, 0)
    start(1, 1)

    def chunk_body(j, _):
        c = j * 2
        wait(0)
        process(c, 0)

        @pl.when(j < _NCHUNK // 2 - 1)
        def _():
            start(c + 2, 0)

        wait(1)
        process(c + 1, 1)

        @pl.when(j < _NCHUNK // 2 - 1)
        def _():
            start(c + 3, 1)

        return 0

    lax.fori_loop(0, _NCHUNK // 2, chunk_body, 0)

    def red_body(rb, carry):
        r4 = rb * 4
        ds_ = [jnp.sum(pd[pl.ds((r4 + q) * 16, 16)]) for q in range(4)]
        ns_ = [jnp.sum(pn[pl.ds((r4 + q) * 16, 16)]) for q in range(4)]
        for q in range(4):
            bnum, bden, bd, bn, bi = carry
            d = ds_[q]
            n = ns_[q]
            num = d * jnp.abs(d)
            den = jnp.maximum(n, 1e-16)
            pred = num * bden > bnum * den
            carry = (jnp.where(pred, num, bnum),
                     jnp.where(pred, den, bden),
                     jnp.where(pred, d, bd),
                     jnp.where(pred, n, bn),
                     jnp.where(pred, base_row + r4 + q, bi))
        return carry

    init = (jnp.float32(-3.4e38), jnp.float32(1.0), jnp.float32(0.0),
            jnp.float32(1.0), jnp.int32(0))
    _, _, bd, bn, bi = lax.fori_loop(0, _SC_RPW // 4, red_body, init)

    od[...] = jnp.full((16,), bd, jnp.float32)
    on[...] = jnp.full((16,), bn, jnp.float32)
    oi[...] = jnp.full((16,), bi, jnp.int32)
    pltpu.sync_copy(od, d_out.at[pl.ds(wid * 16, 16)])
    pltpu.sync_copy(on, n_out.at[pl.ds(wid * 16, 16)])
    pltpu.sync_copy(oi, i_out.at[pl.ds(wid * 16, 16)])


@functools.lru_cache(maxsize=None)
def _build_phase1():
    mesh = plsc.VectorSubcoreMesh(core_axis_name="c", subcore_axis_name="s")
    return functools.partial(
        pl.kernel,
        out_type=[
            jax.ShapeDtypeStruct((_NW * 16,), jnp.float32),
            jax.ShapeDtypeStruct((_NW * 16,), jnp.float32),
            jax.ShapeDtypeStruct((_NW * 16,), jnp.int32),
        ],
        mesh=mesh,
        compiler_params=pltpu.CompilerParams(needs_layout_passes=False),
        scratch_types=[
            pltpu.VMEM((_INFEATURES,), jnp.float32),
            pltpu.VMEM((_CHUNK, _INFEATURES), jnp.float32),
            pltpu.VMEM((_CHUNK, _INFEATURES), jnp.float32),
            pltpu.VMEM((_SC_RPW * 16,), jnp.float32),
            pltpu.VMEM((_SC_RPW * 16,), jnp.float32),
            pltpu.VMEM((16,), jnp.float32),
            pltpu.VMEM((16,), jnp.float32),
            pltpu.VMEM((16,), jnp.int32),
            pltpu.SemaphoreType.DMA,
            pltpu.SemaphoreType.DMA,
        ],
    )(_phase1_body)


def _tc_scan_body(x_ref, m_ref, bd_ref, bn_ref, bi_ref, sm_f, sm_i):
    step = pl.program_id(0)
    xr = x_ref[...].reshape(1, _INFEATURES)
    ones = jnp.ones((1, _INFEATURES), jnp.float32)

    @pl.when(step == 0)
    def _():
        sm_f[0] = jnp.float32(-3.4e38)
        sm_f[1] = jnp.float32(0.0)
        sm_f[2] = jnp.float32(1.0)
        sm_i[0] = jnp.int32(2**31 - 1)

    m = m_ref[...]
    d = lax.dot_general(xr, m, (((1,), (1,)), ((), ())),
                        preferred_element_type=jnp.float32)
    n = lax.dot_general(ones, m * m, (((1,), (1,)), ((), ())),
                        preferred_element_type=jnp.float32)
    g = d * jnp.abs(d) / jnp.maximum(n, 1e-16)
    ti = (_SC_ROWS + step * _TC_BLOCK
          + lax.broadcasted_iota(jnp.int32, (1, _TC_BLOCK), 1))
    gm = jnp.max(g)
    bi = jnp.min(jnp.where(g == gm, ti, jnp.int32(2**31 - 1)))
    sel = ti == bi
    bd = jnp.max(jnp.where(sel, d, -3.4e38))
    bn = jnp.max(jnp.where(sel, n, -3.4e38))

    @pl.when(gm > sm_f[0])
    def _():
        sm_f[0] = gm
        sm_f[1] = bd
        sm_f[2] = bn
        sm_i[0] = bi

    @pl.when(step == _TC_STEPS - 1)
    def _():
        bd_ref[...] = jnp.full((1, 128), sm_f[1], jnp.float32)
        bn_ref[...] = jnp.full((1, 128), sm_f[2], jnp.float32)
        bi_ref[...] = jnp.full((1, 128), sm_i[0], jnp.int32)


_tc_scan = pl.pallas_call(
    _tc_scan_body,
    grid=(_TC_STEPS,),
    in_specs=[
        pl.BlockSpec((_INFEATURES,), lambda i: (0,)),
        pl.BlockSpec((_TC_BLOCK, _INFEATURES),
                     lambda i: (i + _SC_ROWS // _TC_BLOCK, 0)),
    ],
    out_specs=[
        pl.BlockSpec((1, 128), lambda i: (0, 0)),
        pl.BlockSpec((1, 128), lambda i: (0, 0)),
        pl.BlockSpec((1, 128), lambda i: (0, 0)),
    ],
    out_shape=[
        jax.ShapeDtypeStruct((1, 128), jnp.float32),
        jax.ShapeDtypeStruct((1, 128), jnp.float32),
        jax.ShapeDtypeStruct((1, 128), jnp.int32),
    ],
    scratch_shapes=[
        pltpu.SMEM((4,), jnp.float32),
        pltpu.SMEM((2,), jnp.int32),
    ],
)


def _merge_body(x_ref, sd_ref, sn_ref, si_ref, td_ref, tn_ref, ti_ref,
                out_ref):
    x = x_ref[...]
    xx = jnp.sum(x * x)
    big_i = jnp.int32(2**31 - 1)

    sd = sd_ref[...]
    sn = sn_ref[...]
    si = si_ref[...]
    gs = sd * jnp.abs(sd) / jnp.maximum(sn, 1e-16)

    td = jnp.max(td_ref[...])
    tn = jnp.max(tn_ref[...])
    ti = jnp.max(ti_ref[...])
    gt = td * jnp.abs(td) / jnp.maximum(tn, 1e-16)

    gm = jnp.maximum(jnp.max(gs), gt)
    bi = jnp.minimum(jnp.min(jnp.where(gs == gm, si, big_i)),
                     jnp.where(gt == gm, ti, big_i))
    in_sc = jnp.min(jnp.where(gs == gm, si, big_i)) <= bi
    bd = jnp.where(bi == ti, td, jnp.max(jnp.where(si == bi, sd, -3.4e38)))
    bn = jnp.where(bi == ti, tn, jnp.max(jnp.where(si == bi, sn, -3.4e38)))
    bd = jnp.where(in_sc, jnp.max(jnp.where(si == bi, sd, -3.4e38)), bd)
    bn = jnp.where(in_sc, jnp.max(jnp.where(si == bi, sn, -3.4e38)), bn)
    val = bd / (jnp.maximum(jnp.sqrt(bn), _EPS) * jnp.maximum(jnp.sqrt(xx), _EPS))
    fi = lax.broadcasted_iota(jnp.int32, (_CAPACITY,), 0)
    out_ref[...] = jnp.where(fi == bi, val, 0.0)


_merge = pl.pallas_call(
    _merge_body,
    out_shape=jax.ShapeDtypeStruct((_CAPACITY,), jnp.float32),
)


@jax.jit
def kernel(x, memory):
    sd, sn, si = _build_phase1()(x, memory)
    td, tn, ti = _tc_scan(x, memory)
    return _merge(x, sd, sn, si, td, tn, ti)

# --- scband reference (transcript-rebuilt; emitter-appended) ---
"""Pipeline reference for scband-net3-9887014715535 (READ-ONLY COPY).

The authoritative reference and input builder live on the scoring server;
editing this copy changes nothing except your own understanding.
"""

import jax, jax.numpy as jnp
import numpy as np

INFEATURES = 512
CAPACITY = 16384
EPS = 1e-8


def setup_inputs(seed: int = 0) -> dict:
    key = jax.random.key(seed)
    k1, k2 = jax.random.split(key)
    x = jax.random.normal(k1, (INFEATURES,), dtype=jnp.float32)
    # nn.ParameterList of `capacity` vectors, each torch.rand(infeatures) -> uniform [0,1)
    memory = jax.random.uniform(k2, (CAPACITY, INFEATURES), dtype=jnp.float32)
    return {"x": x, "memory": memory}


def reference(x, memory):
    # distances[i] = cosine_similarity(x, memory[i], dim=0)
    x_norm = jnp.maximum(jnp.sqrt(jnp.sum(x * x)), EPS)
    mem_norms = jnp.maximum(jnp.sqrt(jnp.sum(memory * memory, axis=1)), EPS)
    dots = memory @ x  # [capacity]
    distances = dots / (mem_norms * x_norm)
    # amax/mask: keep only the best-matching slot (one-hot at argmax), zero elsewhere
    idx = jnp.argmax(distances)
    mask = jnp.zeros_like(distances).at[idx].set(1.0)
    out = distances * mask
    return out

if __name__ == "__main__":
    import jax
    _d = setup_inputs()
    print(jax.jit(kernel)(*tuple(_d.values())))

</pallas_src>

<mosaic_0001>
#map = affine_map<(d0, d1) -> (0)>
#map1 = affine_map<(d0, d1) -> (0, 0)>
module attributes {stable_mosaic.version = 14 : i64} {
  func.func @_phase1_body(%arg0: i32, %arg1: i32, %arg2: memref<512xf32, #tpu.memory_space<hbm>>, %arg3: memref<16384x512xf32, #tpu.memory_space<hbm>>, %arg4: memref<512xf32, #tpu.memory_space<hbm>>, %arg5: memref<512xf32, #tpu.memory_space<hbm>>, %arg6: memref<512xi32, #tpu.memory_space<hbm>>, %arg7: memref<512xf32, #tpu.memory_space<vmem>>, %arg8: memref<32x512xf32, #tpu.memory_space<vmem>>, %arg9: memref<32x512xf32, #tpu.memory_space<vmem>>, %arg10: memref<2048xf32, #tpu.memory_space<vmem>>, %arg11: memref<2048xf32, #tpu.memory_space<vmem>>, %arg12: memref<16xf32, #tpu.memory_space<vmem>>, %arg13: memref<16xf32, #tpu.memory_space<vmem>>, %arg14: memref<16xi32, #tpu.memory_space<vmem>>, %arg15: memref<!tpu.dma_semaphore, #tpu.memory_space<semaphore_mem>>, %arg16: memref<!tpu.dma_semaphore, #tpu.memory_space<semaphore_mem>>) attributes {dimension_semantics = [#tpu.dimension_semantics<core_parallel>, #tpu.dimension_semantics<subcore_parallel>], iteration_bounds = array<i64: 2, 16>, scalar_prefetch = 0 : i64, scratch_operands = 10 : i64, tpu.core_type = #tpu.core_type<sc_vector_subcore>, window_params = [{transform_indices = #map}, {transform_indices = #map1}, {transform_indices = #map}, {transform_indices = #map}, {transform_indices = #map}]} {
    %mul3A = arith.constant 16 : i32
    %mul3A_0 = arith.muli %arg0, %mul3A : i32
    %add3A = arith.addi %mul3A_0, %arg1 : i32
    %mul3A_1 = arith.constant 128 : i32
    %mul3A_2 = arith.muli %add3A, %mul3A_1 : i32
    "tpu.region"() ({
      %run_scoped3A = tpu.sem_alloc : memref<!tpu.dma_semaphore, #tpu.memory_space<semaphore_mem>>
      tpu.enqueue_dma source(%arg2 : memref<512xf32, #tpu.memory_space<hbm>>) target(%arg7 : memref<512xf32, #tpu.memory_space<vmem>>) target_semaphore(%run_scoped3A : memref<!tpu.dma_semaphore, #tpu.memory_space<semaphore_mem>>)
      tpu.wait_dma2 semaphore(%run_scoped3A : memref<!tpu.dma_semaphore, #tpu.memory_space<semaphore_mem>>) src(%arg2 : memref<512xf32, #tpu.memory_space<hbm>>) dst(%arg7 : memref<512xf32, #tpu.memory_space<vmem>>)
      tpu.yield
    }) : () -> ()
    %get3A = arith.constant 0 : index
    %get3A_3 = tpu.vector_load %arg7[%get3A] {strides = array<i32>} : memref<512xf32, #tpu.memory_space<vmem>>, vector<16xf32>,
    %get3A_4 = arith.constant 16 : index
    %get3A_5 = tpu.vector_load %arg7[%get3A_4] {strides = array<i32>} : memref<512xf32, #tpu.memory_space<vmem>>, vector<16xf32>,
    %get3A_6 = arith.constant 32 : index
    %get3A_7 = tpu.vector_load %arg7[%get3A_6] {strides = array<i32>} : memref<512xf32, #tpu.memory_space<vmem>>, vector<16xf32>,
    %get3A_8 = arith.constant 48 : index
    %get3A_9 = tpu.vector_load %arg7[%get3A_8] {strides = array<i32>} : memref<512xf32, #tpu.memory_space<vmem>>, vector<16xf32>,
    %get3A_10 = arith.constant 64 : index
    %get3A_11 = tpu.vector_load %arg7[%get3A_10] {strides = array<i32>} : memref<512xf32, #tpu.memory_space<vmem>>, vector<16xf32>,
    %get3A_12 = arith.constant 80 : index
    %get3A_13 = tpu.vector_load %arg7[%get3A_12] {strides = array<i32>} : memref<512xf32, #tpu.memory_space<vmem>>, vector<16xf32>,
    %get3A_14 = arith.constant 96 : index
    %get3A_15 = tpu.vector_load %arg7[%get3A_14] {strides = array<i32>} : memref<512xf32, #tpu.memory_space<vmem>>, vector<16xf32>,
    %get3A_16 = arith.constant 112 : index
    %get3A_17 = tpu.vector_load %arg7[%get3A_16] {strides = array<i32>} : memref<512xf32, #tpu.memory_space<vmem>>, vector<16xf32>,
    %get3A_18 = arith.constant 128 : index
    %get3A_19 = tpu.vector_load %arg7[%get3A_18] {strides = array<i32>} : memref<512xf32, #tpu.memory_space<vmem>>, vector<16xf32>,
    %get3A_20 = arith.constant 144 : index
    %get3A_21 = tpu.vector_load %arg7[%get3A_20] {strides = array<i32>} : memref<512xf32, #tpu.memory_space<vmem>>, vector<16xf32>,
    %get3A_22 = arith.constant 160 : index
    %get3A_23 = tpu.vector_load %arg7[%get3A_22] {strides = array<i32>} : memref<512xf32, #tpu.memory_space<vmem>>, vector<16xf32>,
    %get3A_24 = arith.constant 176 : index
    %get3A_25 = tpu.vector_load %arg7[%get3A_24] {strides = array<i32>} : memref<512xf32, #tpu.memory_space<vmem>>, vector<16xf32>,
    %get3A_26 = arith.constant 192 : index
    %get3A_27 = tpu.vector_load %arg7[%get3A_26] {strides = array<i32>} : memref<512xf32, #tpu.memory_space<vmem>>, vector<16xf32>,
    %get3A_28 = arith.constant 208 : index
    %get3A_29 = tpu.vector_load %arg7[%get3A_28] {strides = array<i32>} : memref<512xf32, #tpu.memory_space<vmem>>, vector<16xf32>,
    %get3A_30 = arith.constant 224 : index
    %get3A_31 = tpu.vector_load %arg7[%get3A_30] {strides = array<i32>} : memref<512xf32, #tpu.memory_space<vmem>>, vector<16xf32>,
    %get3A_32 = arith.constant 240 : index
    %get3A_33 = tpu.vector_load %arg7[%get3A_32] {strides = array<i32>} : memref<512xf32, #tpu.memory_space<vmem>>, vector<16xf32>,
    %get3A_34 = arith.constant 256 : index
    %get3A_35 = tpu.vector_load %arg7[%get3A_34] {strides = array<i32>} : memref<512xf32, #tpu.memory_space<vmem>>, vector<16xf32>,
    %get3A_36 = arith.constant 272 : index
    %get3A_37 = tpu.vector_load %arg7[%get3A_36] {strides = array<i32>} : memref<512xf32, #tpu.memory_space<vmem>>, vector<16xf32>,
    %get3A_38 = arith.constant 288 : index
    %get3A_39 = tpu.vector_load %arg7[%get3A_38] {strides = array<i32>} : memref<512xf32, #tpu.memory_space<vmem>>, vector<16xf32>,
    %get3A_40 = arith.constant 304 : index
    %get3A_41 = tpu.vector_load %arg7[%get3A_40] {strides = array<i32>} : memref<512xf32, #tpu.memory_space<vmem>>, vector<16xf32>,
    %get3A_42 = arith.constant 320 : index
    %get3A_43 = tpu.vector_load %arg7[%get3A_42] {strides = array<i32>} : memref<512xf32, #tpu.memory_space<vmem>>, vector<16xf32>,
    %get3A_44 = arith.constant 336 : index
    %get3A_45 = tpu.vector_load %arg7[%get3A_44] {strides = array<i32>} : memref<512xf32, #tpu.memory_space<vmem>>, vector<16xf32>,
    %get3A_46 = arith.constant 352 : index
    %get3A_47 = tpu.vector_load %arg7[%get3A_46] {strides = array<i32>} : memref<512xf32, #tpu.memory_space<vmem>>, vector<16xf32>,
    %get3A_48 = arith.constant 368 : index
    %get3A_49 = tpu.vector_load %arg7[%get3A_48] {strides = array<i32>} : memref<512xf32, #tpu.memory_space<vmem>>, vector<16xf32>,
    %get3A_50 = arith.constant 384 : index
    %get3A_51 = tpu.vector_load %arg7[%get3A_50] {strides = array<i32>} : memref<512xf32, #tpu.memory_space<vmem>>, vector<16xf32>,
    %get3A_52 = arith.constant 400 : index
    %get3A_53 = tpu.vector_load %arg7[%get3A_52] {strides = array<i32>} : memref<512xf32, #tpu.memory_space<vmem>>, vector<16xf32>,
    %get3A_54 = arith.constant 416 : index
    %get3A_55 = tpu.vector_load %arg7[%get3A_54] {strides = array<i32>} : memref<512xf32, #tpu.memory_space<vmem>>, vector<16xf32>,
    %get3A_56 = arith.constant 432 : index
    %get3A_57 = tpu.vector_load %arg7[%get3A_56] {strides = array<i32>} : memref<512xf32, #tpu.memory_space<vmem>>, vector<16xf32>,
    %get3A_58 = arith.constant 448 : index
    %get3A_59 = tpu.vector_load %arg7[%get3A_58] {strides = array<i32>} : memref<512xf32, #tpu.memory_space<vmem>>, vector<16xf32>,
    %get3A_60 = arith.constant 464 : index
    %get3A_61 = tpu.vector_load %arg7[%get3A_60] {strides = array<i32>} : memref<512xf32, #tpu.memory_space<vmem>>, vector<16xf32>,
    %get3A_62 = arith.constant 480 : index
    %get3A_63 = tpu.vector_load %arg7[%get3A_62] {strides = array<i32>} : memref<512xf32, #tpu.memory_space<vmem>>, vector<16xf32>,
    %get3A_64 = arith.constant 496 : index
    %get3A_65 = tpu.vector_load %arg7[%get3A_64] {strides = array<i32>} : memref<512xf32, #tpu.memory_space<vmem>>, vector<16xf32>,
    %add3A_66 = arith.constant 0 : i32
    %add3A_67 = arith.addi %mul3A_2, %add3A_66 : i32
    %dma_start3A = arith.constant 0 : i32
    %dma_start3A_68 = tpu.memref_slice %arg3[%add3A_67, %dma_start3A] : memref<16384x512xf32, #tpu.memory_space<hbm>> -> memref<32x512xf32, #tpu.memory_space<hbm>>
    %dma_start3A_69 = arith.constant 0 : i32
    %dma_start3A_70 = tpu.memref_slice %arg3[%add3A_67, %dma_start3A_69] : memref<16384x512xf32, #tpu.memory_space<hbm>> -> memref<32x512xf32, #tpu.memory_space<hbm>>
    tpu.enqueue_dma source(%dma_start3A_70 : memref<32x512xf32, #tpu.memory_space<hbm>>) target(%arg8 : memref<32x512xf32, #tpu.memory_space<vmem>>) target_semaphore(%arg15 : memref<!tpu.dma_semaphore, #tpu.memory_space<semaphore_mem>>)
    %add3A_71 = arith.constant 32 : i32
    %add3A_72 = arith.addi %mul3A_2, %add3A_71 : i32
    %dma_start3A_73 = arith.constant 0 : i32
    %dma_start3A_74 = tpu.memref_slice %arg3[%add3A_72, %dma_start3A_73] : memref<16384x512xf32, #tpu.memory_space<hbm>> -> memref<32x512xf32, #tpu.memory_space<hbm>>
    %dma_start3A_75 = arith.constant 0 : i32
    %dma_start3A_76 = tpu.memref_slice %arg3[%add3A_72, %dma_start3A_75] : memref<16384x512xf32, #tpu.memory_space<hbm>> -> memref<32x512xf32, #tpu.memory_space<hbm>>
    tpu.enqueue_dma source(%dma_start3A_76 : memref<32x512xf32, #tpu.memory_space<hbm>>) target(%arg9 : memref<32x512xf32, #tpu.memory_space<vmem>>) target_semaphore(%arg16 : memref<!tpu.dma_semaphore, #tpu.memory_space<semaphore_mem>>)
    %scan3A = arith.constant 0 : i32
    %scan3A_77 = arith.constant 0 : i32
    %scan3A_78 = arith.constant 2 : i32
    %scan3A_79 = arith.addi %scan3A_77, %scan3A_78 : i32
    %scan3A_80 = arith.constant 1 : i32
    %scan3A_81 = scf.for %scan3A_107 = %scan3A_77 to %scan3A_79 step %scan3A_80 iter_args(%scan3A_108 = %scan3A) -> (i32)  : i32 {
      %mul3A_109 = arith.constant 2 : i32
      %mul3A_110 = arith.muli %scan3A_107, %mul3A_109 : i32
      %dma_wait3A = arith.constant 0 : i32
      %dma_wait3A_111 = arith.constant 0 : i32
      %dma_wait3A_112 = tpu.memref_slice %arg3[%dma_wait3A, %dma_wait3A_111] : memref<16384x512xf32, #tpu.memory_space<hbm>> -> memref<32x512xf32, #tpu.memory_space<hbm>>
      %dma_wait3A_113 = arith.constant 0 : i32
      %dma_wait3A_114 = arith.constant 0 : i32
      %dma_wait3A_115 = tpu.memref_slice %arg3[%dma_wait3A_113, %dma_wait3A_114] : memref<16384x512xf32, #tpu.memory_space<hbm>> -> memref<32x512xf32, #tpu.memory_space<hbm>>
      tpu.wait_dma2 semaphore(%arg15 : memref<!tpu.dma_semaphore, #tpu.memory_space<semaphore_mem>>) src(%dma_wait3A_115 : memref<32x512xf32, #tpu.memory_space<hbm>>) dst(%arg8 : memref<32x512xf32, #tpu.memory_space<vmem>>)
      %scan3A_116 = arith.constant 0 : i32
      %scan3A_117 = arith.constant 0 : i32
      %scan3A_118 = arith.constant 8 : i32
      %scan3A_119 = arith.addi %scan3A_117, %scan3A_118 : i32
      %scan3A_120 = arith.constant 1 : i32
      %scan3A_121 = scf.for %scan3A_146 = %scan3A_117 to %scan3A_119 step %scan3A_120 iter_args(%scan3A_147 = %scan3A_116) -> (i32)  : i32 {
        %mul3A_148 = arith.constant 4 : i32
        %mul3A_149 = arith.muli %scan3A_146, %mul3A_148 : i32
        %add3A_150 = arith.constant 0 : i32
        %add3A_151 = arith.addi %mul3A_149, %add3A_150 : i32
        %get3A_152 = arith.index_cast %add3A_151 : i32 to index
        %get3A_153 = arith.constant 0 : index
        %get3A_154 = tpu.vector_load %arg8[%get3A_152, %get3A_153] {strides = array<i32>} : memref<32x512xf32, #tpu.memory_space<vmem>>, vector<16xf32>,
        %mul3A_155 = arith.mulf %get3A_154, %get3A_3 : vector<16xf32>
        %mul3A_156 = arith.mulf %get3A_154, %get3A_154 : vector<16xf32>
        %add3A_157 = arith.constant 1 : i32
        %add3A_158 = arith.addi %mul3A_149, %add3A_157 : i32
        %get3A_159 = arith.index_cast %add3A_158 : i32 to index
        %get3A_160 = arith.constant 0 : index
        %get3A_161 = tpu.vector_load %arg8[%get3A_159, %get3A_160] {strides = array<i32>} : memref<32x512xf32, #tpu.memory_space<vmem>>, vector<16xf32>,
        %mul3A_162 = arith.mulf %get3A_161, %get3A_3 : vector<16xf32>
        %mul3A_163 = arith.mulf %get3A_161, %get3A_161 : vector<16xf32>
        %add3A_164 = arith.constant 2 : i32
        %add3A_165 = arith.addi %mul3A_149, %add3A_164 : i32
        %get3A_166 = arith.index_cast %add3A_165 : i32 to index
        %get3A_167 = arith.constant 0 : index
        %get3A_168 = tpu.vector_load %arg8[%get3A_166, %get3A_167] {strides = array<i32>} : memref<32x512xf32, #tpu.memory_space<vmem>>, vector<16xf32>,
        %mul3A_169 = arith.mulf %get3A_168, %get3A_3 : vector<16xf32>
        %mul3A_170 = arith.mulf %get3A_168, %get3A_168 : vector<16xf32>
        %add3A_171 = arith.constant 3 : i32
        %add3A_172 = arith.addi %mul3A_149, %add3A_171 : i32
        %get3A_173 = arith.index_cast %add3A_172 : i32 to index
        %get3A_174 = arith.constant 0 : index
        %get3A_175 = tpu.vector_load %arg8[%get3A_173, %get3A_174] {strides = array<i32>} : memref<32x512xf32, #tpu.memory_space<vmem>>, vector<16xf32>,
        %mul3A_176 = arith.mulf %get3A_175, %get3A_3 : vector<16xf32>
        %mul3A_177 = arith.mulf %get3A_175, %get3A_175 : vector<16xf32>
        %add3A_178 = arith.constant 0 : i32
        %add3A_179 = arith.addi %mul3A_149, %add3A_178 : i32
        %get3A_180 = arith.index_cast %add3A_179 : i32 to index
        %get3A_181 = arith.constant 16 : index
        %get3A_182 = tpu.vector_load %arg8[%get3A_180, %get3A_181] {strides = array<i32>} : memref<32x512xf32, #tpu.memory_space<vmem>>, vector<16xf32>,
        %mul3A_183 = arith.mulf %get3A_182, %get3A_5 : vector<16xf32>
        %add3A_184 = arith.addf %mul3A_155, %mul3A_183 : vector<16xf32>
        %mul3A_185 = arith.mulf %get3A_182, %get3A_182 : vector<16xf32>
        %add3A_186 = arith.addf %mul3A_156, %mul3A_185 : vector<16xf32>
        %add3A_187 = arith.constant 1 : i32
        %add3A_188 = arith.addi %mul3A_149, %add3A_187 : i32
        %get3A_189 = arith.index_cast %add3A_188 : i32 to index
        %get3A_190 = arith.constant 16 : index
        %get3A_191 = tpu.vector_load %arg8[%get3A_189, %get3A_190] {strides = array<i32>} : memref<32x512xf32, #tpu.memory_space<vmem>>, vector<16xf32>,
        %mul3A_192 = arith.mulf %get3A_191, %get3A_5 : vector<16xf32>
        %add3A_193 = arith.addf %mul3A_162, %mul3A_192 : vector<16xf32>
        %mul3A_194 = arith.mulf %get3A_191, %get3A_191 : vector<16xf32>
        %add3A_195 = arith.addf %mul3A_163, %mul3A_194 : vector<16xf32>
        %add3A_196 = arith.constant 2 : i32
        %add3A_197 = arith.addi %mul3A_149, %add3A_196 : i32
        %get3A_198 = arith.index_cast %add3A_197 : i32 to index
        %get3A_199 = arith.constant 16 : index
        %get3A_200 = tpu.vector_load %arg8[%get3A_198, %get3A_199] {strides = array<i32>} : memref<32x512xf32, #tpu.memory_space<vmem>>, vector<16xf32>,
        %mul3A_201 = arith.mulf %get3A_200, %get3A_5 : vector<16xf32>
        %add3A_202 = arith.addf %mul3A_169, %mul3A_201 : vector<16xf32>
        %mul3A_203 = arith.mulf %get3A_200, %get3A_200 : vector<16xf32>
        %add3A_204 = arith.addf %mul3A_170, %mul3A_203 : vector<16xf32>
        %add3A_205 = arith.constant 3 : i32
        %add3A_206 = arith.addi %mul3A_149, %add3A_205 : i32
        %get3A_207 = arith.index_cast %add3A_206 : i32 to index
        %get3A_208 = arith.constant 16 : index
        %get3A_209 = tpu.vector_load %arg8[%get3A_207, %get3A_208] {strides = array<i32>} : memref<32x512xf32, #tpu.memory_space<vmem>>, vector<16xf32>,
        %mul3A_210 = arith.mulf %get3A_209, %get3A_5 : vector<16xf32>
        %add3A_211 = arith.addf %mul3A_176, %mul3A_210 : vector<16xf32>
        %mul3A_212 = arith.mulf %get3A_209, %get3A_209 : vector<16xf32>
        %add3A_213 = arith.addf %mul3A_177, %mul3A_212 : vector<16xf32>
        %add3A_214 = arith.constant 0 : i32
        %add3A_215 = arith.addi %mul3A_149, %add3A_214 : i32
        %get3A_216 = arith.index_cast %add3A_215 : i32 to index
        %get3A_217 = arith.constant 32 : index
        %get3A_218 = tpu.vector_load %arg8[%get3A_216, %get3A_217] {strides = array<i32>} : memref<32x512xf32, #tpu.memory_space<vmem>>, vector<16xf32>,
        %mul3A_219 = arith.mulf %get3A_218, %get3A_7 : vector<16xf32>
        %add3A_220 = arith.addf %add3A_184, %mul3A_219 : vector<16xf32>
        %mul3A_221 = arith.mulf %get3A_218, %get3A_218 : vector<16xf32>
        %add3A_222 = arith.addf %add3A_186, %mul3A_221 : vector<16xf32>
        %add3A_223 = arith.constant 1 : i32
        %add3A_224 = arith.addi %mul3A_149, %add3A_223 : i32
        %get3A_225 = arith.index_cast %add3A_224 : i32 to index
        %get3A_226 = arith.constant 32 : index
        %get3A_227 = tpu.vector_load %arg8[%get3A_225, %get3A_226] {strides = array<i32>} : memref<32x512xf32, #tpu.memory_space<vmem>>, vector<16xf32>,
        %mul3A_228 = arith.mulf %get3A_227, %get3A_7 : vector<16xf32>
        %add3A_229 = arith.addf %add3A_193, %mul3A_228 : vector<16xf32>
        %mul3A_230 = arith.mulf %get3A_227, %get3A_227 : vector<16xf32>
        %add3A_231 = arith.addf %add3A_195, %mul3A_230 : vector<16xf32>
        %add3A_232 = arith.constant 2 : i32
        %add3A_233 = arith.addi %mul3A_149, %add3A_232 : i32
        %get3A_234 = arith.index_cast %add3A_233 : i32 to index
        %get3A_235 = arith.constant 32 : index
        %get3A_236 = tpu.vector_load %arg8[%get3A_234, %get3A_235] {strides = array<i32>} : memref<32x512xf32, #tpu.memory_space<vmem>>, vector<16xf32>,
        %mul3A_237 = arith.mulf %get3A_236, %get3A_7 : vector<16xf32>
        %add3A_238 = arith.addf %add3A_202, %mul3A_237 : vector<16xf32>
        %mul3A_239 = arith.mulf %get3A_236, %get3A_236 : vector<16xf32>
        %add3A_240 = arith.addf %add3A_204, %mul3A_239 : vector<16xf32>
        %add3A_241 = arith.constant 3 : i32
        %add3A_242 = arith.addi %mul3A_149, %add3A_241 : i32
        %get3A_243 = arith.index_cast %add3A_242 : i32 to index
        %get3A_244 = arith.constant 32 : index
        %get3A_245 = tpu.vector_load %arg8[%get3A_243, %get3A_244] {strides = array<i32>} : memref<32x512xf32, #tpu.memory_space<vmem>>, vector<16xf32>,
        %mul3A_246 = arith.mulf %get3A_245, %get3A_7 : vector<16xf32>
        %add3A_247 = arith.addf %add3A_211, %mul3A_246 : vector<16xf32>
        %mul3A_248 = arith.mulf %get3A_245, %get3A_245 : vector<16xf32>
        %add3A_249 = arith.addf %add3A_213, %mul3A_248 : vector<16xf32>
        %add3A_250 = arith.constant 0 : i32
        %add3A_251 = arith.addi %mul3A_149, %add3A_250 : i32
        %get3A_252 = arith.index_cast %add3A_251 : i32 to index
        %get3A_253 = arith.constant 48 : index
        %get3A_254 = tpu.vector_load %arg8[%get3A_252, %get3A_253] {strides = array<i32>} : memref<32x512xf32, #tpu.memory_space<vmem>>, vector<16xf32>,
        %mul3A_255 = arith.mulf %get3A_254, %get3A_9 : vector<16xf32>
        %add3A_256 = arith.addf %add3A_220, %mul3A_255 : vector<16xf32>
        %mul3A_257 = arith.mulf %get3A_254, %get3A_254 : vector<16xf32>
        %add3A_258 = arith.addf %add3A_222, %mul3A_257 : vector<16xf32>
        %add3A_259 = arith.constant 1 : i32
        %add3A_260 = arith.addi %mul3A_149, %add3A_259 : i32
        %get3A_261 = arith.index_cast %add3A_260 : i32 to index
        %get3A_262 = arith.constant 48 : index
        %get3A_263 = tpu.vector_load %arg8[%get3A_261, %get3A_262] {strides = array<i32>} : memref<32x512xf32, #tpu.memory_space<vmem>>, vector<16xf32>,
        %mul3A_264 = arith.mulf %get3A_263, %get3A_9 : vector<16xf32>
        %add3A_265 = arith.addf %add3A_229, %mul3A_264 : vector<16xf32>
        %mul3A_266 = arith.mulf %get3A_263, %get3A_263 : vector<16xf32>
        %add3A_267 = arith.addf %add3A_231, %mul3A_266 : vector<16xf32>
        %add3A_268 = arith.constant 2 : i32
        %add3A_269 = arith.addi %mul3A_149, %add3A_268 : i32
        %get3A_270 = arith.index_cast %add3A_269 : i32 to index
        %get3A_271 = arith.constant 48 : index
        %get3A_272 = tpu.vector_load %arg8[%get3A_270, %get3A_271] {strides = array<i32>} : memref<32x512xf32, #tpu.memory_space<vmem>>, vector<16xf32>,
        %mul3A_273 = arith.mulf %get3A_272, %get3A_9 : vector<16xf32>
        %add3A_274 = arith.addf %add3A_238, %mul3A_273 : vector<16xf32>
        %mul3A_275 = arith.mulf %get3A_272, %get3A_272 : vector<16xf32>
        %add3A_276 = arith.addf %add3A_240, %mul3A_275 : vector<16xf32>
        %add3A_277 = arith.constant 3 : i32
        %add3A_278 = arith.addi %mul3A_149, %add3A_277 : i32
        %get3A_279 = arith.index_cast %add3A_278 : i32 to index
        %get3A_280 = arith.constant 48 : index
        %get3A_281 = tpu.vector_load %arg8[%get3A_279, %get3A_280] {strides = array<i32>} : memref<32x512xf32, #tpu.memory_space<vmem>>, vector<16xf32>,
        %mul3A_282 = arith.mulf %get3A_281, %get3A_9 : vector<16xf32>
        %add3A_283 = arith.addf %add3A_247, %mul3A_282 : vector<16xf32>
        %mul3A_284 = arith.mulf %get3A_281, %get3A_281 : vector<16xf32>
        %add3A_285 = arith.addf %add3A_249, %mul3A_284 : vector<16xf32>
        %add3A_286 = arith.constant 0 : i32
        %add3A_287 = arith.addi %mul3A_149, %add3A_286 : i32
        %get3A_288 = arith.index_cast %add3A_287 : i32 to index
        %get3A_289 = arith.constant 64 : index
        %get3A_290 = tpu.vector_load %arg8[%get3A_288, %get3A_289] {strides = array<i32>} : memref<32x512xf32, #tpu.memory_space<vmem>>, vector<16xf32>,
        %mul3A_291 = arith.mulf %get3A_290, %get3A_11 : vector<16xf32>
        %add3A_292 = arith.addf %add3A_256, %mul3A_291 : vector<16xf32>
        %mul3A_293 = arith.mulf %get3A_290, %get3A_290 : vector<16xf32>
        %add3A_294 = arith.addf %add3A_258, %mul3A_293 : vector<16xf32>
        %add3A_295 = arith.constant 1 : i32
        %add3A_296 = arith.addi %mul3A_149, %add3A_295 : i32
        %get3A_297 = arith.index_cast %add3A_296 : i32 to index
        %get3A_298 = arith.constant 64 : index
        %get3A_299 = tpu.vector_load %arg8[%get3A_297, %get3A_298] {strides = array<i32>} : memref<32x512xf32, #tpu.memory_space<vmem>>, vector<16xf32>,
        %mul3A_300 = arith.mulf %get3A_299, %get3A_11 : vector<16xf32>
        %add3A_301 = arith.addf %add3A_265, %mul3A_300 : vector<16xf32>
        %mul3A_302 = arith.mulf %get3A_299, %get3A_299 : vector<16xf32>
        %add3A_303 = arith.addf %add3A_267, %mul3A_302 : vector<16xf32>
        %add3A_304 = arith.constant 2 : i32
        %add3A_305 = arith.addi %mul3A_149, %add3A_304 : i32
        %get3A_306 = arith.index_cast %add3A_305 : i32 to index
        %get3A_307 = arith.constant 64 : index
        %get3A_308 = tpu.vector_load %arg8[%get3A_306, %get3A_307] {strides = array<i32>} : memref<32x512xf32, #tpu.memory_space<vmem>>, vector<16xf32>,
        %mul3A_309 = arith.mulf %get3A_308, %get3A_11 : vector<16xf32>
        %add3A_310 = arith.addf %add3A_274, %mul3A_309 : vector<16xf32>
        %mul3A_311 = arith.mulf %get3A_308, %get3A_308 : vector<16xf32>
        %add3A_312 = arith.addf %add3A_276, %mul3A_311 : vector<16xf32>
        %add3A_313 = arith.constant 3 : i32
        %add3A_314 = arith.addi %mul3A_149, %add3A_313 : i32
        %get3A_315 = arith.index_cast %add3A_314 : i32 to index
        %get3A_316 = arith.constant 64 : index
        %get3A_317 = tpu.vector_load %arg8[%get3A_315, %get3A_316] {strides = array<i32>} : memref<32x512xf32, #tpu.memory_space<vmem>>, vector<16xf32>,
        %mul3A_318 = arith.mulf %get3A_317, %get3A_11 : vector<16xf32>
        %add3A_319 = arith.addf %add3A_283, %mul3A_318 : vector<16xf32>
        %mul3A_320 = arith.mulf %get3A_317, %get3A_317 : vector<16xf32>
        %add3A_321 = arith.addf %add3A_285, %mul3A_320 : vector<16xf32>
        %add3A_322 = arith.constant 0 : i32
        %add3A_323 = arith.addi %mul3A_149, %add3A_322 : i32
        %get3A_324 = arith.index_cast %add3A_323 : i32 to index
        %get3A_325 = arith.constant 80 : index
        %get3A_326 = tpu.vector_load %arg8[%get3A_324, %get3A_325] {strides = array<i32>} : memref<32x512xf32, #tpu.memory_space<vmem>>, vector<16xf32>,
        %mul3A_327 = arith.mulf %get3A_326, %get3A_13 : vector<16xf32>
        %add3A_328 = arith.addf %add3A_292, %mul3A_327 : vector<16xf32>
        %mul3A_329 = arith.mulf %get3A_326, %get3A_326 : vector<16xf32>
        %add3A_330 = arith.addf %add3A_294, %mul3A_329 : vector<16xf32>
        %add3A_331 = arith.constant 1 : i32
        %add3A_332 = arith.addi %mul3A_149, %add3A_331 : i32
        %get3A_333 = arith.index_cast %add3A_332 : i32 to index
        %get3A_334 = arith.constant 80 : index
        %get3A_335 = tpu.vector_load %arg8[%get3A_333, %get3A_334] {strides = array<i32>} : memref<32x512xf32, #tpu.memory_space<vmem>>, vector<16xf32>,
        %mul3A_336 = arith.mulf %get3A_335, %get3A_13 : vector<16xf32>
        %add3A_337 = arith.addf %add3A_301, %mul3A_336 : vector<16xf32>
        %mul3A_338 = arith.mulf %get3A_335, %get3A_335 : vector<16xf32>
        %add3A_339 = arith.addf %add3A_303, %mul3A_338 : vector<16xf32>
        %add3A_340 = arith.constant 2 : i32
        %add3A_341 = arith.addi %mul3A_149, %add3A_340 : i32
        %get3A_342 = arith.index_cast %add3A_341 : i32 to index
        %get3A_343 = arith.constant 80 : index
        %get3A_344 = tpu.vector_load %arg8[%get3A_342, %get3A_343] {strides = array<i32>} : memref<32x512xf32, #tpu.memory_space<vmem>>, vector<16xf32>,
        %mul3A_345 = arith.mulf %get3A_344, %get3A_13 : vector<16xf32>
        %add3A_346 = arith.addf %add3A_310, %mul3A_345 : vector<16xf32>
        %mul3A_347 = arith.mulf %get3A_344, %get3A_344 : vector<16xf32>
        %add3A_348 = arith.addf %add3A_312, %mul3A_347 : vector<16xf32>
        %add3A_349 = arith.constant 3 : i32
        %add3A_350 = arith.addi %mul3A_149, %add3A_349 : i32
        %get3A_351 = arith.index_cast %add3A_350 : i32 to index
        %get3A_352 = arith.constant 80 : index
        %get3A_353 = tpu.vector_load %arg8[%get3A_351, %get3A_352] {strides = array<i32>} : memref<32x512xf32, #tpu.memory_space<vmem>>, vector<16xf32>,
        %mul3A_354 = arith.mulf %get3A_353, %get3A_13 : vector<16xf32>
        %add3A_355 = arith.addf %add3A_319, %mul3A_354 : vector<16xf32>
        %mul3A_356 = arith.mulf %get3A_353, %get3A_353 : vector<16xf32>
        %add3A_357 = arith.addf %add3A_321, %mul3A_356 : vector<16xf32>
        %add3A_358 = arith.constant 0 : i32
        %add3A_359 = arith.addi %mul3A_149, %add3A_358 : i32
        %get3A_360 = arith.index_cast %add3A_359 : i32 to index
        %get3A_361 = arith.constant 96 : index
        %get3A_362 = tpu.vector_load %arg8[%get3A_360, %get3A_361] {strides = array<i32>} : memref<32x512xf32, #tpu.memory_space<vmem>>, vector<16xf32>,
        %mul3A_363 = arith.mulf %get3A_362, %get3A_15 : vector<16xf32>
        %add3A_364 = arith.addf %add3A_328, %mul3A_363 : vector<16xf32>
        %mul3A_365 = arith.mulf %get3A_362, %get3A_362 : vector<16xf32>
        %add3A_366 = arith.addf %add3A_330, %mul3A_365 : vector<16xf32>
        %add3A_367 = arith.constant 1 : i32
        %add3A_368 = arith.addi %mul3A_149, %add3A_367 : i32
        %get3A_369 = arith.index_cast %add3A_368 : i32 to index
        %get3A_370 = arith.constant 96 : index
        %get3A_371 = tpu.vector_load %arg8[%get3A_369, %get3A_370] {strides = array<i32>} : memref<32x512xf32, #tpu.memory_space<vmem>>, vector<16xf32>,
        %mul3A_372 = arith.mulf %get3A_371, %get3A_15 : vector<16xf32>
        %add3A_373 = arith.addf %add3A_337, %mul3A_372 : vector<16xf32>
        %mul3A_374 = arith.mulf %get3A_371, %get3A_371 : vector<16xf32>
        %add3A_375 = arith.addf %add3A_339, %mul3A_374 : vector<16xf32>
        %add3A_376 = arith.constant 2 : i32
        %add3A_377 = arith.addi %mul3A_149, %add3A_376 : i32
        %get3A_378 = arith.index_cast %add3A_377 : i32 to index
        %get3A_379 = arith.constant 96 : index
        %get3A_380 = tpu.vector_load %arg8[%get3A_378, %get3A_379] {strides = array<i32>} : memref<32x512xf32, #tpu.memory_space<vmem>>, vector<16xf32>,
        %mul3A_381 = arith.mulf %get3A_380, %get3A_15 : vector<16xf32>
        %add3A_382 = arith.addf %add3A_346, %mul3A_381 : vector<16xf32>
        %mul3A_383 = arith.mulf %get3A_380, %get3A_380 : vector<16xf32>
        %add3A_384 = arith.addf %add3A_348, %mul3A_383 : vector<16xf32>
        %add3A_385 = arith.constant 3 : i32
        %add3A_386 = arith.addi %mul3A_149, %add3A_385 : i32
        %get3A_387 = arith.index_cast %add3A_386 : i32 to index
        %get3A_388 = arith.constant 96 : index
        %get3A_389 = tpu.vector_load %arg8[%get3A_387, %get3A_388] {strides = array<i32>} : memref<32x512xf32, #tpu.memory_space<vmem>>, vector<16xf32>,
        %mul3A_390 = arith.mulf %get3A_389, %get3A_15 : vector<16xf32>
        %add3A_391 = arith.addf %add3A_355, %mul3A_390 : vector<16xf32>
        %mul3A_392 = arith.mulf %get3A_389, %get3A_389 : vector<16xf32>
        %add3A_393 = arith.addf %add3A_357, %mul3A_392 : vector<16xf32>
        %add3A_394 = arith.constant 0 : i32
        %add3A_395 = arith.addi %mul3A_149, %add3A_394 : i32
        %get3A_396 = arith.index_cast %add3A_395 : i32 to index
        %get3A_397 = arith.constant 112 : index
        %get3A_398 = tpu.vector_load %arg8[%get3A_396, %get3A_397] {strides = array<i32>} : memref<32x512xf32, #tpu.memory_space<vmem>>, vector<16xf32>,
        %mul3A_399 = arith.mulf %get3A_398, %get3A_17 : vector<16xf32>
        %add3A_400 = arith.addf %add3A_364, %mul3A_399 : vector<16xf32>
        %mul3A_401 = arith.mulf %get3A_398, %get3A_398 : vector<16xf32>
        %add3A_402 = arith.addf %add3A_366, %mul3A_401 : vector<16xf32>
        %add3A_403 = arith.constant 1 : i32
        %add3A_404 = arith.addi %mul3A_149, %add3A_403 : i32
        %get3A_405 = arith.index_cast %add3A_404 : i32 to index
        %get3A_406 = arith.constant 112 : index
        %get3A_407 = tpu.vector_load %arg8[%get3A_405, %get3A_406] {strides = array<i32>} : memref<32x512xf32, #tpu.memory_space<vmem>>, vector<16xf32>,
        %mul3A_408 = arith.mulf %get3A_407, %get3A_17 : vector<16xf32>
        %add3A_409 = arith.addf %add3A_373, %mul3A_408 : vector<16xf32>
        %mul3A_410 = arith.mulf %get3A_407, %get3A_407 : vector<16xf32>
        %add3A_411 = arith.addf %add3A_375, %mul3A_410 : vector<16xf32>
        %add3A_412 = arith.constant 2 : i32
        %add3A_413 = arith.addi %mul3A_149, %add3A_412 : i32
        %get3A_414 = arith.index_cast %add3A_413 : i32 to index
        %get3A_415 = arith.constant 112 : index
        %get3A_416 = tpu.vector_load %arg8[%get3A_414, %get3A_415] {strides = array<i32>} : memref<32x512xf32, #tpu.memory_space<vmem>>, vector<16xf32>,
        %mul3A_417 = arith.mulf %get3A_416, %get3A_17 : vector<16xf32>
        %add3A_418 = arith.addf %add3A_382, %mul3A_417 : vector<16xf32>
        %mul3A_419 = arith.mulf %get3A_416, %get3A_416 : vector<16xf32>
        %add3A_420 = arith.addf %add3A_384, %mul3A_419 : vector<16xf32>
        %add3A_421 = arith.constant 3 : i32
        %add3A_422 = arith.addi %mul3A_149, %add3A_421 : i32
        %get3A_423 = arith.index_cast %add3A_422 : i32 to index
        %get3A_424 = arith.constant 112 : index
        %get3A_425 = tpu.vector_load %arg8[%get3A_423, %get3A_424] {strides = array<i32>} : memref<32x512xf32, #tpu.memory_space<vmem>>, vector<16xf32>,
        %mul3A_426 = arith.mulf %get3A_425, %get3A_17 : vector<16xf32>
        %add3A_427 = arith.addf %add3A_391, %mul3A_426 : vector<16xf32>
        %mul3A_428 = arith.mulf %get3A_425, %get3A_425 : vector<16xf32>
        %add3A_429 = arith.addf %add3A_393, %mul3A_428 : vector<16xf32>
        %add3A_430 = arith.constant 0 : i32
        %add3A_431 = arith.addi %mul3A_149, %add3A_430 : i32
        %get3A_432 = arith.index_cast %add3A_431 : i32 to index
        %get3A_433 = arith.constant 128 : index
        %get3A_434 = tpu.vector_load %arg8[%get3A_432, %get3A_433] {strides = array<i32>} : memref<32x512xf32, #tpu.memory_space<vmem>>, vector<16xf32>,
        %mul3A_435 = arith.mulf %get3A_434, %get3A_19 : vector<16xf32>
        %add3A_436 = arith.addf %add3A_400, %mul3A_435 : vector<16xf32>
        %mul3A_437 = arith.mulf %get3A_434, %get3A_434 : vector<16xf32>
        %add3A_438 = arith.addf %add3A_402, %mul3A_437 : vector<16xf32>
        %add3A_439 = arith.constant 1 : i32
        %add3A_440 = arith.addi %mul3A_149, %add3A_439 : i32
        %get3A_441 = arith.index_cast %add3A_440 : i32 to index
        %get3A_442 = arith.constant 128 : index
        %get3A_443 = tpu.vector_load %arg8[%get3A_441, %get3A_442] {strides = array<i32>} : memref<32x512xf32, #tpu.memory_space<vmem>>, vector<16xf32>,
        %mul3A_444 = arith.mulf %get3A_443, %get3A_19 : vector<16xf32>
        %add3A_445 = arith.addf %add3A_409, %mul3A_444 : vector<16xf32>
        %mul3A_446 = arith.mulf %get3A_443, %get3A_443 : vector<16xf32>
        %add3A_447 = arith.addf %add3A_411, %mul3A_446 : vector<16xf32>
        %add3A_448 = arith.constant 2 : i32
        %add3A_449 = arith.addi %mul3A_149, %add3A_448 : i32
        %get3A_450 = arith.index_cast %add3A_449 : i32 to index
        %get3A_451 = arith.constant 128 : index
        %get3A_452 = tpu.vector_load %arg8[%get3A_450, %get3A_451] {strides = array<i32>} : memref<32x512xf32, #tpu.memory_space<vmem>>, vector<16xf32>,
        %mul3A_453 = arith.mulf %get3A_452, %get3A_19 : vector<16xf32>
        %add3A_454 = arith.addf %add3A_418, %mul3A_453 : vector<16xf32>
        %mul3A_455 = arith.mulf %get3A_452, %get3A_452 : vector<16xf32>
        %add3A_456 = arith.addf %add3A_420, %mul3A_455 : vector<16xf32>
        %add3A_457 = arith.constant 3 : i32
        %add3A_458 = arith.addi %mul3A_149, %add3A_457 : i32
        %get3A_459 = arith.index_cast %add3A_458 : i32 to index
        %get3A_460 = arith.constant 128 : index
        %get3A_461 = tpu.vector_load %arg8[%get3A_459, %get3A_460] {strides = array<i32>} : memref<32x512xf32, #tpu.memory_space<vmem>>, vector<16xf32>,
        %mul3A_462 = arith.mulf %get3A_461, %get3A_19 : vector<16xf32>
        %add3A_463 = arith.addf %add3A_427, %mul3A_462 : vector<16xf32>
        %mul3A_464 = arith.mulf %get3A_461, %get3A_461 : vector<16xf32>
        %add3A_465 = arith.addf %add3A_429, %mul3A_464 : vector<16xf32>
        %add3A_466 = arith.constant 0 : i32
        %add3A_467 = arith.addi %mul3A_149, %add3A_466 : i32
        %get3A_468 = arith.index_cast %add3A_467 : i32 to index
        %get3A_469 = arith.constant 144 : index
        %get3A_470 = tpu.vector_load %arg8[%get3A_468, %get3A_469] {strides = array<i32>} : memref<32x512xf32, #tpu.memory_space<vmem>>, vector<16xf32>,
        %mul3A_471 = arith.mulf %get3A_470, %get3A_21 : vector<16xf32>
        %add3A_472 = arith.addf %add3A_436, %mul3A_471 : vector<16xf32>
        %mul3A_473 = arith.mulf %get3A_470, %get3A_470 : vector<16xf32>
        %add3A_474 = arith.addf %add3A_438, %mul3A_473 : vector<16xf32>
        %add3A_475 = arith.constant 1 : i32
        %add3A_476 = arith.addi %mul3A_149, %add3A_475 : i32
        %get3A_477 = arith.index_cast %add3A_476 : i32 to index
        %get3A_478 = arith.constant 144 : index
        %get3A_479 = tpu.vector_load %arg8[%get3A_477, %get3A_478] {strides = array<i32>} : memref<32x512xf32, #tpu.memory_space<vmem>>, vector<16xf32>,
        %mul3A_480 = arith.mulf %get3A_479, %get3A_21 : vector<16xf32>
        %add3A_481 = arith.addf %add3A_445, %mul3A_480 : vector<16xf32>
        %mul3A_482 = arith.mulf %get3A_479, %get3A_479 : vector<16xf32>
        %add3A_483 = arith.addf %add3A_447, %mul3A_482 : vector<16xf32>
        %add3A_484 = arith.constant 2 : i32
        %add3A_485 = arith.addi %mul3A_149, %add3A_484 : i32
        %get3A_486 = arith.index_cast %add3A_485 : i32 to index
        %get3A_487 = arith.constant 144 : index
        %get3A_488 = tpu.vector_load %arg8[%get3A_486, %get3A_487] {strides = array<i32>} : memref<32x512xf32, #tpu.memory_space<vmem>>, vector<16xf32>,
        %mul3A_489 = arith.mulf %get3A_488, %get3A_21 : vector<16xf32>
        %add3A_490 = arith.addf %add3A_454, %mul3A_489 : vector<16xf32>
        %mul3A_491 = arith.mulf %get3A_488, %get3A_488 : vector<16xf32>
        %add3A_492 = arith.addf %add3A_456, %mul3A_491 : vector<16xf32>
        %add3A_493 = arith.constant 3 : i32
        %add3A_494 = arith.addi %mul3A_149, %add3A_493 : i32
        %get3A_495 = arith.index_cast %add3A_494 : i32 to index
        %get3A_496 = arith.constant 144 : index
        %get3A_497 = tpu.vector_load %arg8[%get3A_495, %get3A_496] {strides = array<i32>} : memref<32x512xf32, #tpu.memory_space<vmem>>, vector<16xf32>,
        %mul3A_498 = arith.mulf %get3A_497, %get3A_21 : vector<16xf32>
        %add3A_499 = arith.addf %add3A_463, %mul3A_498 : vector<16xf32>
        %mul3A_500 = arith.mulf %get3A_497, %get3A_497 : vector<16xf32>
        %add3A_501 = arith.addf %add3A_465, %mul3A_500 : vector<16xf32>
        %add3A_502 = arith.constant 0 : i32
        %add3A_503 = arith.addi %mul3A_149, %add3A_502 : i32
        %get3A_504 = arith.index_cast %add3A_503 : i32 to index
        %get3A_505 = arith.constant 160 : index
        %get3A_506 = tpu.vector_load %arg8[%get3A_504, %get3A_505] {strides = array<i32>} : memref<32x512xf32, #tpu.memory_space<vmem>>, vector<16xf32>,
        %mul3A_507 = arith.mulf %get3A_506, %get3A_23 : vector<16xf32>
        %add3A_508 = arith.addf %add3A_472, %mul3A_507 : vector<16xf32>
        %mul3A_509 = arith.mulf %get3A_506, %get3A_506 : vector<16xf32>
        %add3A_510 = arith.addf %add3A_474, %mul3A_509 : vector<16xf32>
        %add3A_511 = arith.constant 1 : i32
        %add3A_512 = arith.addi %mul3A_149, %add3A_511 : i32
        %get3A_513 = arith.index_cast %add3A_512 : i32 to index
        %get3A_514 = arith.constant 160 : index
        %get3A_515 = tpu.vector_load %arg8[%get3A_513, %get3A_514] {strides = array<i32>} : memref<32x512xf32, #tpu.memory_space<vmem>>, vector<16xf32>,
        %mul3A_516 = arith.mulf %get3A_515, %get3A_23 : vector<16xf32>
        %add3A_517 = arith.addf %add3A_481, %mul3A_516 : vector<16xf32>
        %mul3A_518 = arith.mulf %get3A_515, %get3A_515 : vector<16xf32>
        %add3A_519 = arith.addf %add3A_483, %mul3A_518 : vector<16xf32>
        %add3A_520 = arith.constant 2 : i32
        %add3A_521 = arith.addi %mul3A_149, %add3A_520 : i32
        %get3A_522 = arith.index_cast %add3A_521 : i32 to index
        %get3A_523 = arith.constant 160 : index
        %get3A_524 = tpu.vector_load %arg8[%get3A_522, %get3A_523] {strides = array<i32>} : memref<32x512xf32, #tpu.memory_space<vmem>>, vector<16xf32>,
        %mul3A_525 = arith.mulf %get3A_524, %get3A_23 : vector<16xf32>
        %add3A_526 = arith.addf %add3A_490, %mul3A_525 : vector<16xf32>
        %mul3A_527 = arith.mulf %get3A_524, %get3A_524 : vector<16xf32>
        %add3A_528 = arith.addf %add3A_492, %mul3A_527 : vector<16xf32>
        %add3A_529 = arith.constant 3 : i32
        %add3A_530 = arith.addi %mul3A_149, %add3A_529 : i32
        %get3A_531 = arith.index_cast %add3A_530 : i32 to index
        %get3A_532 = arith.constant 160 : index
        %get3A_533 = tpu.vector_load %arg8[%get3A_531, %get3A_532] {strides = array<i32>} : memref<32x512xf32, #tpu.memory_space<vmem>>, vector<16xf32>,
        %mul3A_534 = arith.mulf %get3A_533, %get3A_23 : vector<16xf32>
        %add3A_535 = arith.addf %add3A_499, %mul3A_534 : vector<16xf32>
        %mul3A_536 = arith.mulf %get3A_533, %get3A_533 : vector<16xf32>
        %add3A_537 = arith.addf %add3A_501, %mul3A_536 : vector<16xf32>
        %add3A_538 = arith.constant 0 : i32
        %add3A_539 = arith.addi %mul3A_149, %add3A_538 : i32
        %get3A_540 = arith.index_cast %add3A_539 : i32 to index
        %get3A_541 = arith.constant 176 : index
        %get3A_542 = tpu.vector_load %arg8[%get3A_540, %get3A_541] {strides = array<i32>} : memref<32x512xf32, #tpu.memory_space<vmem>>, vector<16xf32>,
        %mul3A_543 = arith.mulf %get3A_542, %get3A_25 : vector<16xf32>
        %add3A_544 = arith.addf %add3A_508, %mul3A_543 : vector<16xf32>
        %mul3A_545 = arith.mulf %get3A_542, %get3A_542 : vector<16xf32>
        %add3A_546 = arith.addf %add3A_510, %mul3A_545 : vector<16xf32>
        %add3A_547 = arith.constant 1 : i32
        %add3A_548 = arith.addi %mul3A_149, %add3A_547 : i32
        %get3A_549 = arith.index_cast %add3A_548 : i32 to index
        %get3A_550 = arith.constant 176 : index
        %get3A_551 = tpu.vector_load %arg8[%get3A_549, %get3A_550] {strides = array<i32>} : memref<32x512xf32, #tpu.memory_space<vmem>>, vector<16xf32>,
        %mul3A_552 = arith.mulf %get3A_551, %get3A_25 : vector<16xf32>
        %add3A_553 = arith.addf %add3A_517, %mul3A_552 : vector<16xf32>
        %mul3A_554 = arith.mulf %get3A_551, %get3A_551 : vector<16xf32>
        %add3A_555 = arith.addf %add3A_519, %mul3A_554 : vector<16xf32>
        %add3A_556 = arith.constant 2 : i32
        %add3A_557 = arith.addi %mul3A_149, %add3A_556 : i32
        %get3A_558 = arith.index_cast %add3A_557 : i32 to index
        %get3A_559 = arith.constant 176 : index
        %get3A_560 = tpu.vector_load %arg8[%get3A_558, %get3A_559] {strides = array<i32>} : memref<32x512xf32, #tpu.memory_space<vmem>>, vector<16xf32>,
        %mul3A_561 = arith.mulf %get3A_560, %get3A_25 : vector<16xf32>
        %add3A_562 = arith.addf %add3A_526, %mul3A_561 : vector<16xf32>
        %mul3A_563 = arith.mulf %get3A_560, %get3A_560 : vector<16xf32>
        %add3A_564 = arith.addf %add3A_528, %mul3A_563 : vector<16xf32>
        %add3A_565 = arith.constant 3 : i32
        %add3A_566 = arith.addi %mul3A_149, %add3A_565 : i32
        %get3A_567 = arith.index_cast %add3A_566 : i32 to index
        %get3A_568 = arith.constant 176 : index
        %get3A_569 = tpu.vector_load %arg8[%get3A_567, %get3A_568] {strides = array<i32>} : memref<32x512xf32, #tpu.memory_space<vmem>>, vector<16xf32>,
        %mul3A_570 = arith.mulf %get3A_569, %get3A_25 : vector<16xf32>
        %add3A_571 = arith.addf %add3A_535, %mul3A_570 : vector<16xf32>
        %mul3A_572 = arith.mulf %get3A_569, %get3A_569 : vector<16xf32>
        %add3A_573 = arith.addf %add3A_537, %mul3A_572 : vector<16xf32>
        %add3A_574 = arith.constant 0 : i32
        %add3A_575 = arith.addi %mul3A_149, %add3A_574 : i32
        %get3A_576 = arith.index_cast %add3A_575 : i32 to index
        %get3A_577 = arith.constant 192 : index
        %get3A_578 = tpu.vector_load %arg8[%get3A_576, %get3A_577] {strides = array<i32>} : memref<32x512xf32, #tpu.memory_space<vmem>>, vector<16xf32>,
        %mul3A_579 = arith.mulf %get3A_578, %get3A_27 : vector<16xf32>
        %add3A_580 = arith.addf %add3A_544, %mul3A_579 : vector<16xf32>
        %mul3A_581 = arith.mulf %get3A_578, %get3A_578 : vector<16xf32>
        %add3A_582 = arith.addf %add3A_546, %mul3A_581 : vector<16xf32>
        %add3A_583 = arith.constant 1 : i32
        %add3A_584 = arith.addi %mul3A_149, %add3A_583 : i32
        %get3A_585 = arith.index_cast %add3A_584 : i32 to index
        %get3A_586 = arith.constant 192 : index
        %get3A_587 = tpu.vector_load %arg8[%get3A_585, %get3A_586] {strides = array<i32>} : memref<32x512xf32, #tpu.memory_space<vmem>>, vector<16xf32>,
        %mul3A_588 = arith.mulf %get3A_587, %get3A_27 : vector<16xf32>
        %add3A_589 = arith.addf %add3A_553, %mul3A_588 : vector<16xf32>
        %mul3A_590 = arith.mulf %get3A_587, %get3A_587 : vector<16xf32>
        %add3A_591 = arith.addf %add3A_555, %mul3A_590 : vector<16xf32>
        %add3A_592 = arith.constant 2 : i32
        %add3A_593 = arith.addi %mul3A_149, %add3A_592 : i32
        %get3A_594 = arith.index_cast %add3A_593 : i32 to index
        %get3A_595 = arith.constant 192 : index
        %get3A_596 = tpu.vector_load %arg8[%get3A_594, %get3A_595] {strides = array<i32>} : memref<32x512xf32, #tpu.memory_space<vmem>>, vector<16xf32>,
        %mul3A_597 = arith.mulf %get3A_596, %get3A_27 : vector<16xf32>
        %add3A_598 = arith.addf %add3A_562, %mul3A_597 : vector<16xf32>
        %mul3A_599 = arith.mulf %get3A_596, %get3A_596 : vector<16xf32>
        %add3A_600 = arith.addf %add3A_564, %mul3A_599 : vector<16xf32>
        %add3A_601 = arith.constant 3 : i32
        %add3A_602 = arith.addi %mul3A_149, %add3A_601 : i32
        %get3A_603 = arith.index_cast %add3A_602 : i32 to index
        %get3A_604 = arith.constant 192 : index
        %get3A_605 = tpu.vector_load %arg8[%get3A_603, %get3A_604] {strides = array<i32>} : memref<32x512xf32, #tpu.memory_space<vmem>>, vector<16xf32>,
        %mul3A_606 = arith.mulf %get3A_605, %get3A_27 : vector<16xf32>
        %add3A_607 = arith.addf %add3A_571, %mul3A_606 : vector<16xf32>
        %mul3A_608 = arith.mulf %get3A_605, %get3A_605 : vector<16xf32>
        %add3A_609 = arith.addf %add3A_573, %mul3A_608 : vector<16xf32>
        %add3A_610 = arith.constant 0 : i32
        %add3A_611 = arith.addi %mul3A_149, %add3A_610 : i32
        %get3A_612 = arith.index_cast %add3A_611 : i32 to index
        %get3A_613 = arith.constant 208 : index
        %get3A_614 = tpu.vector_load %arg8[%get3A_612, %get3A_613] {strides = array<i32>} : memref<32x512xf32, #tpu.memory_space<vmem>>, vector<16xf32>,
        %mul3A_615 = arith.mulf %get3A_614, %get3A_29 : vector<16xf32>
        %add3A_616 = arith.addf %add3A_580, %mul3A_615 : vector<16xf32>
        %mul3A_617 = arith.mulf %get3A_614, %get3A_614 : vector<16xf32>
        %add3A_618 = arith.addf %add3A_582, %mul3A_617 : vector<16xf32>
        %add3A_619 = arith.constant 1 : i32
        %add3A_620 = arith.addi %mul3A_149, %add3A_619 : i32
        %get3A_621 = arith.index_cast %add3A_620 : i32 to index
        %get3A_622 = arith.constant 208 : index
        %get3A_623 = tpu.vector_load %arg8[%get3A_621, %get3A_622] {strides = array<i32>} : memref<32x512xf32, #tpu.memory_space<vmem>>, vector<16xf32>,
        %mul3A_624 = arith.mulf %get3A_623, %get3A_29 : vector<16xf32>
        %add3A_625 = arith.addf %add3A_589, %mul3A_624 : vector<16xf32>
        %mul3A_626 = arith.mulf %get3A_623, %get3A_623 : vector<16xf32>
        %add3A_627 = arith.addf %add3A_591, %mul3A_626 : vector<16xf32>
        %add3A_628 = arith.constant 2 : i32
        %add3A_629 = arith.addi %mul3A_149, %add3A_628 : i32
        %get3A_630 = arith.index_cast %add3A_629 : i32 to index
        %get3A_631 = arith.constant 208 : index
        %get3A_632 = tpu.vector_load %arg8[%get3A_630, %get3A_631] {strides = array<i32>} : memref<32x512xf32, #tpu.memory_space<vmem>>, vector<16xf32>,
        %mul3A_633 = arith.mulf %get3A_632, %get3A_29 : vector<16xf32>
        %add3A_634 = arith.addf %add3A_598, %mul3A_633 : vector<16xf32>
        %mul3A_635 = arith.mulf %get3A_632, %get3A_632 : vector<16xf32>
        %add3A_636 = arith.addf %add3A_600, %mul3A_635 : vector<16xf32>
        %add3A_637 = arith.constant 3 : i32
        %add3A_638 = arith.addi %mul3A_149, %add3A_637 : i32
        %get3A_639 = arith.index_cast %add3A_638 : i32 to index
        %get3A_640 = arith.constant 208 : index
        %get3A_641 = tpu.vector_load %arg8[%get3A_639, %get3A_640] {strides = array<i32>} : memref<32x512xf32, #tpu.memory_space<vmem>>, vector<16xf32>,
        %mul3A_642 = arith.mulf %get3A_641, %get3A_29 : vector<16xf32>
        %add3A_643 = arith.addf %add3A_607, %mul3A_642 : vector<16xf32>
        %mul3A_644 = arith.mulf %get3A_641, %get3A_641 : vector<16xf32>
        %add3A_645 = arith.addf %add3A_609, %mul3A_644 : vector<16xf32>
        %add3A_646 = arith.constant 0 : i32
        %add3A_647 = arith.addi %mul3A_149, %add3A_646 : i32
        %get3A_648 = arith.index_cast %add3A_647 : i32 to index
        %get3A_649 = arith.constant 224 : index
        %get3A_650 = tpu.vector_load %arg8[%get3A_648, %get3A_649] {strides = array<i32>} : memref<32x512xf32, #tpu.memory_space<vmem>>, vector<16xf32>,
        %mul3A_651 = arith.mulf %get3A_650, %get3A_31 : vector<16xf32>
        %add3A_652 = arith.addf %add3A_616, %mul3A_651 : vector<16xf32>
        %mul3A_653 = arith.mulf %get3A_650, %get3A_650 : vector<16xf32>
        %add3A_654 = arith.addf %add3A_618, %mul3A_653 : vector<16xf32>
        %add3A_655 = arith.constant 1 : i32
        %add3A_656 = arith.addi %mul3A_149, %add3A_655 : i32
        %get3A_657 = arith.index_cast %add3A_656 : i32 to index
        %get3A_658 = arith.constant 224 : index
        %get3A_659 = tpu.vector_load %arg8[%get3A_657, %get3A_658] {strides = array<i32>} : memref<32x512xf32, #tpu.memory_space<vmem>>, vector<16xf32>,
        %mul3A_660 = arith.mulf %get3A_659, %get3A_31 : vector<16xf32>
        %add3A_661 = arith.addf %add3A_625, %mul3A_660 : vector<16xf32>
        %mul3A_662 = arith.mulf %get3A_659, %get3A_659 : vector<16xf32>
        %add3A_663 = arith.addf %add3A_627, %mul3A_662 : vector<16xf32>
        %add3A_664 = arith.constant 2 : i32
        %add3A_665 = arith.addi %mul3A_149, %add3A_664 : i32
        %get3A_666 = arith.index_cast %add3A_665 : i32 to index
        %get3A_667 = arith.constant 224 : index
        %get3A_668 = tpu.vector_load %arg8[%get3A_666, %get3A_667] {strides = array<i32>} : memref<32x512xf32, #tpu.memory_space<vmem>>, vector<16xf32>,
        %mul3A_669 = arith.mulf %get3A_668, %get3A_31 : vector<16xf32>
        %add3A_670 = arith.addf %add3A_634, %mul3A_669 : vector<16xf32>
        %mul3A_671 = arith.mulf %get3A_668, %get3A_668 : vector<16xf32>
        %add3A_672 = arith.addf %add3A_636, %mul3A_671 : vector<16xf32>
        %add3A_673 = arith.constant 3 : i32
        %add3A_674 = arith.addi %mul3A_149, %add3A_673 : i32
        %get3A_675 = arith.index_cast %add3A_674 : i32 to index
        %get3A_676 = arith.constant 224 : index
        %get3A_677 = tpu.vector_load %arg8[%get3A_675, %get3A_676] {strides = array<i32>} : memref<32x512xf32, #tpu.memory_space<vmem>>, vector<16xf32>,
        %mul3A_678 = arith.mulf %get3A_677, %get3A_31 : vector<16xf32>
        %add3A_679 = arith.addf %add3A_643, %mul3A_678 : vector<16xf32>
        %mul3A_680 = arith.mulf %get3A_677, %get3A_677 : vector<16xf32>
        %add3A_681 = arith.addf %add3A_645, %mul3A_680 : vector<16xf32>
        %add3A_682 = arith.constant 0 : i32
        %add3A_683 = arith.addi %mul3A_149, %add3A_682 : i32
        %get3A_684 = arith.index_cast %add3A_683 : i32 to index
        %get3A_685 = arith.constant 240 : index
        %get3A_686 = tpu.vector_load %arg8[%get3A_684, %get3A_685] {strides = array<i32>} : memref<32x512xf32, #tpu.memory_space<vmem>>, vector<16xf32>,
        %mul3A_687 = arith.mulf %get3A_686, %get3A_33 : vector<16xf32>
        %add3A_688 = arith.addf %add3A_652, %mul3A_687 : vector<16xf32>
        %mul3A_689 = arith.mulf %get3A_686, %get3A_686 : vector<16xf32>
        %add3A_690 = arith.addf %add3A_654, %mul3A_689 : vector<16xf32>
        %add3A_691 = arith.constant 1 : i32
        %add3A_692 = arith.addi %mul3A_149, %add3A_691 : i32
        %get3A_693 = arith.index_cast %add3A_692 : i32 to index
        %get3A_694 = arith.constant 240 : index
        %get3A_695 = tpu.vector_load %arg8[%get3A_693, %get3A_694] {strides = array<i32>} : memref<32x512xf32, #tpu.memory_space<vmem>>, vector<16xf32>,
        %mul3A_696 = arith.mulf %get3A_695, %get3A_33 : vector<16xf32>
        %add3A_697 = arith.addf %add3A_661, %mul3A_696 : vector<16xf32>
        %mul3A_698 = arith.mulf %get3A_695, %get3A_695 : vector<16xf32>
        %add3A_699 = arith.addf %add3A_663, %mul3A_698 : vector<16xf32>
        %add3A_700 = arith.constant 2 : i32
        %add3A_701 = arith.addi %mul3A_149, %add3A_700 : i32
        %get3A_702 = arith.index_cast %add3A_701 : i32 to index
        %get3A_703 = arith.constant 240 : index
        %get3A_704 = tpu.vector_load %arg8[%get3A_702, %get3A_703] {strides = array<i32>} : memref<32x512xf32, #tpu.memory_space<vmem>>, vector<16xf32>,
        %mul3A_705 = arith.mulf %get3A_704, %get3A_33 : vector<16xf32>
        %add3A_706 = arith.addf %add3A_670, %mul3A_705 : vector<16xf32>
        %mul3A_707 = arith.mulf %get3A_704, %get3A_704 : vector<16xf32>
        %add3A_708 = arith.addf %add3A_672, %mul3A_707 : vector<16xf32>
        %add3A_709 = arith.constant 3 : i32
        %add3A_710 = arith.addi %mul3A_149, %add3A_709 : i32
        %get3A_711 = arith.index_cast %add3A_710 : i32 to index
        %get3A_712 = arith.constant 240 : index
        %get3A_713 = tpu.vector_load %arg8[%get3A_711, %get3A_712] {strides = array<i32>} : memref<32x512xf32, #tpu.memory_space<vmem>>, vector<16xf32>,
        %mul3A_714 = arith.mulf %get3A_713, %get3A_33 : vector<16xf32>
        %add3A_715 = arith.addf %add3A_679, %mul3A_714 : vector<16xf32>
        %mul3A_716 = arith.mulf %get3A_713, %get3A_713 : vector<16xf32>
        %add3A_717 = arith.addf %add3A_681, %mul3A_716 : vector<16xf32>
        %add3A_718 = arith.constant 0 : i32
        %add3A_719 = arith.addi %mul3A_149, %add3A_718 : i32
        %get3A_720 = arith.index_cast %add3A_719 : i32 to index
        %get3A_721 = arith.constant 256 : index
        %get3A_722 = tpu.vector_load %arg8[%get3A_720, %get3A_721] {strides = array<i32>} : memref<32x512xf32, #tpu.memory_space<vmem>>, vector<16xf32>,
        %mul3A_723 = arith.mulf %get3A_722, %get3A_35 : vector<16xf32>
        %add3A_724 = arith.addf %add3A_688, %mul3A_723 : vector<16xf32>
        %mul3A_725 = arith.mulf %get3A_722, %get3A_722 : vector<16xf32>
        %add3A_726 = arith.addf %add3A_690, %mul3A_725 : vector<16xf32>
        %add3A_727 = arith.constant 1 : i32
        %add3A_728 = arith.addi %mul3A_149, %add3A_727 : i32
        %get3A_729 = arith.index_cast %add3A_728 : i32 to index
        %get3A_730 = arith.constant 256 : index
        %get3A_731 = tpu.vector_load %arg8[%get3A_729, %get3A_730] {strides = array<i32>} : memref<32x512xf32, #tpu.memory_space<vmem>>, vector<16xf32>,
        %mul3A_732 = arith.mulf %get3A_731, %get3A_35 : vector<16xf32>
        %add3A_733 = arith.addf %add3A_697, %mul3A_732 : vector<16xf32>
        %mul3A_734 = arith.mulf %get3A_731, %get3A_731 : vector<16xf32>
        %add3A_735 = arith.addf %add3A_699, %mul3A_734 : vector<16xf32>
        %add3A_736 = arith.constant 2 : i32
        %add3A_737 = arith.addi %mul3A_149, %add3A_736 : i32
        %get3A_738 = arith.index_cast %add3A_737 : i32 to index
        %get3A_739 = arith.constant 256 : index
        %get3A_740 = tpu.vector_load %arg8[%get3A_738, %get3A_739] {strides = array<i32>} : memref<32x512xf32, #tpu.memory_space<vmem>>, vector<16xf32>,
        %mul3A_741 = arith.mulf %get3A_740, %get3A_35 : vector<16xf32>
        %add3A_742 = arith.addf %add3A_706, %mul3A_741 : vector<16xf32>
        %mul3A_743 = arith.mulf %get3A_740, %get3A_740 : vector<16xf32>
        %add3A_744 = arith.addf %add3A_708, %mul3A_743 : vector<16xf32>
        %add3A_745 = arith.constant 3 : i32
        %add3A_746 = arith.addi %mul3A_149, %add3A_745 : i32
        %get3A_747 = arith.index_cast %add3A_746 : i32 to index
        %get3A_748 = arith.constant 256 : index
        %get3A_749 = tpu.vector_load %arg8[%get3A_747, %get3A_748] {strides = array<i32>} : memref<32x512xf32, #tpu.memory_space<vmem>>, vector<16xf32>,
        %mul3A_750 = arith.mulf %get3A_749, %get3A_35 : vector<16xf32>
        %add3A_751 = arith.addf %add3A_715, %mul3A_750 : vector<16xf32>
        %mul3A_752 = arith.mulf %get3A_749, %get3A_749 : vector<16xf32>
        %add3A_753 = arith.addf %add3A_717, %mul3A_752 : vector<16xf32>
        %add3A_754 = arith.constant 0 : i32
        %add3A_755 = arith.addi %mul3A_149, %add3A_754 : i32
        %get3A_756 = arith.index_cast %add3A_755 : i32 to index
        %get3A_757 = arith.constant 272 : index
        %get3A_758 = tpu.vector_load %arg8[%get3A_756, %get3A_757] {strides = array<i32>} : memref<32x512xf32, #tpu.memory_space<vmem>>, vector<16xf32>,
        %mul3A_759 = arith.mulf %get3A_758, %get3A_37 : vector<16xf32>
        %add3A_760 = arith.addf %add3A_724, %mul3A_759 : vector<16xf32>
        %mul3A_761 = arith.mulf %get3A_758, %get3A_758 : vector<16xf32>
        %add3A_762 = arith.addf %add3A_726, %mul3A_761 : vector<16xf32>
        %add3A_763 = arith.constant 1 : i32
        %add3A_764 = arith.addi %mul3A_149, %add3A_763 : i32
        %get3A_765 = arith.index_cast %add3A_764 : i32 to index
        %get3A_766 = arith.constant 272 : index
        %get3A_767 = tpu.vector_load %arg8[%get3A_765, %get3A_766] {strides = array<i32>} : memref<32x512xf32, #tpu.memory_space<vmem>>, vector<16xf32>,
        %mul3A_768 = arith.mulf %get3A_767, %get3A_37 : vector<16xf32>
        %add3A_769 = arith.addf %add3A_733, %mul3A_768 : vector<16xf32>
        %mul3A_770 = arith.mulf %get3A_767, %get3A_767 : vector<16xf32>
        %add3A_771 = arith.addf %add3A_735, %mul3A_770 : vector<16xf32>
        %add3A_772 = arith.constant 2 : i32
        %add3A_773 = arith.addi %mul3A_149, %add3A_772 : i32
        %get3A_774 = arith.index_cast %add3A_773 : i32 to index
        %get3A_775 = arith.constant 272 : index
        %get3A_776 = tpu.vector_load %arg8[%get3A_774, %get3A_775] {strides = array<i32>} : memref<32x512xf32, #tpu.memory_space<vmem>>, vector<16xf32>,
        %mul3A_777 = arith.mulf %get3A_776, %get3A_37 : vector<16xf32>
        %add3A_778 = arith.addf %add3A_742, %mul3A_777 : vector<16xf32>
        %mul3A_779 = arith.mulf %get3A_776, %get3A_776 : vector<16xf32>
        %add3A_780 = arith.addf %add3A_744, %mul3A_779 : vector<16xf32>
        %add3A_781 = arith.constant 3 : i32
        %add3A_782 = arith.addi %mul3A_149, %add3A_781 : i32
        %get3A_783 = arith.index_cast %add3A_782 : i32 to index
        %get3A_784 = arith.constant 272 : index
        %get3A_785 = tpu.vector_load %arg8[%get3A_783, %get3A_784] {strides = array<i32>} : memref<32x512xf32, #tpu.memory_space<vmem>>, vector<16xf32>,
        %mul3A_786 = arith.mulf %get3A_785, %get3A_37 : vector<16xf32>
        %add3A_787 = arith.addf %add3A_751, %mul3A_786 : vector<16xf32>
        %mul3A_788 = arith.mulf %get3A_785, %get3A_785 : vector<16xf32>
        %add3A_789 = arith.addf %add3A_753, %mul3A_788 : vector<16xf32>
        %add3A_790 = arith.constant 0 : i32
        %add3A_791 = arith.addi %mul3A_149, %add3A_790 : i32
        %get3A_792 = arith.index_cast %add3A_791 : i32 to index
        %get3A_793 = arith.constant 288 : index
        %get3A_794 = tpu.vector_load %arg8[%get3A_792, %get3A_793] {strides = array<i32>} : memref<32x512xf32, #tpu.memory_space<vmem>>, vector<16xf32>,
        %mul3A_795 = arith.mulf %get3A_794, %get3A_39 : vector<16xf32>
        %add3A_796 = arith.addf %add3A_760, %mul3A_795 : vector<16xf32>
        %mul3A_797 = arith.mulf %get3A_794, %get3A_794 : vector<16xf32>
        %add3A_798 = arith.addf %add3A_762, %mul3A_797 : vector<16xf32>
        %add3A_799 = arith.constant 1 : i32
        %add3A_800 = arith.addi %mul3A_149, %add3A_799 : i32
        %get3A_801 = arith.index_cast %add3A_800 : i32 to index
        %get3A_802 = arith.constant 288 : index
        %get3A_803 = tpu.vector_load %arg8[%get3A_801, %get3A_802] {strides = array<i32>} : memref<32x512xf32, #tpu.memory_space<vmem>>, vector<16xf32>,
        %mul3A_804 = arith.mulf %get3A_803, %get3A_39 : vector<16xf32>
        %add3A_805 = arith.addf %add3A_769, %mul3A_804 : vector<16xf32>
        %mul3A_806 = arith.mulf %get3A_803, %get3A_803 : vector<16xf32>
        %add3A_807 = arith.addf %add3A_771, %mul3A_806 : vector<16xf32>
        %add3A_808 = arith.constant 2 : i32
        %add3A_809 = arith.addi %mul3A_149, %add3A_808 : i32
        %get3A_810 = arith.index_cast %add3A_809 : i32 to index
        %get3A_811 = arith.constant 288 : index
        %get3A_812 = tpu.vector_load %arg8[%get3A_810, %get3A_811] {strides = array<i32>} : memref<32x512xf32, #tpu.memory_space<vmem>>, vector<16xf32>,
        %mul3A_813 = arith.mulf %get3A_812, %get3A_39 : vector<16xf32>
        %add3A_814 = arith.addf %add3A_778, %mul3A_813 : vector<16xf32>
        %mul3A_815 = arith.mulf %get3A_812, %get3A_812 : vector<16xf32>
        %add3A_816 = arith.addf %add3A_780, %mul3A_815 : vector<16xf32>
        %add3A_817 = arith.constant 3 : i32
        %add3A_818 = arith.addi %mul3A_149, %add3A_817 : i32
        %get3A_819 = arith.index_cast %add3A_818 : i32 to index
        %get3A_820 = arith.constant 288 : index
        %get3A_821 = tpu.vector_load %arg8[%get3A_819, %get3A_820] {strides = array<i32>} : memref<32x512xf32, #tpu.memory_space<vmem>>, vector<16xf32>,
        %mul3A_822 = arith.mulf %get3A_821, %get3A_39 : vector<16xf32>
        %add3A_823 = arith.addf %add3A_787, %mul3A_822 : vector<16xf32>
        %mul3A_824 = arith.mulf %get3A_821, %get3A_821 : vector<16xf32>
        %add3A_825 = arith.addf %add3A_789, %mul3A_824 : vector<16xf32>
        %add3A_826 = arith.constant 0 : i32
        %add3A_827 = arith.addi %mul3A_149, %add3A_826 : i32
        %get3A_828 = arith.index_cast %add3A_827 : i32 to index
        %get3A_829 = arith.constant 304 : index
        %get3A_830 = tpu.vector_load %arg8[%get3A_828, %get3A_829] {strides = array<i32>} : memref<32x512xf32, #tpu.memory_space<vmem>>, vector<16xf32>,
        %mul3A_831 = arith.mulf %get3A_830, %get3A_41 : vector<16xf32>
        %add3A_832 = arith.addf %add3A_796, %mul3A_831 : vector<16xf32>
        %mul3A_833 = arith.mulf %get3A_830, %get3A_830 : vector<16xf32>
        %add3A_834 = arith.addf %add3A_798, %mul3A_833 : vector<16xf32>
        %add3A_835 = arith.constant 1 : i32
        %add3A_836 = arith.addi %mul3A_149, %add3A_835 : i32
        %get3A_837 = arith.index_cast %add3A_836 : i32 to index
        %get3A_838 = arith.constant 304 : index
        %get3A_839 = tpu.vector_load %arg8[%get3A_837, %get3A_838] {strides = array<i32>} : memref<32x512xf32, #tpu.memory_space<vmem>>, vector<16xf32>,
        %mul3A_840 = arith.mulf %get3A_839, %get3A_41 : vector<16xf32>
        %add3A_841 = arith.addf %add3A_805, %mul3A_840 : vector<16xf32>
        %mul3A_842 = arith.mulf %get3A_839, %get3A_839 : vector<16xf32>
        %add3A_843 = arith.addf %add3A_807, %mul3A_842 : vector<16xf32>
        %add3A_844 = arith.constant 2 : i32
        %add3A_845 = arith.addi %mul3A_149, %add3A_844 : i32
        %get3A_846 = arith.index_cast %add3A_845 : i32 to index
        %get3A_847 = arith.constant 304 : index
        %get3A_848 = tpu.vector_load %arg8[%get3A_846, %get3A_847] {strides = array<i32>} : memref<32x512xf32, #tpu.memory_space<vmem>>, vector<16xf32>,
        %mul3A_849 = arith.mulf %get3A_848, %get3A_41 : vector<16xf32>
        %add3A_850 = arith.addf %add3A_814, %mul3A_849 : vector<16xf32>
        %mul3A_851 = arith.mulf %get3A_848, %get3A_848 : vector<16xf32>
        %add3A_852 = arith.addf %add3A_816, %mul3A_851 : vector<16xf32>
        %add3A_853 = arith.constant 3 : i32
        %add3A_854 = arith.addi %mul3A_149, %add3A_853 : i32
        %get3A_855 = arith.index_cast %add3A_854 : i32 to index
        %get3A_856 = arith.constant 304 : index
        %get3A_857 = tpu.vector_load %arg8[%get3A_855, %get3A_856] {strides = array<i32>} : memref<32x512xf32, #tpu.memory_space<vmem>>, vector<16xf32>,
        %mul3A_858 = arith.mulf %get3A_857, %get3A_41 : vector<16xf32>
        %add3A_859 = arith.addf %add3A_823, %mul3A_858 : vector<16xf32>
        %mul3A_860 = arith.mulf %get3A_857, %get3A_857 : vector<16xf32>
        %add3A_861 = arith.addf %add3A_825, %mul3A_860 : vector<16xf32>
        %add3A_862 = arith.constant 0 : i32
        %add3A_863 = arith.addi %mul3A_149, %add3A_862 : i32
        %get3A_864 = arith.index_cast %add3A_863 : i32 to index
        %get3A_865 = arith.constant 320 : index
        %get3A_866 = tpu.vector_load %arg8[%get3A_864, %get3A_865] {strides = array<i32>} : memref<32x512xf32, #tpu.memory_space<vmem>>, vector<16xf32>,
        %mul3A_867 = arith.mulf %get3A_866, %get3A_43 : vector<16xf32>
        %add3A_868 = arith.addf %add3A_832, %mul3A_867 : vector<16xf32>
        %mul3A_869 = arith.mulf %get3A_866, %get3A_866 : vector<16xf32>
        %add3A_870 = arith.addf %add3A_834, %mul3A_869 : vector<16xf32>
        %add3A_871 = arith.constant 1 : i32
        %add3A_872 = arith.addi %mul3A_149, %add3A_871 : i32
        %get3A_873 = arith.index_cast %add3A_872 : i32 to index
        %get3A_874 = arith.constant 320 : index
        %get3A_875 = tpu.vector_load %arg8[%get3A_873, %get3A_874] {strides = array<i32>} : memref<32x512xf32, #tpu.memory_space<vmem>>, vector<16xf32>,
        %mul3A_876 = arith.mulf %get3A_875, %get3A_43 : vector<16xf32>
        %add3A_877 = arith.addf %add3A_841, %mul3A_876 : vector<16xf32>
        %mul3A_878 = arith.mulf %get3A_875, %get3A_875 : vector<16xf32>
        %add3A_879 = arith.addf %add3A_843, %mul3A_878 : vector<16xf32>
        %add3A_880 = arith.constant 2 : i32
        %add3A_881 = arith.addi %mul3A_149, %add3A_880 : i32
        %get3A_882 = arith.index_cast %add3A_881 : i32 to index
        %get3A_883 = arith.constant 320 : index
        %get3A_884 = tpu.vector_load %arg8[%get3A_882, %get3A_883] {strides = array<i32>} : memref<32x512xf32, #tpu.memory_space<vmem>>, vector<16xf32>,
        %mul3A_885 = arith.mulf %get3A_884, %get3A_43 : vector<16xf32>
        %add3A_886 = arith.addf %add3A_850, %mul3A_885 : vector<16xf32>
        %mul3A_887 = arith.mulf %get3A_884, %get3A_884 : vector<16xf32>
        %add3A_888 = arith.addf %add3A_852, %mul3A_887 : vector<16xf32>
        %add3A_889 = arith.constant 3 : i32
        %add3A_890 = arith.addi %mul3A_149, %add3A_889 : i32
        %get3A_891 = arith.index_cast %add3A_890 : i32 to index
        %get3A_892 = arith.constant 320 : index
        %get3A_893 = tpu.vector_load %arg8[%get3A_891, %get3A_892] {strides = array<i32>} : memref<32x512xf32, #tpu.memory_space<vmem>>, vector<16xf32>,
        %mul3A_894 = arith.mulf %get3A_893, %get3A_43 : vector<16xf32>
        %add3A_895 = arith.addf %add3A_859, %mul3A_894 : vector<16xf32>
        %mul3A_896 = arith.mulf %get3A_893, %get3A_893 : vector<16xf32>
        %add3A_897 = arith.addf %add3A_861, %mul3A_896 : vector<16xf32>
        %add3A_898 = arith.constant 0 : i32
        %add3A_899 = arith.addi %mul3A_149, %add3A_898 : i32
        %get3A_900 = arith.index_cast %add3A_899 : i32 to index
        %get3A_901 = arith.constant 336 : index
        %get3A_902 = tpu.vector_load %arg8[%get3A_900, %get3A_901] {strides = array<i32>} : memref<32x512xf32, #tpu.memory_space<vmem>>, vector<16xf32>,
        %mul3A_903 = arith.mulf %get3A_902, %get3A_45 : vector<16xf32>
        %add3A_904 = arith.addf %add3A_868, %mul3A_903 : vector<16xf32>
        %mul3A_905 = arith.mulf %get3A_902, %get3A_902 : vector<16xf32>
        %add3A_906 = arith.addf %add3A_870, %mul3A_905 : vector<16xf32>
        %add3A_907 = arith.constant 1 : i32
        %add3A_908 = arith.addi %mul3A_149, %add3A_907 : i32
        %get3A_909 = arith.index_cast %add3A_908 : i32 to index
        %get3A_910 = arith.constant 336 : index
        %get3A_911 = tpu.vector_load %arg8[%get3A_909, %get3A_910] {strides = array<i32>} : memref<32x512xf32, #tpu.memory_space<vmem>>, vector<16xf32>,
        %mul3A_912 = arith.mulf %get3A_911, %get3A_45 : vector<16xf32>
        %add3A_913 = arith.addf %add3A_877, %mul3A_912 : vector<16xf32>
        %mul3A_914 = arith.mulf %get3A_911, %get3A_911 : vector<16xf32>
        %add3A_915 = arith.addf %add3A_879, %mul3A_914 : vector<16xf32>
        %add3A_916 = arith.constant 2 : i32
        %add3A_917 = arith.addi %mul3A_149, %add3A_916 : i32
        %get3A_918 = arith.index_cast %add3A_917 : i32 to index
        %get3A_919 = arith.constant 336 : index
        %get3A_920 = tpu.vector_load %arg8[%get3A_918, %get3A_919] {strides = array<i32>} : memref<32x512xf32, #tpu.memory_space<vmem>>, vector<16xf32>,
        %mul3A_921 = arith.mulf %get3A_920, %get3A_45 : vector<16xf32>
        %add3A_922 = arith.addf %add3A_886, %mul3A_921 : vector<16xf32>
        %mul3A_923 = arith.mulf %get3A_920, %get3A_920 : vector<16xf32>
        %add3A_924 = arith.addf %add3A_888, %mul3A_923 : vector<16xf32>
        %add3A_925 = arith.constant 3 : i32
        %add3A_926 = arith.addi %mul3A_149, %add3A_925 : i32
        %get3A_927 = arith.index_cast %add3A_926 : i32 to index
        %get3A_928 = arith.constant 336 : index
        %get3A_929 = tpu.vector_load %arg8[%get3A_927, %get3A_928] {strides = array<i32>} : memref<32x512xf32, #tpu.memory_space<vmem>>, vector<16xf32>,
        %mul3A_930 = arith.mulf %get3A_929, %get3A_45 : vector<16xf32>
        %add3A_931 = arith.addf %add3A_895, %mul3A_930 : vector<16xf32>
        %mul3A_932 = arith.mulf %get3A_929, %get3A_929 : vector<16xf32>
        %add3A_933 = arith.addf %add3A_897, %mul3A_932 : vector<16xf32>
        %add3A_934 = arith.constant 0 : i32
        %add3A_935 = arith.addi %mul3A_149, %add3A_934 : i32
        %get3A_936 = arith.index_cast %add3A_935 : i32 to index
        %get3A_937 = arith.constant 352 : index
        %get3A_938 = tpu.vector_load %arg8[%get3A_936, %get3A_937] {strides = array<i32>} : memref<32x512xf32, #tpu.memory_space<vmem>>, vector<16xf32>,
        %mul3A_939 = arith.mulf %get3A_938, %get3A_47 : vector<16xf32>
        %add3A_940 = arith.addf %add3A_904, %mul3A_939 : vector<16xf32>
        %mul3A_941 = arith.mulf %get3A_938, %get3A_938 : vector<16xf32>
        %add3A_942 = arith.addf %add3A_906, %mul3A_941 : vector<16xf32>
        %add3A_943 = arith.constant 1 : i32
        %add3A_944 = arith.addi %mul3A_149, %add3A_943 : i32
        %get3A_945 = arith.index_cast %add3A_944 : i32 to index
        %get3A_946 = arith.constant 352 : index
        %get3A_947 = tpu.vector_load %arg8[%get3A_945, %get3A_946] {strides = array<i32>} : memref<32x512xf32, #tpu.memory_space<vmem>>, vector<16xf32>,
        %mul3A_948 = arith.mulf %get3A_947, %get3A_47 : vector<16xf32>
        %add3A_949 = arith.addf %add3A_913, %mul3A_948 : vector<16xf32>
        %mul3A_950 = arith.mulf %get3A_947, %get3A_947 : vector<16xf32>
        %add3A_951 = arith.addf %add3A_915, %mul3A_950 : vector<16xf32>
        %add3A_952 = arith.constant 2 : i32
        %add3A_953 = arith.addi %mul3A_149, %add3A_952 : i32
        %get3A_954 = arith.index_cast %add3A_953 : i32 to index
        %get3A_955 = arith.constant 352 : index
        %get3A_956 = tpu.vector_load %arg8[%get3A_954, %get3A_955] {strides = array<i32>} : memref<32x512xf32, #tpu.memory_space<vmem>>, vector<16xf32>,
        %mul3A_957 = arith.mulf %get3A_956, %get3A_47 : vector<16xf32>
        %add3A_958 = arith.addf %add3A_922, %mul3A_957 : vector<16xf32>
        %mul3A_959 = arith.mulf %get3A_956, %get3A_956 : vector<16xf32>
        %add3A_960 = arith.addf %add3A_924, %mul3A_959 : vector<16xf32>
        %add3A_961 = arith.constant 3 : i32
        %add3A_962 = arith.addi %mul3A_149, %add3A_961 : i32
        %get3A_963 = arith.index_cast %add3A_962 : i32 to index
        %get3A_964 = arith.constant 352 : index
        %get3A_965 = tpu.vector_load %arg8[%get3A_963, %get3A_964] {strides = array<i32>} : memref<32x512xf32, #tpu.memory_space<vmem>>, vector<16xf32>,
        %mul3A_966 = arith.mulf %get3A_965, %get3A_47 : vector<16xf32>
        %add3A_967 = arith.addf %add3A_931, %mul3A_966 : vector<16xf32>
        %mul3A_968 = arith.mulf %get3A_965, %get3A_965 : vector<16xf32>
        %add3A_969 = arith.addf %add3A_933, %mul3A_968 : vector<16xf32>
        %add3A_970 = arith.constant 0 : i32
        %add3A_971 = arith.addi %mul3A_149, %add3A_970 : i32
        %get3A_972 = arith.index_cast %add3A_971 : i32 to index
        %get3A_973 = arith.constant 368 : index
        %get3A_974 = tpu.vector_load %arg8[%get3A_972, %get3A_973] {strides = array<i32>} : memref<32x512xf32, #tpu.memory_space<vmem>>, vector<16xf32>,
        %mul3A_975 = arith.mulf %get3A_974, %get3A_49 : vector<16xf32>
        %add3A_976 = arith.addf %add3A_940, %mul3A_975 : vector<16xf32>
        %mul3A_977 = arith.mulf %get3A_974, %get3A_974 : vector<16xf32>
        %add3A_978 = arith.addf %add3A_942, %mul3A_977 : vector<16xf32>
        %add3A_979 = arith.constant 1 : i32
        %add3A_980 = arith.addi %mul3A_149, %add3A_979 : i32
        %get3A_981 = arith.index_cast %add3A_980 : i32 to index
        %get3A_982 = arith.constant 368 : index
        %get3A_983 = tpu.vector_load %arg8[%get3A_981, %get3A_982] {strides = array<i32>} : memref<32x512xf32, #tpu.memory_space<vmem>>, vector<16xf32>,
        %mul3A_984 = arith.mulf %get3A_983, %get3A_49 : vector<16xf32>
        %add3A_985 = arith.addf %add3A_949, %mul3A_984 : vector<16xf32>
        %mul3A_986 = arith.mulf %get3A_983, %get3A_983 : vector<16xf32>
        %add3A_987 = arith.addf %add3A_951, %mul3A_986 : vector<16xf32>
        %add3A_988 = arith.constant 2 : i32
        %add3A_989 = arith.addi %mul3A_149, %add3A_988 : i32
        %get3A_990 = arith.index_cast %add3A_989 : i32 to index
        %get3A_991 = arith.constant 368 : index
        %get3A_992 = tpu.vector_load %arg8[%get3A_990, %get3A_991] {strides = array<i32>} : memref<32x512xf32, #tpu.memory_space<vmem>>, vector<16xf32>,
        %mul3A_993 = arith.mulf %get3A_992, %get3A_49 : vector<16xf32>
        %add3A_994 = arith.addf %add3A_958, %mul3A_993 : vector<16xf32>
        %mul3A_995 = arith.mulf %get3A_992, %get3A_992 : vector<16xf32>
        %add3A_996 = arith.addf %add3A_960, %mul3A_995 : vector<16xf32>
        %add3A_997 = arith.constant 3 : i32
        %add3A_998 = arith.addi %mul3A_149, %add3A_997 : i32
        %get3A_999 = arith.index_cast %add3A_998 : i32 to index
        %get3A_1000 = arith.constant 368 : index
        %get3A_1001 = tpu.vector_load %arg8[%get3A_999, %get3A_1000] {strides = array<i32>} : memref<32x512xf32, #tpu.memory_space<vmem>>, vector<16xf32>,
        %mul3A_1002 = arith.mulf %get3A_1001, %get3A_49 : vector<16xf32>
        %add3A_1003 = arith.addf %add3A_967, %mul3A_1002 : vector<16xf32>
        %mul3A_1004 = arith.mulf %get3A_1001, %get3A_1001 : vector<16xf32>
        %add3A_1005 = arith.addf %add3A_969, %mul3A_1004 : vector<16xf32>
        %add3A_1006 = arith.constant 0 : i32
        %add3A_1007 = arith.addi %mul3A_149, %add3A_1006 : i32
        %get3A_1008 = arith.index_cast %add3A_1007 : i32 to index
        %get3A_1009 = arith.constant 384 : index
        %get3A_1010 = tpu.vector_load %arg8[%get3A_1008, %get3A_1009] {strides = array<i32>} : memref<32x512xf32, #tpu.memory_space<vmem>>, vector<16xf32>,
        %mul3A_1011 = arith.mulf %get3A_1010, %get3A_51 : vector<16xf32>
        %add3A_1012 = arith.addf %add3A_976, %mul3A_1011 : vector<16xf32>
        %mul3A_1013 = arith.mulf %get3A_1010, %get3A_1010 : vector<16xf32>
        %add3A_1014 = arith.addf %add3A_978, %mul3A_1013 : vector<16xf32>
        %add3A_1015 = arith.constant 1 : i32
        %add3A_1016 = arith.addi %mul3A_149, %add3A_1015 : i32
        %get3A_1017 = arith.index_cast %add3A_1016 : i32 to index
        %get3A_1018 = arith.constant 384 : index
        %get3A_1019 = tpu.vector_load %arg8[%get3A_1017, %get3A_1018] {strides = array<i32>} : memref<32x512xf32, #tpu.memory_space<vmem>>, vector<16xf32>,
        %mul3A_1020 = arith.mulf %get3A_1019, %get3A_51 : vector<16xf32>
        %add3A_1021 = arith.addf %add3A_985, %mul3A_1020 : vector<16xf32>
        %mul3A_1022 = arith.mulf %get3A_1019, %get3A_1019 : vector<16xf32>
        %add3A_1023 = arith.addf %add3A_987, %mul3A_1022 : vector<16xf32>
        %add3A_1024 = arith.constant 2 : i32
        %add3A_1025 = arith.addi %mul3A_149, %add3A_1024 : i32
        %get3A_1026 = arith.index_cast %add3A_1025 : i32 to index
        %get3A_1027 = arith.constant 384 : index
        %get3A_1028 = tpu.vector_load %arg8[%get3A_1026, %get3A_1027] {strides = array<i32>} : memref<32x512xf32, #tpu.memory_space<vmem>>, vector<16xf32>,
        %mul3A_1029 = arith.mulf %get3A_1028, %get3A_51 : vector<16xf32>
        %add3A_1030 = arith.addf %add3A_994, %mul3A_1029 : vector<16xf32>
        %mul3A_1031 = arith.mulf %get3A_1028, %get3A_1028 : vector<16xf32>
        %add3A_1032 = arith.addf %add3A_996, %mul3A_1031 : vector<16xf32>
        %add3A_1033 = arith.constant 3 : i32
        %add3A_1034 = arith.addi %mul3A_149, %add3A_1033 : i32
        %get3A_1035 = arith.index_cast %add3A_1034 : i32 to index
        %get3A_1036 = arith.constant 384 : index
        %get3A_1037 = tpu.vector_load %arg8[%get3A_1035, %get3A_1036] {strides = array<i32>} : memref<32x512xf32, #tpu.memory_space<vmem>>, vector<16xf32>,
        %mul3A_1038 = arith.mulf %get3A_1037, %get3A_51 : vector<16xf32>
        %add3A_1039 = arith.addf %add3A_1003, %mul3A_1038 : vector<16xf32>
        %mul3A_1040 = arith.mulf %get3A_1037, %get3A_1037 : vector<16xf32>
        %add3A_1041 = arith.addf %add3A_1005, %mul3A_1040 : vector<16xf32>
        %add3A_1042 = arith.constant 0 : i32
        %add3A_1043 = arith.addi %mul3A_149, %add3A_1042 : i32
        %get3A_1044 = arith.index_cast %add3A_1043 : i32 to index
        %get3A_1045 = arith.constant 400 : index
        %get3A_1046 = tpu.vector_load %arg8[%get3A_1044, %get3A_1045] {strides = array<i32>} : memref<32x512xf32, #tpu.memory_space<vmem>>, vector<16xf32>,
        %mul3A_1047 = arith.mulf %get3A_1046, %get3A_53 : vector<16xf32>
        %add3A_1048 = arith.addf %add3A_1012, %mul3A_1047 : vector<16xf32>
        %mul3A_1049 = arith.mulf %get3A_1046, %get3A_1046 : vector<16xf32>
        %add3A_1050 = arith.addf %add3A_1014, %mul3A_1049 : vector<16xf32>
        %add3A_1051 = arith.constant 1 : i32
        %add3A_1052 = arith.addi %mul3A_149, %add3A_1051 : i32
        %get3A_1053 = arith.index_cast %add3A_1052 : i32 to index
        %get3A_1054 = arith.constant 400 : index
        %get3A_1055 = tpu.vector_load %arg8[%get3A_1053, %get3A_1054] {strides = array<i32>} : memref<32x512xf32, #tpu.memory_space<vmem>>, vector<16xf32>,
        %mul3A_1056 = arith.mulf %get3A_1055, %get3A_53 : vector<16xf32>
        %add3A_1057 = arith.addf %add3A_1021, %mul3A_1056 : vector<16xf32>
        %mul3A_1058 = arith.mulf %get3A_1055, %get3A_1055 : vector<16xf32>
        %add3A_1059 = arith.addf %add3A_1023, %mul3A_1058 : vector<16xf32>
        %add3A_1060 = arith.constant 2 : i32
        %add3A_1061 = arith.addi %mul3A_149, %add3A_1060 : i32
        %get3A_1062 = arith.index_cast %add3A_1061 : i32 to index
        %get3A_1063 = arith.constant 400 : index
        %get3A_1064 = tpu.vector_load %arg8[%get3A_1062, %get3A_1063] {strides = array<i32>} : memref<32x512xf32, #tpu.memory_space<vmem>>, vector<16xf32>,
        %mul3A_1065 = arith.mulf %get3A_1064, %get3A_53 : vector<16xf32>
        %add3A_1066 = arith.addf %add3A_1030, %mul3A_1065 : vector<16xf32>
        %mul3A_1067 = arith.mulf %get3A_1064, %get3A_1064 : vector<16xf32>
        %add3A_1068 = arith.addf %add3A_1032, %mul3A_1067 : vector<16xf32>
        %add3A_1069 = arith.constant 3 : i32
        %add3A_1070 = arith.addi %mul3A_149, %add3A_1069 : i32
        %get3A_1071 = arith.index_cast %add3A_1070 : i32 to index
        %get3A_1072 = arith.constant 400 : index
        %get3A_1073 = tpu.vector_load %arg8[%get3A_1071, %get3A_1072] {strides = array<i32>} : memref<32x512xf32, #tpu.memory_space<vmem>>, vector<16xf32>,
        %mul3A_1074 = arith.mulf %get3A_1073, %get3A_53 : vector<16xf32>
        %add3A_1075 = arith.addf %add3A_1039, %mul3A_1074 : vector<16xf32>
        %mul3A_1076 = arith.mulf %get3A_1073, %get3A_1073 : vector<16xf32>
        %add3A_1077 = arith.addf %add3A_1041, %mul3A_1076 : vector<16xf32>
        %add3A_1078 = arith.constant 0 : i32
        %add3A_1079 = arith.addi %mul3A_149, %add3A_1078 : i32
        %get3A_1080 = arith.index_cast %add3A_1079 : i32 to index
        %get3A_1081 = arith.constant 416 : index
        %get3A_1082 = tpu.vector_load %arg8[%get3A_1080, %get3A_1081] {strides = array<i32>} : memref<32x512xf32, #tpu.memory_space<vmem>>, vector<16xf32>,
        %mul3A_1083 = arith.mulf %get3A_1082, %get3A_55 : vector<16xf32>
        %add3A_1084 = arith.addf %add3A_1048, %mul3A_1083 : vector<16xf32>
        %mul3A_1085 = arith.mulf %get3A_1082, %get3A_1082 : vector<16xf32>
        %add3A_1086 = arith.addf %add3A_1050, %mul3A_1085 : vector<16xf32>
        %add3A_1087 = arith.constant 1 : i32
        %add3A_1088 = arith.addi %mul3A_149, %add3A_1087 : i32
        %get3A_1089 = arith.index_cast %add3A_1088 : i32 to index
        %get3A_1090 = arith.constant 416 : index
        %get3A_1091 = tpu.vector_load %arg8[%get3A_1089, %get3A_1090] {strides = array<i32>} : memref<32x512xf32, #tpu.memory_space<vmem>>, vector<16xf32>,
        %mul3A_1092 = arith.mulf %get3A_1091, %get3A_55 : vector<16xf32>
        %add3A_1093 = arith.addf %add3A_1057, %mul3A_1092 : vector<16xf32>
        %mul3A_1094 = arith.mulf %get3A_1091, %get3A_1091 : vector<16xf32>
        %add3A_1095 = arith.addf %add3A_1059, %mul3A_1094 : vector<16xf32>
        %add3A_1096 = arith.constant 2 : i32
        %add3A_1097 = arith.addi %mul3A_149, %add3A_1096 : i32
        %get3A_1098 = arith.index_cast %add3A_1097 : i32 to index
        %get3A_1099 = arith.constant 416 : index
        %get3A_1100 = tpu.vector_load %arg8[%get3A_1098, %get3A_1099] {strides = array<i32>} : memref<32x512xf32, #tpu.memory_space<vmem>>, vector<16xf32>,
        %mul3A_1101 = arith.mulf %get3A_1100, %get3A_55 : vector<16xf32>
        %add3A_1102 = arith.addf %add3A_1066, %mul3A_1101 : vector<16xf32>
        %mul3A_1103 = arith.mulf %get3A_1100, %get3A_1100 : vector<16xf32>
        %add3A_1104 = arith.addf %add3A_1068, %mul3A_1103 : vector<16xf32>
        %add3A_1105 = arith.constant 3 : i32
        %add3A_1106 = arith.addi %mul3A_149, %add3A_1105 : i32
        %get3A_1107 = arith.index_cast %add3A_1106 : i32 to index
        %get3A_1108 = arith.constant 416 : index
        %get3A_1109 = tpu.vector_load %arg8[%get3A_1107, %get3A_1108] {strides = array<i32>} : memref<32x512xf32, #tpu.memory_space<vmem>>, vector<16xf32>,
        %mul3A_1110 = arith.mulf %get3A_1109, %get3A_55 : vector<16xf32>
        %add3A_1111 = arith.addf %add3A_1075, %mul3A_1110 : vector<16xf32>
        %mul3A_1112 = arith.mulf %get3A_1109, %get3A_1109 : vector<16xf32>
        %add3A_1113 = arith.addf %add3A_1077, %mul3A_1112 : vector<16xf32>
        %add3A_1114 = arith.constant 0 : i32
        %add3A_1115 = arith.addi %mul3A_149, %add3A_1114 : i32
        %get3A_1116 = arith.index_cast %add3A_1115 : i32 to index
        %get3A_1117 = arith.constant 432 : index
        %get3A_1118 = tpu.vector_load %arg8[%get3A_1116, %get3A_1117] {strides = array<i32>} : memref<32x512xf32, #tpu.memory_space<vmem>>, vector<16xf32>,
        %mul3A_1119 = arith.mulf %get3A_1118, %get3A_57 : vector<16xf32>
        %add3A_1120 = arith.addf %add3A_1084, %mul3A_1119 : vector<16xf32>
        %mul3A_1121 = arith.mulf %get3A_1118, %get3A_1118 : vector<16xf32>
        %add3A_1122 = arith.addf %add3A_1086, %mul3A_1121 : vector<16xf32>
        %add3A_1123 = arith.constant 1 : i32
        %add3A_1124 = arith.addi %mul3A_149, %add3A_1123 : i32
        %get3A_1125 = arith.index_cast %add3A_1124 : i32 to index
        %get3A_1126 = arith.constant 432 : index
        %get3A_1127 = tpu.vector_load %arg8[%get3A_1125, %get3A_1126] {strides = array<i32>} : memref<32x512xf32, #tpu.memory_space<vmem>>, vector<16xf32>,
        %mul3A_1128 = arith.mulf %get3A_1127, %get3A_57 : vector<16xf32>
        %add3A_1129 = arith.addf %add3A_1093, %mul3A_1128 : vector<16xf32>
        %mul3A_1130 = arith.mulf %get3A_1127, %get3A_1127 : vector<16xf32>
        %add3A_1131 = arith.addf %add3A_1095, %mul3A_1130 : vector<16xf32>
        %add3A_1132 = arith.constant 2 : i32
        %add3A_1133 = arith.addi %mul3A_149, %add3A_1132 : i32
        %get3A_1134 = arith.index_cast %add3A_1133 : i32 to index
        %get3A_1135 = arith.constant 432 : index
        %get3A_1136 = tpu.vector_load %arg8[%get3A_1134, %get3A_1135] {strides = array<i32>} : memref<32x512xf32, #tpu.memory_space<vmem>>, vector<16xf32>,
        %mul3A_1137 = arith.mulf %get3A_1136, %get3A_57 : vector<16xf32>
        %add3A_1138 = arith.addf %add3A_1102, %mul3A_1137 : vector<16xf32>
        %mul3A_1139 = arith.mulf %get3A_1136, %get3A_1136 : vector<16xf32>
        %add3A_1140 = arith.addf %add3A_1104, %mul3A_1139 : vector<16xf32>
        %add3A_1141 = arith.constant 3 : i32
        %add3A_1142 = arith.addi %mul3A_149, %add3A_1141 : i32
        %get3A_1143 = arith.index_cast %add3A_1142 : i32 to index
        %get3A_1144 = arith.constant 432 : index
        %get3A_1145 = tpu.vector_load %arg8[%get3A_1143, %get3A_1144] {strides = array<i32>} : memref<32x512xf32, #tpu.memory_space<vmem>>, vector<16xf32>,
        %mul3A_1146 = arith.mulf %get3A_1145, %get3A_57 : vector<16xf32>
        %add3A_1147 = arith.addf %add3A_1111, %mul3A_1146 : vector<16xf32>
        %mul3A_1148 = arith.mulf %get3A_1145, %get3A_1145 : vector<16xf32>
        %add3A_1149 = arith.addf %add3A_1113, %mul3A_1148 : vector<16xf32>
        %add3A_1150 = arith.constant 0 : i32
        %add3A_1151 = arith.addi %mul3A_149, %add3A_1150 : i32
        %get3A_1152 = arith.index_cast %add3A_1151 : i32 to index
        %get3A_1153 = arith.constant 448 : index
        %get3A_1154 = tpu.vector_load %arg8[%get3A_1152, %get3A_1153] {strides = array<i32>} : memref<32x512xf32, #tpu.memory_space<vmem>>, vector<16xf32>,
        %mul3A_1155 = arith.mulf %get3A_1154, %get3A_59 : vector<16xf32>
        %add3A_1156 = arith.addf %add3A_1120, %mul3A_1155 : vector<16xf32>
        %mul3A_1157 = arith.mulf %get3A_1154, %get3A_1154 : vector<16xf32>
        %add3A_1158 = arith.addf %add3A_1122, %mul3A_1157 : vector<16xf32>
        %add3A_1159 = arith.constant 1 : i32
        %add3A_1160 = arith.addi %mul3A_149, %add3A_1159 : i32
        %get3A_1161 = arith.index_cast %add3A_1160 : i32 to index
        %get3A_1162 = arith.constant 448 : index
        %get3A_1163 = tpu.vector_load %arg8[%get3A_1161, %get3A_1162] {strides = array<i32>} : memref<32x512xf32, #tpu.memory_space<vmem>>, vector<16xf32>,
        %mul3A_1164 = arith.mulf %get3A_1163, %get3A_59 : vector<16xf32>
        %add3A_1165 = arith.addf %add3A_1129, %mul3A_1164 : vector<16xf32>
        %mul3A_1166 = arith.mulf %get3A_1163, %get3A_1163 : vector<16xf32>
        %add3A_1167 = arith.addf %add3A_1131, %mul3A_1166 : vector<16xf32>
        %add3A_1168 = arith.constant 2 : i32
        %add3A_1169 = arith.addi %mul3A_149, %add3A_1168 : i32
        %get3A_1170 = arith.index_cast %add3A_1169 : i32 to index
        %get3A_1171 = arith.constant 448 : index
        %get3A_1172 = tpu.vector_load %arg8[%get3A_1170, %get3A_1171] {strides = array<i32>} : memref<32x512xf32, #tpu.memory_space<vmem>>, vector<16xf32>,
        %mul3A_1173 = arith.mulf %get3A_1172, %get3A_59 : vector<16xf32>
        %add3A_1174 = arith.addf %add3A_1138, %mul3A_1173 : vector<16xf32>
        %mul3A_1175 = arith.mulf %get3A_1172, %get3A_1172 : vector<16xf32>
        %add3A_1176 = arith.addf %add3A_1140, %mul3A_1175 : vector<16xf32>
        %add3A_1177 = arith.constant 3 : i32
        %add3A_1178 = arith.addi %mul3A_149, %add3A_1177 : i32
        %get3A_1179 = arith.index_cast %add3A_1178 : i32 to index
        %get3A_1180 = arith.constant 448 : index
        %get3A_1181 = tpu.vector_load %arg8[%get3A_1179, %get3A_1180] {strides = array<i32>} : memref<32x512xf32, #tpu.memory_space<vmem>>, vector<16xf32>,
        %mul3A_1182 = arith.mulf %get3A_1181, %get3A_59 : vector<16xf32>
        %add3A_1183 = arith.addf %add3A_1147, %mul3A_1182 : vector<16xf32>
        %mul3A_1184 = arith.mulf %get3A_1181, %get3A_1181 : vector<16xf32>
        %add3A_1185 = arith.addf %add3A_1149, %mul3A_1184 : vector<16xf32>
        %add3A_1186 = arith.constant 0 : i32
        %add3A_1187 = arith.addi %mul3A_149, %add3A_1186 : i32
        %get3A_1188 = arith.index_cast %add3A_1187 : i32 to index
        %get3A_1189 = arith.constant 464 : index
        %get3A_1190 = tpu.vector_load %arg8[%get3A_1188, %get3A_1189] {strides = array<i32>} : memref<32x512xf32, #tpu.memory_space<vmem>>, vector<16xf32>,
        %mul3A_1191 = arith.mulf %get3A_1190, %get3A_61 : vector<16xf32>
        %add3A_1192 = arith.addf %add3A_1156, %mul3A_1191 : vector<16xf32>
        %mul3A_1193 = arith.mulf %get3A_1190, %get3A_1190 : vector<16xf32>
        %add3A_1194 = arith.addf %add3A_1158, %mul3A_1193 : vector<16xf32>
        %add3A_1195 = arith.constant 1 : i32
        %add3A_1196 = arith.addi %mul3A_149, %add3A_1195 : i32
        %get3A_1197 = arith.index_cast %add3A_1196 : i32 to index
        %get3A_1198 = arith.constant 464 : index
        %get3A_1199 = tpu.vector_load %arg8[%get3A_1197, %get3A_1198] {strides = array<i32>} : memref<32x512xf32, #tpu.memory_space<vmem>>, vector<16xf32>,
        %mul3A_1200 = arith.mulf %get3A_1199, %get3A_61 : vector<16xf32>
        %add3A_1201 = arith.addf %add3A_1165, %mul3A_1200 : vector<16xf32>
        %mul3A_1202 = arith.mulf %get3A_1199, %get3A_1199 : vector<16xf32>
        %add3A_1203 = arith.addf %add3A_1167, %mul3A_1202 : vector<16xf32>
        %add3A_1204 = arith.constant 2 : i32
        %add3A_1205 = arith.addi %mul3A_149, %add3A_1204 : i32
        %get3A_1206 = arith.index_cast %add3A_1205 : i32 to index
        %get3A_1207 = arith.constant 464 : index
        %get3A_1208 = tpu.vector_load %arg8[%get3A_1206, %get3A_1207] {strides = array<i32>} : memref<32x512xf32, #tpu.memory_space<vmem>>, vector<16xf32>,
        %mul3A_1209 = arith.mulf %get3A_1208, %get3A_61 : vector<16xf32>
        %add3A_1210 = arith.addf %add3A_1174, %mul3A_1209 : vector<16xf32>
        %mul3A_1211 = arith.mulf %get3A_1208, %get3A_1208 : vector<16xf32>
        %add3A_1212 = arith.addf %add3A_1176, %mul3A_1211 : vector<16xf32>
        %add3A_1213 = arith.constant 3 : i32
        %add3A_1214 = arith.addi %mul3A_149, %add3A_1213 : i32
        %get3A_1215 = arith.index_cast %add3A_1214 : i32 to index
        %get3A_1216 = arith.constant 464 : index
        %get3A_1217 = tpu.vector_load %arg8[%get3A_1215, %get3A_1216] {strides = array<i32>} : memref<32x512xf32, #tpu.memory_space<vmem>>, vector<16xf32>,
        %mul3A_1218 = arith.mulf %get3A_1217, %get3A_61 : vector<16xf32>
        %add3A_1219 = arith.addf %add3A_1183, %mul3A_1218 : vector<16xf32>
        %mul3A_1220 = arith.mulf %get3A_1217, %get3A_1217 : vector<16xf32>
        %add3A_1221 = arith.addf %add3A_1185, %mul3A_1220 : vector<16xf32>
        %add3A_1222 = arith.constant 0 : i32
        %add3A_1223 = arith.addi %mul3A_149, %add3A_1222 : i32
        %get3A_1224 = arith.index_cast %add3A_1223 : i32 to index
        %get3A_1225 = arith.constant 480 : index
        %get3A_1226 = tpu.vector_load %arg8[%get3A_1224, %get3A_1225] {strides = array<i32>} : memref<32x512xf32, #tpu.memory_space<vmem>>, vector<16xf32>,
        %mul3A_1227 = arith.mulf %get3A_1226, %get3A_63 : vector<16xf32>
        %add3A_1228 = arith.addf %add3A_1192, %mul3A_1227 : vector<16xf32>
        %mul3A_1229 = arith.mulf %get3A_1226, %get3A_1226 : vector<16xf32>
        %add3A_1230 = arith.addf %add3A_1194, %mul3A_1229 : vector<16xf32>
        %add3A_1231 = arith.constant 1 : i32
        %add3A_1232 = arith.addi %mul3A_149, %add3A_1231 : i32
        %get3A_1233 = arith.index_cast %add3A_1232 : i32 to index
        %get3A_1234 = arith.constant 480 : index
        %get3A_1235 = tpu.vector_load %arg8[%get3A_1233, %get3A_1234] {strides = array<i32>} : memref<32x512xf32, #tpu.memory_space<vmem>>, vector<16xf32>,
        %mul3A_1236 = arith.mulf %get3A_1235, %get3A_63 : vector<16xf32>
        %add3A_1237 = arith.addf %add3A_1201, %mul3A_1236 : vector<16xf32>
        %mul3A_1238 = arith.mulf %get3A_1235, %get3A_1235 : vector<16xf32>
        %add3A_1239 = arith.addf %add3A_1203, %mul3A_1238 : vector<16xf32>
        %add3A_1240 = arith.constant 2 : i32
        %add3A_1241 = arith.addi %mul3A_149, %add3A_1240 : i32
        %get3A_1242 = arith.index_cast %add3A_1241 : i32 to index
        %get3A_1243 = arith.constant 480 : index
        %get3A_1244 = tpu.vector_load %arg8[%get3A_1242, %get3A_1243] {strides = array<i32>} : memref<32x512xf32, #tpu.memory_space<vmem>>, vector<16xf32>,
        %mul3A_1245 = arith.mulf %get3A_1244, %get3A_63 : vector<16xf32>
        %add3A_1246 = arith.addf %add3A_1210, %mul3A_1245 : vector<16xf32>
        %mul3A_1247 = arith.mulf %get3A_1244, %get3A_1244 : vector<16xf32>
        %add3A_1248 = arith.addf %add3A_1212, %mul3A_1247 : vector<16xf32>
        %add3A_1249 = arith.constant 3 : i32
        %add3A_1250 = arith.addi %mul3A_149, %add3A_1249 : i32
        %get3A_1251 = arith.index_cast %add3A_1250 : i32 to index
        %get3A_1252 = arith.constant 480 : index
        %get3A_1253 = tpu.vector_load %arg8[%get3A_1251, %get3A_1252] {strides = array<i32>} : memref<32x512xf32, #tpu.memory_space<vmem>>, vector<16xf32>,
        %mul3A_1254 = arith.mulf %get3A_1253, %get3A_63 : vector<16xf32>
        %add3A_1255 = arith.addf %add3A_1219, %mul3A_1254 : vector<16xf32>
        %mul3A_1256 = arith.mulf %get3A_1253, %get3A_1253 : vector<16xf32>
        %add3A_1257 = arith.addf %add3A_1221, %mul3A_1256 : vector<16xf32>
        %add3A_1258 = arith.constant 0 : i32
        %add3A_1259 = arith.addi %mul3A_149, %add3A_1258 : i32
        %get3A_1260 = arith.index_cast %add3A_1259 : i32 to index
        %get3A_1261 = arith.constant 496 : index
        %get3A_1262 = tpu.vector_load %arg8[%get3A_1260, %get3A_1261] {strides = array<i32>} : memref<32x512xf32, #tpu.memory_space<vmem>>, vector<16xf32>,
        %mul3A_1263 = arith.mulf %get3A_1262, %get3A_65 : vector<16xf32>
        %add3A_1264 = arith.addf %add3A_1228, %mul3A_1263 : vector<16xf32>
        %mul3A_1265 = arith.mulf %get3A_1262, %get3A_1262 : vector<16xf32>
        %add3A_1266 = arith.addf %add3A_1230, %mul3A_1265 : vector<16xf32>
        %add3A_1267 = arith.constant 1 : i32
        %add3A_1268 = arith.addi %mul3A_149, %add3A_1267 : i32
        %get3A_1269 = arith.index_cast %add3A_1268 : i32 to index
        %get3A_1270 = arith.constant 496 : index
        %get3A_1271 = tpu.vector_load %arg8[%get3A_1269, %get3A_1270] {strides = array<i32>} : memref<32x512xf32, #tpu.memory_space<vmem>>, vector<16xf32>,
        %mul3A_1272 = arith.mulf %get3A_1271, %get3A_65 : vector<16xf32>
        %add3A_1273 = arith.addf %add3A_1237, %mul3A_1272 : vector<16xf32>
        %mul3A_1274 = arith.mulf %get3A_1271, %get3A_1271 : vector<16xf32>
        %add3A_1275 = arith.addf %add3A_1239, %mul3A_1274 : vector<16xf32>
        %add3A_1276 = arith.constant 2 : i32
        %add3A_1277 = arith.addi %mul3A_149, %add3A_1276 : i32
        %get3A_1278 = arith.index_cast %add3A_1277 : i32 to index
        %get3A_1279 = arith.constant 496 : index
        %get3A_1280 = tpu.vector_load %arg8[%get3A_1278, %get3A_1279] {strides = array<i32>} : memref<32x512xf32, #tpu.memory_space<vmem>>, vector<16xf32>,
        %mul3A_1281 = arith.mulf %get3A_1280, %get3A_65 : vector<16xf32>
        %add3A_1282 = arith.addf %add3A_1246, %mul3A_1281 : vector<16xf32>
        %mul3A_1283 = arith.mulf %get3A_1280, %get3A_1280 : vector<16xf32>
        %add3A_1284 = arith.addf %add3A_1248, %mul3A_1283 : vector<16xf32>
        %add3A_1285 = arith.constant 3 : i32
        %add3A_1286 = arith.addi %mul3A_149, %add3A_1285 : i32
        %get3A_1287 = arith.index_cast %add3A_1286 : i32 to index
        %get3A_1288 = arith.constant 496 : index
        %get3A_1289 = tpu.vector_load %arg8[%get3A_1287, %get3A_1288] {strides = array<i32>} : memref<32x512xf32, #tpu.memory_space<vmem>>, vector<16xf32>,
        %mul3A_1290 = arith.mulf %get3A_1289, %get3A_65 : vector<16xf32>
        %add3A_1291 = arith.addf %add3A_1255, %mul3A_1290 : vector<16xf32>
        %mul3A_1292 = arith.mulf %get3A_1289, %get3A_1289 : vector<16xf32>
        %add3A_1293 = arith.addf %add3A_1257, %mul3A_1292 : vector<16xf32>
        %mul3A_1294 = arith.constant 32 : i32
        %mul3A_1295 = arith.muli %mul3A_110, %mul3A_1294 : i32
        %add3A_1296 = arith.addi %mul3A_1295, %mul3A_149 : i32
        %add3A_1297 = arith.constant 0 : i32
        %add3A_1298 = arith.addi %add3A_1296, %add3A_1297 : i32
        %mul3A_1299 = arith.constant 16 : i32
        %mul3A_1300 = arith.muli %add3A_1298, %mul3A_1299 : i32
        %swap3A_1301 = arith.index_cast %mul3A_1300 : i32 to index
        %swap3A_1302 = tpu.vector_load %arg10[%swap3A_1301] {strides = array<i32>} : memref<2048xf32, #tpu.memory_space<vmem>>, vector<16xf32>,
        tpu.vector_store %arg10[%swap3A_1301], %add3A_1264 {strides = array<i32>} : memref<2048xf32, #tpu.memory_space<vmem>>, vector<16xf32>,
        %mul3A_1303 = arith.constant 32 : i32
        %mul3A_1304 = arith.muli %mul3A_110, %mul3A_1303 : i32
        %add3A_1305 = arith.addi %mul3A_1304, %mul3A_149 : i32
        %add3A_1306 = arith.constant 0 : i32
        %add3A_1307 = arith.addi %add3A_1305, %add3A_1306 : i32
        %mul3A_1308 = arith.constant 16 : i32
        %mul3A_1309 = arith.muli %add3A_1307, %mul3A_1308 : i32
        %swap3A_1310 = arith.index_cast %mul3A_1309 : i32 to index
        %swap3A_1311 = tpu.vector_load %arg11[%swap3A_1310] {strides = array<i32>} : memref<2048xf32, #tpu.memory_space<vmem>>, vector<16xf32>,
        tpu.vector_store %arg11[%swap3A_1310], %add3A_1266 {strides = array<i32>} : memref<2048xf32, #tpu.memory_space<vmem>>, vector<16xf32>,
        %mul3A_1312 = arith.constant 32 : i32
        %mul3A_1313 = arith.muli %mul3A_110, %mul3A_1312 : i32
        %add3A_1314 = arith.addi %mul3A_1313, %mul3A_149 : i32
        %add3A_1315 = arith.constant 1 : i32
        %add3A_1316 = arith.addi %add3A_1314, %add3A_1315 : i32
        %mul3A_1317 = arith.constant 16 : i32
        %mul3A_1318 = arith.muli %add3A_1316, %mul3A_1317 : i32
        %swap3A_1319 = arith.index_cast %mul3A_1318 : i32 to index
        %swap3A_1320 = tpu.vector_load %arg10[%swap3A_1319] {strides = array<i32>} : memref<2048xf32, #tpu.memory_space<vmem>>, vector<16xf32>,
        tpu.vector_store %arg10[%swap3A_1319], %add3A_1273 {strides = array<i32>} : memref<2048xf32, #tpu.memory_space<vmem>>, vector<16xf32>,
        %mul3A_1321 = arith.constant 32 : i32
        %mul3A_1322 = arith.muli %mul3A_110, %mul3A_1321 : i32
        %add3A_1323 = arith.addi %mul3A_1322, %mul3A_149 : i32
        %add3A_1324 = arith.constant 1 : i32
        %add3A_1325 = arith.addi %add3A_1323, %add3A_1324 : i32
        %mul3A_1326 = arith.constant 16 : i32
        %mul3A_1327 = arith.muli %add3A_1325, %mul3A_1326 : i32
        %swap3A_1328 = arith.index_cast %mul3A_1327 : i32 to index
        %swap3A_1329 = tpu.vector_load %arg11[%swap3A_1328] {strides = array<i32>} : memref<2048xf32, #tpu.memory_space<vmem>>, vector<16xf32>,
        tpu.vector_store %arg11[%swap3A_1328], %add3A_1275 {strides = array<i32>} : memref<2048xf32, #tpu.memory_space<vmem>>, vector<16xf32>,
        %mul3A_1330 = arith.constant 32 : i32
        %mul3A_1331 = arith.muli %mul3A_110, %mul3A_1330 : i32
        %add3A_1332 = arith.addi %mul3A_1331, %mul3A_149 : i32
        %add3A_1333 = arith.constant 2 : i32
        %add3A_1334 = arith.addi %add3A_1332, %add3A_1333 : i32
        %mul3A_1335 = arith.constant 16 : i32
        %mul3A_1336 = arith.muli %add3A_1334, %mul3A_1335 : i32
        %swap3A_1337 = arith.index_cast %mul3A_1336 : i32 to index
        %swap3A_1338 = tpu.vector_load %arg10[%swap3A_1337] {strides = array<i32>} : memref<2048xf32, #tpu.memory_space<vmem>>, vector<16xf32>,
        tpu.vector_store %arg10[%swap3A_1337], %add3A_1282 {strides = array<i32>} : memref<2048xf32, #tpu.memory_space<vmem>>, vector<16xf32>,
        %mul3A_1339 = arith.constant 32 : i32
        %mul3A_1340 = arith.muli %mul3A_110, %mul3A_1339 : i32
        %add3A_1341 = arith.addi %mul3A_1340, %mul3A_149 : i32
        %add3A_1342 = arith.constant 2 : i32
        %add3A_1343 = arith.addi %add3A_1341, %add3A_1342 : i32
        %mul3A_1344 = arith.constant 16 : i32
        %mul3A_1345 = arith.muli %add3A_1343, %mul3A_1344 : i32
        %swap3A_1346 = arith.index_cast %mul3A_1345 : i32 to index
        %swap3A_1347 = tpu.vector_load %arg11[%swap3A_1346] {strides = array<i32>} : memref<2048xf32, #tpu.memory_space<vmem>>, vector<16xf32>,
        tpu.vector_store %arg11[%swap3A_1346], %add3A_1284 {strides = array<i32>} : memref<2048xf32, #tpu.memory_space<vmem>>, vector<16xf32>,
        %mul3A_1348 = arith.constant 32 : i32
        %mul3A_1349 = arith.muli %mul3A_110, %mul3A_1348 : i32
        %add3A_1350 = arith.addi %mul3A_1349, %mul3A_149 : i32
        %add3A_1351 = arith.constant 3 : i32
        %add3A_1352 = arith.addi %add3A_1350, %add3A_1351 : i32
        %mul3A_1353 = arith.constant 16 : i32
        %mul3A_1354 = arith.muli %add3A_1352, %mul3A_1353 : i32
        %swap3A_1355 = arith.index_cast %mul3A_1354 : i32 to index
        %swap3A_1356 = tpu.vector_load %arg10[%swap3A_1355] {strides = array<i32>} : memref<2048xf32, #tpu.memory_space<vmem>>, vector<16xf32>,
        tpu.vector_store %arg10[%swap3A_1355], %add3A_1291 {strides = array<i32>} : memref<2048xf32, #tpu.memory_space<vmem>>, vector<16xf32>,
        %mul3A_1357 = arith.constant 32 : i32
        %mul3A_1358 = arith.muli %mul3A_110, %mul3A_1357 : i32
        %add3A_1359 = arith.addi %mul3A_1358, %mul3A_149 : i32
        %add3A_1360 = arith.constant 3 : i32
        %add3A_1361 = arith.addi %add3A_1359, %add3A_1360 : i32
        %mul3A_1362 = arith.constant 16 : i32
        %mul3A_1363 = arith.muli %add3A_1361, %mul3A_1362 : i32
        %swap3A_1364 = arith.index_cast %mul3A_1363 : i32 to index
        %swap3A_1365 = tpu.vector_load %arg11[%swap3A_1364] {strides = array<i32>} : memref<2048xf32, #tpu.memory_space<vmem>>, vector<16xf32>,
        tpu.vector_store %arg11[%swap3A_1364], %add3A_1293 {strides = array<i32>} : memref<2048xf32, #tpu.memory_space<vmem>>, vector<16xf32>,
        %scan3A_1366 = arith.constant 0 : i32
        scf.yield %scan3A_1366 : i32
      }
      %scan3A_122 = arith.constant 8 : i32
      %lt3A = arith.constant 1 : i32
      %lt3A_123 = arith.cmpi slt, %scan3A_107, %lt3A : i32
      %convert_element_type3A = arith.extui %lt3A_123 : i1 to i32
      %cond3A = arith.constant 0 : i32
      %cond3A_124 = arith.cmpi ne, %convert_element_type3A, %cond3A : i32
      scf.if %cond3A_124 {
        %add3A_146 = arith.constant 2 : i32
        %add3A_147 = arith.addi %mul3A_110, %add3A_146 : i32
        %mul3A_148 = arith.constant 32 : i32
        %mul3A_149 = arith.muli %add3A_147, %mul3A_148 : i32
        %add3A_150 = arith.addi %mul3A_2, %mul3A_149 : i32
        %dma_start3A_151 = arith.constant 0 : i32
        %dma_start3A_152 = tpu.memref_slice %arg3[%add3A_150, %dma_start3A_151] : memref<16384x512xf32, #tpu.memory_space<hbm>> -> memref<32x512xf32, #tpu.memory_space<hbm>>
        %dma_start3A_153 = arith.constant 0 : i32
        %dma_start3A_154 = tpu.memref_slice %arg3[%add3A_150, %dma_start3A_153] : memref<16384x512xf32, #tpu.memory_space<hbm>> -> memref<32x512xf32, #tpu.memory_space<hbm>>
        tpu.enqueue_dma source(%dma_start3A_154 : memref<32x512xf32, #tpu.memory_space<hbm>>) target(%arg8 : memref<32x512xf32, #tpu.memory_space<vmem>>) target_semaphore(%arg15 : memref<!tpu.dma_semaphore, #tpu.memory_space<semaphore_mem>>)
      } else {
      }
      %dma_wait3A_125 = arith.constant 0 : i32
      %dma_wait3A_126 = arith.constant 0 : i32
      %dma_wait3A_127 = tpu.memref_slice %arg3[%dma_wait3A_125, %dma_wait3A_126] : memref<16384x512xf32, #tpu.memory_space<hbm>> -> memref<32x512xf32, #tpu.memory_space<hbm>>
      %dma_wait3A_128 = arith.constant 0 : i32
      %dma_wait3A_129 = arith.constant 0 : i32
      %dma_wait3A_130 = tpu.memref_slice %arg3[%dma_wait3A_128, %dma_wait3A_129] : memref<16384x512xf32, #tpu.memory_space<hbm>> -> memref<32x512xf32, #tpu.memory_space<hbm>>
      tpu.wait_dma2 semaphore(%arg16 : memref<!tpu.dma_semaphore, #tpu.memory_space<semaphore_mem>>) src(%dma_wait3A_130 : memref<32x512xf32, #tpu.memory_space<hbm>>) dst(%arg9 : memref<32x512xf32, #tpu.memory_space<vmem>>)
      %add3A_131 = arith.constant 1 : i32
      %add3A_132 = arith.addi %mul3A_110, %add3A_131 : i32
      %scan3A_133 = arith.constant 0 : i32
      %scan3A_134 = arith.constant 0 : i32
      %scan3A_135 = arith.constant 8 : i32
      %scan3A_136 = arith.addi %scan3A_134, %scan3A_135 : i32
      %scan3A_137 = arith.constant 1 : i32
      %scan3A_138 = scf.for %scan3A_146 = %scan3A_134 to %scan3A_136 step %scan3A_137 iter_args(%scan3A_147 = %scan3A_133) -> (i32)  : i32 {
        %mul3A_148 = arith.constant 4 : i32
        %mul3A_149 = arith.muli %scan3A_146, %mul3A_148 : i32
        %add3A_150 = arith.constant 0 : i32
        %add3A_151 = arith.addi %mul3A_149, %add3A_150 : i32
        %get3A_152 = arith.index_cast %add3A_151 : i32 to index
        %get3A_153 = arith.constant 0 : index
        %get3A_154 = tpu.vector_load %arg9[%get3A_152, %get3A_153] {strides = array<i32>} : memref<32x512xf32, #tpu.memory_space<vmem>>, vector<16xf32>,
        %mul3A_155 = arith.mulf %get3A_154, %get3A_3 : vector<16xf32>
        %mul3A_156 = arith.mulf %get3A_154, %get3A_154 : vector<16xf32>
        %add3A_157 = arith.constant 1 : i32
        %add3A_158 = arith.addi %mul3A_149, %add3A_157 : i32
        %get3A_159 = arith.index_cast %add3A_158 : i32 to index
        %get3A_160 = arith.constant 0 : index
        %get3A_161 = tpu.vector_load %arg9[%get3A_159, %get3A_160] {strides = array<i32>} : memref<32x512xf32, #tpu.memory_space<vmem>>, vector<16xf32>,
        %mul3A_162 = arith.mulf %get3A_161, %get3A_3 : vector<16xf32>
        %mul3A_163 = arith.mulf %get3A_161, %get3A_161 : vector<16xf32>
        %add3A_164 = arith.constant 2 : i32
        %add3A_165 = arith.addi %mul3A_149, %add3A_164 : i32
        %get3A_166 = arith.index_cast %add3A_165 : i32 to index
        %get3A_167 = arith.constant 0 : index
        %get3A_168 = tpu.vector_load %arg9[%get3A_166, %get3A_167] {strides = array<i32>} : memref<32x512xf32, #tpu.memory_space<vmem>>, vector<16xf32>,
        %mul3A_169 = arith.mulf %get3A_168, %get3A_3 : vector<16xf32>
        %mul3A_170 = arith.mulf %get3A_168, %get3A_168 : vector<16xf32>
        %add3A_171 = arith.constant 3 : i32
        %add3A_172 = arith.addi %mul3A_149, %add3A_171 : i32
        %get3A_173 = arith.index_cast %add3A_172 : i32 to index
        %get3A_174 = arith.constant 0 : index
        %get3A_175 = tpu.vector_load %arg9[%get3A_173, %get3A_174] {strides = array<i32>} : memref<32x512xf32, #tpu.memory_space<vmem>>, vector<16xf32>,
        %mul3A_176 = arith.mulf %get3A_175, %get3A_3 : vector<16xf32>
        %mul3A_177 = arith.mulf %get3A_175, %get3A_175 : vector<16xf32>
        %add3A_178 = arith.constant 0 : i32
        %add3A_179 = arith.addi %mul3A_149, %add3A_178 : i32
        %get3A_180 = arith.index_cast %add3A_179 : i32 to index
        %get3A_181 = arith.constant 16 : index
        %get3A_182 = tpu.vector_load %arg9[%get3A_180, %get3A_181] {strides = array<i32>} : memref<32x512xf32, #tpu.memory_space<vmem>>, vector<16xf32>,
        %mul3A_183 = arith.mulf %get3A_182, %get3A_5 : vector<16xf32>
        %add3A_184 = arith.addf %mul3A_155, %mul3A_183 : vector<16xf32>
        %mul3A_185 = arith.mulf %get3A_182, %get3A_182 : vector<16xf32>
        %add3A_186 = arith.addf %mul3A_156, %mul3A_185 : vector<16xf32>
        %add3A_187 = arith.constant 1 : i32
        %add3A_188 = arith.addi %mul3A_149, %add3A_187 : i32
        %get3A_189 = arith.index_cast %add3A_188 : i32 to index
        %get3A_190 = arith.constant 16 : index
        %get3A_191 = tpu.vector_load %arg9[%get3A_189, %get3A_190] {strides = array<i32>} : memref<32x512xf32, #tpu.memory_space<vmem>>, vector<16xf32>,
        %mul3A_192 = arith.mulf %get3A_191, %get3A_5 : vector<16xf32>
        %add3A_193 = arith.addf %mul3A_162, %mul3A_192 : vector<16xf32>
        %mul3A_194 = arith.mulf %get3A_191, %get3A_191 : vector<16xf32>
        %add3A_195 = arith.addf %mul3A_163, %mul3A_194 : vector<16xf32>
        %add3A_196 = arith.constant 2 : i32
        %add3A_197 = arith.addi %mul3A_149, %add3A_196 : i32
        %get3A_198 = arith.index_cast %add3A_197 : i32 to index
        %get3A_199 = arith.constant 16 : index
        %get3A_200 = tpu.vector_load %arg9[%get3A_198, %get3A_199] {strides = array<i32>} : memref<32x512xf32, #tpu.memory_space<vmem>>, vector<16xf32>,
        %mul3A_201 = arith.mulf %get3A_200, %get3A_5 : vector<16xf32>
        %add3A_202 = arith.addf %mul3A_169, %mul3A_201 : vector<16xf32>
        %mul3A_203 = arith.mulf %get3A_200, %get3A_200 : vector<16xf32>
        %add3A_204 = arith.addf %mul3A_170, %mul3A_203 : vector<16xf32>
        %add3A_205 = arith.constant 3 : i32
        %add3A_206 = arith.addi %mul3A_149, %add3A_205 : i32
        %get3A_207 = arith.index_cast %add3A_206 : i32 to index
        %get3A_208 = arith.constant 16 : index
        %get3A_209 = tpu.vector_load %arg9[%get3A_207, %get3A_208] {strides = array<i32>} : memref<32x512xf32, #tpu.memory_space<vmem>>, vector<16xf32>,
        %mul3A_210 = arith.mulf %get3A_209, %get3A_5 : vector<16xf32>
        %add3A_211 = arith.addf %mul3A_176, %mul3A_210 : vector<16xf32>
        %mul3A_212 = arith.mulf %get3A_209, %get3A_209 : vector<16xf32>
        %add3A_213 = arith.addf %mul3A_177, %mul3A_212 : vector<16xf32>
        %add3A_214 = arith.constant 0 : i32
        %add3A_215 = arith.addi %mul3A_149, %add3A_214 : i32
        %get3A_216 = arith.index_cast %add3A_215 : i32 to index
        %get3A_217 = arith.constant 32 : index
        %get3A_218 = tpu.vector_load %arg9[%get3A_216, %get3A_217] {strides = array<i32>} : memref<32x512xf32, #tpu.memory_space<vmem>>, vector<16xf32>,
        %mul3A_219 = arith.mulf %get3A_218, %get3A_7 : vector<16xf32>
        %add3A_220 = arith.addf %add3A_184, %mul3A_219 : vector<16xf32>
        %mul3A_221 = arith.mulf %get3A_218, %get3A_218 : vector<16xf32>
        %add3A_222 = arith.addf %add3A_186, %mul3A_221 : vector<16xf32>
        %add3A_223 = arith.constant 1 : i32
        %add3A_224 = arith.addi %mul3A_149, %add3A_223 : i32
        %get3A_225 = arith.index_cast %add3A_224 : i32 to index
        %get3A_226 = arith.constant 32 : index
        %get3A_227 = tpu.vector_load %arg9[%get3A_225, %get3A_226] {strides = array<i32>} : memref<32x512xf32, #tpu.memory_space<vmem>>, vector<16xf32>,
        %mul3A_228 = arith.mulf %get3A_227, %get3A_7 : vector<16xf32>
        %add3A_229 = arith.addf %add3A_193, %mul3A_228 : vector<16xf32>
        %mul3A_230 = arith.mulf %get3A_227, %get3A_227 : vector<16xf32>
        %add3A_231 = arith.addf %add3A_195, %mul3A_230 : vector<16xf32>
        %add3A_232 = arith.constant 2 : i32
        %add3A_233 = arith.addi %mul3A_149, %add3A_232 : i32
        %get3A_234 = arith.index_cast %add3A_233 : i32 to index
        %get3A_235 = arith.constant 32 : index
        %get3A_236 = tpu.vector_load %arg9[%get3A_234, %get3A_235] {strides = array<i32>} : memref<32x512xf32, #tpu.memory_space<vmem>>, vector<16xf32>,
        %mul3A_237 = arith.mulf %get3A_236, %get3A_7 : vector<16xf32>
        %add3A_238 = arith.addf %add3A_202, %mul3A_237 : vector<16xf32>
        %mul3A_239 = arith.mulf %get3A_236, %get3A_236 : vector<16xf32>
        %add3A_240 = arith.addf %add3A_204, %mul3A_239 : vector<16xf32>
        %add3A_241 = arith.constant 3 : i32
        %add3A_242 = arith.addi %mul3A_149, %add3A_241 : i32
        %get3A_243 = arith.index_cast %add3A_242 : i32 to index
        %get3A_244 = arith.constant 32 : index
        %get3A_245 = tpu.vector_load %arg9[%get3A_243, %get3A_244] {strides = array<i32>} : memref<32x512xf32, #tpu.memory_space<vmem>>, vector<16xf32>,
        %mul3A_246 = arith.mulf %get3A_245, %get3A_7 : vector<16xf32>
        %add3A_247 = arith.addf %add3A_211, %mul3A_246 : vector<16xf32>
        %mul3A_248 = arith.mulf %get3A_245, %get3A_245 : vector<16xf32>
        %add3A_249 = arith.addf %add3A_213, %mul3A_248 : vector<16xf32>
        %add3A_250 = arith.constant 0 : i32
        %add3A_251 = arith.addi %mul3A_149, %add3A_250 : i32
        %get3A_252 = arith.index_cast %add3A_251 : i32 to index
        %get3A_253 = arith.constant 48 : index
        %get3A_254 = tpu.vector_load %arg9[%get3A_252, %get3A_253] {strides = array<i32>} : memref<32x512xf32, #tpu.memory_space<vmem>>, vector<16xf32>,
        %mul3A_255 = arith.mulf %get3A_254, %get3A_9 : vector<16xf32>
        %add3A_256 = arith.addf %add3A_220, %mul3A_255 : vector<16xf32>
        %mul3A_257 = arith.mulf %get3A_254, %get3A_254 : vector<16xf32>
        %add3A_258 = arith.addf %add3A_222, %mul3A_257 : vector<16xf32>
        %add3A_259 = arith.constant 1 : i32
        %add3A_260 = arith.addi %mul3A_149, %add3A_259 : i32
        %get3A_261 = arith.index_cast %add3A_260 : i32 to index
        %get3A_262 = arith.constant 48 : index
        %get3A_263 = tpu.vector_load %arg9[%get3A_261, %get3A_262] {strides = array<i32>} : memref<32x512xf32, #tpu.memory_space<vmem>>, vector<16xf32>,
        %mul3A_264 = arith.mulf %get3A_263, %get3A_9 : vector<16xf32>
        %add3A_265 = arith.addf %add3A_229, %mul3A_264 : vector<16xf32>
        %mul3A_266 = arith.mulf %get3A_263, %get3A_263 : vector<16xf32>
        %add3A_267 = arith.addf %add3A_231, %mul3A_266 : vector<16xf32>
        %add3A_268 = arith.constant 2 : i32
        %add3A_269 = arith.addi %mul3A_149, %add3A_268 : i32
        %get3A_270 = arith.index_cast %add3A_269 : i32 to index
        %get3A_271 = arith.constant 48 : index
        %get3A_272 = tpu.vector_load %arg9[%get3A_270, %get3A_271] {strides = array<i32>} : memref<32x512xf32, #tpu.memory_space<vmem>>, vector<16xf32>,
        %mul3A_273 = arith.mulf %get3A_272, %get3A_9 : vector<16xf32>
        %add3A_274 = arith.addf %add3A_238, %mul3A_273 : vector<16xf32>
        %mul3A_275 = arith.mulf %get3A_272, %get3A_272 : vector<16xf32>
        %add3A_276 = arith.addf %add3A_240, %mul3A_275 : vector<16xf32>
        %add3A_277 = arith.constant 3 : i32
        %add3A_278 = arith.addi %mul3A_149, %add3A_277 : i32
        %get3A_279 = arith.index_cast %add3A_278 : i32 to index
        %get3A_280 = arith.constant 48 : index
        %get3A_281 = tpu.vector_load %arg9[%get3A_279, %get3A_280] {strides = array<i32>} : memref<32x512xf32, #tpu.memory_space<vmem>>, vector<16xf32>,
        %mul3A_282 = arith.mulf %get3A_281, %get3A_9 : vector<16xf32>
        %add3A_283 = arith.addf %add3A_247, %mul3A_282 : vector<16xf32>
        %mul3A_284 = arith.mulf %get3A_281, %get3A_281 : vector<16xf32>
        %add3A_285 = arith.addf %add3A_249, %mul3A_284 : vector<16xf32>
        %add3A_286 = arith.constant 0 : i32
        %add3A_287 = arith.addi %mul3A_149, %add3A_286 : i32
        %get3A_288 = arith.index_cast %add3A_287 : i32 to index
        %get3A_289 = arith.constant 64 : index
        %get3A_290 = tpu.vector_load %arg9[%get3A_288, %get3A_289] {strides = array<i32>} : memref<32x512xf32, #tpu.memory_space<vmem>>, vector<16xf32>,
        %mul3A_291 = arith.mulf %get3A_290, %get3A_11 : vector<16xf32>
        %add3A_292 = arith.addf %add3A_256, %mul3A_291 : vector<16xf32>
        %mul3A_293 = arith.mulf %get3A_290, %get3A_290 : vector<16xf32>
        %add3A_294 = arith.addf %add3A_258, %mul3A_293 : vector<16xf32>
        %add3A_295 = arith.constant 1 : i32
        %add3A_296 = arith.addi %mul3A_149, %add3A_295 : i32
        %get3A_297 = arith.index_cast %add3A_296 : i32 to index
        %get3A_298 = arith.constant 64 : index
        %get3A_299 = tpu.vector_load %arg9[%get3A_297, %get3A_298] {strides = array<i32>} : memref<32x512xf32, #tpu.memory_space<vmem>>, vector<16xf32>,
        %mul3A_300 = arith.mulf %get3A_299, %get3A_11 : vector<16xf32>
        %add3A_301 = arith.addf %add3A_265, %mul3A_300 : vector<16xf32>
        %mul3A_302 = arith.mulf %get3A_299, %get3A_299 : vector<16xf32>
        %add3A_303 = arith.addf %add3A_267, %mul3A_302 : vector<16xf32>
        %add3A_304 = arith.constant 2 : i32
        %add3A_305 = arith.addi %mul3A_149, %add3A_304 : i32
        %get3A_306 = arith.index_cast %add3A_305 : i32 to index
        %get3A_307 = arith.constant 64 : index
        %get3A_308 = tpu.vector_load %arg9[%get3A_306, %get3A_307] {strides = array<i32>} : memref<32x512xf32, #tpu.memory_space<vmem>>, vector<16xf32>,
        %mul3A_309 = arith.mulf %get3A_308, %get3A_11 : vector<16xf32>
        %add3A_310 = arith.addf %add3A_274, %mul3A_309 : vector<16xf32>
        %mul3A_311 = arith.mulf %get3A_308, %get3A_308 : vector<16xf32>
        %add3A_312 = arith.addf %add3A_276, %mul3A_311 : vector<16xf32>
        %add3A_313 = arith.constant 3 : i32
        %add3A_314 = arith.addi %mul3A_149, %add3A_313 : i32
        %get3A_315 = arith.index_cast %add3A_314 : i32 to index
        %get3A_316 = arith.constant 64 : index
        %get3A_317 = tpu.vector_load %arg9[%get3A_315, %get3A_316] {strides = array<i32>} : memref<32x512xf32, #tpu.memory_space<vmem>>, vector<16xf32>,
        %mul3A_318 = arith.mulf %get3A_317, %get3A_11 : vector<16xf32>
        %add3A_319 = arith.addf %add3A_283, %mul3A_318 : vector<16xf32>
        %mul3A_320 = arith.mulf %get3A_317, %get3A_317 : vector<16xf32>
        %add3A_321 = arith.addf %add3A_285, %mul3A_320 : vector<16xf32>
        %add3A_322 = arith.constant 0 : i32
        %add3A_323 = arith.addi %mul3A_149, %add3A_322 : i32
        %get3A_324 = arith.index_cast %add3A_323 : i32 to index
        %get3A_325 = arith.constant 80 : index
        %get3A_326 = tpu.vector_load %arg9[%get3A_324, %get3A_325] {strides = array<i32>} : memref<32x512xf32, #tpu.memory_space<vmem>>, vector<16xf32>,
        %mul3A_327 = arith.mulf %get3A_326, %get3A_13 : vector<16xf32>
        %add3A_328 = arith.addf %add3A_292, %mul3A_327 : vector<16xf32>
        %mul3A_329 = arith.mulf %get3A_326, %get3A_326 : vector<16xf32>
        %add3A_330 = arith.addf %add3A_294, %mul3A_329 : vector<16xf32>
        %add3A_331 = arith.constant 1 : i32
        %add3A_332 = arith.addi %mul3A_149, %add3A_331 : i32
        %get3A_333 = arith.index_cast %add3A_332 : i32 to index
        %get3A_334 = arith.constant 80 : index
        %get3A_335 = tpu.vector_load %arg9[%get3A_333, %get3A_334] {strides = array<i32>} : memref<32x512xf32, #tpu.memory_space<vmem>>, vector<16xf32>,
        %mul3A_336 = arith.mulf %get3A_335, %get3A_13 : vector<16xf32>
        %add3A_337 = arith.addf %add3A_301, %mul3A_336 : vector<16xf32>
        %mul3A_338 = arith.mulf %get3A_335, %get3A_335 : vector<16xf32>
        %add3A_339 = arith.addf %add3A_303, %mul3A_338 : vector<16xf32>
        %add3A_340 = arith.constant 2 : i32
        %add3A_341 = arith.addi %mul3A_149, %add3A_340 : i32
        %get3A_342 = arith.index_cast %add3A_341 : i32 to index
        %get3A_343 = arith.constant 80 : index
        %get3A_344 = tpu.vector_load %arg9[%get3A_342, %get3A_343] {strides = array<i32>} : memref<32x512xf32, #tpu.memory_space<vmem>>, vector<16xf32>,
        %mul3A_345 = arith.mulf %get3A_344, %get3A_13 : vector<16xf32>
        %add3A_346 = arith.addf %add3A_310, %mul3A_345 : vector<16xf32>
        %mul3A_347 = arith.mulf %get3A_344, %get3A_344 : vector<16xf32>
        %add3A_348 = arith.addf %add3A_312, %mul3A_347 : vector<16xf32>
        %add3A_349 = arith.constant 3 : i32
        %add3A_350 = arith.addi %mul3A_149, %add3A_349 : i32
        %get3A_351 = arith.index_cast %add3A_350 : i32 to index
        %get3A_352 = arith.constant 80 : index
        %get3A_353 = tpu.vector_load %arg9[%get3A_351, %get3A_352] {strides = array<i32>} : memref<32x512xf32, #tpu.memory_space<vmem>>, vector<16xf32>,
        %mul3A_354 = arith.mulf %get3A_353, %get3A_13 : vector<16xf32>
        %add3A_355 = arith.addf %add3A_319, %mul3A_354 : vector<16xf32>
        %mul3A_356 = arith.mulf %get3A_353, %get3A_353 : vector<16xf32>
        %add3A_357 = arith.addf %add3A_321, %mul3A_356 : vector<16xf32>
        %add3A_358 = arith.constant 0 : i32
        %add3A_359 = arith.addi %mul3A_149, %add3A_358 : i32
        %get3A_360 = arith.index_cast %add3A_359 : i32 to index
        %get3A_361 = arith.constant 96 : index
        %get3A_362 = tpu.vector_load %arg9[%get3A_360, %get3A_361] {strides = array<i32>} : memref<32x512xf32, #tpu.memory_space<vmem>>, vector<16xf32>,
        %mul3A_363 = arith.mulf %get3A_362, %get3A_15 : vector<16xf32>
        %add3A_364 = arith.addf %add3A_328, %mul3A_363 : vector<16xf32>
        %mul3A_365 = arith.mulf %get3A_362, %get3A_362 : vector<16xf32>
        %add3A_366 = arith.addf %add3A_330, %mul3A_365 : vector<16xf32>
        %add3A_367 = arith.constant 1 : i32
        %add3A_368 = arith.addi %mul3A_149, %add3A_367 : i32
        %get3A_369 = arith.index_cast %add3A_368 : i32 to index
        %get3A_370 = arith.constant 96 : index
        %get3A_371 = tpu.vector_load %arg9[%get3A_369, %get3A_370] {strides = array<i32>} : memref<32x512xf32, #tpu.memory_space<vmem>>, vector<16xf32>,
        %mul3A_372 = arith.mulf %get3A_371, %get3A_15 : vector<16xf32>
        %add3A_373 = arith.addf %add3A_337, %mul3A_372 : vector<16xf32>
        %mul3A_374 = arith.mulf %get3A_371, %get3A_371 : vector<16xf32>
        %add3A_375 = arith.addf %add3A_339, %mul3A_374 : vector<16xf32>
        %add3A_376 = arith.constant 2 : i32
        %add3A_377 = arith.addi %mul3A_149, %add3A_376 : i32
        %get3A_378 = arith.index_cast %add3A_377 : i32 to index
        %get3A_379 = arith.constant 96 : index
        %get3A_380 = tpu.vector_load %arg9[%get3A_378, %get3A_379] {strides = array<i32>} : memref<32x512xf32, #tpu.memory_space<vmem>>, vector<16xf32>,
        %mul3A_381 = arith.mulf %get3A_380, %get3A_15 : vector<16xf32>
        %add3A_382 = arith.addf %add3A_346, %mul3A_381 : vector<16xf32>
        %mul3A_383 = arith.mulf %get3A_380, %get3A_380 : vector<16xf32>
        %add3A_384 = arith.addf %add3A_348, %mul3A_383 : vector<16xf32>
        %add3A_385 = arith.constant 3 : i32
        %add3A_386 = arith.addi %mul3A_149, %add3A_385 : i32
        %get3A_387 = arith.index_cast %add3A_386 : i32 to index
        %get3A_388 = arith.constant 96 : index
        %get3A_389 = tpu.vector_load %arg9[%get3A_387, %get3A_388] {strides = array<i32>} : memref<32x512xf32, #tpu.memory_space<vmem>>, vector<16xf32>,
        %mul3A_390 = arith.mulf %get3A_389, %get3A_15 : vector<16xf32>
        %add3A_391 = arith.addf %add3A_355, %mul3A_390 : vector<16xf32>
        %mul3A_392 = arith.mulf %get3A_389, %get3A_389 : vector<16xf32>
        %add3A_393 = arith.addf %add3A_357, %mul3A_392 : vector<16xf32>
        %add3A_394 = arith.constant 0 : i32
        %add3A_395 = arith.addi %mul3A_149, %add3A_394 : i32
        %get3A_396 = arith.index_cast %add3A_395 : i32 to index
        %get3A_397 = arith.constant 112 : index
        %get3A_398 = tpu.vector_load %arg9[%get3A_396, %get3A_397] {strides = array<i32>} : memref<32x512xf32, #tpu.memory_space<vmem>>, vector<16xf32>,
        %mul3A_399 = arith.mulf %get3A_398, %get3A_17 : vector<16xf32>
        %add3A_400 = arith.addf %add3A_364, %mul3A_399 : vector<16xf32>
        %mul3A_401 = arith.mulf %get3A_398, %get3A_398 : vector<16xf32>
        %add3A_402 = arith.addf %add3A_366, %mul3A_401 : vector<16xf32>
        %add3A_403 = arith.constant 1 : i32
        %add3A_404 = arith.addi %mul3A_149, %add3A_403 : i32
        %get3A_405 = arith.index_cast %add3A_404 : i32 to index
        %get3A_406 = arith.constant 112 : index
        %get3A_407 = tpu.vector_load %arg9[%get3A_405, %get3A_406] {strides = array<i32>} : memref<32x512xf32, #tpu.memory_space<vmem>>, vector<16xf32>,
        %mul3A_408 = arith.mulf %get3A_407, %get3A_17 : vector<16xf32>
        %add3A_409 = arith.addf %add3A_373, %mul3A_408 : vector<16xf32>
        %mul3A_410 = arith.mulf %get3A_407, %get3A_407 : vector<16xf32>
        %add3A_411 = arith.addf %add3A_375, %mul3A_410 : vector<16xf32>
        %add3A_412 = arith.constant 2 : i32
        %add3A_413 = arith.addi %mul3A_149, %add3A_412 : i32
        %get3A_414 = arith.index_cast %add3A_413 : i32 to index
        %get3A_415 = arith.constant 112 : index
        %get3A_416 = tpu.vector_load %arg9[%get3A_414, %get3A_415] {strides = array<i32>} : memref<32x512xf32, #tpu.memory_space<vmem>>, vector<16xf32>,
        %mul3A_417 = arith.mulf %get3A_416, %get3A_17 : vector<16xf32>
        %add3A_418 = arith.addf %add3A_382, %mul3A_417 : vector<16xf32>
        %mul3A_419 = arith.mulf %get3A_416, %get3A_416 : vector<16xf32>
        %add3A_420 = arith.addf %add3A_384, %mul3A_419 : vector<16xf32>
        %add3A_421 = arith.constant 3 : i32
        %add3A_422 = arith.addi %mul3A_149, %add3A_421 : i32
        %get3A_423 = arith.index_cast %add3A_422 : i32 to index
        %get3A_424 = arith.constant 112 : index
        %get3A_425 = tpu.vector_load %arg9[%get3A_423, %get3A_424] {strides = array<i32>} : memref<32x512xf32, #tpu.memory_space<vmem>>, vector<16xf32>,
        %mul3A_426 = arith.mulf %get3A_425, %get3A_17 : vector<16xf32>
        %add3A_427 = arith.addf %add3A_391, %mul3A_426 : vector<16xf32>
        %mul3A_428 = arith.mulf %get3A_425, %get3A_425 : vector<16xf32>
        %add3A_429 = arith.addf %add3A_393, %mul3A_428 : vector<16xf32>
        %add3A_430 = arith.constant 0 : i32
        %add3A_431 = arith.addi %mul3A_149, %add3A_430 : i32
        %get3A_432 = arith.index_cast %add3A_431 : i32 to index
        %get3A_433 = arith.constant 128 : index
        %get3A_434 = tpu.vector_load %arg9[%get3A_432, %get3A_433] {strides = array<i32>} : memref<32x512xf32, #tpu.memory_space<vmem>>, vector<16xf32>,
        %mul3A_435 = arith.mulf %get3A_434, %get3A_19 : vector<16xf32>
        %add3A_436 = arith.addf %add3A_400, %mul3A_435 : vector<16xf32>
        %mul3A_437 = arith.mulf %get3A_434, %get3A_434 : vector<16xf32>
        %add3A_438 = arith.addf %add3A_402, %mul3A_437 : vector<16xf32>
        %add3A_439 = arith.constant 1 : i32
        %add3A_440 = arith.addi %mul3A_149, %add3A_439 : i32
        %get3A_441 = arith.index_cast %add3A_440 : i32 to index
        %get3A_442 = arith.constant 128 : index
        %get3A_443 = tpu.vector_load %arg9[%get3A_441, %get3A_442] {strides = array<i32>} : memref<32x512xf32, #tpu.memory_space<vmem>>, vector<16xf32>,
        %mul3A_444 = arith.mulf %get3A_443, %get3A_19 : vector<16xf32>
        %add3A_445 = arith.addf %add3A_409, %mul3A_444 : vector<16xf32>
        %mul3A_446 = arith.mulf %get3A_443, %get3A_443 : vector<16xf32>
        %add3A_447 = arith.addf %add3A_411, %mul3A_446 : vector<16xf32>
        %add3A_448 = arith.constant 2 : i32
        %add3A_449 = arith.addi %mul3A_149, %add3A_448 : i32
        %get3A_450 = arith.index_cast %add3A_449 : i32 to index
        %get3A_451 = arith.constant 128 : index
        %get3A_452 = tpu.vector_load %arg9[%get3A_450, %get3A_451] {strides = array<i32>} : memref<32x512xf32, #tpu.memory_space<vmem>>, vector<16xf32>,
        %mul3A_453 = arith.mulf %get3A_452, %get3A_19 : vector<16xf32>
        %add3A_454 = arith.addf %add3A_418, %mul3A_453 : vector<16xf32>
        %mul3A_455 = arith.mulf %get3A_452, %get3A_452 : vector<16xf32>
        %add3A_456 = arith.addf %add3A_420, %mul3A_455 : vector<16xf32>
        %add3A_457 = arith.constant 3 : i32
        %add3A_458 = arith.addi %mul3A_149, %add3A_457 : i32
        %get3A_459 = arith.index_cast %add3A_458 : i32 to index
        %get3A_460 = arith.constant 128 : index
        %get3A_461 = tpu.vector_load %arg9[%get3A_459, %get3A_460] {strides = array<i32>} : memref<32x512xf32, #tpu.memory_space<vmem>>, vector<16xf32>,
        %mul3A_462 = arith.mulf %get3A_461, %get3A_19 : vector<16xf32>
        %add3A_463 = arith.addf %add3A_427, %mul3A_462 : vector<16xf32>
        %mul3A_464 = arith.mulf %get3A_461, %get3A_461 : vector<16xf32>
        %add3A_465 = arith.addf %add3A_429, %mul3A_464 : vector<16xf32>
        %add3A_466 = arith.constant 0 : i32
        %add3A_467 = arith.addi %mul3A_149, %add3A_466 : i32
        %get3A_468 = arith.index_cast %add3A_467 : i32 to index
        %get3A_469 = arith.constant 144 : index
        %get3A_470 = tpu.vector_load %arg9[%get3A_468, %get3A_469] {strides = array<i32>} : memref<32x512xf32, #tpu.memory_space<vmem>>, vector<16xf32>,
        %mul3A_471 = arith.mulf %get3A_470, %get3A_21 : vector<16xf32>
        %add3A_472 = arith.addf %add3A_436, %mul3A_471 : vector<16xf32>
        %mul3A_473 = arith.mulf %get3A_470, %get3A_470 : vector<16xf32>
        %add3A_474 = arith.addf %add3A_438, %mul3A_473 : vector<16xf32>
        %add3A_475 = arith.constant 1 : i32
        %add3A_476 = arith.addi %mul3A_149, %add3A_475 : i32
        %get3A_477 = arith.index_cast %add3A_476 : i32 to index
        %get3A_478 = arith.constant 144 : index
        %get3A_479 = tpu.vector_load %arg9[%get3A_477, %get3A_478] {strides = array<i32>} : memref<32x512xf32, #tpu.memory_space<vmem>>, vector<16xf32>,
        %mul3A_480 = arith.mulf %get3A_479, %get3A_21 : vector<16xf32>
        %add3A_481 = arith.addf %add3A_445, %mul3A_480 : vector<16xf32>
        %mul3A_482 = arith.mulf %get3A_479, %get3A_479 : vector<16xf32>
        %add3A_483 = arith.addf %add3A_447, %mul3A_482 : vector<16xf32>
        %add3A_484 = arith.constant 2 : i32
        %add3A_485 = arith.addi %mul3A_149, %add3A_484 : i32
        %get3A_486 = arith.index_cast %add3A_485 : i32 to index
        %get3A_487 = arith.constant 144 : index
        %get3A_488 = tpu.vector_load %arg9[%get3A_486, %get3A_487] {strides = array<i32>} : memref<32x512xf32, #tpu.memory_space<vmem>>, vector<16xf32>,
        %mul3A_489 = arith.mulf %get3A_488, %get3A_21 : vector<16xf32>
        %add3A_490 = arith.addf %add3A_454, %mul3A_489 : vector<16xf32>
        %mul3A_491 = arith.mulf %get3A_488, %get3A_488 : vector<16xf32>
        %add3A_492 = arith.addf %add3A_456, %mul3A_491 : vector<16xf32>
        %add3A_493 = arith.constant 3 : i32
        %add3A_494 = arith.addi %mul3A_149, %add3A_493 : i32
        %get3A_495 = arith.index_cast %add3A_494 : i32 to index
        %get3A_496 = arith.constant 144 : index
        %get3A_497 = tpu.vector_load %arg9[%get3A_495, %get3A_496] {strides = array<i32>} : memref<32x512xf32, #tpu.memory_space<vmem>>, vector<16xf32>,
        %mul3A_498 = arith.mulf %get3A_497, %get3A_21 : vector<16xf32>
        %add3A_499 = arith.addf %add3A_463, %mul3A_498 : vector<16xf32>
        %mul3A_500 = arith.mulf %get3A_497, %get3A_497 : vector<16xf32>
        %add3A_501 = arith.addf %add3A_465, %mul3A_500 : vector<16xf32>
        %add3A_502 = arith.constant 0 : i32
        %add3A_503 = arith.addi %mul3A_149, %add3A_502 : i32
        %get3A_504 = arith.index_cast %add3A_503 : i32 to index
        %get3A_505 = arith.constant 160 : index
        %get3A_506 = tpu.vector_load %arg9[%get3A_504, %get3A_505] {strides = array<i32>} : memref<32x512xf32, #tpu.memory_space<vmem>>, vector<16xf32>,
        %mul3A_507 = arith.mulf %get3A_506, %get3A_23 : vector<16xf32>
        %add3A_508 = arith.addf %add3A_472, %mul3A_507 : vector<16xf32>
        %mul3A_509 = arith.mulf %get3A_506, %get3A_506 : vector<16xf32>
        %add3A_510 = arith.addf %add3A_474, %mul3A_509 : vector<16xf32>
        %add3A_511 = arith.constant 1 : i32
        %add3A_512 = arith.addi %mul3A_149, %add3A_511 : i32
        %get3A_513 = arith.index_cast %add3A_512 : i32 to index
        %get3A_514 = arith.constant 160 : index
        %get3A_515 = tpu.vector_load %arg9[%get3A_513, %get3A_514] {strides = array<i32>} : memref<32x512xf32, #tpu.memory_space<vmem>>, vector<16xf32>,
        %mul3A_516 = arith.mulf %get3A_515, %get3A_23 : vector<16xf32>
        %add3A_517 = arith.addf %add3A_481, %mul3A_516 : vector<16xf32>
        %mul3A_518 = arith.mulf %get3A_515, %get3A_515 : vector<16xf32>
        %add3A_519 = arith.addf %add3A_483, %mul3A_518 : vector<16xf32>
        %add3A_520 = arith.constant 2 : i32
        %add3A_521 = arith.addi %mul3A_149, %add3A_520 : i32
        %get3A_522 = arith.index_cast %add3A_521 : i32 to index
        %get3A_523 = arith.constant 160 : index
        %get3A_524 = tpu.vector_load %arg9[%get3A_522, %get3A_523] {strides = array<i32>} : memref<32x512xf32, #tpu.memory_space<vmem>>, vector<16xf32>,
        %mul3A_525 = arith.mulf %get3A_524, %get3A_23 : vector<16xf32>
        %add3A_526 = arith.addf %add3A_490, %mul3A_525 : vector<16xf32>
        %mul3A_527 = arith.mulf %get3A_524, %get3A_524 : vector<16xf32>
        %add3A_528 = arith.addf %add3A_492, %mul3A_527 : vector<16xf32>
        %add3A_529 = arith.constant 3 : i32
        %add3A_530 = arith.addi %mul3A_149, %add3A_529 : i32
        %get3A_531 = arith.index_cast %add3A_530 : i32 to index
        %get3A_532 = arith.constant 160 : index
        %get3A_533 = tpu.vector_load %arg9[%get3A_531, %get3A_532] {strides = array<i32>} : memref<32x512xf32, #tpu.memory_space<vmem>>, vector<16xf32>,
        %mul3A_534 = arith.mulf %get3A_533, %get3A_23 : vector<16xf32>
        %add3A_535 = arith.addf %add3A_499, %mul3A_534 : vector<16xf32>
        %mul3A_536 = arith.mulf %get3A_533, %get3A_533 : vector<16xf32>
        %add3A_537 = arith.addf %add3A_501, %mul3A_536 : vector<16xf32>
        %add3A_538 = arith.constant 0 : i32
        %add3A_539 = arith.addi %mul3A_149, %add3A_538 : i32
        %get3A_540 = arith.index_cast %add3A_539 : i32 to index
        %get3A_541 = arith.constant 176 : index
        %get3A_542 = tpu.vector_load %arg9[%get3A_540, %get3A_541] {strides = array<i32>} : memref<32x512xf32, #tpu.memory_space<vmem>>, vector<16xf32>,
        %mul3A_543 = arith.mulf %get3A_542, %get3A_25 : vector<16xf32>
        %add3A_544 = arith.addf %add3A_508, %mul3A_543 : vector<16xf32>
        %mul3A_545 = arith.mulf %get3A_542, %get3A_542 : vector<16xf32>
        %add3A_546 = arith.addf %add3A_510, %mul3A_545 : vector<16xf32>
        %add3A_547 = arith.constant 1 : i32
        %add3A_548 = arith.addi %mul3A_149, %add3A_547 : i32
        %get3A_549 = arith.index_cast %add3A_548 : i32 to index
        %get3A_550 = arith.constant 176 : index
        %get3A_551 = tpu.vector_load %arg9[%get3A_549, %get3A_550] {strides = array<i32>} : memref<32x512xf32, #tpu.memory_space<vmem>>, vector<16xf32>,
        %mul3A_552 = arith.mulf %get3A_551, %get3A_25 : vector<16xf32>
        %add3A_553 = arith.addf %add3A_517, %mul3A_552 : vector<16xf32>
        %mul3A_554 = arith.mulf %get3A_551, %get3A_551 : vector<16xf32>
        %add3A_555 = arith.addf %add3A_519, %mul3A_554 : vector<16xf32>
        %add3A_556 = arith.constant 2 : i32
        %add3A_557 = arith.addi %mul3A_149, %add3A_556 : i32
        %get3A_558 = arith.index_cast %add3A_557 : i32 to index
        %get3A_559 = arith.constant 176 : index
        %get3A_560 = tpu.vector_load %arg9[%get3A_558, %get3A_559] {strides = array<i32>} : memref<32x512xf32, #tpu.memory_space<vmem>>, vector<16xf32>,
        %mul3A_561 = arith.mulf %get3A_560, %get3A_25 : vector<16xf32>
        %add3A_562 = arith.addf %add3A_526, %mul3A_561 : vector<16xf32>
        %mul3A_563 = arith.mulf %get3A_560, %get3A_560 : vector<16xf32>
        %add3A_564 = arith.addf %add3A_528, %mul3A_563 : vector<16xf32>
        %add3A_565 = arith.constant 3 : i32
        %add3A_566 = arith.addi %mul3A_149, %add3A_565 : i32
        %get3A_567 = arith.index_cast %add3A_566 : i32 to index
        %get3A_568 = arith.constant 176 : index
        %get3A_569 = tpu.vector_load %arg9[%get3A_567, %get3A_568] {strides = array<i32>} : memref<32x512xf32, #tpu.memory_space<vmem>>, vector<16xf32>,
        %mul3A_570 = arith.mulf %get3A_569, %get3A_25 : vector<16xf32>
        %add3A_571 = arith.addf %add3A_535, %mul3A_570 : vector<16xf32>
        %mul3A_572 = arith.mulf %get3A_569, %get3A_569 : vector<16xf32>
        %add3A_573 = arith.addf %add3A_537, %mul3A_572 : vector<16xf32>
        %add3A_574 = arith.constant 0 : i32
        %add3A_575 = arith.addi %mul3A_149, %add3A_574 : i32
        %get3A_576 = arith.index_cast %add3A_575 : i32 to index
        %get3A_577 = arith.constant 192 : index
        %get3A_578 = tpu.vector_load %arg9[%get3A_576, %get3A_577] {strides = array<i32>} : memref<32x512xf32, #tpu.memory_space<vmem>>, vector<16xf32>,
        %mul3A_579 = arith.mulf %get3A_578, %get3A_27 : vector<16xf32>
        %add3A_580 = arith.addf %add3A_544, %mul3A_579 : vector<16xf32>
        %mul3A_581 = arith.mulf %get3A_578, %get3A_578 : vector<16xf32>
        %add3A_582 = arith.addf %add3A_546, %mul3A_581 : vector<16xf32>
        %add3A_583 = arith.constant 1 : i32
        %add3A_584 = arith.addi %mul3A_149, %add3A_583 : i32
        %get3A_585 = arith.index_cast %add3A_584 : i32 to index
        %get3A_586 = arith.constant 192 : index
        %get3A_587 = tpu.vector_load %arg9[%get3A_585, %get3A_586] {strides = array<i32>} : memref<32x512xf32, #tpu.memory_space<vmem>>, vector<16xf32>,
        %mul3A_588 = arith.mulf %get3A_587, %get3A_27 : vector<16xf32>
        %add3A_589 = arith.addf %add3A_553, %mul3A_588 : vector<16xf32>
        %mul3A_590 = arith.mulf %get3A_587, %get3A_587 : vector<16xf32>
        %add3A_591 = arith.addf %add3A_555, %mul3A_590 : vector<16xf32>
        %add3A_592 = arith.constant 2 : i32
        %add3A_593 = arith.addi %mul3A_149, %add3A_592 : i32
        %get3A_594 = arith.index_cast %add3A_593 : i32 to index
        %get3A_595 = arith.constant 192 : index
        %get3A_596 = tpu.vector_load %arg9[%get3A_594, %get3A_595] {strides = array<i32>} : memref<32x512xf32, #tpu.memory_space<vmem>>, vector<16xf32>,
        %mul3A_597 = arith.mulf %get3A_596, %get3A_27 : vector<16xf32>
        %add3A_598 = arith.addf %add3A_562, %mul3A_597 : vector<16xf32>
        %mul3A_599 = arith.mulf %get3A_596, %get3A_596 : vector<16xf32>
        %add3A_600 = arith.addf %add3A_564, %mul3A_599 : vector<16xf32>
        %add3A_601 = arith.constant 3 : i32
        %add3A_602 = arith.addi %mul3A_149, %add3A_601 : i32
        %get3A_603 = arith.index_cast %add3A_602 : i32 to index
        %get3A_604 = arith.constant 192 : index
        %get3A_605 = tpu.vector_load %arg9[%get3A_603, %get3A_604] {strides = array<i32>} : memref<32x512xf32, #tpu.memory_space<vmem>>, vector<16xf32>,
        %mul3A_606 = arith.mulf %get3A_605, %get3A_27 : vector<16xf32>
        %add3A_607 = arith.addf %add3A_571, %mul3A_606 : vector<16xf32>
        %mul3A_608 = arith.mulf %get3A_605, %get3A_605 : vector<16xf32>
        %add3A_609 = arith.addf %add3A_573, %mul3A_608 : vector<16xf32>
        %add3A_610 = arith.constant 0 : i32
        %add3A_611 = arith.addi %mul3A_149, %add3A_610 : i32
        %get3A_612 = arith.index_cast %add3A_611 : i32 to index
        %get3A_613 = arith.constant 208 : index
        %get3A_614 = tpu.vector_load %arg9[%get3A_612, %get3A_613] {strides = array<i32>} : memref<32x512xf32, #tpu.memory_space<vmem>>, vector<16xf32>,
        %mul3A_615 = arith.mulf %get3A_614, %get3A_29 : vector<16xf32>
        %add3A_616 = arith.addf %add3A_580, %mul3A_615 : vector<16xf32>
        %mul3A_617 = arith.mulf %get3A_614, %get3A_614 : vector<16xf32>
        %add3A_618 = arith.addf %add3A_582, %mul3A_617 : vector<16xf32>
        %add3A_619 = arith.constant 1 : i32
        %add3A_620 = arith.addi %mul3A_149, %add3A_619 : i32
        %get3A_621 = arith.index_cast %add3A_620 : i32 to index
        %get3A_622 = arith.constant 208 : index
        %get3A_623 = tpu.vector_load %arg9[%get3A_621, %get3A_622] {strides = array<i32>} : memref<32x512xf32, #tpu.memory_space<vmem>>, vector<16xf32>,
        %mul3A_624 = arith.mulf %get3A_623, %get3A_29 : vector<16xf32>
        %add3A_625 = arith.addf %add3A_589, %mul3A_624 : vector<16xf32>
        %mul3A_626 = arith.mulf %get3A_623, %get3A_623 : vector<16xf32>
        %add3A_627 = arith.addf %add3A_591, %mul3A_626 : vector<16xf32>
        %add3A_628 = arith.constant 2 : i32
        %add3A_629 = arith.addi %mul3A_149, %add3A_628 : i32
        %get3A_630 = arith.index_cast %add3A_629 : i32 to index
        %get3A_631 = arith.constant 208 : index
        %get3A_632 = tpu.vector_load %arg9[%get3A_630, %get3A_631] {strides = array<i32>} : memref<32x512xf32, #tpu.memory_space<vmem>>, vector<16xf32>,
        %mul3A_633 = arith.mulf %get3A_632, %get3A_29 : vector<16xf32>
        %add3A_634 = arith.addf %add3A_598, %mul3A_633 : vector<16xf32>
        %mul3A_635 = arith.mulf %get3A_632, %get3A_632 : vector<16xf32>
        %add3A_636 = arith.addf %add3A_600, %mul3A_635 : vector<16xf32>
        %add3A_637 = arith.constant 3 : i32
        %add3A_638 = arith.addi %mul3A_149, %add3A_637 : i32
        %get3A_639 = arith.index_cast %add3A_638 : i32 to index
        %get3A_640 = arith.constant 208 : index
        %get3A_641 = tpu.vector_load %arg9[%get3A_639, %get3A_640] {strides = array<i32>} : memref<32x512xf32, #tpu.memory_space<vmem>>, vector<16xf32>,
        %mul3A_642 = arith.mulf %get3A_641, %get3A_29 : vector<16xf32>
        %add3A_643 = arith.addf %add3A_607, %mul3A_642 : vector<16xf32>
        %mul3A_644 = arith.mulf %get3A_641, %get3A_641 : vector<16xf32>
        %add3A_645 = arith.addf %add3A_609, %mul3A_644 : vector<16xf32>
        %add3A_646 = arith.constant 0 : i32
        %add3A_647 = arith.addi %mul3A_149, %add3A_646 : i32
        %get3A_648 = arith.index_cast %add3A_647 : i32 to index
        %get3A_649 = arith.constant 224 : index
        %get3A_650 = tpu.vector_load %arg9[%get3A_648, %get3A_649] {strides = array<i32>} : memref<32x512xf32, #tpu.memory_space<vmem>>, vector<16xf32>,
        %mul3A_651 = arith.mulf %get3A_650, %get3A_31 : vector<16xf32>
        %add3A_652 = arith.addf %add3A_616, %mul3A_651 : vector<16xf32>
        %mul3A_653 = arith.mulf %get3A_650, %get3A_650 : vector<16xf32>
        %add3A_654 = arith.addf %add3A_618, %mul3A_653 : vector<16xf32>
        %add3A_655 = arith.constant 1 : i32
        %add3A_656 = arith.addi %mul3A_149, %add3A_655 : i32
        %get3A_657 = arith.index_cast %add3A_656 : i32 to index
        %get3A_658 = arith.constant 224 : index
        %get3A_659 = tpu.vector_load %arg9[%get3A_657, %get3A_658] {strides = array<i32>} : memref<32x512xf32, #tpu.memory_space<vmem>>, vector<16xf32>,
        %mul3A_660 = arith.mulf %get3A_659, %get3A_31 : vector<16xf32>
        %add3A_661 = arith.addf %add3A_625, %mul3A_660 : vector<16xf32>
        %mul3A_662 = arith.mulf %get3A_659, %get3A_659 : vector<16xf32>
        %add3A_663 = arith.addf %add3A_627, %mul3A_662 : vector<16xf32>
        %add3A_664 = arith.constant 2 : i32
        %add3A_665 = arith.addi %mul3A_149, %add3A_664 : i32
        %get3A_666 = arith.index_cast %add3A_665 : i32 to index
        %get3A_667 = arith.constant 224 : index
        %get3A_668 = tpu.vector_load %arg9[%get3A_666, %get3A_667] {strides = array<i32>} : memref<32x512xf32, #tpu.memory_space<vmem>>, vector<16xf32>,
        %mul3A_669 = arith.mulf %get3A_668, %get3A_31 : vector<16xf32>
        %add3A_670 = arith.addf %add3A_634, %mul3A_669 : vector<16xf32>
        %mul3A_671 = arith.mulf %get3A_668, %get3A_668 : vector<16xf32>
        %add3A_672 = arith.addf %add3A_636, %mul3A_671 : vector<16xf32>
        %add3A_673 = arith.constant 3 : i32
        %add3A_674 = arith.addi %mul3A_149, %add3A_673 : i32
        %get3A_675 = arith.index_cast %add3A_674 : i32 to index
        %get3A_676 = arith.constant 224 : index
        %get3A_677 = tpu.vector_load %arg9[%get3A_675, %get3A_676] {strides = array<i32>} : memref<32x512xf32, #tpu.memory_space<vmem>>, vector<16xf32>,
        %mul3A_678 = arith.mulf %get3A_677, %get3A_31 : vector<16xf32>
        %add3A_679 = arith.addf %add3A_643, %mul3A_678 : vector<16xf32>
        %mul3A_680 = arith.mulf %get3A_677, %get3A_677 : vector<16xf32>
        %add3A_681 = arith.addf %add3A_645, %mul3A_680 : vector<16xf32>
        %add3A_682 = arith.constant 0 : i32
        %add3A_683 = arith.addi %mul3A_149, %add3A_682 : i32
        %get3A_684 = arith.index_cast %add3A_683 : i32 to index
        %get3A_685 = arith.constant 240 : index
        %get3A_686 = tpu.vector_load %arg9[%get3A_684, %get3A_685] {strides = array<i32>} : memref<32x512xf32, #tpu.memory_space<vmem>>, vector<16xf32>,
        %mul3A_687 = arith.mulf %get3A_686, %get3A_33 : vector<16xf32>
        %add3A_688 = arith.addf %add3A_652, %mul3A_687 : vector<16xf32>
        %mul3A_689 = arith.mulf %get3A_686, %get3A_686 : vector<16xf32>
        %add3A_690 = arith.addf %add3A_654, %mul3A_689 : vector<16xf32>
        %add3A_691 = arith.constant 1 : i32
        %add3A_692 = arith.addi %mul3A_149, %add3A_691 : i32
        %get3A_693 = arith.index_cast %add3A_692 : i32 to index
        %get3A_694 = arith.constant 240 : index
        %get3A_695 = tpu.vector_load %arg9[%get3A_693, %get3A_694] {strides = array<i32>} : memref<32x512xf32, #tpu.memory_space<vmem>>, vector<16xf32>,
        %mul3A_696 = arith.mulf %get3A_695, %get3A_33 : vector<16xf32>
        %add3A_697 = arith.addf %add3A_661, %mul3A_696 : vector<16xf32>
        %mul3A_698 = arith.mulf %get3A_695, %get3A_695 : vector<16xf32>
        %add3A_699 = arith.addf %add3A_663, %mul3A_698 : vector<16xf32>
        %add3A_700 = arith.constant 2 : i32
        %add3A_701 = arith.addi %mul3A_149, %add3A_700 : i32
        %get3A_702 = arith.index_cast %add3A_701 : i32 to index
        %get3A_703 = arith.constant 240 : index
        %get3A_704 = tpu.vector_load %arg9[%get3A_702, %get3A_703] {strides = array<i32>} : memref<32x512xf32, #tpu.memory_space<vmem>>, vector<16xf32>,
        %mul3A_705 = arith.mulf %get3A_704, %get3A_33 : vector<16xf32>
        %add3A_706 = arith.addf %add3A_670, %mul3A_705 : vector<16xf32>
        %mul3A_707 = arith.mulf %get3A_704, %get3A_704 : vector<16xf32>
        %add3A_708 = arith.addf %add3A_672, %mul3A_707 : vector<16xf32>
        %add3A_709 = arith.constant 3 : i32
        %add3A_710 = arith.addi %mul3A_149, %add3A_709 : i32
        %get3A_711 = arith.index_cast %add3A_710 : i32 to index
        %get3A_712 = arith.constant 240 : index
        %get3A_713 = tpu.vector_load %arg9[%get3A_711, %get3A_712] {strides = array<i32>} : memref<32x512xf32, #tpu.memory_space<vmem>>, vector<16xf32>,
        %mul3A_714 = arith.mulf %get3A_713, %get3A_33 : vector<16xf32>
        %add3A_715 = arith.addf %add3A_679, %mul3A_714 : vector<16xf32>
        %mul3A_716 = arith.mulf %get3A_713, %get3A_713 : vector<16xf32>
        %add3A_717 = arith.addf %add3A_681, %mul3A_716 : vector<16xf32>
        %add3A_718 = arith.constant 0 : i32
        %add3A_719 = arith.addi %mul3A_149, %add3A_718 : i32
        %get3A_720 = arith.index_cast %add3A_719 : i32 to index
        %get3A_721 = arith.constant 256 : index
        %get3A_722 = tpu.vector_load %arg9[%get3A_720, %get3A_721] {strides = array<i32>} : memref<32x512xf32, #tpu.memory_space<vmem>>, vector<16xf32>,
        %mul3A_723 = arith.mulf %get3A_722, %get3A_35 : vector<16xf32>
        %add3A_724 = arith.addf %add3A_688, %mul3A_723 : vector<16xf32>
        %mul3A_725 = arith.mulf %get3A_722, %get3A_722 : vector<16xf32>
        %add3A_726 = arith.addf %add3A_690, %mul3A_725 : vector<16xf32>
        %add3A_727 = arith.constant 1 : i32
        %add3A_728 = arith.addi %mul3A_149, %add3A_727 : i32
        %get3A_729 = arith.index_cast %add3A_728 : i32 to index
        %get3A_730 = arith.constant 256 : index
        %get3A_731 = tpu.vector_load %arg9[%get3A_729, %get3A_730] {strides = array<i32>} : memref<32x512xf32, #tpu.memory_space<vmem>>, vector<16xf32>,
        %mul3A_732 = arith.mulf %get3A_731, %get3A_35 : vector<16xf32>
        %add3A_733 = arith.addf %add3A_697, %mul3A_732 : vector<16xf32>
        %mul3A_734 = arith.mulf %get3A_731, %get3A_731 : vector<16xf32>
        %add3A_735 = arith.addf %add3A_699, %mul3A_734 : vector<16xf32>
        %add3A_736 = arith.constant 2 : i32
        %add3A_737 = arith.addi %mul3A_149, %add3A_736 : i32
        %get3A_738 = arith.index_cast %add3A_737 : i32 to index
        %get3A_739 = arith.constant 256 : index
        %get3A_740 = tpu.vector_load %arg9[%get3A_738, %get3A_739] {strides = array<i32>} : memref<32x512xf32, #tpu.memory_space<vmem>>, vector<16xf32>,
        %mul3A_741 = arith.mulf %get3A_740, %get3A_35 : vector<16xf32>
        %add3A_742 = arith.addf %add3A_706, %mul3A_741 : vector<16xf32>
        %mul3A_743 = arith.mulf %get3A_740, %get3A_740 : vector<16xf32>
        %add3A_744 = arith.addf %add3A_708, %mul3A_743 : vector<16xf32>
        %add3A_745 = arith.constant 3 : i32
        %add3A_746 = arith.addi %mul3A_149, %add3A_745 : i32
        %get3A_747 = arith.index_cast %add3A_746 : i32 to index
        %get3A_748 = arith.constant 256 : index
        %get3A_749 = tpu.vector_load %arg9[%get3A_747, %get3A_748] {strides = array<i32>} : memref<32x512xf32, #tpu.memory_space<vmem>>, vector<16xf32>,
        %mul3A_750 = arith.mulf %get3A_749, %get3A_35 : vector<16xf32>
        %add3A_751 = arith.addf %add3A_715, %mul3A_750 : vector<16xf32>
        %mul3A_752 = arith.mulf %get3A_749, %get3A_749 : vector<16xf32>
        %add3A_753 = arith.addf %add3A_717, %mul3A_752 : vector<16xf32>
        %add3A_754 = arith.constant 0 : i32
        %add3A_755 = arith.addi %mul3A_149, %add3A_754 : i32
        %get3A_756 = arith.index_cast %add3A_755 : i32 to index
        %get3A_757 = arith.constant 272 : index
        %get3A_758 = tpu.vector_load %arg9[%get3A_756, %get3A_757] {strides = array<i32>} : memref<32x512xf32, #tpu.memory_space<vmem>>, vector<16xf32>,
        %mul3A_759 = arith.mulf %get3A_758, %get3A_37 : vector<16xf32>
        %add3A_760 = arith.addf %add3A_724, %mul3A_759 : vector<16xf32>
        %mul3A_761 = arith.mulf %get3A_758, %get3A_758 : vector<16xf32>
        %add3A_762 = arith.addf %add3A_726, %mul3A_761 : vector<16xf32>
        %add3A_763 = arith.constant 1 : i32
        %add3A_764 = arith.addi %mul3A_149, %add3A_763 : i32
        %get3A_765 = arith.index_cast %add3A_764 : i32 to index
        %get3A_766 = arith.constant 272 : index
        %get3A_767 = tpu.vector_load %arg9[%get3A_765, %get3A_766] {strides = array<i32>} : memref<32x512xf32, #tpu.memory_space<vmem>>, vector<16xf32>,
        %mul3A_768 = arith.mulf %get3A_767, %get3A_37 : vector<16xf32>
        %add3A_769 = arith.addf %add3A_733, %mul3A_768 : vector<16xf32>
        %mul3A_770 = arith.mulf %get3A_767, %get3A_767 : vector<16xf32>
        %add3A_771 = arith.addf %add3A_735, %mul3A_770 : vector<16xf32>
        %add3A_772 = arith.constant 2 : i32
        %add3A_773 = arith.addi %mul3A_149, %add3A_772 : i32
        %get3A_774 = arith.index_cast %add3A_773 : i32 to index
        %get3A_775 = arith.constant 272 : index
        %get3A_776 = tpu.vector_load %arg9[%get3A_774, %get3A_775] {strides = array<i32>} : memref<32x512xf32, #tpu.memory_space<vmem>>, vector<16xf32>,
        %mul3A_777 = arith.mulf %get3A_776, %get3A_37 : vector<16xf32>
        %add3A_778 = arith.addf %add3A_742, %mul3A_777 : vector<16xf32>
        %mul3A_779 = arith.mulf %get3A_776, %get3A_776 : vector<16xf32>
        %add3A_780 = arith.addf %add3A_744, %mul3A_779 : vector<16xf32>
        %add3A_781 = arith.constant 3 : i32
        %add3A_782 = arith.addi %mul3A_149, %add3A_781 : i32
        %get3A_783 = arith.index_cast %add3A_782 : i32 to index
        %get3A_784 = arith.constant 272 : index
        %get3A_785 = tpu.vector_load %arg9[%get3A_783, %get3A_784] {strides = array<i32>} : memref<32x512xf32, #tpu.memory_space<vmem>>, vector<16xf32>,
        %mul3A_786 = arith.mulf %get3A_785, %get3A_37 : vector<16xf32>
        %add3A_787 = arith.addf %add3A_751, %mul3A_786 : vector<16xf32>
        %mul3A_788 = arith.mulf %get3A_785, %get3A_785 : vector<16xf32>
        %add3A_789 = arith.addf %add3A_753, %mul3A_788 : vector<16xf32>
        %add3A_790 = arith.constant 0 : i32
        %add3A_791 = arith.addi %mul3A_149, %add3A_790 : i32
        %get3A_792 = arith.index_cast %add3A_791 : i32 to index
        %get3A_793 = arith.constant 288 : index
        %get3A_794 = tpu.vector_load %arg9[%get3A_792, %get3A_793] {strides = array<i32>} : memref<32x512xf32, #tpu.memory_space<vmem>>, vector<16xf32>,
        %mul3A_795 = arith.mulf %get3A_794, %get3A_39 : vector<16xf32>
        %add3A_796 = arith.addf %add3A_760, %mul3A_795 : vector<16xf32>
        %mul3A_797 = arith.mulf %get3A_794, %get3A_794 : vector<16xf32>
        %add3A_798 = arith.addf %add3A_762, %mul3A_797 : vector<16xf32>
        %add3A_799 = arith.constant 1 : i32
        %add3A_800 = arith.addi %mul3A_149, %add3A_799 : i32
        %get3A_801 = arith.index_cast %add3A_800 : i32 to index
        %get3A_802 = arith.constant 288 : index
        %get3A_803 = tpu.vector_load %arg9[%get3A_801, %get3A_802] {strides = array<i32>} : memref<32x512xf32, #tpu.memory_space<vmem>>, vector<16xf32>,
        %mul3A_804 = arith.mulf %get3A_803, %get3A_39 : vector<16xf32>
        %add3A_805 = arith.addf %add3A_769, %mul3A_804 : vector<16xf32>
        %mul3A_806 = arith.mulf %get3A_803, %get3A_803 : vector<16xf32>
        %add3A_807 = arith.addf %add3A_771, %mul3A_806 : vector<16xf32>
        %add3A_808 = arith.constant 2 : i32
        %add3A_809 = arith.addi %mul3A_149, %add3A_808 : i32
        %get3A_810 = arith.index_cast %add3A_809 : i32 to index
        %get3A_811 = arith.constant 288 : index
        %get3A_812 = tpu.vector_load %arg9[%get3A_810, %get3A_811] {strides = array<i32>} : memref<32x512xf32, #tpu.memory_space<vmem>>, vector<16xf32>,
        %mul3A_813 = arith.mulf %get3A_812, %get3A_39 : vector<16xf32>
        %add3A_814 = arith.addf %add3A_778, %mul3A_813 : vector<16xf32>
        %mul3A_815 = arith.mulf %get3A_812, %get3A_812 : vector<16xf32>
        %add3A_816 = arith.addf %add3A_780, %mul3A_815 : vector<16xf32>
        %add3A_817 = arith.constant 3 : i32
        %add3A_818 = arith.addi %mul3A_149, %add3A_817 : i32
        %get3A_819 = arith.index_cast %add3A_818 : i32 to index
        %get3A_820 = arith.constant 288 : index
        %get3A_821 = tpu.vector_load %arg9[%get3A_819, %get3A_820] {strides = array<i32>} : memref<32x512xf32, #tpu.memory_space<vmem>>, vector<16xf32>,
        %mul3A_822 = arith.mulf %get3A_821, %get3A_39 : vector<16xf32>
        %add3A_823 = arith.addf %add3A_787, %mul3A_822 : vector<16xf32>
        %mul3A_824 = arith.mulf %get3A_821, %get3A_821 : vector<16xf32>
        %add3A_825 = arith.addf %add3A_789, %mul3A_824 : vector<16xf32>
        %add3A_826 = arith.constant 0 : i32
        %add3A_827 = arith.addi %mul3A_149, %add3A_826 : i32
        %get3A_828 = arith.index_cast %add3A_827 : i32 to index
        %get3A_829 = arith.constant 304 : index
        %get3A_830 = tpu.vector_load %arg9[%get3A_828, %get3A_829] {strides = array<i32>} : memref<32x512xf32, #tpu.memory_space<vmem>>, vector<16xf32>,
        %mul3A_831 = arith.mulf %get3A_830, %get3A_41 : vector<16xf32>
        %add3A_832 = arith.addf %add3A_796, %mul3A_831 : vector<16xf32>
        %mul3A_833 = arith.mulf %get3A_830, %get3A_830 : vector<16xf32>
        %add3A_834 = arith.addf %add3A_798, %mul3A_833 : vector<16xf32>
        %add3A_835 = arith.constant 1 : i32
        %add3A_836 = arith.addi %mul3A_149, %add3A_835 : i32
        %get3A_837 = arith.index_cast %add3A_836 : i32 to index
        %get3A_838 = arith.constant 304 : index
        %get3A_839 = tpu.vector_load %arg9[%get3A_837, %get3A_838] {strides = array<i32>} : memref<32x512xf32, #tpu.memory_space<vmem>>, vector<16xf32>,
        %mul3A_840 = arith.mulf %get3A_839, %get3A_41 : vector<16xf32>
        %add3A_841 = arith.addf %add3A_805, %mul3A_840 : vector<16xf32>
        %mul3A_842 = arith.mulf %get3A_839, %get3A_839 : vector<16xf32>
        %add3A_843 = arith.addf %add3A_807, %mul3A_842 : vector<16xf32>
        %add3A_844 = arith.constant 2 : i32
        %add3A_845 = arith.addi %mul3A_149, %add3A_844 : i32
        %get3A_846 = arith.index_cast %add3A_845 : i32 to index
        %get3A_847 = arith.constant 304 : index
        %get3A_848 = tpu.vector_load %arg9[%get3A_846, %get3A_847] {strides = array<i32>} : memref<32x512xf32, #tpu.memory_space<vmem>>, vector<16xf32>,
        %mul3A_849 = arith.mulf %get3A_848, %get3A_41 : vector<16xf32>
        %add3A_850 = arith.addf %add3A_814, %mul3A_849 : vector<16xf32>
        %mul3A_851 = arith.mulf %get3A_848, %get3A_848 : vector<16xf32>
        %add3A_852 = arith.addf %add3A_816, %mul3A_851 : vector<16xf32>
        %add3A_853 = arith.constant 3 : i32
        %add3A_854 = arith.addi %mul3A_149, %add3A_853 : i32
        %get3A_855 = arith.index_cast %add3A_854 : i32 to index
        %get3A_856 = arith.constant 304 : index
        %get3A_857 = tpu.vector_load %arg9[%get3A_855, %get3A_856] {strides = array<i32>} : memref<32x512xf32, #tpu.memory_space<vmem>>, vector<16xf32>,
        %mul3A_858 = arith.mulf %get3A_857, %get3A_41 : vector<16xf32>
        %add3A_859 = arith.addf %add3A_823, %mul3A_858 : vector<16xf32>
        %mul3A_860 = arith.mulf %get3A_857, %get3A_857 : vector<16xf32>
        %add3A_861 = arith.addf %add3A_825, %mul3A_860 : vector<16xf32>
        %add3A_862 = arith.constant 0 : i32
        %add3A_863 = arith.addi %mul3A_149, %add3A_862 : i32
        %get3A_864 = arith.index_cast %add3A_863 : i32 to index
        %get3A_865 = arith.constant 320 : index
        %get3A_866 = tpu.vector_load %arg9[%get3A_864, %get3A_865] {strides = array<i32>} : memref<32x512xf32, #tpu.memory_space<vmem>>, vector<16xf32>,
        %mul3A_867 = arith.mulf %get3A_866, %get3A_43 : vector<16xf32>
        %add3A_868 = arith.addf %add3A_832, %mul3A_867 : vector<16xf32>
        %mul3A_869 = arith.mulf %get3A_866, %get3A_866 : vector<16xf32>
        %add3A_870 = arith.addf %add3A_834, %mul3A_869 : vector<16xf32>
        %add3A_871 = arith.constant 1 : i32
        %add3A_872 = arith.addi %mul3A_149, %add3A_871 : i32
        %get3A_873 = arith.index_cast %add3A_872 : i32 to index
        %get3A_874 = arith.constant 320 : index
        %get3A_875 = tpu.vector_load %arg9[%get3A_873, %get3A_874] {strides = array<i32>} : memref<32x512xf32, #tpu.memory_space<vmem>>, vector<16xf32>,
        %mul3A_876 = arith.mulf %get3A_875, %get3A_43 : vector<16xf32>
        %add3A_877 = arith.addf %add3A_841, %mul3A_876 : vector<16xf32>
        %mul3A_878 = arith.mulf %get3A_875, %get3A_875 : vector<16xf32>
        %add3A_879 = arith.addf %add3A_843, %mul3A_878 : vector<16xf32>
        %add3A_880 = arith.constant 2 : i32
        %add3A_881 = arith.addi %mul3A_149, %add3A_880 : i32
        %get3A_882 = arith.index_cast %add3A_881 : i32 to index
        %get3A_883 = arith.constant 320 : index
        %get3A_884 = tpu.vector_load %arg9[%get3A_882, %get3A_883] {strides = array<i32>} : memref<32x512xf32, #tpu.memory_space<vmem>>, vector<16xf32>,
        %mul3A_885 = arith.mulf %get3A_884, %get3A_43 : vector<16xf32>
        %add3A_886 = arith.addf %add3A_850, %mul3A_885 : vector<16xf32>
        %mul3A_887 = arith.mulf %get3A_884, %get3A_884 : vector<16xf32>
        %add3A_888 = arith.addf %add3A_852, %mul3A_887 : vector<16xf32>
        %add3A_889 = arith.constant 3 : i32
        %add3A_890 = arith.addi %mul3A_149, %add3A_889 : i32
        %get3A_891 = arith.index_cast %add3A_890 : i32 to index
        %get3A_892 = arith.constant 320 : index
        %get3A_893 = tpu.vector_load %arg9[%get3A_891, %get3A_892] {strides = array<i32>} : memref<32x512xf32, #tpu.memory_space<vmem>>, vector<16xf32>,
        %mul3A_894 = arith.mulf %get3A_893, %get3A_43 : vector<16xf32>
        %add3A_895 = arith.addf %add3A_859, %mul3A_894 : vector<16xf32>
        %mul3A_896 = arith.mulf %get3A_893, %get3A_893 : vector<16xf32>
        %add3A_897 = arith.addf %add3A_861, %mul3A_896 : vector<16xf32>
        %add3A_898 = arith.constant 0 : i32
        %add3A_899 = arith.addi %mul3A_149, %add3A_898 : i32
        %get3A_900 = arith.index_cast %add3A_899 : i32 to index
        %get3A_901 = arith.constant 336 : index
        %get3A_902 = tpu.vector_load %arg9[%get3A_900, %get3A_901] {strides = array<i32>} : memref<32x512xf32, #tpu.memory_space<vmem>>, vector<16xf32>,
        %mul3A_903 = arith.mulf %get3A_902, %get3A_45 : vector<16xf32>
        %add3A_904 = arith.addf %add3A_868, %mul3A_903 : vector<16xf32>
        %mul3A_905 = arith.mulf %get3A_902, %get3A_902 : vector<16xf32>
        %add3A_906 = arith.addf %add3A_870, %mul3A_905 : vector<16xf32>
        %add3A_907 = arith.constant 1 : i32
        %add3A_908 = arith.addi %mul3A_149, %add3A_907 : i32
        %get3A_909 = arith.index_cast %add3A_908 : i32 to index
        %get3A_910 = arith.constant 336 : index
        %get3A_911 = tpu.vector_load %arg9[%get3A_909, %get3A_910] {strides = array<i32>} : memref<32x512xf32, #tpu.memory_space<vmem>>, vector<16xf32>,
        %mul3A_912 = arith.mulf %get3A_911, %get3A_45 : vector<16xf32>
        %add3A_913 = arith.addf %add3A_877, %mul3A_912 : vector<16xf32>
        %mul3A_914 = arith.mulf %get3A_911, %get3A_911 : vector<16xf32>
        %add3A_915 = arith.addf %add3A_879, %mul3A_914 : vector<16xf32>
        %add3A_916 = arith.constant 2 : i32
        %add3A_917 = arith.addi %mul3A_149, %add3A_916 : i32
        %get3A_918 = arith.index_cast %add3A_917 : i32 to index
        %get3A_919 = arith.constant 336 : index
        %get3A_920 = tpu.vector_load %arg9[%get3A_918, %get3A_919] {strides = array<i32>} : memref<32x512xf32, #tpu.memory_space<vmem>>, vector<16xf32>,
        %mul3A_921 = arith.mulf %get3A_920, %get3A_45 : vector<16xf32>
        %add3A_922 = arith.addf %add3A_886, %mul3A_921 : vector<16xf32>
        %mul3A_923 = arith.mulf %get3A_920, %get3A_920 : vector<16xf32>
        %add3A_924 = arith.addf %add3A_888, %mul3A_923 : vector<16xf32>
        %add3A_925 = arith.constant 3 : i32
        %add3A_926 = arith.addi %mul3A_149, %add3A_925 : i32
        %get3A_927 = arith.index_cast %add3A_926 : i32 to index
        %get3A_928 = arith.constant 336 : index
        %get3A_929 = tpu.vector_load %arg9[%get3A_927, %get3A_928] {strides = array<i32>} : memref<32x512xf32, #tpu.memory_space<vmem>>, vector<16xf32>,
        %mul3A_930 = arith.mulf %get3A_929, %get3A_45 : vector<16xf32>
        %add3A_931 = arith.addf %add3A_895, %mul3A_930 : vector<16xf32>
        %mul3A_932 = arith.mulf %get3A_929, %get3A_929 : vector<16xf32>
        %add3A_933 = arith.addf %add3A_897, %mul3A_932 : vector<16xf32>
        %add3A_934 = arith.constant 0 : i32
        %add3A_935 = arith.addi %mul3A_149, %add3A_934 : i32
        %get3A_936 = arith.index_cast %add3A_935 : i32 to index
        %get3A_937 = arith.constant 352 : index
        %get3A_938 = tpu.vector_load %arg9[%get3A_936, %get3A_937] {strides = array<i32>} : memref<32x512xf32, #tpu.memory_space<vmem>>, vector<16xf32>,
        %mul3A_939 = arith.mulf %get3A_938, %get3A_47 : vector<16xf32>
        %add3A_940 = arith.addf %add3A_904, %mul3A_939 : vector<16xf32>
        %mul3A_941 = arith.mulf %get3A_938, %get3A_938 : vector<16xf32>
        %add3A_942 = arith.addf %add3A_906, %mul3A_941 : vector<16xf32>
        %add3A_943 = arith.constant 1 : i32
        %add3A_944 = arith.addi %mul3A_149, %add3A_943 : i32
        %get3A_945 = arith.index_cast %add3A_944 : i32 to index
        %get3A_946 = arith.constant 352 : index
        %get3A_947 = tpu.vector_load %arg9[%get3A_945, %get3A_946] {strides = array<i32>} : memref<32x512xf32, #tpu.memory_space<vmem>>, vector<16xf32>,
        %mul3A_948 = arith.mulf %get3A_947, %get3A_47 : vector<16xf32>
        %add3A_949 = arith.addf %add3A_913, %mul3A_948 : vector<16xf32>
        %mul3A_950 = arith.mulf %get3A_947, %get3A_947 : vector<16xf32>
        %add3A_951 = arith.addf %add3A_915, %mul3A_950 : vector<16xf32>
        %add3A_952 = arith.constant 2 : i32
        %add3A_953 = arith.addi %mul3A_149, %add3A_952 : i32
        %get3A_954 = arith.index_cast %add3A_953 : i32 to index
        %get3A_955 = arith.constant 352 : index
        %get3A_956 = tpu.vector_load %arg9[%get3A_954, %get3A_955] {strides = array<i32>} : memref<32x512xf32, #tpu.memory_space<vmem>>, vector<16xf32>,
        %mul3A_957 = arith.mulf %get3A_956, %get3A_47 : vector<16xf32>
        %add3A_958 = arith.addf %add3A_922, %mul3A_957 : vector<16xf32>
        %mul3A_959 = arith.mulf %get3A_956, %get3A_956 : vector<16xf32>
        %add3A_960 = arith.addf %add3A_924, %mul3A_959 : vector<16xf32>
        %add3A_961 = arith.constant 3 : i32
        %add3A_962 = arith.addi %mul3A_149, %add3A_961 : i32
        %get3A_963 = arith.index_cast %add3A_962 : i32 to index
        %get3A_964 = arith.constant 352 : index
        %get3A_965 = tpu.vector_load %arg9[%get3A_963, %get3A_964] {strides = array<i32>} : memref<32x512xf32, #tpu.memory_space<vmem>>, vector<16xf32>,
        %mul3A_966 = arith.mulf %get3A_965, %get3A_47 : vector<16xf32>
        %add3A_967 = arith.addf %add3A_931, %mul3A_966 : vector<16xf32>
        %mul3A_968 = arith.mulf %get3A_965, %get3A_965 : vector<16xf32>
        %add3A_969 = arith.addf %add3A_933, %mul3A_968 : vector<16xf32>
        %add3A_970 = arith.constant 0 : i32
        %add3A_971 = arith.addi %mul3A_149, %add3A_970 : i32
        %get3A_972 = arith.index_cast %add3A_971 : i32 to index
        %get3A_973 = arith.constant 368 : index
        %get3A_974 = tpu.vector_load %arg9[%get3A_972, %get3A_973] {strides = array<i32>} : memref<32x512xf32, #tpu.memory_space<vmem>>, vector<16xf32>,
        %mul3A_975 = arith.mulf %get3A_974, %get3A_49 : vector<16xf32>
        %add3A_976 = arith.addf %add3A_940, %mul3A_975 : vector<16xf32>
        %mul3A_977 = arith.mulf %get3A_974, %get3A_974 : vector<16xf32>
        %add3A_978 = arith.addf %add3A_942, %mul3A_977 : vector<16xf32>
        %add3A_979 = arith.constant 1 : i32
        %add3A_980 = arith.addi %mul3A_149, %add3A_979 : i32
        %get3A_981 = arith.index_cast %add3A_980 : i32 to index
        %get3A_982 = arith.constant 368 : index
        %get3A_983 = tpu.vector_load %arg9[%get3A_981, %get3A_982] {strides = array<i32>} : memref<32x512xf32, #tpu.memory_space<vmem>>, vector<16xf32>,
        %mul3A_984 = arith.mulf %get3A_983, %get3A_49 : vector<16xf32>
        %add3A_985 = arith.addf %add3A_949, %mul3A_984 : vector<16xf32>
        %mul3A_986 = arith.mulf %get3A_983, %get3A_983 : vector<16xf32>
        %add3A_987 = arith.addf %add3A_951, %mul3A_986 : vector<16xf32>
        %add3A_988 = arith.constant 2 : i32
        %add3A_989 = arith.addi %mul3A_149, %add3A_988 : i32
        %get3A_990 = arith.index_cast %add3A_989 : i32 to index
        %get3A_991 = arith.constant 368 : index
        %get3A_992 = tpu.vector_load %arg9[%get3A_990, %get3A_991] {strides = array<i32>} : memref<32x512xf32, #tpu.memory_space<vmem>>, vector<16xf32>,
        %mul3A_993 = arith.mulf %get3A_992, %get3A_49 : vector<16xf32>
        %add3A_994 = arith.addf %add3A_958, %mul3A_993 : vector<16xf32>
        %mul3A_995 = arith.mulf %get3A_992, %get3A_992 : vector<16xf32>
        %add3A_996 = arith.addf %add3A_960, %mul3A_995 : vector<16xf32>
        %add3A_997 = arith.constant 3 : i32
        %add3A_998 = arith.addi %mul3A_149, %add3A_997 : i32
        %get3A_999 = arith.index_cast %add3A_998 : i32 to index
        %get3A_1000 = arith.constant 368 : index
        %get3A_1001 = tpu.vector_load %arg9[%get3A_999, %get3A_1000] {strides = array<i32>} : memref<32x512xf32, #tpu.memory_space<vmem>>, vector<16xf32>,
        %mul3A_1002 = arith.mulf %get3A_1001, %get3A_49 : vector<16xf32>
        %add3A_1003 = arith.addf %add3A_967, %mul3A_1002 : vector<16xf32>
        %mul3A_1004 = arith.mulf %get3A_1001, %get3A_1001 : vector<16xf32>
        %add3A_1005 = arith.addf %add3A_969, %mul3A_1004 : vector<16xf32>
        %add3A_1006 = arith.constant 0 : i32
        %add3A_1007 = arith.addi %mul3A_149, %add3A_1006 : i32
        %get3A_1008 = arith.index_cast %add3A_1007 : i32 to index
        %get3A_1009 = arith.constant 384 : index
        %get3A_1010 = tpu.vector_load %arg9[%get3A_1008, %get3A_1009] {strides = array<i32>} : memref<32x512xf32, #tpu.memory_space<vmem>>, vector<16xf32>,
        %mul3A_1011 = arith.mulf %get3A_1010, %get3A_51 : vector<16xf32>
        %add3A_1012 = arith.addf %add3A_976, %mul3A_1011 : vector<16xf32>
        %mul3A_1013 = arith.mulf %get3A_1010, %get3A_1010 : vector<16xf32>
        %add3A_1014 = arith.addf %add3A_978, %mul3A_1013 : vector<16xf32>
        %add3A_1015 = arith.constant 1 : i32
        %add3A_1016 = arith.addi %mul3A_149, %add3A_1015 : i32
        %get3A_1017 = arith.index_cast %add3A_1016 : i32 to index
        %get3A_1018 = arith.constant 384 : index
        %get3A_1019 = tpu.vector_load %arg9[%get3A_1017, %get3A_1018] {strides = array<i32>} : memref<32x512xf32, #tpu.memory_space<vmem>>, vector<16xf32>,
        %mul3A_1020 = arith.mulf %get3A_1019, %get3A_51 : vector<16xf32>
        %add3A_1021 = arith.addf %add3A_985, %mul3A_1020 : vector<16xf32>
        %mul3A_1022 = arith.mulf %get3A_1019, %get3A_1019 : vector<16xf32>
        %add3A_1023 = arith.addf %add3A_987, %mul3A_1022 : vector<16xf32>
        %add3A_1024 = arith.constant 2 : i32
        %add3A_1025 = arith.addi %mul3A_149, %add3A_1024 : i32
        %get3A_1026 = arith.index_cast %add3A_1025 : i32 to index
        %get3A_1027 = arith.constant 384 : index
        %get3A_1028 = tpu.vector_load %arg9[%get3A_1026, %get3A_1027] {strides = array<i32>} : memref<32x512xf32, #tpu.memory_space<vmem>>, vector<16xf32>,
        %mul3A_1029 = arith.mulf %get3A_1028, %get3A_51 : vector<16xf32>
        %add3A_1030 = arith.addf %add3A_994, %mul3A_1029 : vector<16xf32>
        %mul3A_1031 = arith.mulf %get3A_1028, %get3A_1028 : vector<16xf32>
        %add3A_1032 = arith.addf %add3A_996, %mul3A_1031 : vector<16xf32>
        %add3A_1033 = arith.constant 3 : i32
        %add3A_1034 = arith.addi %mul3A_149, %add3A_1033 : i32
        %get3A_1035 = arith.index_cast %add3A_1034 : i32 to index
        %get3A_1036 = arith.constant 384 : index
        %get3A_1037 = tpu.vector_load %arg9[%get3A_1035, %get3A_1036] {strides = array<i32>} : memref<32x512xf32, #tpu.memory_space<vmem>>, vector<16xf32>,
        %mul3A_1038 = arith.mulf %get3A_1037, %get3A_51 : vector<16xf32>
        %add3A_1039 = arith.addf %add3A_1003, %mul3A_1038 : vector<16xf32>
        %mul3A_1040 = arith.mulf %get3A_1037, %get3A_1037 : vector<16xf32>
        %add3A_1041 = arith.addf %add3A_1005, %mul3A_1040 : vector<16xf32>
        %add3A_1042 = arith.constant 0 : i32
        %add3A_1043 = arith.addi %mul3A_149, %add3A_1042 : i32
        %get3A_1044 = arith.index_cast %add3A_1043 : i32 to index
        %get3A_1045 = arith.constant 400 : index
        %get3A_1046 = tpu.vector_load %arg9[%get3A_1044, %get3A_1045] {strides = array<i32>} : memref<32x512xf32, #tpu.memory_space<vmem>>, vector<16xf32>,
        %mul3A_1047 = arith.mulf %get3A_1046, %get3A_53 : vector<16xf32>
        %add3A_1048 = arith.addf %add3A_1012, %mul3A_1047 : vector<16xf32>
        %mul3A_1049 = arith.mulf %get3A_1046, %get3A_1046 : vector<16xf32>
        %add3A_1050 = arith.addf %add3A_1014, %mul3A_1049 : vector<16xf32>
        %add3A_1051 = arith.constant 1 : i32
        %add3A_1052 = arith.addi %mul3A_149, %add3A_1051 : i32
        %get3A_1053 = arith.index_cast %add3A_1052 : i32 to index
        %get3A_1054 = arith.constant 400 : index
        %get3A_1055 = tpu.vector_load %arg9[%get3A_1053, %get3A_1054] {strides = array<i32>} : memref<32x512xf32, #tpu.memory_space<vmem>>, vector<16xf32>,
        %mul3A_1056 = arith.mulf %get3A_1055, %get3A_53 : vector<16xf32>
        %add3A_1057 = arith.addf %add3A_1021, %mul3A_1056 : vector<16xf32>
        %mul3A_1058 = arith.mulf %get3A_1055, %get3A_1055 : vector<16xf32>
        %add3A_1059 = arith.addf %add3A_1023, %mul3A_1058 : vector<16xf32>
        %add3A_1060 = arith.constant 2 : i32
        %add3A_1061 = arith.addi %mul3A_149, %add3A_1060 : i32
        %get3A_1062 = arith.index_cast %add3A_1061 : i32 to index
        %get3A_1063 = arith.constant 400 : index
        %get3A_1064 = tpu.vector_load %arg9[%get3A_1062, %get3A_1063] {strides = array<i32>} : memref<32x512xf32, #tpu.memory_space<vmem>>, vector<16xf32>,
        %mul3A_1065 = arith.mulf %get3A_1064, %get3A_53 : vector<16xf32>
        %add3A_1066 = arith.addf %add3A_1030, %mul3A_1065 : vector<16xf32>
        %mul3A_1067 = arith.mulf %get3A_1064, %get3A_1064 : vector<16xf32>
        %add3A_1068 = arith.addf %add3A_1032, %mul3A_1067 : vector<16xf32>
        %add3A_1069 = arith.constant 3 : i32
        %add3A_1070 = arith.addi %mul3A_149, %add3A_1069 : i32
        %get3A_1071 = arith.index_cast %add3A_1070 : i32 to index
        %get3A_1072 = arith.constant 400 : index
        %get3A_1073 = tpu.vector_load %arg9[%get3A_1071, %get3A_1072] {strides = array<i32>} : memref<32x512xf32, #tpu.memory_space<vmem>>, vector<16xf32>,
        %mul3A_1074 = arith.mulf %get3A_1073, %get3A_53 : vector<16xf32>
        %add3A_1075 = arith.addf %add3A_1039, %mul3A_1074 : vector<16xf32>
        %mul3A_1076 = arith.mulf %get3A_1073, %get3A_1073 : vector<16xf32>
        %add3A_1077 = arith.addf %add3A_1041, %mul3A_1076 : vector<16xf32>
        %add3A_1078 = arith.constant 0 : i32
        %add3A_1079 = arith.addi %mul3A_149, %add3A_1078 : i32
        %get3A_1080 = arith.index_cast %add3A_1079 : i32 to index
        %get3A_1081 = arith.constant 416 : index
        %get3A_1082 = tpu.vector_load %arg9[%get3A_1080, %get3A_1081] {strides = array<i32>} : memref<32x512xf32, #tpu.memory_space<vmem>>, vector<16xf32>,
        %mul3A_1083 = arith.mulf %get3A_1082, %get3A_55 : vector<16xf32>
        %add3A_1084 = arith.addf %add3A_1048, %mul3A_1083 : vector<16xf32>
        %mul3A_1085 = arith.mulf %get3A_1082, %get3A_1082 : vector<16xf32>
        %add3A_1086 = arith.addf %add3A_1050, %mul3A_1085 : vector<16xf32>
        %add3A_1087 = arith.constant 1 : i32
        %add3A_1088 = arith.addi %mul3A_149, %add3A_1087 : i32
        %get3A_1089 = arith.index_cast %add3A_1088 : i32 to index
        %get3A_1090 = arith.constant 416 : index
        %get3A_1091 = tpu.vector_load %arg9[%get3A_1089, %get3A_1090] {strides = array<i32>} : memref<32x512xf32, #tpu.memory_space<vmem>>, vector<16xf32>,
        %mul3A_1092 = arith.mulf %get3A_1091, %get3A_55 : vector<16xf32>
        %add3A_1093 = arith.addf %add3A_1057, %mul3A_1092 : vector<16xf32>
        %mul3A_1094 = arith.mulf %get3A_1091, %get3A_1091 : vector<16xf32>
        %add3A_1095 = arith.addf %add3A_1059, %mul3A_1094 : vector<16xf32>
        %add3A_1096 = arith.constant 2 : i32
        %add3A_1097 = arith.addi %mul3A_149, %add3A_1096 : i32
        %get3A_1098 = arith.index_cast %add3A_1097 : i32 to index
        %get3A_1099 = arith.constant 416 : index
        %get3A_1100 = tpu.vector_load %arg9[%get3A_1098, %get3A_1099] {strides = array<i32>} : memref<32x512xf32, #tpu.memory_space<vmem>>, vector<16xf32>,
        %mul3A_1101 = arith.mulf %get3A_1100, %get3A_55 : vector<16xf32>
        %add3A_1102 = arith.addf %add3A_1066, %mul3A_1101 : vector<16xf32>
        %mul3A_1103 = arith.mulf %get3A_1100, %get3A_1100 : vector<16xf32>
        %add3A_1104 = arith.addf %add3A_1068, %mul3A_1103 : vector<16xf32>
        %add3A_1105 = arith.constant 3 : i32
        %add3A_1106 = arith.addi %mul3A_149, %add3A_1105 : i32
        %get3A_1107 = arith.index_cast %add3A_1106 : i32 to index
        %get3A_1108 = arith.constant 416 : index
        %get3A_1109 = tpu.vector_load %arg9[%get3A_1107, %get3A_1108] {strides = array<i32>} : memref<32x512xf32, #tpu.memory_space<vmem>>, vector<16xf32>,
        %mul3A_1110 = arith.mulf %get3A_1109, %get3A_55 : vector<16xf32>
        %add3A_1111 = arith.addf %add3A_1075, %mul3A_1110 : vector<16xf32>
        %mul3A_1112 = arith.mulf %get3A_1109, %get3A_1109 : vector<16xf32>
        %add3A_1113 = arith.addf %add3A_1077, %mul3A_1112 : vector<16xf32>
        %add3A_1114 = arith.constant 0 : i32
        %add3A_1115 = arith.addi %mul3A_149, %add3A_1114 : i32
        %get3A_1116 = arith.index_cast %add3A_1115 : i32 to index
        %get3A_1117 = arith.constant 432 : index
        %get3A_1118 = tpu.vector_load %arg9[%get3A_1116, %get3A_1117] {strides = array<i32>} : memref<32x512xf32, #tpu.memory_space<vmem>>, vector<16xf32>,
        %mul3A_1119 = arith.mulf %get3A_1118, %get3A_57 : vector<16xf32>
        %add3A_1120 = arith.addf %add3A_1084, %mul3A_1119 : vector<16xf32>
        %mul3A_1121 = arith.mulf %get3A_1118, %get3A_1118 : vector<16xf32>
        %add3A_1122 = arith.addf %add3A_1086, %mul3A_1121 : vector<16xf32>
        %add3A_1123 = arith.constant 1 : i32
        %add3A_1124 = arith.addi %mul3A_149, %add3A_1123 : i32
        %get3A_1125 = arith.index_cast %add3A_1124 : i32 to index
        %get3A_1126 = arith.constant 432 : index
        %get3A_1127 = tpu.vector_load %arg9[%get3A_1125, %get3A_1126] {strides = array<i32>} : memref<32x512xf32, #tpu.memory_space<vmem>>, vector<16xf32>,
        %mul3A_1128 = arith.mulf %get3A_1127, %get3A_57 : vector<16xf32>
        %add3A_1129 = arith.addf %add3A_1093, %mul3A_1128 : vector<16xf32>
        %mul3A_1130 = arith.mulf %get3A_1127, %get3A_1127 : vector<16xf32>
        %add3A_1131 = arith.addf %add3A_1095, %mul3A_1130 : vector<16xf32>
        %add3A_1132 = arith.constant 2 : i32
        %add3A_1133 = arith.addi %mul3A_149, %add3A_1132 : i32
        %get3A_1134 = arith.index_cast %add3A_1133 : i32 to index
        %get3A_1135 = arith.constant 432 : index
        %get3A_1136 = tpu.vector_load %arg9[%get3A_1134, %get3A_1135] {strides = array<i32>} : memref<32x512xf32, #tpu.memory_space<vmem>>, vector<16xf32>,
        %mul3A_1137 = arith.mulf %get3A_1136, %get3A_57 : vector<16xf32>
        %add3A_1138 = arith.addf %add3A_1102, %mul3A_1137 : vector<16xf32>
        %mul3A_1139 = arith.mulf %get3A_1136, %get3A_1136 : vector<16xf32>
        %add3A_1140 = arith.addf %add3A_1104, %mul3A_1139 : vector<16xf32>
        %add3A_1141 = arith.constant 3 : i32
        %add3A_1142 = arith.addi %mul3A_149, %add3A_1141 : i32
        %get3A_1143 = arith.index_cast %add3A_1142 : i32 to index
        %get3A_1144 = arith.constant 432 : index
        %get3A_1145 = tpu.vector_load %arg9[%get3A_1143, %get3A_1144] {strides = array<i32>} : memref<32x512xf32, #tpu.memory_space<vmem>>, vector<16xf32>,
        %mul3A_1146 = arith.mulf %get3A_1145, %get3A_57 : vector<16xf32>
        %add3A_1147 = arith.addf %add3A_1111, %mul3A_1146 : vector<16xf32>
        %mul3A_1148 = arith.mulf %get3A_1145, %get3A_1145 : vector<16xf32>
        %add3A_1149 = arith.addf %add3A_1113, %mul3A_1148 : vector<16xf32>
        %add3A_1150 = arith.constant 0 : i32
        %add3A_1151 = arith.addi %mul3A_149, %add3A_1150 : i32
        %get3A_1152 = arith.index_cast %add3A_1151 : i32 to index
        %get3A_1153 = arith.constant 448 : index
        %get3A_1154 = tpu.vector_load %arg9[%get3A_1152, %get3A_1153] {strides = array<i32>} : memref<32x512xf32, #tpu.memory_space<vmem>>, vector<16xf32>,
        %mul3A_1155 = arith.mulf %get3A_1154, %get3A_59 : vector<16xf32>
        %add3A_1156 = arith.addf %add3A_1120, %mul3A_1155 : vector<16xf32>
        %mul3A_1157 = arith.mulf %get3A_1154, %get3A_1154 : vector<16xf32>
        %add3A_1158 = arith.addf %add3A_1122, %mul3A_1157 : vector<16xf32>
        %add3A_1159 = arith.constant 1 : i32
        %add3A_1160 = arith.addi %mul3A_149, %add3A_1159 : i32
        %get3A_1161 = arith.index_cast %add3A_1160 : i32 to index
        %get3A_1162 = arith.constant 448 : index
        %get3A_1163 = tpu.vector_load %arg9[%get3A_1161, %get3A_1162] {strides = array<i32>} : memref<32x512xf32, #tpu.memory_space<vmem>>, vector<16xf32>,
        %mul3A_1164 = arith.mulf %get3A_1163, %get3A_59 : vector<16xf32>
        %add3A_1165 = arith.addf %add3A_1129, %mul3A_1164 : vector<16xf32>
        %mul3A_1166 = arith.mulf %get3A_1163, %get3A_1163 : vector<16xf32>
        %add3A_1167 = arith.addf %add3A_1131, %mul3A_1166 : vector<16xf32>
        %add3A_1168 = arith.constant 2 : i32
        %add3A_1169 = arith.addi %mul3A_149, %add3A_1168 : i32
        %get3A_1170 = arith.index_cast %add3A_1169 : i32 to index
        %get3A_1171 = arith.constant 448 : index
        %get3A_1172 = tpu.vector_load %arg9[%get3A_1170, %get3A_1171] {strides = array<i32>} : memref<32x512xf32, #tpu.memory_space<vmem>>, vector<16xf32>,
        %mul3A_1173 = arith.mulf %get3A_1172, %get3A_59 : vector<16xf32>
        %add3A_1174 = arith.addf %add3A_1138, %mul3A_1173 : vector<16xf32>
        %mul3A_1175 = arith.mulf %get3A_1172, %get3A_1172 : vector<16xf32>
        %add3A_1176 = arith.addf %add3A_1140, %mul3A_1175 : vector<16xf32>
        %add3A_1177 = arith.constant 3 : i32
        %add3A_1178 = arith.addi %mul3A_149, %add3A_1177 : i32
        %get3A_1179 = arith.index_cast %add3A_1178 : i32 to index
        %get3A_1180 = arith.constant 448 : index
        %get3A_1181 = tpu.vector_load %arg9[%get3A_1179, %get3A_1180] {strides = array<i32>} : memref<32x512xf32, #tpu.memory_space<vmem>>, vector<16xf32>,
        %mul3A_1182 = arith.mulf %get3A_1181, %get3A_59 : vector<16xf32>
        %add3A_1183 = arith.addf %add3A_1147, %mul3A_1182 : vector<16xf32>
        %mul3A_1184 = arith.mulf %get3A_1181, %get3A_1181 : vector<16xf32>
        %add3A_1185 = arith.addf %add3A_1149, %mul3A_1184 : vector<16xf32>
        %add3A_1186 = arith.constant 0 : i32
        %add3A_1187 = arith.addi %mul3A_149, %add3A_1186 : i32
        %get3A_1188 = arith.index_cast %add3A_1187 : i32 to index
        %get3A_1189 = arith.constant 464 : index
        %get3A_1190 = tpu.vector_load %arg9[%get3A_1188, %get3A_1189] {strides = array<i32>} : memref<32x512xf32, #tpu.memory_space<vmem>>, vector<16xf32>,
        %mul3A_1191 = arith.mulf %get3A_1190, %get3A_61 : vector<16xf32>
        %add3A_1192 = arith.addf %add3A_1156, %mul3A_1191 : vector<16xf32>
        %mul3A_1193 = arith.mulf %get3A_1190, %get3A_1190 : vector<16xf32>
        %add3A_1194 = arith.addf %add3A_1158, %mul3A_1193 : vector<16xf32>
        %add3A_1195 = arith.constant 1 : i32
        %add3A_1196 = arith.addi %mul3A_149, %add3A_1195 : i32
        %get3A_1197 = arith.index_cast %add3A_1196 : i32 to index
        %get3A_1198 = arith.constant 464 : index
        %get3A_1199 = tpu.vector_load %arg9[%get3A_1197, %get3A_1198] {strides = array<i32>} : memref<32x512xf32, #tpu.memory_space<vmem>>, vector<16xf32>,
        %mul3A_1200 = arith.mulf %get3A_1199, %get3A_61 : vector<16xf32>
        %add3A_1201 = arith.addf %add3A_1165, %mul3A_1200 : vector<16xf32>
        %mul3A_1202 = arith.mulf %get3A_1199, %get3A_1199 : vector<16xf32>
        %add3A_1203 = arith.addf %add3A_1167, %mul3A_1202 : vector<16xf32>
        %add3A_1204 = arith.constant 2 : i32
        %add3A_1205 = arith.addi %mul3A_149, %add3A_1204 : i32
        %get3A_1206 = arith.index_cast %add3A_1205 : i32 to index
        %get3A_1207 = arith.constant 464 : index
        %get3A_1208 = tpu.vector_load %arg9[%get3A_1206, %get3A_1207] {strides = array<i32>} : memref<32x512xf32, #tpu.memory_space<vmem>>, vector<16xf32>,
        %mul3A_1209 = arith.mulf %get3A_1208, %get3A_61 : vector<16xf32>
        %add3A_1210 = arith.addf %add3A_1174, %mul3A_1209 : vector<16xf32>
        %mul3A_1211 = arith.mulf %get3A_1208, %get3A_1208 : vector<16xf32>
        %add3A_1212 = arith.addf %add3A_1176, %mul3A_1211 : vector<16xf32>
        %add3A_1213 = arith.constant 3 : i32
        %add3A_1214 = arith.addi %mul3A_149, %add3A_1213 : i32
        %get3A_1215 = arith.index_cast %add3A_1214 : i32 to index
        %get3A_1216 = arith.constant 464 : index
        %get3A_1217 = tpu.vector_load %arg9[%get3A_1215, %get3A_1216] {strides = array<i32>} : memref<32x512xf32, #tpu.memory_space<vmem>>, vector<16xf32>,
        %mul3A_1218 = arith.mulf %get3A_1217, %get3A_61 : vector<16xf32>
        %add3A_1219 = arith.addf %add3A_1183, %mul3A_1218 : vector<16xf32>
        %mul3A_1220 = arith.mulf %get3A_1217, %get3A_1217 : vector<16xf32>
        %add3A_1221 = arith.addf %add3A_1185, %mul3A_1220 : vector<16xf32>
        %add3A_1222 = arith.constant 0 : i32
        %add3A_1223 = arith.addi %mul3A_149, %add3A_1222 : i32
        %get3A_1224 = arith.index_cast %add3A_1223 : i32 to index
        %get3A_1225 = arith.constant 480 : index
        %get3A_1226 = tpu.vector_load %arg9[%get3A_1224, %get3A_1225] {strides = array<i32>} : memref<32x512xf32, #tpu.memory_space<vmem>>, vector<16xf32>,
        %mul3A_1227 = arith.mulf %get3A_1226, %get3A_63 : vector<16xf32>
        %add3A_1228 = arith.addf %add3A_1192, %mul3A_1227 : vector<16xf32>
        %mul3A_1229 = arith.mulf %get3A_1226, %get3A_1226 : vector<16xf32>
        %add3A_1230 = arith.addf %add3A_1194, %mul3A_1229 : vector<16xf32>
        %add3A_1231 = arith.constant 1 : i32
        %add3A_1232 = arith.addi %mul3A_149, %add3A_1231 : i32
        %get3A_1233 = arith.index_cast %add3A_1232 : i32 to index
        %get3A_1234 = arith.constant 480 : index
        %get3A_1235 = tpu.vector_load %arg9[%get3A_1233, %get3A_1234] {strides = array<i32>} : memref<32x512xf32, #tpu.memory_space<vmem>>, vector<16xf32>,
        %mul3A_1236 = arith.mulf %get3A_1235, %get3A_63 : vector<16xf32>
        %add3A_1237 = arith.addf %add3A_1201, %mul3A_1236 : vector<16xf32>
        %mul3A_1238 = arith.mulf %get3A_1235, %get3A_1235 : vector<16xf32>
        %add3A_1239 = arith.addf %add3A_1203, %mul3A_1238 : vector<16xf32>
        %add3A_1240 = arith.constant 2 : i32
        %add3A_1241 = arith.addi %mul3A_149, %add3A_1240 : i32
        %get3A_1242 = arith.index_cast %add3A_1241 : i32 to index
        %get3A_1243 = arith.constant 480 : index
        %get3A_1244 = tpu.vector_load %arg9[%get3A_1242, %get3A_1243] {strides = array<i32>} : memref<32x512xf32, #tpu.memory_space<vmem>>, vector<16xf32>,
        %mul3A_1245 = arith.mulf %get3A_1244, %get3A_63 : vector<16xf32>
        %add3A_1246 = arith.addf %add3A_1210, %mul3A_1245 : vector<16xf32>
        %mul3A_1247 = arith.mulf %get3A_1244, %get3A_1244 : vector<16xf32>
        %add3A_1248 = arith.addf %add3A_1212, %mul3A_1247 : vector<16xf32>
        %add3A_1249 = arith.constant 3 : i32
        %add3A_1250 = arith.addi %mul3A_149, %add3A_1249 : i32
        %get3A_1251 = arith.index_cast %add3A_1250 : i32 to index
        %get3A_1252 = arith.constant 480 : index
        %get3A_1253 = tpu.vector_load %arg9[%get3A_1251, %get3A_1252] {strides = array<i32>} : memref<32x512xf32, #tpu.memory_space<vmem>>, vector<16xf32>,
        %mul3A_1254 = arith.mulf %get3A_1253, %get3A_63 : vector<16xf32>
        %add3A_1255 = arith.addf %add3A_1219, %mul3A_1254 : vector<16xf32>
        %mul3A_1256 = arith.mulf %get3A_1253, %get3A_1253 : vector<16xf32>
        %add3A_1257 = arith.addf %add3A_1221, %mul3A_1256 : vector<16xf32>
        %add3A_1258 = arith.constant 0 : i32
        %add3A_1259 = arith.addi %mul3A_149, %add3A_1258 : i32
        %get3A_1260 = arith.index_cast %add3A_1259 : i32 to index
        %get3A_1261 = arith.constant 496 : index
        %get3A_1262 = tpu.vector_load %arg9[%get3A_1260, %get3A_1261] {strides = array<i32>} : memref<32x512xf32, #tpu.memory_space<vmem>>, vector<16xf32>,
        %mul3A_1263 = arith.mulf %get3A_1262, %get3A_65 : vector<16xf32>
        %add3A_1264 = arith.addf %add3A_1228, %mul3A_1263 : vector<16xf32>
        %mul3A_1265 = arith.mulf %get3A_1262, %get3A_1262 : vector<16xf32>
        %add3A_1266 = arith.addf %add3A_1230, %mul3A_1265 : vector<16xf32>
        %add3A_1267 = arith.constant 1 : i32
        %add3A_1268 = arith.addi %mul3A_149, %add3A_1267 : i32
        %get3A_1269 = arith.index_cast %add3A_1268 : i32 to index
        %get3A_1270 = arith.constant 496 : index
        %get3A_1271 = tpu.vector_load %arg9[%get3A_1269, %get3A_1270] {strides = array<i32>} : memref<32x512xf32, #tpu.memory_space<vmem>>, vector<16xf32>,
        %mul3A_1272 = arith.mulf %get3A_1271, %get3A_65 : vector<16xf32>
        %add3A_1273 = arith.addf %add3A_1237, %mul3A_1272 : vector<16xf32>
        %mul3A_1274 = arith.mulf %get3A_1271, %get3A_1271 : vector<16xf32>
        %add3A_1275 = arith.addf %add3A_1239, %mul3A_1274 : vector<16xf32>
        %add3A_1276 = arith.constant 2 : i32
        %add3A_1277 = arith.addi %mul3A_149, %add3A_1276 : i32
        %get3A_1278 = arith.index_cast %add3A_1277 : i32 to index
        %get3A_1279 = arith.constant 496 : index
        %get3A_1280 = tpu.vector_load %arg9[%get3A_1278, %get3A_1279] {strides = array<i32>} : memref<32x512xf32, #tpu.memory_space<vmem>>, vector<16xf32>,
        %mul3A_1281 = arith.mulf %get3A_1280, %get3A_65 : vector<16xf32>
        %add3A_1282 = arith.addf %add3A_1246, %mul3A_1281 : vector<16xf32>
        %mul3A_1283 = arith.mulf %get3A_1280, %get3A_1280 : vector<16xf32>
        %add3A_1284 = arith.addf %add3A_1248, %mul3A_1283 : vector<16xf32>
        %add3A_1285 = arith.constant 3 : i32
        %add3A_1286 = arith.addi %mul3A_149, %add3A_1285 : i32
        %get3A_1287 = arith.index_cast %add3A_1286 : i32 to index
        %get3A_1288 = arith.constant 496 : index
        %get3A_1289 = tpu.vector_load %arg9[%get3A_1287, %get3A_1288] {strides = array<i32>} : memref<32x512xf32, #tpu.memory_space<vmem>>, vector<16xf32>,
        %mul3A_1290 = arith.mulf %get3A_1289, %get3A_65 : vector<16xf32>
        %add3A_1291 = arith.addf %add3A_1255, %mul3A_1290 : vector<16xf32>
        %mul3A_1292 = arith.mulf %get3A_1289, %get3A_1289 : vector<16xf32>
        %add3A_1293 = arith.addf %add3A_1257, %mul3A_1292 : vector<16xf32>
        %mul3A_1294 = arith.constant 32 : i32
        %mul3A_1295 = arith.muli %add3A_132, %mul3A_1294 : i32
        %add3A_1296 = arith.addi %mul3A_1295, %mul3A_149 : i32
        %add3A_1297 = arith.constant 0 : i32
        %add3A_1298 = arith.addi %add3A_1296, %add3A_1297 : i32
        %mul3A_1299 = arith.constant 16 : i32
        %mul3A_1300 = arith.muli %add3A_1298, %mul3A_1299 : i32
        %swap3A_1301 = arith.index_cast %mul3A_1300 : i32 to index
        %swap3A_1302 = tpu.vector_load %arg10[%swap3A_1301] {strides = array<i32>} : memref<2048xf32, #tpu.memory_space<vmem>>, vector<16xf32>,
        tpu.vector_store %arg10[%swap3A_1301], %add3A_1264 {strides = array<i32>} : memref<2048xf32, #tpu.memory_space<vmem>>, vector<16xf32>,
        %mul3A_1303 = arith.constant 32 : i32
        %mul3A_1304 = arith.muli %add3A_132, %mul3A_1303 : i32
        %add3A_1305 = arith.addi %mul3A_1304, %mul3A_149 : i32
        %add3A_1306 = arith.constant 0 : i32
        %add3A_1307 = arith.addi %add3A_1305, %add3A_1306 : i32
        %mul3A_1308 = arith.constant 16 : i32
        %mul3A_1309 = arith.muli %add3A_1307, %mul3A_1308 : i32
        %swap3A_1310 = arith.index_cast %mul3A_1309 : i32 to index
        %swap3A_1311 = tpu.vector_load %arg11[%swap3A_1310] {strides = array<i32>} : memref<2048xf32, #tpu.memory_space<vmem>>, vector<16xf32>,
        tpu.vector_store %arg11[%swap3A_1310], %add3A_1266 {strides = array<i32>} : memref<2048xf32, #tpu.memory_space<vmem>>, vector<16xf32>,
        %mul3A_1312 = arith.constant 32 : i32
        %mul3A_1313 = arith.muli %add3A_132, %mul3A_1312 : i32
        %add3A_1314 = arith.addi %mul3A_1313, %mul3A_149 : i32
        %add3A_1315 = arith.constant 1 : i32
        %add3A_1316 = arith.addi %add3A_1314, %add3A_1315 : i32
        %mul3A_1317 = arith.constant 16 : i32
        %mul3A_1318 = arith.muli %add3A_1316, %mul3A_1317 : i32
        %swap3A_1319 = arith.index_cast %mul3A_1318 : i32 to index
        %swap3A_1320 = tpu.vector_load %arg10[%swap3A_1319] {strides = array<i32>} : memref<2048xf32, #tpu.memory_space<vmem>>, vector<16xf32>,
        tpu.vector_store %arg10[%swap3A_1319], %add3A_1273 {strides = array<i32>} : memref<2048xf32, #tpu.memory_space<vmem>>, vector<16xf32>,
        %mul3A_1321 = arith.constant 32 : i32
        %mul3A_1322 = arith.muli %add3A_132, %mul3A_1321 : i32
        %add3A_1323 = arith.addi %mul3A_1322, %mul3A_149 : i32
        %add3A_1324 = arith.constant 1 : i32
        %add3A_1325 = arith.addi %add3A_1323, %add3A_1324 : i32
        %mul3A_1326 = arith.constant 16 : i32
        %mul3A_1327 = arith.muli %add3A_1325, %mul3A_1326 : i32
        %swap3A_1328 = arith.index_cast %mul3A_1327 : i32 to index
        %swap3A_1329 = tpu.vector_load %arg11[%swap3A_1328] {strides = array<i32>} : memref<2048xf32, #tpu.memory_space<vmem>>, vector<16xf32>,
        tpu.vector_store %arg11[%swap3A_1328], %add3A_1275 {strides = array<i32>} : memref<2048xf32, #tpu.memory_space<vmem>>, vector<16xf32>,
        %mul3A_1330 = arith.constant 32 : i32
        %mul3A_1331 = arith.muli %add3A_132, %mul3A_1330 : i32
        %add3A_1332 = arith.addi %mul3A_1331, %mul3A_149 : i32
        %add3A_1333 = arith.constant 2 : i32
        %add3A_1334 = arith.addi %add3A_1332, %add3A_1333 : i32
        %mul3A_1335 = arith.constant 16 : i32
        %mul3A_1336 = arith.muli %add3A_1334, %mul3A_1335 : i32
        %swap3A_1337 = arith.index_cast %mul3A_1336 : i32 to index
        %swap3A_1338 = tpu.vector_load %arg10[%swap3A_1337] {strides = array<i32>} : memref<2048xf32, #tpu.memory_space<vmem>>, vector<16xf32>,
        tpu.vector_store %arg10[%swap3A_1337], %add3A_1282 {strides = array<i32>} : memref<2048xf32, #tpu.memory_space<vmem>>, vector<16xf32>,
        %mul3A_1339 = arith.constant 32 : i32
        %mul3A_1340 = arith.muli %add3A_132, %mul3A_1339 : i32
        %add3A_1341 = arith.addi %mul3A_1340, %mul3A_149 : i32
        %add3A_1342 = arith.constant 2 : i32
        %add3A_1343 = arith.addi %add3A_1341, %add3A_1342 : i32
        %mul3A_1344 = arith.constant 16 : i32
        %mul3A_1345 = arith.muli %add3A_1343, %mul3A_1344 : i32
        %swap3A_1346 = arith.index_cast %mul3A_1345 : i32 to index
        %swap3A_1347 = tpu.vector_load %arg11[%swap3A_1346] {strides = array<i32>} : memref<2048xf32, #tpu.memory_space<vmem>>, vector<16xf32>,
        tpu.vector_store %arg11[%swap3A_1346], %add3A_1284 {strides = array<i32>} : memref<2048xf32, #tpu.memory_space<vmem>>, vector<16xf32>,
        %mul3A_1348 = arith.constant 32 : i32
        %mul3A_1349 = arith.muli %add3A_132, %mul3A_1348 : i32
        %add3A_1350 = arith.addi %mul3A_1349, %mul3A_149 : i32
        %add3A_1351 = arith.constant 3 : i32
        %add3A_1352 = arith.addi %add3A_1350, %add3A_1351 : i32
        %mul3A_1353 = arith.constant 16 : i32
        %mul3A_1354 = arith.muli %add3A_1352, %mul3A_1353 : i32
        %swap3A_1355 = arith.index_cast %mul3A_1354 : i32 to index
        %swap3A_1356 = tpu.vector_load %arg10[%swap3A_1355] {strides = array<i32>} : memref<2048xf32, #tpu.memory_space<vmem>>, vector<16xf32>,
        tpu.vector_store %arg10[%swap3A_1355], %add3A_1291 {strides = array<i32>} : memref<2048xf32, #tpu.memory_space<vmem>>, vector<16xf32>,
        %mul3A_1357 = arith.constant 32 : i32
        %mul3A_1358 = arith.muli %add3A_132, %mul3A_1357 : i32
        %add3A_1359 = arith.addi %mul3A_1358, %mul3A_149 : i32
        %add3A_1360 = arith.constant 3 : i32
        %add3A_1361 = arith.addi %add3A_1359, %add3A_1360 : i32
        %mul3A_1362 = arith.constant 16 : i32
        %mul3A_1363 = arith.muli %add3A_1361, %mul3A_1362 : i32
        %swap3A_1364 = arith.index_cast %mul3A_1363 : i32 to index
        %swap3A_1365 = tpu.vector_load %arg11[%swap3A_1364] {strides = array<i32>} : memref<2048xf32, #tpu.memory_space<vmem>>, vector<16xf32>,
        tpu.vector_store %arg11[%swap3A_1364], %add3A_1293 {strides = array<i32>} : memref<2048xf32, #tpu.memory_space<vmem>>, vector<16xf32>,
        %scan3A_1366 = arith.constant 0 : i32
        scf.yield %scan3A_1366 : i32
      }
      %scan3A_139 = arith.constant 8 : i32
      %lt3A_140 = arith.constant 1 : i32
      %lt3A_141 = arith.cmpi slt, %scan3A_107, %lt3A_140 : i32
      %convert_element_type3A_142 = arith.extui %lt3A_141 : i1 to i32
      %cond3A_143 = arith.constant 0 : i32
      %cond3A_144 = arith.cmpi ne, %convert_element_type3A_142, %cond3A_143 : i32
      scf.if %cond3A_144 {
        %add3A_146 = arith.constant 3 : i32
        %add3A_147 = arith.addi %mul3A_110, %add3A_146 : i32
        %mul3A_148 = arith.constant 32 : i32
        %mul3A_149 = arith.muli %add3A_147, %mul3A_148 : i32
        %add3A_150 = arith.addi %mul3A_2, %mul3A_149 : i32
        %dma_start3A_151 = arith.constant 0 : i32
        %dma_start3A_152 = tpu.memref_slice %arg3[%add3A_150, %dma_start3A_151] : memref<16384x512xf32, #tpu.memory_space<hbm>> -> memref<32x512xf32, #tpu.memory_space<hbm>>
        %dma_start3A_153 = arith.constant 0 : i32
        %dma_start3A_154 = tpu.memref_slice %arg3[%add3A_150, %dma_start3A_153] : memref<16384x512xf32, #tpu.memory_space<hbm>> -> memref<32x512xf32, #tpu.memory_space<hbm>>
        tpu.enqueue_dma source(%dma_start3A_154 : memref<32x512xf32, #tpu.memory_space<hbm>>) target(%arg9 : memref<32x512xf32, #tpu.memory_space<vmem>>) target_semaphore(%arg16 : memref<!tpu.dma_semaphore, #tpu.memory_space<semaphore_mem>>)
      } else {
      }
      %scan3A_145 = arith.constant 0 : i32
      scf.yield %scan3A_145 : i32
    }
    %scan3A_82 = arith.constant 2 : i32
    %scan3A_83 = arith.constant -3.400000e+38 : f32
    %scan3A_84 = arith.constant 1.000000e+00 : f32
    %scan3A_85 = arith.constant 0.000000e+00 : f32
    %scan3A_86 = arith.constant 1.000000e+00 : f32
    %scan3A_87 = arith.constant 0 : i32
    %scan3A_88 = arith.constant 0 : i32
    %scan3A_89 = arith.constant 32 : i32
    %scan3A_90 = arith.addi %scan3A_88, %scan3A_89 : i32
    %scan3A_91 = arith.constant 1 : i32
    %scan3A_92:5 = scf.for %scan3A_107 = %scan3A_88 to %scan3A_90 step %scan3A_91 iter_args(%scan3A_108 = %scan3A_83, %scan3A_109 = %scan3A_84, %scan3A_110 = %scan3A_85, %scan3A_111 = %scan3A_86, %scan3A_112 = %scan3A_87) -> (f32, f32, f32, f32, i32)  : i32 {
      %mul3A_113 = arith.constant 4 : i32
      %mul3A_114 = arith.muli %scan3A_107, %mul3A_113 : i32
      %add3A_115 = arith.constant 0 : i32
      %add3A_116 = arith.addi %mul3A_114, %add3A_115 : i32
      %mul3A_117 = arith.constant 16 : i32
      %mul3A_118 = arith.muli %add3A_116, %mul3A_117 : i32
      %get3A_119 = arith.index_cast %mul3A_118 : i32 to index
      %get3A_120 = tpu.vector_load %arg10[%get3A_119] {strides = array<i32>} : memref<2048xf32, #tpu.memory_space<vmem>>, vector<16xf32>,
      %reduce_sum3A = arith.constant true
      %reduce_sum3A_121 = vector.broadcast %reduce_sum3A : i1 to vector<16xi1>
      %reduce_sum3A_122 = tpu.scan <sum>, %get3A_120 masked %reduce_sum3A_121 : vector<16xf32>, vector<16xi1> -> vector<16xf32>
      %reduce_sum3A_123 = vector.extract %reduce_sum3A_122[15] : f32 from vector<16xf32>
      %add3A_124 = arith.constant 1 : i32
      %add3A_125 = arith.addi %mul3A_114, %add3A_124 : i32
      %mul3A_126 = arith.constant 16 : i32
      %mul3A_127 = arith.muli %add3A_125, %mul3A_126 : i32
      %get3A_128 = arith.index_cast %mul3A_127 : i32 to index
      %get3A_129 = tpu.vector_load %arg10[%get3A_128] {strides = array<i32>} : memref<2048xf32, #tpu.memory_space<vmem>>, vector<16xf32>,
      %reduce_sum3A_130 = arith.constant true
      %reduce_sum3A_131 = vector.broadcast %reduce_sum3A_130 : i1 to vector<16xi1>
      %reduce_sum3A_132 = tpu.scan <sum>, %get3A_129 masked %reduce_sum3A_131 : vector<16xf32>, vector<16xi1> -> vector<16xf32>
      %reduce_sum3A_133 = vector.extract %reduce_sum3A_132[15] : f32 from vector<16xf32>
      %add3A_134 = arith.constant 2 : i32
      %add3A_135 = arith.addi %mul3A_114, %add3A_134 : i32
      %mul3A_136 = arith.constant 16 : i32
      %mul3A_137 = arith.muli %add3A_135, %mul3A_136 : i32
      %get3A_138 = arith.index_cast %mul3A_137 : i32 to index
      %get3A_139 = tpu.vector_load %arg10[%get3A_138] {strides = array<i32>} : memref<2048xf32, #tpu.memory_space<vmem>>, vector<16xf32>,
      %reduce_sum3A_140 = arith.constant true
      %reduce_sum3A_141 = vector.broadcast %reduce_sum3A_140 : i1 to vector<16xi1>
      %reduce_sum3A_142 = tpu.scan <sum>, %get3A_139 masked %reduce_sum3A_141 : vector<16xf32>, vector<16xi1> -> vector<16xf32>
      %reduce_sum3A_143 = vector.extract %reduce_sum3A_142[15] : f32 from vector<16xf32>
      %add3A_144 = arith.constant 3 : i32
      %add3A_145 = arith.addi %mul3A_114, %add3A_144 : i32
      %mul3A_146 = arith.constant 16 : i32
      %mul3A_147 = arith.muli %add3A_145, %mul3A_146 : i32
      %get3A_148 = arith.index_cast %mul3A_147 : i32 to index
      %get3A_149 = tpu.vector_load %arg10[%get3A_148] {strides = array<i32>} : memref<2048xf32, #tpu.memory_space<vmem>>, vector<16xf32>,
      %reduce_sum3A_150 = arith.constant true
      %reduce_sum3A_151 = vector.broadcast %reduce_sum3A_150 : i1 to vector<16xi1>
      %reduce_sum3A_152 = tpu.scan <sum>, %get3A_149 masked %reduce_sum3A_151 : vector<16xf32>, vector<16xi1> -> vector<16xf32>
      %reduce_sum3A_153 = vector.extract %reduce_sum3A_152[15] : f32 from vector<16xf32>
      %add3A_154 = arith.constant 0 : i32
      %add3A_155 = arith.addi %mul3A_114, %add3A_154 : i32
      %mul3A_156 = arith.constant 16 : i32
      %mul3A_157 = arith.muli %add3A_155, %mul3A_156 : i32
      %get3A_158 = arith.index_cast %mul3A_157 : i32 to index
      %get3A_159 = tpu.vector_load %arg11[%get3A_158] {strides = array<i32>} : memref<2048xf32, #tpu.memory_space<vmem>>, vector<16xf32>,
      %reduce_sum3A_160 = arith.constant true
      %reduce_sum3A_161 = vector.broadcast %reduce_sum3A_160 : i1 to vector<16xi1>
      %reduce_sum3A_162 = tpu.scan <sum>, %get3A_159 masked %reduce_sum3A_161 : vector<16xf32>, vector<16xi1> -> vector<16xf32>
      %reduce_sum3A_163 = vector.extract %reduce_sum3A_162[15] : f32 from vector<16xf32>
      %add3A_164 = arith.constant 1 : i32
      %add3A_165 = arith.addi %mul3A_114, %add3A_164 : i32
      %mul3A_166 = arith.constant 16 : i32
      %mul3A_167 = arith.muli %add3A_165, %mul3A_166 : i32
      %get3A_168 = arith.index_cast %mul3A_167 : i32 to index
      %get3A_169 = tpu.vector_load %arg11[%get3A_168] {strides = array<i32>} : memref<2048xf32, #tpu.memory_space<vmem>>, vector<16xf32>,
      %reduce_sum3A_170 = arith.constant true
      %reduce_sum3A_171 = vector.broadcast %reduce_sum3A_170 : i1 to vector<16xi1>
      %reduce_sum3A_172 = tpu.scan <sum>, %get3A_169 masked %reduce_sum3A_171 : vector<16xf32>, vector<16xi1> -> vector<16xf32>
      %reduce_sum3A_173 = vector.extract %reduce_sum3A_172[15] : f32 from vector<16xf32>
      %add3A_174 = arith.constant 2 : i32
      %add3A_175 = arith.addi %mul3A_114, %add3A_174 : i32
      %mul3A_176 = arith.constant 16 : i32
      %mul3A_177 = arith.muli %add3A_175, %mul3A_176 : i32
      %get3A_178 = arith.index_cast %mul3A_177 : i32 to index
      %get3A_179 = tpu.vector_load %arg11[%get3A_178] {strides = array<i32>} : memref<2048xf32, #tpu.memory_space<vmem>>, vector<16xf32>,
      %reduce_sum3A_180 = arith.constant true
      %reduce_sum3A_181 = vector.broadcast %reduce_sum3A_180 : i1 to vector<16xi1>
      %reduce_sum3A_182 = tpu.scan <sum>, %get3A_179 masked %reduce_sum3A_181 : vector<16xf32>, vector<16xi1> -> vector<16xf32>
      %reduce_sum3A_183 = vector.extract %reduce_sum3A_182[15] : f32 from vector<16xf32>
      %add3A_184 = arith.constant 3 : i32
      %add3A_185 = arith.addi %mul3A_114, %add3A_184 : i32
      %mul3A_186 = arith.constant 16 : i32
      %mul3A_187 = arith.muli %add3A_185, %mul3A_186 : i32
      %get3A_188 = arith.index_cast %mul3A_187 : i32 to index
      %get3A_189 = tpu.vector_load %arg11[%get3A_188] {strides = array<i32>} : memref<2048xf32, #tpu.memory_space<vmem>>, vector<16xf32>,
      %reduce_sum3A_190 = arith.constant true
      %reduce_sum3A_191 = vector.broadcast %reduce_sum3A_190 : i1 to vector<16xi1>
      %reduce_sum3A_192 = tpu.scan <sum>, %get3A_189 masked %reduce_sum3A_191 : vector<16xf32>, vector<16xi1> -> vector<16xf32>
      %reduce_sum3A_193 = vector.extract %reduce_sum3A_192[15] : f32 from vector<16xf32>
      %abs3A = math.absf %reduce_sum3A_123 : f32
      %mul3A_194 = arith.mulf %reduce_sum3A_123, %abs3A : f32
      %max3A = arith.constant 1.000000e-16 : f32
      %max3A_195 = arith.maximumf %reduce_sum3A_163, %max3A : f32
      %mul3A_196 = arith.mulf %mul3A_194, %scan3A_109 : f32
      %mul3A_197 = arith.mulf %scan3A_108, %max3A_195 : f32
      %gt3A = arith.cmpf ogt, %mul3A_196, %mul3A_197 : f32
      %select_n3A = arith.select %gt3A, %mul3A_194, %scan3A_108 : f32
      %select_n3A_198 = arith.select %gt3A, %max3A_195, %scan3A_109 : f32
      %select_n3A_199 = arith.select %gt3A, %reduce_sum3A_123, %scan3A_110 : f32
      %select_n3A_200 = arith.select %gt3A, %reduce_sum3A_163, %scan3A_111 : f32
      %add3A_201 = arith.addi %mul3A_2, %mul3A_114 : i32
      %add3A_202 = arith.constant 0 : i32
      %add3A_203 = arith.addi %add3A_201, %add3A_202 : i32
      %select_n3A_204 = arith.select %gt3A, %add3A_203, %scan3A_112 : i32
      %abs3A_205 = math.absf %reduce_sum3A_133 : f32
      %mul3A_206 = arith.mulf %reduce_sum3A_133, %abs3A_205 : f32
      %max3A_207 = arith.constant 1.000000e-16 : f32
      %max3A_208 = arith.maximumf %reduce_sum3A_173, %max3A_207 : f32
      %mul3A_209 = arith.mulf %mul3A_206, %select_n3A_198 : f32
      %mul3A_210 = arith.mulf %select_n3A, %max3A_208 : f32
      %gt3A_211 = arith.cmpf ogt, %mul3A_209, %mul3A_210 : f32
      %select_n3A_212 = arith.select %gt3A_211, %mul3A_206, %select_n3A : f32
      %select_n3A_213 = arith.select %gt3A_211, %max3A_208, %select_n3A_198 : f32
      %select_n3A_214 = arith.select %gt3A_211, %reduce_sum3A_133, %select_n3A_199 : f32
      %select_n3A_215 = arith.select %gt3A_211, %reduce_sum3A_173, %select_n3A_200 : f32
      %add3A_216 = arith.addi %mul3A_2, %mul3A_114 : i32
      %add3A_217 = arith.constant 1 : i32
      %add3A_218 = arith.addi %add3A_216, %add3A_217 : i32
      %select_n3A_219 = arith.select %gt3A_211, %add3A_218, %select_n3A_204 : i32
      %abs3A_220 = math.absf %reduce_sum3A_143 : f32
      %mul3A_221 = arith.mulf %reduce_sum3A_143, %abs3A_220 : f32
      %max3A_222 = arith.constant 1.000000e-16 : f32
      %max3A_223 = arith.maximumf %reduce_sum3A_183, %max3A_222 : f32
      %mul3A_224 = arith.mulf %mul3A_221, %select_n3A_213 : f32
      %mul3A_225 = arith.mulf %select_n3A_212, %max3A_223 : f32
      %gt3A_226 = arith.cmpf ogt, %mul3A_224, %mul3A_225 : f32
      %select_n3A_227 = arith.select %gt3A_226, %mul3A_221, %select_n3A_212 : f32
      %select_n3A_228 = arith.select %gt3A_226, %max3A_223, %select_n3A_213 : f32
      %select_n3A_229 = arith.select %gt3A_226, %reduce_sum3A_143, %select_n3A_214 : f32
      %select_n3A_230 = arith.select %gt3A_226, %reduce_sum3A_183, %select_n3A_215 : f32
      %add3A_231 = arith.addi %mul3A_2, %mul3A_114 : i32
      %add3A_232 = arith.constant 2 : i32
      %add3A_233 = arith.addi %add3A_231, %add3A_232 : i32
      %select_n3A_234 = arith.select %gt3A_226, %add3A_233, %select_n3A_219 : i32
      %abs3A_235 = math.absf %reduce_sum3A_153 : f32
      %mul3A_236 = arith.mulf %reduce_sum3A_153, %abs3A_235 : f32
      %max3A_237 = arith.constant 1.000000e-16 : f32
      %max3A_238 = arith.maximumf %reduce_sum3A_193, %max3A_237 : f32
      %mul3A_239 = arith.mulf %mul3A_236, %select_n3A_228 : f32
      %mul3A_240 = arith.mulf %select_n3A_227, %max3A_238 : f32
      %gt3A_241 = arith.cmpf ogt, %mul3A_239, %mul3A_240 : f32
      %select_n3A_242 = arith.select %gt3A_241, %mul3A_236, %select_n3A_227 : f32
      %select_n3A_243 = arith.select %gt3A_241, %max3A_238, %select_n3A_228 : f32
      %select_n3A_244 = arith.select %gt3A_241, %reduce_sum3A_153, %select_n3A_229 : f32
      %select_n3A_245 = arith.select %gt3A_241, %reduce_sum3A_193, %select_n3A_230 : f32
      %add3A_246 = arith.addi %mul3A_2, %mul3A_114 : i32
      %add3A_247 = arith.constant 3 : i32
      %add3A_248 = arith.addi %add3A_246, %add3A_247 : i32
      %select_n3A_249 = arith.select %gt3A_241, %add3A_248, %select_n3A_234 : i32
      scf.yield %select_n3A_242, %select_n3A_243, %select_n3A_244, %select_n3A_245, %select_n3A_249 : f32, f32, f32, f32, i32
    }
    %scan3A_93 = arith.constant 32 : i32
    %broadcast_in_dim3A = vector.broadcast %scan3A_92#2 : f32 to vector<16xf32>
    %swap3A = arith.constant 0 : index
    %swap3A_94 = tpu.vector_load %arg12[%swap3A] {strides = array<i32>} : memref<16xf32, #tpu.memory_space<vmem>>, vector<16xf32>,
    tpu.vector_store %arg12[%swap3A], %broadcast_in_dim3A {strides = array<i32>} : memref<16xf32, #tpu.memory_space<vmem>>, vector<16xf32>,
    %broadcast_in_dim3A_95 = vector.broadcast %scan3A_92#3 : f32 to vector<16xf32>
    %swap3A_96 = arith.constant 0 : index
    %swap3A_97 = tpu.vector_load %arg13[%swap3A_96] {strides = array<i32>} : memref<16xf32, #tpu.memory_space<vmem>>, vector<16xf32>,
    tpu.vector_store %arg13[%swap3A_96], %broadcast_in_dim3A_95 {strides = array<i32>} : memref<16xf32, #tpu.memory_space<vmem>>, vector<16xf32>,
    %broadcast_in_dim3A_98 = vector.broadcast %scan3A_92#4 : i32 to vector<16xi32>
    %swap3A_99 = arith.constant 0 : index
    %swap3A_100 = tpu.vector_load %arg14[%swap3A_99] {strides = array<i32>} : memref<16xi32, #tpu.memory_space<vmem>>, vector<16xi32>,
    tpu.vector_store %arg14[%swap3A_99], %broadcast_in_dim3A_98 {strides = array<i32>} : memref<16xi32, #tpu.memory_space<vmem>>, vector<16xi32>,
    %mul3A_101 = arith.constant 16 : i32
    %mul3A_102 = arith.muli %add3A, %mul3A_101 : i32
    "tpu.region"() ({
      %run_scoped3A = tpu.sem_alloc : memref<!tpu.dma_semaphore, #tpu.memory_space<semaphore_mem>>
      %dma_start3A_107 = tpu.memref_slice %arg4[%mul3A_102] : memref<512xf32, #tpu.memory_space<hbm>> -> memref<16xf32, #tpu.memory_space<hbm>>
      %dma_start3A_108 = tpu.memref_slice %arg4[%mul3A_102] : memref<512xf32, #tpu.memory_space<hbm>> -> memref<16xf32, #tpu.memory_space<hbm>>
      tpu.enqueue_dma source(%arg12 : memref<16xf32, #tpu.memory_space<vmem>>) target(%dma_start3A_108 : memref<16xf32, #tpu.memory_space<hbm>>) target_semaphore(%run_scoped3A : memref<!tpu.dma_semaphore, #tpu.memory_space<semaphore_mem>>)
      %dma_wait3A = tpu.memref_slice %arg4[%mul3A_102] : memref<512xf32, #tpu.memory_space<hbm>> -> memref<16xf32, #tpu.memory_space<hbm>>
      %dma_wait3A_109 = tpu.memref_slice %arg4[%mul3A_102] : memref<512xf32, #tpu.memory_space<hbm>> -> memref<16xf32, #tpu.memory_space<hbm>>
      tpu.wait_dma2 semaphore(%run_scoped3A : memref<!tpu.dma_semaphore, #tpu.memory_space<semaphore_mem>>) src(%arg12 : memref<16xf32, #tpu.memory_space<vmem>>) dst(%dma_wait3A_109 : memref<16xf32, #tpu.memory_space<hbm>>)
      tpu.yield
    }) : () -> ()
    %mul3A_103 = arith.constant 16 : i32
    %mul3A_104 = arith.muli %add3A, %mul3A_103 : i32
    "tpu.region"() ({
      %run_scoped3A = tpu.sem_alloc : memref<!tpu.dma_semaphore, #tpu.memory_space<semaphore_mem>>
      %dma_start3A_107 = tpu.memref_slice %arg5[%mul3A_104] : memref<512xf32, #tpu.memory_space<hbm>> -> memref<16xf32, #tpu.memory_space<hbm>>
      %dma_start3A_108 = tpu.memref_slice %arg5[%mul3A_104] : memref<512xf32, #tpu.memory_space<hbm>> -> memref<16xf32, #tpu.memory_space<hbm>>
      tpu.enqueue_dma source(%arg13 : memref<16xf32, #tpu.memory_space<vmem>>) target(%dma_start3A_108 : memref<16xf32, #tpu.memory_space<hbm>>) target_semaphore(%run_scoped3A : memref<!tpu.dma_semaphore, #tpu.memory_space<semaphore_mem>>)
      %dma_wait3A = tpu.memref_slice %arg5[%mul3A_104] : memref<512xf32, #tpu.memory_space<hbm>> -> memref<16xf32, #tpu.memory_space<hbm>>
      %dma_wait3A_109 = tpu.memref_slice %arg5[%mul3A_104] : memref<512xf32, #tpu.memory_space<hbm>> -> memref<16xf32, #tpu.memory_space<hbm>>
      tpu.wait_dma2 semaphore(%run_scoped3A : memref<!tpu.dma_semaphore, #tpu.memory_space<semaphore_mem>>) src(%arg13 : memref<16xf32, #tpu.memory_space<vmem>>) dst(%dma_wait3A_109 : memref<16xf32, #tpu.memory_space<hbm>>)
      tpu.yield
    }) : () -> ()
    %mul3A_105 = arith.constant 16 : i32
    %mul3A_106 = arith.muli %add3A, %mul3A_105 : i32
    "tpu.region"() ({
      %run_scoped3A = tpu.sem_alloc : memref<!tpu.dma_semaphore, #tpu.memory_space<semaphore_mem>>
      %dma_start3A_107 = tpu.memref_slice %arg6[%mul3A_106] : memref<512xi32, #tpu.memory_space<hbm>> -> memref<16xi32, #tpu.memory_space<hbm>>
      %dma_start3A_108 = tpu.memref_slice %arg6[%mul3A_106] : memref<512xi32, #tpu.memory_space<hbm>> -> memref<16xi32, #tpu.memory_space<hbm>>
      tpu.enqueue_dma source(%arg14 : memref<16xi32, #tpu.memory_space<vmem>>) target(%dma_start3A_108 : memref<16xi32, #tpu.memory_space<hbm>>) target_semaphore(%run_scoped3A : memref<!tpu.dma_semaphore, #tpu.memory_space<semaphore_mem>>)
      %dma_wait3A = tpu.memref_slice %arg6[%mul3A_106] : memref<512xi32, #tpu.memory_space<hbm>> -> memref<16xi32, #tpu.memory_space<hbm>>
      %dma_wait3A_109 = tpu.memref_slice %arg6[%mul3A_106] : memref<512xi32, #tpu.memory_space<hbm>> -> memref<16xi32, #tpu.memory_space<hbm>>
      tpu.wait_dma2 semaphore(%run_scoped3A : memref<!tpu.dma_semaphore, #tpu.memory_space<semaphore_mem>>) src(%arg14 : memref<16xi32, #tpu.memory_space<vmem>>) dst(%dma_wait3A_109 : memref<16xi32, #tpu.memory_space<hbm>>)
      tpu.yield
    }) : () -> ()
    return
  }
}

module attributes {stable_mosaic.version = 14 : i64} {
  func.func @_merge_body(%arg0: memref<512xf32, #tpu.memory_space<vmem>>, %arg1: memref<512xf32, #tpu.memory_space<vmem>>, %arg2: memref<512xf32, #tpu.memory_space<vmem>>, %arg3: memref<512xi32, #tpu.memory_space<vmem>>, %arg4: memref<1x128xf32, #tpu.memory_space<vmem>>, %arg5: memref<1x128xf32, #tpu.memory_space<vmem>>, %arg6: memref<1x128xi32, #tpu.memory_space<vmem>>, %arg7: memref<16384xf32, #tpu.memory_space<vmem>>) attributes {dimension_semantics = [], scalar_prefetch = 0 : i64, scratch_operands = 0 : i64, tpu.core_type = #tpu.core_type<tc>} {
    %get3A = arith.constant 0 : index
    %get3A_0 = vector.load %arg0[%get3A] : memref<512xf32, #tpu.memory_space<vmem>>, vector<512xf32>
    %mul3A = arith.mulf %get3A_0, %get3A_0 : vector<512xf32>
    %reduce_sum3A = vector.shape_cast %mul3A : vector<512xf32> to vector<1x512xf32>
    %reduce_sum3A_1 = arith.constant dense<0.000000e+00> : vector<1xf32>
    %reduce_sum3A_2 = vector.multi_reduction <add>, %reduce_sum3A, %reduce_sum3A_1 [1] : vector<1x512xf32> to vector<1xf32>
    %reduce_sum3A_3 = vector.shape_cast %reduce_sum3A_2 : vector<1xf32> to vector<1x1xf32>
    %reduce_sum3A_4 = vector.extract %reduce_sum3A_3[0, 0] : f32 from vector<1x1xf32>
    %get3A_5 = arith.constant 0 : index
    %get3A_6 = vector.load %arg1[%get3A_5] : memref<512xf32, #tpu.memory_space<vmem>>, vector<512xf32>
    %get3A_7 = arith.constant 0 : index
    %get3A_8 = vector.load %arg2[%get3A_7] : memref<512xf32, #tpu.memory_space<vmem>>, vector<512xf32>
    %get3A_9 = arith.constant 0 : index
    %get3A_10 = vector.load %arg3[%get3A_9] : memref<512xi32, #tpu.memory_space<vmem>>, vector<512xi32>
    %abs3A = math.absf %get3A_6 : vector<512xf32>
    %mul3A_11 = arith.mulf %get3A_6, %abs3A : vector<512xf32>
    %max3A = arith.constant 1.000000e-16 : f32
    %max3A_12 = vector.broadcast %max3A : f32 to vector<512xf32>
    %max3A_13 = arith.maximumf %get3A_8, %max3A_12 : vector<512xf32>
    %div3A = arith.divf %mul3A_11, %max3A_13 : vector<512xf32>
    %get3A_14 = arith.constant 0 : index
    %get3A_15 = arith.constant 0 : index
    %get3A_16 = vector.load %arg4[%get3A_14, %get3A_15] : memref<1x128xf32, #tpu.memory_space<vmem>>, vector<1x128xf32>
    %reduce_max3A = vector.shape_cast %get3A_16 : vector<1x128xf32> to vector<1x1x128xf32>
    %reduce_max3A_17 = arith.constant dense<0xFF800000> : vector<1xf32>
    %reduce_max3A_18 = vector.multi_reduction <maximumf>, %reduce_max3A, %reduce_max3A_17 [1, 2] : vector<1x1x128xf32> to vector<1xf32>
    %reduce_max3A_19 = vector.shape_cast %reduce_max3A_18 : vector<1xf32> to vector<1x1x1xf32>
    %reduce_max3A_20 = vector.extract %reduce_max3A_19[0, 0, 0] : f32 from vector<1x1x1xf32>
    %get3A_21 = arith.constant 0 : index
    %get3A_22 = arith.constant 0 : index
    %get3A_23 = vector.load %arg5[%get3A_21, %get3A_22] : memref<1x128xf32, #tpu.memory_space<vmem>>, vector<1x128xf32>
    %reduce_max3A_24 = vector.shape_cast %get3A_23 : vector<1x128xf32> to vector<1x1x128xf32>
    %reduce_max3A_25 = arith.constant dense<0xFF800000> : vector<1xf32>
    %reduce_max3A_26 = vector.multi_reduction <maximumf>, %reduce_max3A_24, %reduce_max3A_25 [1, 2] : vector<1x1x128xf32> to vector<1xf32>
    %reduce_max3A_27 = vector.shape_cast %reduce_max3A_26 : vector<1xf32> to vector<1x1x1xf32>
    %reduce_max3A_28 = vector.extract %reduce_max3A_27[0, 0, 0] : f32 from vector<1x1x1xf32>
    %get3A_29 = arith.constant 0 : index
    %get3A_30 = arith.constant 0 : index
    %get3A_31 = vector.load %arg6[%get3A_29, %get3A_30] : memref<1x128xi32, #tpu.memory_space<vmem>>, vector<1x128xi32>
    %reduce_max3A_32 = vector.shape_cast %get3A_31 : vector<1x128xi32> to vector<1x1x128xi32>
    %reduce_max3A_33 = arith.constant dense<-2147483648> : vector<1xi32>
    %reduce_max3A_34 = vector.multi_reduction <maxsi>, %reduce_max3A_32, %reduce_max3A_33 [1, 2] : vector<1x1x128xi32> to vector<1xi32>
    %reduce_max3A_35 = vector.shape_cast %reduce_max3A_34 : vector<1xi32> to vector<1x1x1xi32>
    %reduce_max3A_36 = vector.extract %reduce_max3A_35[0, 0, 0] : i32 from vector<1x1x1xi32>
    %abs3A_37 = math.absf %reduce_max3A_20 : f32
    %mul3A_38 = arith.mulf %reduce_max3A_20, %abs3A_37 : f32
    %max3A_39 = arith.constant 1.000000e-16 : f32
    %max3A_40 = arith.maximumf %reduce_max3A_28, %max3A_39 : f32
    %div3A_41 = arith.divf %mul3A_38, %max3A_40 : f32
    %reduce_max3A_42 = vector.shape_cast %div3A : vector<512xf32> to vector<1x512xf32>
    %reduce_max3A_43 = arith.constant dense<0xFF800000> : vector<1xf32>
    %reduce_max3A_44 = vector.multi_reduction <maximumf>, %reduce_max3A_42, %reduce_max3A_43 [1] : vector<1x512xf32> to vector<1xf32>
    %reduce_max3A_45 = vector.shape_cast %reduce_max3A_44 : vector<1xf32> to vector<1x1xf32>
    %reduce_max3A_46 = vector.extract %reduce_max3A_45[0, 0] : f32 from vector<1x1xf32>
    %max3A_47 = arith.maximumf %reduce_max3A_46, %div3A_41 : f32
    %eq3A = vector.broadcast %max3A_47 : f32 to vector<512xf32>
    %eq3A_48 = arith.cmpf oeq, %div3A, %eq3A : vector<512xf32>
    %jit3A = arith.constant 2147483647 : i32
    %broadcast_in_dim3A = vector.broadcast %jit3A : i32 to vector<512xi32>
    %select_n3A = arith.select %eq3A_48, %get3A_10, %broadcast_in_dim3A : vector<512xi1>, vector<512xi32>
    %reduce_min3A = vector.shape_cast %select_n3A : vector<512xi32> to vector<1x512xi32>
    %reduce_min3A_49 = arith.constant dense<2147483647> : vector<1xi32>
    %reduce_min3A_50 = vector.multi_reduction <minsi>, %reduce_min3A, %reduce_min3A_49 [1] : vector<1x512xi32> to vector<1xi32>
    %reduce_min3A_51 = vector.shape_cast %reduce_min3A_50 : vector<1xi32> to vector<1x1xi32>
    %reduce_min3A_52 = vector.extract %reduce_min3A_51[0, 0] : i32 from vector<1x1xi32>
    %eq3A_53 = arith.cmpf oeq, %div3A_41, %max3A_47 : f32
    %jit3A_54 = arith.constant 2147483647 : i32
    %select_n3A_55 = arith.select %eq3A_53, %reduce_max3A_36, %jit3A_54 : i32
    %min3A = arith.minsi %reduce_min3A_52, %select_n3A_55 : i32
    %eq3A_56 = vector.broadcast %max3A_47 : f32 to vector<512xf32>
    %eq3A_57 = arith.cmpf oeq, %div3A, %eq3A_56 : vector<512xf32>
    %jit3A_58 = arith.constant 2147483647 : i32
    %broadcast_in_dim3A_59 = vector.broadcast %jit3A_58 : i32 to vector<512xi32>
    %select_n3A_60 = arith.select %eq3A_57, %get3A_10, %broadcast_in_dim3A_59 : vector<512xi1>, vector<512xi32>
    %reduce_min3A_61 = vector.shape_cast %select_n3A_60 : vector<512xi32> to vector<1x512xi32>
    %reduce_min3A_62 = arith.constant dense<2147483647> : vector<1xi32>
    %reduce_min3A_63 = vector.multi_reduction <minsi>, %reduce_min3A_61, %reduce_min3A_62 [1] : vector<1x512xi32> to vector<1xi32>
    %reduce_min3A_64 = vector.shape_cast %reduce_min3A_63 : vector<1xi32> to vector<1x1xi32>
    %reduce_min3A_65 = vector.extract %reduce_min3A_64[0, 0] : i32 from vector<1x1xi32>
    %le3A = arith.cmpi sle, %reduce_min3A_65, %min3A : i32
    %eq3A_66 = arith.cmpi eq, %min3A, %reduce_max3A_36 : i32
    %eq3A_67 = vector.broadcast %min3A : i32 to vector<512xi32>
    %eq3A_68 = arith.cmpi eq, %get3A_10, %eq3A_67 : vector<512xi32>
    %jit3A_69 = arith.constant -3.400000e+38 : f32
    %broadcast_in_dim3A_70 = vector.broadcast %jit3A_69 : f32 to vector<512xf32>
    %select_n3A_71 = arith.select %eq3A_68, %get3A_6, %broadcast_in_dim3A_70 : vector<512xi1>, vector<512xf32>
    %reduce_max3A_72 = vector.shape_cast %select_n3A_71 : vector<512xf32> to vector<1x512xf32>
    %reduce_max3A_73 = arith.constant dense<0xFF800000> : vector<1xf32>
    %reduce_max3A_74 = vector.multi_reduction <maximumf>, %reduce_max3A_72, %reduce_max3A_73 [1] : vector<1x512xf32> to vector<1xf32>
    %reduce_max3A_75 = vector.shape_cast %reduce_max3A_74 : vector<1xf32> to vector<1x1xf32>
    %reduce_max3A_76 = vector.extract %reduce_max3A_75[0, 0] : f32 from vector<1x1xf32>
    %select_n3A_77 = arith.select %eq3A_66, %reduce_max3A_20, %reduce_max3A_76 : f32
    %eq3A_78 = arith.cmpi eq, %min3A, %reduce_max3A_36 : i32
    %eq3A_79 = vector.broadcast %min3A : i32 to vector<512xi32>
    %eq3A_80 = arith.cmpi eq, %get3A_10, %eq3A_79 : vector<512xi32>
    %jit3A_81 = arith.constant -3.400000e+38 : f32
    %broadcast_in_dim3A_82 = vector.broadcast %jit3A_81 : f32 to vector<512xf32>
    %select_n3A_83 = arith.select %eq3A_80, %get3A_8, %broadcast_in_dim3A_82 : vector<512xi1>, vector<512xf32>
    %reduce_max3A_84 = vector.shape_cast %select_n3A_83 : vector<512xf32> to vector<1x512xf32>
    %reduce_max3A_85 = arith.constant dense<0xFF800000> : vector<1xf32>
    %reduce_max3A_86 = vector.multi_reduction <maximumf>, %reduce_max3A_84, %reduce_max3A_85 [1] : vector<1x512xf32> to vector<1xf32>
    %reduce_max3A_87 = vector.shape_cast %reduce_max3A_86 : vector<1xf32> to vector<1x1xf32>
    %reduce_max3A_88 = vector.extract %reduce_max3A_87[0, 0] : f32 from vector<1x1xf32>
    %select_n3A_89 = arith.select %eq3A_78, %reduce_max3A_28, %reduce_max3A_88 : f32
    %eq3A_90 = vector.broadcast %min3A : i32 to vector<512xi32>
    %eq3A_91 = arith.cmpi eq, %get3A_10, %eq3A_90 : vector<512xi32>
    %jit3A_92 = arith.constant -3.400000e+38 : f32
    %broadcast_in_dim3A_93 = vector.broadcast %jit3A_92 : f32 to vector<512xf32>
    %select_n3A_94 = arith.select %eq3A_91, %get3A_6, %broadcast_in_dim3A_93 : vector<512xi1>, vector<512xf32>
    %reduce_max3A_95 = vector.shape_cast %select_n3A_94 : vector<512xf32> to vector<1x512xf32>
    %reduce_max3A_96 = arith.constant dense<0xFF800000> : vector<1xf32>
    %reduce_max3A_97 = vector.multi_reduction <maximumf>, %reduce_max3A_95, %reduce_max3A_96 [1] : vector<1x512xf32> to vector<1xf32>
    %reduce_max3A_98 = vector.shape_cast %reduce_max3A_97 : vector<1xf32> to vector<1x1xf32>
    %reduce_max3A_99 = vector.extract %reduce_max3A_98[0, 0] : f32 from vector<1x1xf32>
    %select_n3A_100 = arith.select %le3A, %reduce_max3A_99, %select_n3A_77 : f32
    %eq3A_101 = vector.broadcast %min3A : i32 to vector<512xi32>
    %eq3A_102 = arith.cmpi eq, %get3A_10, %eq3A_101 : vector<512xi32>
    %jit3A_103 = arith.constant -3.400000e+38 : f32
    %broadcast_in_dim3A_104 = vector.broadcast %jit3A_103 : f32 to vector<512xf32>
    %select_n3A_105 = arith.select %eq3A_102, %get3A_8, %broadcast_in_dim3A_104 : vector<512xi1>, vector<512xf32>
    %reduce_max3A_106 = vector.shape_cast %select_n3A_105 : vector<512xf32> to vector<1x512xf32>
    %reduce_max3A_107 = arith.constant dense<0xFF800000> : vector<1xf32>
    %reduce_max3A_108 = vector.multi_reduction <maximumf>, %reduce_max3A_106, %reduce_max3A_107 [1] : vector<1x512xf32> to vector<1xf32>
    %reduce_max3A_109 = vector.shape_cast %reduce_max3A_108 : vector<1xf32> to vector<1x1xf32>
    %reduce_max3A_110 = vector.extract %reduce_max3A_109[0, 0] : f32 from vector<1x1xf32>
    %select_n3A_111 = arith.select %le3A, %reduce_max3A_110, %select_n3A_89 : f32
    %sqrt3A = math.sqrt %select_n3A_111 : f32
    %max3A_112 = arith.constant 9.99999993E-9 : f32
    %max3A_113 = arith.maximumf %sqrt3A, %max3A_112 : f32
    %sqrt3A_114 = math.sqrt %reduce_sum3A_4 : f32
    %max3A_115 = arith.constant 9.99999993E-9 : f32
    %max3A_116 = arith.maximumf %sqrt3A_114, %max3A_115 : f32
    %mul3A_117 = arith.mulf %max3A_113, %max3A_116 : f32
    %div3A_118 = arith.divf %select_n3A_100, %mul3A_117 : f32
    %iota3A = tpu.iota {dimensions = array<i32: 1>} : vector<1x16384xi32>
    %iota3A_119 = vector.shape_cast %iota3A : vector<1x16384xi32> to vector<16384xi32>
    %eq3A_120 = vector.broadcast %min3A : i32 to vector<16384xi32>
    %eq3A_121 = arith.cmpi eq, %iota3A_119, %eq3A_120 : vector<16384xi32>
    %jit3A_122 = arith.constant 0.000000e+00 : f32
    %broadcast_in_dim3A_123 = vector.broadcast %div3A_118 : f32 to vector<16384xf32>
    %broadcast_in_dim3A_124 = vector.broadcast %jit3A_122 : f32 to vector<16384xf32>
    %select_n3A_125 = arith.select %eq3A_121, %broadcast_in_dim3A_123, %broadcast_in_dim3A_124 : vector<16384xi1>, vector<16384xf32>
    %swap3A = arith.constant 0 : index
    %swap3A_126 = vector.load %arg7[%swap3A] : memref<16384xf32, #tpu.memory_space<vmem>>, vector<16384xf32>
    tpu.vector_store %arg7[%swap3A], %select_n3A_125 {strides = array<i32>} : memref<16384xf32, #tpu.memory_space<vmem>>, vector<16384xf32>,
    return
  }
}

module attributes {stable_mosaic.version = 14 : i64} {
  func.func @_tc_scan_body(%arg0: i32, %arg1: memref<512xf32, #tpu.memory_space<vmem>>, %arg2: memref<2048x512xf32, #tpu.memory_space<vmem>>, %arg3: memref<1x128xf32, #tpu.memory_space<vmem>>, %arg4: memref<1x128xf32, #tpu.memory_space<vmem>>, %arg5: memref<1x128xi32, #tpu.memory_space<vmem>>, %arg6: memref<4xf32, #tpu.memory_space<smem>>, %arg7: memref<2xi32, #tpu.memory_space<smem>>) attributes {dimension_semantics = [#tpu.dimension_semantics<arbitrary>], iteration_bounds = array<i64: 6>, scalar_prefetch = 0 : i64, scratch_operands = 2 : i64, tpu.core_type = #tpu.core_type<tc>, window_params = [{pipeline_mode = #tpu.pipeline_mode<synchronous>, transform_indices = @transform_0, window_bounds = array<i64: 512>}, {transform_indices = @transform_1, window_bounds = array<i64: 2048, 512>}, {pipeline_mode = #tpu.pipeline_mode<synchronous>, transform_indices = @transform_2, window_bounds = array<i64: 1, 128>}, {pipeline_mode = #tpu.pipeline_mode<synchronous>, transform_indices = @transform_3, window_bounds = array<i64: 1, 128>}, {pipeline_mode = #tpu.pipeline_mode<synchronous>, transform_indices = @transform_4, window_bounds = array<i64: 1, 128>}]} {
    %get3A = arith.constant 0 : index
    %get3A_0 = vector.load %arg1[%get3A] : memref<512xf32, #tpu.memory_space<vmem>>, vector<512xf32>
    %reshape3A = vector.shape_cast %get3A_0 : vector<512xf32> to vector<1x512xf32>
    %broadcast_in_dim3A = arith.constant 1.000000e+00 : f32
    %broadcast_in_dim3A_1 = vector.broadcast %broadcast_in_dim3A : f32 to vector<1x512xf32>
    %eq3A = arith.constant 0 : i32
    %eq3A_2 = arith.cmpi eq, %arg0, %eq3A : i32
    %convert_element_type3A = arith.extui %eq3A_2 : i1 to i32
    %cond3A = arith.constant 0 : i32
    %cond3A_3 = arith.cmpi ne, %convert_element_type3A, %cond3A : i32
    scf.if %cond3A_3 {
      %swap3A = arith.constant -3.400000e+38 : f32
      %swap3A_57 = arith.constant 0 : index
      %swap3A_58 = memref.load %arg6[%swap3A_57] : memref<4xf32, #tpu.memory_space<smem>>
      memref.store %swap3A, %arg6[%swap3A_57] : memref<4xf32, #tpu.memory_space<smem>>
      %swap3A_59 = arith.constant 0.000000e+00 : f32
      %swap3A_60 = arith.constant 1 : index
      %swap3A_61 = memref.load %arg6[%swap3A_60] : memref<4xf32, #tpu.memory_space<smem>>
      memref.store %swap3A_59, %arg6[%swap3A_60] : memref<4xf32, #tpu.memory_space<smem>>
      %swap3A_62 = arith.constant 1.000000e+00 : f32
      %swap3A_63 = arith.constant 2 : index
      %swap3A_64 = memref.load %arg6[%swap3A_63] : memref<4xf32, #tpu.memory_space<smem>>
      memref.store %swap3A_62, %arg6[%swap3A_63] : memref<4xf32, #tpu.memory_space<smem>>
      %swap3A_65 = arith.constant 2147483647 : i32
      %swap3A_66 = arith.constant 0 : index
      %swap3A_67 = memref.load %arg7[%swap3A_66] : memref<2xi32, #tpu.memory_space<smem>>
      memref.store %swap3A_65, %arg7[%swap3A_66] : memref<2xi32, #tpu.memory_space<smem>>
    } else {
    }
    %get3A_4 = arith.constant 0 : index
    %get3A_5 = arith.constant 0 : index
    %get3A_6 = vector.load %arg2[%get3A_4, %get3A_5] : memref<2048x512xf32, #tpu.memory_space<vmem>>, vector<2048x512xf32>
    %dot_general3A = arith.constant dense<0.000000e+00> : vector<1x2048xf32>
    %dot_general3A_7 = tpu.matmul %reshape3A, %get3A_6, %dot_general3A {dimension_numbers = #tpu.dot_dimension_numbers<[1], [1], [0], [0], [0, 0, 1, 0], [], []>, transpose_lhs_hint = false} : vector<1x512xf32>, vector<2048x512xf32>, vector<1x2048xf32> -> vector<1x2048xf32>
    %mul3A = arith.mulf %get3A_6, %get3A_6 : vector<2048x512xf32>
    %dot_general3A_8 = arith.constant dense<0.000000e+00> : vector<1x2048xf32>
    %dot_general3A_9 = tpu.matmul %broadcast_in_dim3A_1, %mul3A, %dot_general3A_8 {dimension_numbers = #tpu.dot_dimension_numbers<[1], [1], [0], [0], [0, 0, 1, 0], [], []>, transpose_lhs_hint = false} : vector<1x512xf32>, vector<2048x512xf32>, vector<1x2048xf32> -> vector<1x2048xf32>
    %abs3A = math.absf %dot_general3A_7 : vector<1x2048xf32>
    %mul3A_10 = arith.mulf %dot_general3A_7, %abs3A : vector<1x2048xf32>
    %max3A = arith.constant 1.000000e-16 : f32
    %max3A_11 = vector.broadcast %max3A : f32 to vector<1x2048xf32>
    %max3A_12 = arith.maximumf %dot_general3A_9, %max3A_11 : vector<1x2048xf32>
    %div3A = arith.divf %mul3A_10, %max3A_12 : vector<1x2048xf32>
    %mul3A_13 = arith.constant 2048 : i32
    %mul3A_14 = arith.muli %arg0, %mul3A_13 : i32
    %add3A = arith.constant 4096 : i32
    %add3A_15 = arith.addi %add3A, %mul3A_14 : i32
    %iota3A = tpu.iota {dimensions = array<i32: 1>} : vector<1x2048xi32>
    %add3A_16 = vector.broadcast %add3A_15 : i32 to vector<1x2048xi32>
    %add3A_17 = arith.addi %add3A_16, %iota3A : vector<1x2048xi32>
    %reduce_max3A = vector.shape_cast %div3A : vector<1x2048xf32> to vector<1x1x2048xf32>
    %reduce_max3A_18 = arith.constant dense<0xFF800000> : vector<1xf32>
    %reduce_max3A_19 = vector.multi_reduction <maximumf>, %reduce_max3A, %reduce_max3A_18 [1, 2] : vector<1x1x2048xf32> to vector<1xf32>
    %reduce_max3A_20 = vector.shape_cast %reduce_max3A_19 : vector<1xf32> to vector<1x1x1xf32>
    %reduce_max3A_21 = vector.extract %reduce_max3A_20[0, 0, 0] : f32 from vector<1x1x1xf32>
    %eq3A_22 = vector.broadcast %reduce_max3A_21 : f32 to vector<1x2048xf32>
    %eq3A_23 = arith.cmpf oeq, %div3A, %eq3A_22 : vector<1x2048xf32>
    %jit3A = arith.constant 2147483647 : i32
    %broadcast_in_dim3A_24 = vector.broadcast %jit3A : i32 to vector<1x2048xi32>
    %select_n3A = arith.select %eq3A_23, %add3A_17, %broadcast_in_dim3A_24 : vector<1x2048xi1>, vector<1x2048xi32>
    %reduce_min3A = vector.shape_cast %select_n3A : vector<1x2048xi32> to vector<1x1x2048xi32>
    %reduce_min3A_25 = arith.constant dense<2147483647> : vector<1xi32>
    %reduce_min3A_26 = vector.multi_reduction <minsi>, %reduce_min3A, %reduce_min3A_25 [1, 2] : vector<1x1x2048xi32> to vector<1xi32>
    %reduce_min3A_27 = vector.shape_cast %reduce_min3A_26 : vector<1xi32> to vector<1x1x1xi32>
    %reduce_min3A_28 = vector.extract %reduce_min3A_27[0, 0, 0] : i32 from vector<1x1x1xi32>
    %eq3A_29 = vector.broadcast %reduce_min3A_28 : i32 to vector<1x2048xi32>
    %eq3A_30 = arith.cmpi eq, %add3A_17, %eq3A_29 : vector<1x2048xi32>
    %jit3A_31 = arith.constant -3.400000e+38 : f32
    %broadcast_in_dim3A_32 = vector.broadcast %jit3A_31 : f32 to vector<1x2048xf32>
    %select_n3A_33 = arith.select %eq3A_30, %dot_general3A_7, %broadcast_in_dim3A_32 : vector<1x2048xi1>, vector<1x2048xf32>
    %reduce_max3A_34 = vector.shape_cast %select_n3A_33 : vector<1x2048xf32> to vector<1x1x2048xf32>
    %reduce_max3A_35 = arith.constant dense<0xFF800000> : vector<1xf32>
    %reduce_max3A_36 = vector.multi_reduction <maximumf>, %reduce_max3A_34, %reduce_max3A_35 [1, 2] : vector<1x1x2048xf32> to vector<1xf32>
    %reduce_max3A_37 = vector.shape_cast %reduce_max3A_36 : vector<1xf32> to vector<1x1x1xf32>
    %reduce_max3A_38 = vector.extract %reduce_max3A_37[0, 0, 0] : f32 from vector<1x1x1xf32>
    %jit3A_39 = arith.constant -3.400000e+38 : f32
    %broadcast_in_dim3A_40 = vector.broadcast %jit3A_39 : f32 to vector<1x2048xf32>
    %select_n3A_41 = arith.select %eq3A_30, %dot_general3A_9, %broadcast_in_dim3A_40 : vector<1x2048xi1>, vector<1x2048xf32>
    %reduce_max3A_42 = vector.shape_cast %select_n3A_41 : vector<1x2048xf32> to vector<1x1x2048xf32>
    %reduce_max3A_43 = arith.constant dense<0xFF800000> : vector<1xf32>
    %reduce_max3A_44 = vector.multi_reduction <maximumf>, %reduce_max3A_42, %reduce_max3A_43 [1, 2] : vector<1x1x2048xf32> to vector<1xf32>
    %reduce_max3A_45 = vector.shape_cast %reduce_max3A_44 : vector<1xf32> to vector<1x1x1xf32>
    %reduce_max3A_46 = vector.extract %reduce_max3A_45[0, 0, 0] : f32 from vector<1x1x1xf32>
    %get3A_47 = arith.constant 0 : index
    %get3A_48 = memref.load %arg6[%get3A_47] : memref<4xf32, #tpu.memory_space<smem>>
    %gt3A = arith.cmpf ogt, %reduce_max3A_21, %get3A_48 : f32
    %convert_element_type3A_49 = arith.extui %gt3A : i1 to i32
    %cond3A_50 = arith.constant 0 : i32
    %cond3A_51 = arith.cmpi ne, %convert_element_type3A_49, %cond3A_50 : i32
    scf.if %cond3A_51 {
      %swap3A = arith.constant 0 : index
      %swap3A_57 = memref.load %arg6[%swap3A] : memref<4xf32, #tpu.memory_space<smem>>
      memref.store %reduce_max3A_21, %arg6[%swap3A] : memref<4xf32, #tpu.memory_space<smem>>
      %swap3A_58 = arith.constant 1 : index
      %swap3A_59 = memref.load %arg6[%swap3A_58] : memref<4xf32, #tpu.memory_space<smem>>
      memref.store %reduce_max3A_38, %arg6[%swap3A_58] : memref<4xf32, #tpu.memory_space<smem>>
      %swap3A_60 = arith.constant 2 : index
      %swap3A_61 = memref.load %arg6[%swap3A_60] : memref<4xf32, #tpu.memory_space<smem>>
      memref.store %reduce_max3A_46, %arg6[%swap3A_60] : memref<4xf32, #tpu.memory_space<smem>>
      %swap3A_62 = arith.constant 0 : index
      %swap3A_63 = memref.load %arg7[%swap3A_62] : memref<2xi32, #tpu.memory_space<smem>>
      memref.store %reduce_min3A_28, %arg7[%swap3A_62] : memref<2xi32, #tpu.memory_space<smem>>
    } else {
    }
    %eq3A_52 = arith.constant 5 : i32
    %eq3A_53 = arith.cmpi eq, %arg0, %eq3A_52 : i32
    %convert_element_type3A_54 = arith.extui %eq3A_53 : i1 to i32
    %cond3A_55 = arith.constant 0 : i32
    %cond3A_56 = arith.cmpi ne, %convert_element_type3A_54, %cond3A_55 : i32
    scf.if %cond3A_56 {
      %get3A_57 = arith.constant 1 : index
      %get3A_58 = memref.load %arg6[%get3A_57] : memref<4xf32, #tpu.memory_space<smem>>
      %broadcast_in_dim3A_59 = vector.broadcast %get3A_58 : f32 to vector<1x128xf32>
      %swap3A = arith.constant 0 : index
      %swap3A_60 = arith.constant 0 : index
      %swap3A_61 = vector.load %arg3[%swap3A, %swap3A_60] : memref<1x128xf32, #tpu.memory_space<vmem>>, vector<1x128xf32>
      tpu.vector_store %arg3[%swap3A, %swap3A_60], %broadcast_in_dim3A_59 {strides = array<i32>} : memref<1x128xf32, #tpu.memory_space<vmem>>, vector<1x128xf32>,
      %get3A_62 = arith.constant 2 : index
      %get3A_63 = memref.load %arg6[%get3A_62] : memref<4xf32, #tpu.memory_space<smem>>
      %broadcast_in_dim3A_64 = vector.broadcast %get3A_63 : f32 to vector<1x128xf32>
      %swap3A_65 = arith.constant 0 : index
      %swap3A_66 = arith.constant 0 : index
      %swap3A_67 = vector.load %arg4[%swap3A_65, %swap3A_66] : memref<1x128xf32, #tpu.memory_space<vmem>>, vector<1x128xf32>
      tpu.vector_store %arg4[%swap3A_65, %swap3A_66], %broadcast_in_dim3A_64 {strides = array<i32>} : memref<1x128xf32, #tpu.memory_space<vmem>>, vector<1x128xf32>,
      %get3A_68 = arith.constant 0 : index
      %get3A_69 = memref.load %arg7[%get3A_68] : memref<2xi32, #tpu.memory_space<smem>>
      %broadcast_in_dim3A_70 = vector.broadcast %get3A_69 : i32 to vector<1x128xi32>
      %swap3A_71 = arith.constant 0 : index
      %swap3A_72 = arith.constant 0 : index
      %swap3A_73 = vector.load %arg5[%swap3A_71, %swap3A_72] : memref<1x128xi32, #tpu.memory_space<vmem>>, vector<1x128xi32>
      tpu.vector_store %arg5[%swap3A_71, %swap3A_72], %broadcast_in_dim3A_70 {strides = array<i32>} : memref<1x128xi32, #tpu.memory_space<vmem>>, vector<1x128xi32>,
    } else {
    }
    return
  }
  func.func @transform_0(%arg0: i32) -> i32 {
    %c0_i32 = arith.constant 0 : i32
    %c0_i32_0 = arith.constant 0 : i32
    return %c0_i32 : i32
  }
  func.func @transform_1(%arg0: i32) -> (i32, i32) {
    %add3A = arith.constant 2 : i32
    %add3A_0 = arith.addi %arg0, %add3A : i32
    %c0_i32 = arith.constant 0 : i32
    %c0_i32_1 = arith.constant 0 : i32
    return %add3A_0, %c0_i32 : i32, i32
  }
  func.func @transform_2(%arg0: i32) -> (i32, i32) {
    %c0_i32 = arith.constant 0 : i32
    %c0_i32_0 = arith.constant 0 : i32
    %c0_i32_1 = arith.constant 0 : i32
    return %c0_i32, %c0_i32_0 : i32, i32
  }
  func.func @transform_3(%arg0: i32) -> (i32, i32) {
    %c0_i32 = arith.constant 0 : i32
    %c0_i32_0 = arith.constant 0 : i32
    %c0_i32_1 = arith.constant 0 : i32
    return %c0_i32, %c0_i32_0 : i32, i32
  }
  func.func @transform_4(%arg0: i32) -> (i32, i32) {
    %c0_i32 = arith.constant 0 : i32
    %c0_i32_0 = arith.constant 0 : i32
    %c0_i32_1 = arith.constant 0 : i32
    return %c0_i32, %c0_i32_0 : i32, i32
  }
}

</mosaic_0001>

<sc_bundles>
// kernel: kernel.5.cloned.1.call-start
scs
__scs_entry_jumppad:
0x0: {  	(pc) =	sbr.rel $0x88, $3  }
0x1: {  	(tag) =	ssettag $0x0;
	lr =	simm.s32 $0x1  }
0x2: {  	[smem:$0x3F9F] =	sst lr;
	_ =	strace $0xD0000000  }
0x3: {  	_ = 	snop  }
0x4: {  	_ = 	snop  }
0x5: {  	_ = 	snop  }
0x6: {  	_ = 	snop  }
0x7: {  	_ = 	snop  }
__scs_overlays_trampoline_lowered:
0x8: {  	[smem:$0x3FAE] =	sst s0  }
0x9: {  	[smem:$0x3FAF] =	sst s1  }
0xa: {  	[smem:$0x3FB0] =	sst s2  }
0xb: {  	[smem:$0x3FB1] =	sst s3  }
0xc: {  	[smem:$0x3FB2] =	sst s4  }
0xd: {  	[smem:$0x3FB3] =	sst s5  }
0xe: {  	[smem:$0x3FB4] =	sst s6  }
0xf: {  	[smem:$0x3FB5] =	sst s7  }
0x10: {  	[smem:$0x3FB6] =	sst s8  }
0x11: {  	[smem:$0x3FB7] =	sst s9;
	s0 =	simm.s32 @!p0 $0x0  }
0x12: {  	s1 =	sld [smem:$0x3F9D];
	s0 =	simm.s32 @p0 $0x1  }
0x13: {  	[smem:$0x3FB8] =	sst s0;
	s0 =	simm.s32 @!p1 $0x0  }
0x14: {  	s2 =	sld [smem:$0x3F9C];
	s0 =	simm.s32 @p1 $0x1  }
0x15: {  	[smem:$0x3FB9] =	sst s0;
	s0 =	simm.s32 @!p2 $0x0  }
0x16: {  	s3 =	sld [smem:$0x3FDB];
	s0 =	simm.s32 @p2 $0x1  }
0x17: {  	s4 =	simm.s32 $0x1BF5;
	[smem:$0x3FBB] =	sst s0  }
0x18: {  	s0 =	sld [smem:$0x3F9E];
	_ =	swait.ge [sflag:s4], $0x0  }
0x19: {  	s7 =	sld [smem:$0x3F9F]  }
0x1a: {  	s8 =	sadd.s32 $0xFFFFE003, lr  }
0x1b: {  	s9 =	sadd.s32 $0xFFFFFEF7, lr;
	s5 =	simm.s32 $0xFFFFFFFF;
	p2 =	slt.u32 s8, $0xFFFFF086  }
0x1c: {  	p1 =	slt.u32 s9, $0xF7A;
	s5 =	simm.s32 @!p2 $0x0  }
0x1d: {  	s5 =	simm.s32 @p1 $0x1;
	p0 =	seq.s32 s7, s2  }
0x1e: {  	s7 =	smul.u32 @!p0 $0xF7A, s2;
	p2 =	seq.s32 @!p0 s5, $0x0  }
0x1f: {  	s9 =	smul.u32 $0xF7A, s1;
	s8 =	simm.s32 @!p0 $0x1BF5;
	p2 =	por !p2, p0  }
0x20: {  	[sflag:s8] =	ssyncset.s32 @!p0 $0xFFFFF086;
	s6 =	sadd.s32 @!p0 s3, s7;
	s7 =	simm.s32 @!p0 $0x108  }
0x21: {  	s3 =	sadd.s32 s3, s9;
	s6 =	sadd.s32 @!p0 $0x88, s6;
	s7 =	simm.s32 @p2 $0x1082  }
0x22: {  	[simem:s7], [sflag:s8] =	dma.local @!p0 [hbm:s6], $0xF7A  }
0x23: {  	s9 =	sor.u32 $0xD0000000, s2;
	s6 =	simm.s32 $0x108;
	_ =	swait.ge @!p0 [sflag:s8], $0x0  }
0x24: {  	s3 =	sadd.s32 $0x88, s3;
	s6 =	simm.s32 @!p1 $0x1082;
	[sflag:s4] =	ssyncset.s32 $0xFFFFF086  }
0x25: {  	[simem:s6], [sflag:s4] =	dma.local [hbm:s3], $0xF7A  }
0x26: {  	[smem:$0x3F9F] =	sst s1;
	(tag) =	ssettag s2;
	_ =	strace s9  }
0x27: {  	s1 =	sld [smem:$0x3FAF]  }
0x28: {  	s2 =	sld [smem:$0x3FB0]  }
0x29: {  	s4 =	sld [smem:$0x3FB2]  }
0x2a: {  	p0 =	seq.s32 s5, $0x0;
	s5 =	sld [smem:$0x3FB3]  }
0x2b: {  	s6 =	sld [smem:$0x3FB4]  }
0x2c: {  	s7 =	sld [smem:$0x3FB5]  }
0x2d: {  	s3 =	simm.s32 $0x108;
	s8 =	sld [smem:$0x3FB6]  }
0x2e: {  	s3 =	simm.s32 @!p0 $0x1082;
	s9 =	sld [smem:$0x3FB7]  }
0x2f: {  	lr =	sadd.s32 s0, s3;
	s0 =	sld [smem:$0x3FAE]  }
0x30: {  	s3 =	sld [smem:$0x3FB1]  }
0x31: {  	[smem:$0x3FBA] =	sst s10  }
0x32: {  	s10 =	sld [smem:$0x3FB8];
	_ =	sdelay $0x3  }
0x33: {  	p0 =	seq.s32 s10, $0x1;
	s10 =	sld [smem:$0x3FBA];
	_ =	sdelay $0x3  }
0x34: {  	[smem:$0x3FBA] =	sst s10  }
0x35: {  	s10 =	sld [smem:$0x3FB9];
	_ =	sdelay $0x3  }
0x36: {  	p1 =	seq.s32 s10, $0x1;
	s10 =	sld [smem:$0x3FBA];
	_ =	sdelay $0x3  }
0x37: {  	[smem:$0x3FBA] =	sst s10  }
0x38: {  	s10 =	sld [smem:$0x3FBB]  }
0x39: {  	_ = 	snop;
	(pc) =	sbr.ind lr, $3  }
0x3a: {  	_ = 	snop  }
0x3b: {  	_ = 	snop  }
0x3c: {  	p2 =	seq.s32 s10, $0x1;
	s10 =	sld [smem:$0x3FBA]  }
0x3d: {  	_ =	shalt  }
0x3e: {  	_ =	shalt  }
0x3f: {  	_ =	shalt  }
0x40: {  	_ =	shalt  }
0x41: {  	_ =	shalt  }
0x42: {  	_ =	shalt  }
0x43: {  	_ =	shalt  }
0x44: {  	_ =	shalt  }
0x45: {  	_ =	shalt  }
0x46: {  	_ =	shalt  }
0x47: {  	_ =	shalt  }
0x48: {  	_ =	shalt  }
0x49: {  	_ =	shalt  }
0x4a: {  	_ =	shalt  }
0x4b: {  	_ =	shalt  }
0x4c: {  	_ =	shalt  }
0x4d: {  	_ =	shalt  }
0x4e: {  	_ =	shalt  }
0x4f: {  	_ =	shalt  }
0x50: {  	_ =	shalt  }
0x51: {  	_ =	shalt  }
0x52: {  	_ =	shalt  }
0x53: {  	_ =	shalt  }
0x54: {  	_ =	shalt  }
0x55: {  	_ =	shalt  }
0x56: {  	_ =	shalt  }
0x57: {  	_ =	shalt  }
0x58: {  	_ =	shalt  }
0x59: {  	_ =	shalt  }
0x5a: {  	_ =	shalt  }
0x5b: {  	_ =	shalt  }
0x5c: {  	_ =	shalt  }
0x5d: {  	_ =	shalt  }
0x5e: {  	_ =	shalt  }
0x5f: {  	_ =	shalt  }
0x60: {  	_ =	shalt  }
0x61: {  	_ =	shalt  }
0x62: {  	_ =	shalt  }
0x63: {  	_ =	shalt  }
0x64: {  	_ =	shalt  }
0x65: {  	_ =	shalt  }
0x66: {  	_ =	shalt  }
0x67: {  	_ =	shalt  }
0x68: {  	_ =	shalt  }
0x69: {  	_ =	shalt  }
0x6a: {  	_ =	shalt  }
0x6b: {  	_ =	shalt  }
0x6c: {  	_ =	shalt  }
0x6d: {  	_ =	shalt  }
0x6e: {  	_ =	shalt  }
0x6f: {  	_ =	shalt  }
0x70: {  	_ =	shalt  }
0x71: {  	_ =	shalt  }
0x72: {  	_ =	shalt  }
0x73: {  	_ =	shalt  }
0x74: {  	_ =	shalt  }
0x75: {  	_ =	shalt  }
0x76: {  	_ =	shalt  }
0x77: {  	_ =	shalt  }
0x78: {  	_ =	shalt  }
0x79: {  	_ =	shalt  }
0x7a: {  	_ =	shalt  }
0x7b: {  	_ =	shalt  }
0x7c: {  	_ =	shalt  }
0x7d: {  	_ =	shalt  }
0x7e: {  	_ =	shalt  }
0x7f: {  	_ =	shalt  }
0x80: {  	_ =	shalt  }
0x81: {  	_ =	shalt  }
0x82: {  	_ =	shalt  }
0x83: {  	_ =	shalt  }
0x84: {  	_ =	shalt  }
0x85: {  	_ =	shalt  }
0x86: {  	_ =	shalt  }
0x87: {  	_ =	shalt  }
.Lfunc_end0:
.L_simem_size_0:
called_computation_lowered:
.L_overlay_start_0:
0x88: {  	s2 =	sld [smem:$0x3FD9]  }
0x89: {  	s3 =	sld [smem:$0x3FFE];
	_ =	sdelay $0x1  }
0x8a: {  	s1 =	srdreg.scid  }
0x8b: {  	s0 =	sand.u32 $0x1, s1  }
0x8c: {  	s17 =	sshll.u32 s0, $0xA;
	s2 =	sadd.s32 s3, s2  }
0x8d: {  	s2 =	sadd.s32 s2, s17  }
0x8e: {  	[smem:$0x3FC6] =	sst s2  }
0x8f: {  	_ = 	snop  }
0x90: {  	s2 =	sld [smem:$0x3FC9]  }
0x91: {  	s18 =	sld [smem:$0x3FC8]  }
0x92: {  	s4 =	sld [smem:$0x3FD0];
	(tm) =	ssettm $0x1  }
0x93: {  	s5 =	sld [smem:$0x3FFB];
	_ =	sdelay $0x3  }
0x94: {  	_ =	strace s5  }
0x95: {  	s5 =	sld [smem:$0x3FFC];
	_ =	sdelay $0x3  }
0x96: {  	_ =	strace s5  }
0x97: {  	s5 =	sld [smem:$0x3FFD];
	_ =	sdelay $0x3  }
0x98: {  	_ =	strace s5  }
0x99: {  	_ =	strace $0x8FFFFFFF  }
0x9a: {  	s19 =	sld [smem:$0x3FDB];
	_ =	sdelay $0x1  }
0x9b: {  	s6 =	simm.s32 $_scs_section_size  }
0x9c: {  	s7 =	simm.s32 $_size__tile_overlayer_lowered;
	s8 =	simm.s32 $_tile_overlayer_lowered  }
0x9d: {  	s22 =	simm.s32 $0x1BFF;
	s21 =	sshll.u32 s8, $0x1;
	s5 =	sadd.s32 s6, s19  }
0x9e: {  	s9 =	simm.s32 $0x0;
	s20 =	sshll.u32 s7, $0x1;
	s7 =	sadd.s32 s21, s5  }
0x9f: {  	[timem:s9], [sflag:s22] =	dma.local [hbm:s7], s20  }
0xa0: {  	_ =	swait.ge [sflag:s22], s20  }
0xa1: {  	s6 =	ssub.s32 $0x0, s20;
	[sflag:s22] =	ssyncset.done $0x0  }
0xa2: {  	[sflag:s22] =	ssyncadd.s32 s6;
	_ =	sdelay $0x1  }
0xa3: {  	s23 =	simm.s32 $0x1B8B  }
0xa4: {  	_ =	swait.ge [sflag:s23], $0x1  }
0xa5: {  	[sflag:s23] =	ssyncset.done $0x0  }
0xa6: {  	s25 =	simm.s32 $0x1B8E;
	s24 =	sld [smem:$0x3FFE];
	[sflag:s23] =	ssyncadd.s32 $0xFFFFFFFF  }
0xa7: {  	s26 =	simm.s32 $execute0_lowered;
	[smem:$0x3FD2] =	sst s25  }
0xa8: {  	s7 =	sshll.u32 s26, $0x1;
	_ =	strace $0x80000046;
	[dreg:$0x1] =	wrdreg $0xFFFFFFFF  }
0xa9: {  	s28 =	simm.s32 $_size_execute0_lowered;
	s5 =	sadd.s32 s5, s7;
	[dreg:$0x0] =	wrdreg $0x0  }
0xaa: {  	s7 =	sshll.u32 s28, $0x1;
	[dreg:$0x2] =	wrdreg s5  }
0xab: {  	[dreg:$0x3] =	wrdreg s7  }
0xac: {  	[dreg:$0x4] =	wrdreg $0xC0  }
0xad: {  	_ =	task [dreg:s9], $0x5FFFF  }
0xae: {  	[dreg:$0x1] =	wrdreg $0xFFFFFFFF  }
0xaf: {  	[dreg:$0x0] =	wrdreg $0x60  }
0xb0: {  	[dreg:$0x2] =	wrdreg s2  }
0xb1: {  	[dreg:$0x3] =	wrdreg s18  }
0xb2: {  	[dreg:$0x4] =	wrdreg s4  }
0xb3: {  	[dreg:$0x5] =	wrdreg s24  }
0xb4: {  	[dreg:$0x6] =	wrdreg $0x9  }
0xb5: {  	_ =	task.clear_ibuf [dreg:s9], $0x7FFFF;
	_ =	strace $0x90000046  }
0xb6: {  	s29 =	simm.s32 $0x9;
	_ =	strace $0x80000048  }
0xb7: {  	_ =	swait.ge [sflag:s29], $0x1  }
0xb8: {  	[sflag:s29] =	ssyncadd.s32 $0xFFFFFFFF  }
0xb9: {  	_ =	strace $0x90000048  }
0xba: {  	_ =	sfence  }
0xbb: {  	s30 =	sld [smem:$0x0];
	_ =	sdelay $0x2  }
0xbc: {  	s31 =	sshll.u32 s1, $0xD;
	s1 =	sshrl.u32 s1, $0x2  }
0xbd: {  	s3 =	sand.u32 $0x4000, s31;
	s1 =	sadd.s32 s1, s30  }
0xbe: {  	s0 =	sor.u32 s3, s0;
	s1 =	sshll.u32 s1, $0x11  }
0xbf: {  	s0 =	sor.u32 s1, s0  }
0xc0: {  	s0 =	sadd.s32 $0x8F2B, s0  }
0xc1: {  	[sflag:s0] =	ssyncadd.remote.s32 $0x1  }
0xc2: {  	_ =	sfence.sel $0xFFFF  }
0xc3: {  	[dreg:$0x0] =	wrdreg $0xFFFFFFFF;
	(pc) =	sbr.abs _section_cstart, $3  }
0xc4: {  	[dreg:$0x1] =	wrdreg $0xFFFFFFFF  }
0xc5: {  	_ =	task.clear_ibuf [dreg:s9], $0x2FFFF;
	_ =	strace $0x9FFFFFFF  }
0xc6: {  	(tm) =	ssettm $0x7FFFFFFF  }
0xc7: {  	_ =	shalt  }
tec
execute0_lowered:
.L_overlay_start_1:
0x0: {  	(tag) =	ssettag $0x1  }
0x1: {  	s0 =	rddreg [dreg:$0x1]  }
0x2: {  	s1 =	rddreg [dreg:$0x2]  }
0x3: {  	s2 =	rddreg [dreg:$0x3];
	s4 =	srdreg.scid;
	s5 =	simm.s32 $0x0  }
0x4: {  	s3 =	stileid.u32;
	s6 =	sand.u32 $0x1, s4;
	[smem:$0x7FF] =	sst s5  }
0x5: {  	s25 =	sadd.s32 $0x800, s0;
	s4 =	sshll.u32 s6, $0x4;
	_ =	strace $0x80000047  }
0x6: {  	s7 =	ssub.s32 $0x2, s6;
	[dreg:$0x8] =	wrdreg s25;
	s4 =	sor.u32 s3, s4  }
0x7: {  	s8 =	sshrl.u32 s7, $0x1;
	s9 =	sshll.u32 s4, $0x1;
	s4 =	sshll.u32 s4, $0xD  }
0x8: {  	s10 =	ssub.s32 s7, s8;
	s8 =	sadd.s32 $0x1800, s0;
	[dreg:$0x6] =	wrdreg s4  }
0x9: {  	s11 =	sadd.s32 s0, s4;
	[dreg:$0xa] =	wrdreg s8  }
0xa: {  	s28 =	sshll.u32 s3, $0x7;
	s1 =	sadd.s32 s1, s9;
	[dreg:$0x7] =	wrdreg s11  }
0xb: {  	s26 =	sshll.u32 s6, $0xB;
	s31 =	smax.u32 s10, $0x1;
	[dreg:$0xb] =	wrdreg s1  }
0xc: {  	s2 =	sadd.s32 s9, s2;
	s0 =	sor.u32 s28, s26;
	[dreg:$0xe] =	wrdreg s31  }
0xd: {  	s16 =	simm.s32 $0x1;
	s29 =	sadd.s32 $0x1200, s2;
	[dreg:$0x5] =	wrdreg s0  }
0xe: {  	s17 =	simm.s32 $0x2;
	s30 =	sadd.s32 $0x1400, s2;
	[dreg:$0xc] =	wrdreg s29  }
0xf: {  	s3 =	simm.s32 $0x0;
	s7 =	sadd.s32 $0x1000, s11;
	[dreg:$0xd] =	wrdreg s30  }
0x10: {  	s1 =	simm.s32 $0x3;
	s2 =	simm.s32 $0x4200;
	[dreg:$0x9] =	wrdreg s7  }
.LBB2_1:
0x11: {  	s0 =	rddreg [dreg:$0x0]  }
0x12: {  	[tilespmem:s5], [sflag:$0x3] =	stream.linear.gather [hbm4b:s0+s5], $0x200, $0x38;
	[tilespmem:$0x9380] =	vst v63  }
0x13: {  	_ =	swait.ge [sflag:s1], $0x200  }
0x14: {  	[sflag:s1] =	ssyncset.done $0x0  }
0x15: {  	[sflag:s1] =	ssyncadd.s32 $0xFFFFFE00  }
0x16: {  	v0 =	vld [tilespmem:$0x0]  }
0x17: {  	v1 =	vld [tilespmem:$0x10]  }
0x18: {  	v2 =	vld [tilespmem:$0x20]  }
0x19: {  	v3 =	vld [tilespmem:$0x30]  }
0x1a: {  	v4 =	vld [tilespmem:$0x40]  }
0x1b: {  	v5 =	vld [tilespmem:$0x50]  }
0x1c: {  	v6 =	vld [tilespmem:$0x60]  }
0x1d: {  	v7 =	vld [tilespmem:$0x70]  }
0x1e: {  	v8 =	vld [tilespmem:$0x80]  }
0x1f: {  	v9 =	vld [tilespmem:$0x90]  }
0x20: {  	v10 =	vld [tilespmem:$0xA0]  }
0x21: {  	v11 =	vld [tilespmem:$0xB0]  }
0x22: {  	v12 =	vld [tilespmem:$0xC0]  }
0x23: {  	v13 =	vld [tilespmem:$0xD0]  }
0x24: {  	v14 =	vld [tilespmem:$0xE0]  }
0x25: {  	v15 =	vld [tilespmem:$0xF0]  }
0x26: {  	v16 =	vld [tilespmem:$0x100]  }
0x27: {  	v17 =	vld [tilespmem:$0x110]  }
0x28: {  	v18 =	vld [tilespmem:$0x120]  }
0x29: {  	v19 =	vld [tilespmem:$0x130]  }
0x2a: {  	v20 =	vld [tilespmem:$0x140]  }
0x2b: {  	v21 =	vld [tilespmem:$0x150]  }
0x2c: {  	v22 =	vld [tilespmem:$0x160]  }
0x2d: {  	v23 =	vld [tilespmem:$0x170]  }
0x2e: {  	v24 =	vld [tilespmem:$0x180]  }
0x2f: {  	v25 =	vld [tilespmem:$0x190]  }
0x30: {  	v26 =	vld [tilespmem:$0x1A0]  }
0x31: {  	v27 =	vld [tilespmem:$0x1B0]  }
0x32: {  	v28 =	vld [tilespmem:$0x1C0]  }
0x33: {  	s31 =	simm.s32 $0x200;
	s30 =	rddreg [dreg:$0x7];
	v29 =	vld [tilespmem:$0x1D0]  }
0x34: {  	p1 =	por $0x0, $0x0;
	s0 =	simm.s32 $0x0;
	s1 =	rddreg [dreg:$0x8];
	v30 =	vld [tilespmem:$0x1E0]  }
0x35: {  	v31 =	vld [tilespmem:$0x1F0];
	[tilespmem:s31], [sflag:$0x1] =	stream.linear.gather [hbm4b:s30+s5], $0x4000, $0x38  }
.LBB2_2:
0x36: {  	s1 =	sadd.s32 s4, s1;
	s23 =	simm.s32 $0x0;
	s0 =	sshll.u32 s0, $0x2  }
0x37: {  	[tilespmem:s2], [sflag:$0x2] =	stream.linear.gather [hbm4b:s1+s23], $0x4000, $0x38;
	[tilespmem:$0x9380] =	vst v63  }
0x38: {  	p0 =	por p1, p1;
	p1 =	por $0x0, $0x0;
	_ =	swait.ge [sflag:s16], $0x4000  }
0x39: {  	s26 =	simm.s32 $0x0;
	s22 =	sshra.s32 s0, $0x2;
	[sflag:s16] =	ssyncset.done $0x0  }
0x3a: {  	s24 =	sadd.s32 $0x8A20, s22;
	s25 =	sadd.s32 $0x8220, s22;
	[sflag:s16] =	ssyncadd.s32 $0xFFFFC000  }
.LBB2_3:
0x3b: {  	s0 =	sand.u32 $0x3000, s26;
	s1 =	sand.u32 $0x200, s23  }
0x3c: {  	s28 =	sor.u32 s1, s0  }
0x3d: {  	v32 =	vld [tilespmem:s28+$0x200]  }
0x3e: {  	v33 =	vld [tilespmem:s28+$0x280]  }
0x3f: {  	v34 =	vld [tilespmem:s28+$0x300]  }
0x40: {  	v35 =	vld [tilespmem:s28+$0x380]  }
0x41: {  	v36 =	vld [tilespmem:s28+$0x210];
	_ =	sdelay $0x1  }
0x42: {  	v38 =	vld [tilespmem:s28+$0x290];
	v37 =	vmul.f32 v32, v0;
	v32 =	vmul.f32 v32, v32  }
0x43: {  	v40 =	vld [tilespmem:s28+$0x310];
	v39 =	vmul.f32 v33, v0;
	v33 =	vmul.f32 v33, v33  }
0x44: {  	v42 =	vld [tilespmem:s28+$0x390];
	v41 =	vmul.f32 v34, v0;
	v34 =	vmul.f32 v34, v34  }
0x45: {  	v45 =	vld [tilespmem:s28+$0x220];
	v43 =	vmul.f32 v35, v0;
	v44 =	vmul.f32 v36, v1  }
0x46: {  	v46 =	vld [tilespmem:s28+$0x2A0];
	v35 =	vmul.f32 v35, v35;
	v36 =	vmul.f32 v36, v36  }
0x47: {  	v47 =	vld [tilespmem:s28+$0x320];
	v48 =	vmul.f32 v38, v1;
	v38 =	vmul.f32 v38, v38  }
0x48: {  	v52 =	vld [tilespmem:s28+$0x3A0];
	v49 =	vmul.f32 v40, v1;
	v40 =	vmul.f32 v40, v40  }
0x49: {  	v63 =	vld [tilespmem:s28+$0x3B0];
	v50 =	vmul.f32 v42, v1;
	v51 =	vmul.f32 v42, v42  }
0x4a: {  	v53 =	vmul.f32 v45, v2;
	v54 =	vmul.f32 v45, v45  }
0x4b: {  	v55 =	vld [tilespmem:s28+$0x230];
	v56 =	vmul.f32 v46, v2;
	v57 =	vmul.f32 v46, v46  }
0x4c: {  	v58 =	vld [tilespmem:s28+$0x2B0];
	v59 =	vmul.f32 v47, v2;
	v60 =	vmul.f32 v47, v47;
	v37 =	vadd.f32 v44, v37  }
0x4d: {  	v62 =	vmul.f32 v52, v2;
	v32 =	vadd.f32 v36, v32;
	v39 =	vadd.f32 v48, v39  }
0x4e: {  	v61 =	vld [tilespmem:s28+$0x330];
	v45 =	vmul.f32 v63, v63;
	v33 =	vadd.f32 v38, v33;
	v36 =	vadd.f32 v49, v41  }
0x4f: {  	v34 =	vadd.f32 v40, v34;
	v38 =	vadd.f32 v50, v43;
	v41 =	vmul.f32 v52, v52  }
0x50: {  	v35 =	vadd.f32 v51, v35;
	v48 =	vmul.f32 v55, v3;
	v44 =	vmul.f32 v55, v55  }
0x51: {  	v50 =	vmul.f32 v58, v3;
	v37 =	vadd.f32 v53, v37;
	v32 =	vadd.f32 v54, v32  }
0x52: {  	v49 =	vld [tilespmem:s28+$0x240];
	v51 =	vmul.f32 v58, v58;
	v39 =	vadd.f32 v56, v39;
	v33 =	vadd.f32 v57, v33  }
0x53: {  	v52 =	vld [tilespmem:s28+$0x2C0];
	v43 =	vmul.f32 v61, v61;
	v36 =	vadd.f32 v59, v36;
	v34 =	vadd.f32 v60, v34  }
0x54: {  	v55 =	vmul.f32 v63, v3;
	v63 =	vld [tilespmem:s28+$0x350];
	v38 =	vadd.f32 v62, v38;
	v35 =	vadd.f32 v41, v35  }
0x55: {  	v53 =	vmul.f32 v61, v3;
	v54 =	vld [tilespmem:s28+$0x340];
	v37 =	vadd.f32 v48, v37;
	v32 =	vadd.f32 v44, v32  }
0x56: {  	v56 =	vld [tilespmem:s28+$0x3C0];
	v39 =	vadd.f32 v50, v39;
	v33 =	vadd.f32 v51, v33  }
0x57: {  	v59 =	vld [tilespmem:s28+$0x250];
	v36 =	vadd.f32 v53, v36;
	v34 =	vadd.f32 v43, v34;
	v57 =	vmul.f32 v49, v4  }
0x58: {  	v61 =	vld [tilespmem:s28+$0x2D0];
	v38 =	vadd.f32 v55, v38;
	v58 =	vmul.f32 v49, v49;
	v60 =	vmul.f32 v52, v4  }
0x59: {  	v35 =	vadd.f32 v45, v35;
	v42 =	vmul.f32 v52, v52;
	v55 =	vmul.f32 v63, v5  }
0x5a: {  	v37 =	vadd.f32 v57, v37;
	v32 =	vadd.f32 v58, v32;
	v62 =	vmul.f32 v54, v4  }
0x5b: {  	v50 =	vld [tilespmem:s28+$0x3D0];
	v44 =	vmul.f32 v54, v54;
	v39 =	vadd.f32 v60, v39;
	v48 =	vmul.f32 v56, v4  }
0x5c: {  	v52 =	vld [tilespmem:s28+$0x260];
	v33 =	vadd.f32 v42, v33;
	v49 =	vmul.f32 v56, v56;
	v51 =	vmul.f32 v59, v5  }
0x5d: {  	v43 =	vmul.f32 v59, v59;
	v53 =	vmul.f32 v61, v5;
	v36 =	vadd.f32 v62, v36  }
0x5e: {  	v45 =	vmul.f32 v61, v61;
	v54 =	vld [tilespmem:s28+$0x2E0];
	v34 =	vadd.f32 v44, v34;
	v38 =	vadd.f32 v48, v38  }
0x5f: {  	v56 =	vmul.f32 v63, v63;
	v57 =	vld [tilespmem:s28+$0x360];
	v35 =	vadd.f32 v49, v35;
	v37 =	vadd.f32 v51, v37  }
0x60: {  	v59 =	vld [tilespmem:s28+$0x3E0];
	v32 =	vadd.f32 v43, v32;
	v39 =	vadd.f32 v53, v39;
	v58 =	vmul.f32 v50, v5  }
0x61: {  	v33 =	vadd.f32 v45, v33;
	v42 =	vmul.f32 v50, v50;
	v60 =	vmul.f32 v52, v6  }
0x62: {  	v61 =	vld [tilespmem:s28+$0x270];
	v44 =	vmul.f32 v52, v52;
	v36 =	vadd.f32 v55, v36;
	v34 =	vadd.f32 v56, v34  }
0x63: {  	v38 =	vadd.f32 v58, v38;
	v35 =	vadd.f32 v42, v35;
	v62 =	vmul.f32 v54, v6  }
0x64: {  	v48 =	vld [tilespmem:s28+$0x2F0];
	v37 =	vadd.f32 v60, v37;
	v63 =	vmul.f32 v54, v54;
	v49 =	vmul.f32 v57, v6  }
0x65: {  	v50 =	vld [tilespmem:s28+$0x370];
	v32 =	vadd.f32 v44, v32;
	v43 =	vmul.f32 v57, v57;
	v51 =	vmul.f32 v59, v6  }
0x66: {  	v52 =	vld [tilespmem:s28+$0x3F0];
	v45 =	vmul.f32 v59, v59;
	v39 =	vadd.f32 v62, v39;
	v33 =	vadd.f32 v63, v33  }
0x67: {  	v53 =	vmul.f32 v61, v7;
	v36 =	vadd.f32 v49, v36;
	v34 =	vadd.f32 v43, v34  }
0x68: {  	v55 =	vld [tilespmem:s28+$0x600];
	v54 =	vmul.f32 v61, v61;
	v38 =	vadd.f32 v51, v38;
	v35 =	vadd.f32 v45, v35  }
0x69: {  	v57 =	vld [tilespmem:s28+$0x680];
	v37 =	vadd.f32 v53, v37;
	v56 =	vmul.f32 v48, v7;
	v42 =	vmul.f32 v48, v48  }
0x6a: {  	v59 =	vld [tilespmem:s28+$0x700];
	v32 =	vadd.f32 v54, v32;
	v58 =	vmul.f32 v50, v7;
	v44 =	vmul.f32 v50, v50  }
0x6b: {  	v60 =	vmul.f32 v52, v7;
	v39 =	vadd.f32 v56, v39;
	v33 =	vadd.f32 v42, v33  }
0x6c: {  	v62 =	vld [tilespmem:s28+$0x780];
	v61 =	vmul.f32 v52, v52;
	v36 =	vadd.f32 v58, v36;
	v34 =	vadd.f32 v44, v34  }
0x6d: {  	v48 =	vld [tilespmem:s28+$0x610];
	v63 =	vmul.f32 v55, v8;
	v43 =	vmul.f32 v55, v55;
	v38 =	vadd.f32 v60, v38  }
0x6e: {  	v50 =	vld [tilespmem:s28+$0x690];
	v35 =	vadd.f32 v61, v35;
	v49 =	vmul.f32 v57, v8;
	v45 =	vmul.f32 v57, v57  }
0x6f: {  	v53 =	vld [tilespmem:s28+$0x710];
	v51 =	vmul.f32 v59, v8;
	v37 =	vadd.f32 v63, v37;
	v32 =	vadd.f32 v43, v32  }
0x70: {  	v52 =	vmul.f32 v59, v59;
	v39 =	vadd.f32 v49, v39;
	v33 =	vadd.f32 v45, v33  }
0x71: {  	v55 =	vld [tilespmem:s28+$0x790];
	v36 =	vadd.f32 v51, v36;
	v54 =	vmul.f32 v62, v8;
	v42 =	vmul.f32 v62, v62  }
0x72: {  	v57 =	vld [tilespmem:s28+$0x620];
	v34 =	vadd.f32 v52, v34;
	v56 =	vmul.f32 v48, v9;
	v44 =	vmul.f32 v48, v48  }
0x73: {  	v60 =	vld [tilespmem:s28+$0x6A0];
	v58 =	vmul.f32 v50, v9;
	v59 =	vmul.f32 v50, v50;
	v38 =	vadd.f32 v54, v38  }
0x74: {  	v61 =	vmul.f32 v53, v9;
	v35 =	vadd.f32 v42, v35;
	v37 =	vadd.f32 v56, v37  }
0x75: {  	v43 =	vmul.f32 v53, v53;
	v62 =	vld [tilespmem:s28+$0x720];
	v32 =	vadd.f32 v44, v32;
	v39 =	vadd.f32 v58, v39  }
0x76: {  	v48 =	vld [tilespmem:s28+$0x7A0];
	v33 =	vadd.f32 v59, v33;
	v63 =	vmul.f32 v55, v9;
	v45 =	vmul.f32 v55, v55  }
0x77: {  	v51 =	vld [tilespmem:s28+$0x630];
	v36 =	vadd.f32 v61, v36;
	v34 =	vadd.f32 v43, v34;
	v49 =	vmul.f32 v57, v10  }
0x78: {  	v53 =	vld [tilespmem:s28+$0x6B0];
	v50 =	vmul.f32 v57, v57;
	v52 =	vmul.f32 v60, v10;
	v38 =	vadd.f32 v63, v38  }
0x79: {  	v42 =	vmul.f32 v60, v60;
	v35 =	vadd.f32 v45, v35;
	v37 =	vadd.f32 v49, v37  }
0x7a: {  	v55 =	vld [tilespmem:s28+$0x730];
	v32 =	vadd.f32 v50, v32;
	v54 =	vmul.f32 v62, v10;
	v44 =	vmul.f32 v62, v62  }
0x7b: {  	v58 =	vld [tilespmem:s28+$0x7B0];
	v39 =	vadd.f32 v52, v39;
	v56 =	vmul.f32 v48, v10;
	v57 =	vmul.f32 v48, v48  }
0x7c: {  	v60 =	vld [tilespmem:s28+$0x640];
	v33 =	vadd.f32 v42, v33;
	v59 =	vmul.f32 v51, v11;
	v43 =	vmul.f32 v51, v51  }
0x7d: {  	v61 =	vmul.f32 v53, v11;
	v36 =	vadd.f32 v54, v36;
	v34 =	vadd.f32 v44, v34  }
0x7e: {  	v45 =	vmul.f32 v53, v53;
	v62 =	vld [tilespmem:s28+$0x6C0];
	v38 =	vadd.f32 v56, v38;
	v35 =	vadd.f32 v57, v35  }
0x7f: {  	v49 =	vld [tilespmem:s28+$0x740];
	v37 =	vadd.f32 v59, v37;
	v32 =	vadd.f32 v43, v32;
	v63 =	vmul.f32 v55, v11  }
0x80: {  	v51 =	vld [tilespmem:s28+$0x7C0];
	v39 =	vadd.f32 v61, v39;
	v48 =	vmul.f32 v55, v55;
	v50 =	vmul.f32 v58, v11  }
0x81: {  	v33 =	vadd.f32 v45, v33;
	v42 =	vmul.f32 v58, v58;
	v52 =	vmul.f32 v60, v12  }
0x82: {  	v53 =	vld [tilespmem:s28+$0x650];
	v44 =	vmul.f32 v60, v60;
	v36 =	vadd.f32 v63, v36;
	v34 =	vadd.f32 v48, v34  }
0x83: {  	v38 =	vadd.f32 v50, v38;
	v35 =	vadd.f32 v42, v35;
	v54 =	vmul.f32 v62, v12  }
0x84: {  	v56 =	vld [tilespmem:s28+$0x6D0];
	v37 =	vadd.f32 v52, v37;
	v55 =	vmul.f32 v62, v62;
	v57 =	vmul.f32 v49, v12  }
0x85: {  	v58 =	vld [tilespmem:s28+$0x750];
	v32 =	vadd.f32 v44, v32;
	v43 =	vmul.f32 v49, v49;
	v59 =	vmul.f32 v51, v12  }
0x86: {  	v60 =	vld [tilespmem:s28+$0x7D0];
	v45 =	vmul.f32 v51, v51;
	v39 =	vadd.f32 v54, v39;
	v33 =	vadd.f32 v55, v33  }
0x87: {  	v61 =	vmul.f32 v53, v13;
	v36 =	vadd.f32 v57, v36;
	v34 =	vadd.f32 v43, v34  }
0x88: {  	v63 =	vld [tilespmem:s28+$0x660];
	v62 =	vmul.f32 v53, v53;
	v38 =	vadd.f32 v59, v38;
	v35 =	vadd.f32 v45, v35  }
0x89: {  	v49 =	vld [tilespmem:s28+$0x6E0];
	v37 =	vadd.f32 v61, v37;
	v48 =	vmul.f32 v56, v13;
	v42 =	vmul.f32 v56, v56  }
0x8a: {  	v51 =	vld [tilespmem:s28+$0x760];
	v32 =	vadd.f32 v62, v32;
	v50 =	vmul.f32 v58, v13;
	v44 =	vmul.f32 v58, v58  }
0x8b: {  	v52 =	vmul.f32 v60, v13;
	v39 =	vadd.f32 v48, v39;
	v33 =	vadd.f32 v42, v33  }
0x8c: {  	v54 =	vld [tilespmem:s28+$0x7E0];
	v53 =	vmul.f32 v60, v60;
	v36 =	vadd.f32 v50, v36;
	v34 =	vadd.f32 v44, v34  }
0x8d: {  	s0 =	simm.s32 $0x1;
	v56 =	vld [tilespmem:s28+$0x670];
	v55 =	vmul.f32 v63, v14;
	v43 =	vmul.f32 v63, v63;
	v38 =	vadd.f32 v52, v38  }
0x8e: {  	s0 =	simm.s32 @!p1 $0x0;
	v58 =	vld [tilespmem:s28+$0x6F0];
	v35 =	vadd.f32 v53, v35;
	v57 =	vmul.f32 v49, v14;
	v45 =	vmul.f32 v49, v49  }
0x8f: {  	s0 =	sshll.u32 s0, $0x9;
	v61 =	vld [tilespmem:s28+$0x770];
	v59 =	vmul.f32 v51, v14;
	v37 =	vadd.f32 v55, v37;
	v32 =	vadd.f32 v43, v32  }
0x90: {  	s30 =	sadd.s32 s0, s26;
	v60 =	vmul.f32 v51, v51;
	v39 =	vadd.f32 v57, v39;
	v33 =	vadd.f32 v45, v33  }
0x91: {  	s0 =	sor.u32 $0x800, s30;
	s31 =	sadd.s32 $0x80, s30;
	v63 =	vld [tilespmem:s28+$0x7F0];
	v36 =	vadd.f32 v59, v36;
	v62 =	vmul.f32 v54, v14;
	v42 =	vmul.f32 v54, v54  }
0x92: {  	s15 =	sor.u32 $0x800, s31;
	v49 =	vld [tilespmem:s0+$0x200];
	v34 =	vadd.f32 v60, v34;
	v48 =	vmul.f32 v56, v15;
	v44 =	vmul.f32 v56, v56  }
0x93: {  	s29 =	sadd.s32 $0x100, s30;
	v52 =	vld [tilespmem:s15+$0x200];
	v50 =	vmul.f32 v58, v15;
	v51 =	vmul.f32 v58, v58;
	v38 =	vadd.f32 v62, v38  }
0x94: {  	s18 =	sor.u32 $0x800, s29;
	s28 =	sadd.s32 $0x180, s30;
	v53 =	vmul.f32 v61, v15;
	v35 =	vadd.f32 v42, v35;
	v37 =	vadd.f32 v48, v37  }
0x95: {  	s19 =	sor.u32 $0x800, s28;
	v43 =	vmul.f32 v61, v61;
	v54 =	vld [tilespmem:s18+$0x200];
	v32 =	vadd.f32 v44, v32;
	v39 =	vadd.f32 v50, v39  }
0x96: {  	s20 =	sor.u32 $0x810, s30;
	v56 =	vld [tilespmem:s19+$0x200];
	v33 =	vadd.f32 v51, v33;
	v55 =	vmul.f32 v63, v15;
	v45 =	vmul.f32 v63, v63  }
0x97: {  	s21 =	sor.u32 $0x810, s31;
	v59 =	vld [tilespmem:s20+$0x200];
	v36 =	vadd.f32 v53, v36;
	v34 =	vadd.f32 v43, v34;
	v57 =	vmul.f32 v49, v16  }
0x98: {  	v61 =	vld [tilespmem:s21+$0x200];
	v58 =	vmul.f32 v49, v49;
	v60 =	vmul.f32 v52, v16;
	v38 =	vadd.f32 v55, v38  }
0x99: {  	s1 =	sor.u32 $0x810, s29;
	v42 =	vmul.f32 v52, v52;
	v35 =	vadd.f32 v45, v35;
	v37 =	vadd.f32 v57, v37  }
0x9a: {  	s5 =	sor.u32 $0x810, s28;
	v63 =	vld [tilespmem:s1+$0x200];
	v32 =	vadd.f32 v58, v32;
	v62 =	vmul.f32 v54, v16;
	v44 =	vmul.f32 v54, v54  }
0x9b: {  	s6 =	sor.u32 $0x820, s30;
	v50 =	vld [tilespmem:s5+$0x200];
	v39 =	vadd.f32 v60, v39;
	v48 =	vmul.f32 v56, v16;
	v49 =	vmul.f32 v56, v56  }
0x9c: {  	v52 =	vld [tilespmem:s6+$0x200];
	v33 =	vadd.f32 v42, v33;
	v51 =	vmul.f32 v59, v17;
	v43 =	vmul.f32 v59, v59  }
0x9d: {  	s9 =	sor.u32 $0x820, s31;
	v53 =	vmul.f32 v61, v17;
	v36 =	vadd.f32 v62, v36;
	v34 =	vadd.f32 v44, v34  }
0x9e: {  	s10 =	sor.u32 $0x820, s29;
	v45 =	vmul.f32 v61, v61;
	v54 =	vld [tilespmem:s9+$0x200];
	v38 =	vadd.f32 v48, v38;
	v35 =	vadd.f32 v49, v35  }
0x9f: {  	s11 =	sor.u32 $0x820, s28;
	v57 =	vld [tilespmem:s10+$0x200];
	v37 =	vadd.f32 v51, v37;
	v32 =	vadd.f32 v43, v32;
	v55 =	vmul.f32 v63, v17  }
0xa0: {  	v59 =	vld [tilespmem:s11+$0x200];
	v39 =	vadd.f32 v53, v39;
	v56 =	vmul.f32 v63, v63;
	v58 =	vmul.f32 v50, v17  }
0xa1: {  	s12 =	sor.u32 $0x830, s30;
	v33 =	vadd.f32 v45, v33;
	v42 =	vmul.f32 v50, v50;
	v60 =	vmul.f32 v52, v18  }
0xa2: {  	v61 =	vld [tilespmem:s12+$0x200];
	v44 =	vmul.f32 v52, v52;
	v36 =	vadd.f32 v55, v36;
	v34 =	vadd.f32 v56, v34  }
0xa3: {  	s13 =	sor.u32 $0x830, s31;
	v38 =	vadd.f32 v58, v38;
	v35 =	vadd.f32 v42, v35;
	v62 =	vmul.f32 v54, v18  }
0xa4: {  	s14 =	sor.u32 $0x830, s29;
	v48 =	vld [tilespmem:s13+$0x200];
	v37 =	vadd.f32 v60, v37;
	v63 =	vmul.f32 v54, v54;
	v49 =	vmul.f32 v57, v18  }
0xa5: {  	s15 =	sor.u32 $0x830, s28;
	v50 =	vld [tilespmem:s14+$0x200];
	v32 =	vadd.f32 v44, v32;
	v43 =	vmul.f32 v57, v57;
	v51 =	vmul.f32 v59, v18  }
0xa6: {  	v52 =	vld [tilespmem:s15+$0x200];
	v45 =	vmul.f32 v59, v59;
	v39 =	vadd.f32 v62, v39;
	v33 =	vadd.f32 v63, v33  }
0xa7: {  	s18 =	sor.u32 $0x840, s30;
	v53 =	vmul.f32 v61, v19;
	v36 =	vadd.f32 v49, v36;
	v34 =	vadd.f32 v43, v34  }
0xa8: {  	s19 =	sor.u32 $0x840, s31;
	v55 =	vld [tilespmem:s18+$0x200];
	v54 =	vmul.f32 v61, v61;
	v38 =	vadd.f32 v51, v38;
	v35 =	vadd.f32 v45, v35  }
0xa9: {  	s20 =	sor.u32 $0x840, s29;
	v57 =	vld [tilespmem:s19+$0x200];
	v37 =	vadd.f32 v53, v37;
	v56 =	vmul.f32 v48, v19;
	v42 =	vmul.f32 v48, v48  }
0xaa: {  	v59 =	vld [tilespmem:s20+$0x200];
	v32 =	vadd.f32 v54, v32;
	v58 =	vmul.f32 v50, v19;
	v44 =	vmul.f32 v50, v50  }
0xab: {  	s21 =	sor.u32 $0x840, s28;
	v60 =	vmul.f32 v52, v19;
	v39 =	vadd.f32 v56, v39;
	v33 =	vadd.f32 v42, v33  }
0xac: {  	s1 =	sor.u32 $0x850, s30;
	v62 =	vld [tilespmem:s21+$0x200];
	v61 =	vmul.f32 v52, v52;
	v36 =	vadd.f32 v58, v36;
	v34 =	vadd.f32 v44, v34  }
0xad: {  	s5 =	sor.u32 $0x850, s31;
	v48 =	vld [tilespmem:s1+$0x200];
	v63 =	vmul.f32 v55, v20;
	v43 =	vmul.f32 v55, v55;
	v38 =	vadd.f32 v60, v38  }
0xae: {  	s6 =	sor.u32 $0x850, s29;
	v50 =	vld [tilespmem:s5+$0x200];
	v35 =	vadd.f32 v61, v35;
	v49 =	vmul.f32 v57, v20;
	v45 =	vmul.f32 v57, v57  }
0xaf: {  	v53 =	vld [tilespmem:s6+$0x200];
	v51 =	vmul.f32 v59, v20;
	v37 =	vadd.f32 v63, v37;
	v32 =	vadd.f32 v43, v32  }
0xb0: {  	s9 =	sor.u32 $0x850, s28;
	v52 =	vmul.f32 v59, v59;
	v39 =	vadd.f32 v49, v39;
	v33 =	vadd.f32 v45, v33  }
0xb1: {  	s10 =	sor.u32 $0x860, s30;
	v55 =	vld [tilespmem:s9+$0x200];
	v36 =	vadd.f32 v51, v36;
	v54 =	vmul.f32 v62, v20;
	v42 =	vmul.f32 v62, v62  }
0xb2: {  	s11 =	sor.u32 $0x860, s31;
	v57 =	vld [tilespmem:s10+$0x200];
	v34 =	vadd.f32 v52, v34;
	v56 =	vmul.f32 v48, v21;
	v44 =	vmul.f32 v48, v48  }
0xb3: {  	v60 =	vld [tilespmem:s11+$0x200];
	v58 =	vmul.f32 v50, v21;
	v59 =	vmul.f32 v50, v50;
	v38 =	vadd.f32 v54, v38  }
0xb4: {  	s12 =	sor.u32 $0x860, s29;
	v61 =	vmul.f32 v53, v21;
	v35 =	vadd.f32 v42, v35;
	v37 =	vadd.f32 v56, v37  }
0xb5: {  	s13 =	sor.u32 $0x860, s28;
	v43 =	vmul.f32 v53, v53;
	v62 =	vld [tilespmem:s12+$0x200];
	v32 =	vadd.f32 v44, v32;
	v39 =	vadd.f32 v58, v39  }
0xb6: {  	s14 =	sor.u32 $0x870, s30;
	v48 =	vld [tilespmem:s13+$0x200];
	v33 =	vadd.f32 v59, v33;
	v63 =	vmul.f32 v55, v21;
	v45 =	vmul.f32 v55, v55  }
0xb7: {  	s15 =	sor.u32 $0x870, s31;
	v51 =	vld [tilespmem:s14+$0x200];
	v36 =	vadd.f32 v61, v36;
	v34 =	vadd.f32 v43, v34;
	v49 =	vmul.f32 v57, v22  }
0xb8: {  	v53 =	vld [tilespmem:s15+$0x200];
	v50 =	vmul.f32 v57, v57;
	v52 =	vmul.f32 v60, v22;
	v38 =	vadd.f32 v63, v38  }
0xb9: {  	s18 =	sor.u32 $0x870, s29;
	v42 =	vmul.f32 v60, v60;
	v35 =	vadd.f32 v45, v35;
	v37 =	vadd.f32 v49, v37  }
0xba: {  	s19 =	sor.u32 $0x870, s28;
	v55 =	vld [tilespmem:s18+$0x200];
	v32 =	vadd.f32 v50, v32;
	v54 =	vmul.f32 v62, v22;
	v44 =	vmul.f32 v62, v62  }
0xbb: {  	s20 =	sor.u32 $0xC00, s30;
	v58 =	vld [tilespmem:s19+$0x200];
	v39 =	vadd.f32 v52, v39;
	v56 =	vmul.f32 v48, v22;
	v57 =	vmul.f32 v48, v48  }
0xbc: {  	v60 =	vld [tilespmem:s20+$0x200];
	v33 =	vadd.f32 v42, v33;
	v59 =	vmul.f32 v51, v23;
	v43 =	vmul.f32 v51, v51  }
0xbd: {  	s21 =	sor.u32 $0xC00, s31;
	v61 =	vmul.f32 v53, v23;
	v36 =	vadd.f32 v54, v36;
	v34 =	vadd.f32 v44, v34  }
0xbe: {  	s1 =	sor.u32 $0xC00, s29;
	v45 =	vmul.f32 v53, v53;
	v62 =	vld [tilespmem:s21+$0x200];
	v38 =	vadd.f32 v56, v38;
	v35 =	vadd.f32 v57, v35  }
0xbf: {  	s5 =	sor.u32 $0xC00, s28;
	v49 =	vld [tilespmem:s1+$0x200];
	v37 =	vadd.f32 v59, v37;
	v32 =	vadd.f32 v43, v32;
	v63 =	vmul.f32 v55, v23  }
0xc0: {  	v51 =	vld [tilespmem:s5+$0x200];
	v39 =	vadd.f32 v61, v39;
	v48 =	vmul.f32 v55, v55;
	v50 =	vmul.f32 v58, v23  }
0xc1: {  	s6 =	sor.u32 $0xC10, s30;
	v33 =	vadd.f32 v45, v33;
	v42 =	vmul.f32 v58, v58;
	v52 =	vmul.f32 v60, v24  }
0xc2: {  	v53 =	vld [tilespmem:s6+$0x200];
	v44 =	vmul.f32 v60, v60;
	v36 =	vadd.f32 v63, v36;
	v34 =	vadd.f32 v48, v34  }
0xc3: {  	s9 =	sor.u32 $0xC10, s31;
	v38 =	vadd.f32 v50, v38;
	v35 =	vadd.f32 v42, v35;
	v54 =	vmul.f32 v62, v24  }
0xc4: {  	s10 =	sor.u32 $0xC10, s29;
	v56 =	vld [tilespmem:s9+$0x200];
	v37 =	vadd.f32 v52, v37;
	v55 =	vmul.f32 v62, v62;
	v57 =	vmul.f32 v49, v24  }
0xc5: {  	s11 =	sor.u32 $0xC10, s28;
	v58 =	vld [tilespmem:s10+$0x200];
	v32 =	vadd.f32 v44, v32;
	v43 =	vmul.f32 v49, v49;
	v59 =	vmul.f32 v51, v24  }
0xc6: {  	v60 =	vld [tilespmem:s11+$0x200];
	v45 =	vmul.f32 v51, v51;
	v39 =	vadd.f32 v54, v39;
	v33 =	vadd.f32 v55, v33  }
0xc7: {  	s12 =	sor.u32 $0xC20, s30;
	v61 =	vmul.f32 v53, v25;
	v36 =	vadd.f32 v57, v36;
	v34 =	vadd.f32 v43, v34  }
0xc8: {  	s13 =	sor.u32 $0xC20, s31;
	v63 =	vld [tilespmem:s12+$0x200];
	v62 =	vmul.f32 v53, v53;
	v38 =	vadd.f32 v59, v38;
	v35 =	vadd.f32 v45, v35  }
0xc9: {  	s14 =	sor.u32 $0xC20, s29;
	v49 =	vld [tilespmem:s13+$0x200];
	v37 =	vadd.f32 v61, v37;
	v48 =	vmul.f32 v56, v25;
	v42 =	vmul.f32 v56, v56  }
0xca: {  	v51 =	vld [tilespmem:s14+$0x200];
	v32 =	vadd.f32 v62, v32;
	v50 =	vmul.f32 v58, v25;
	v44 =	vmul.f32 v58, v58  }
0xcb: {  	s15 =	sor.u32 $0xC20, s28;
	v52 =	vmul.f32 v60, v25;
	v39 =	vadd.f32 v48, v39;
	v33 =	vadd.f32 v42, v33  }
0xcc: {  	s18 =	sor.u32 $0xC30, s30;
	v54 =	vld [tilespmem:s15+$0x200];
	v53 =	vmul.f32 v60, v60;
	v36 =	vadd.f32 v50, v36;
	v34 =	vadd.f32 v44, v34  }
0xcd: {  	s19 =	sor.u32 $0xC30, s31;
	v56 =	vld [tilespmem:s18+$0x200];
	v55 =	vmul.f32 v63, v26;
	v43 =	vmul.f32 v63, v63;
	v38 =	vadd.f32 v52, v38  }
0xce: {  	s20 =	sor.u32 $0xC30, s29;
	v58 =	vld [tilespmem:s19+$0x200];
	v35 =	vadd.f32 v53, v35;
	v57 =	vmul.f32 v49, v26;
	v45 =	vmul.f32 v49, v49  }
0xcf: {  	v61 =	vld [tilespmem:s20+$0x200];
	v59 =	vmul.f32 v51, v26;
	v37 =	vadd.f32 v55, v37;
	v32 =	vadd.f32 v43, v32  }
0xd0: {  	s21 =	sor.u32 $0xC30, s28;
	v60 =	vmul.f32 v51, v51;
	v39 =	vadd.f32 v57, v39;
	v33 =	vadd.f32 v45, v33  }
0xd1: {  	s1 =	sor.u32 $0xC40, s30;
	v63 =	vld [tilespmem:s21+$0x200];
	v36 =	vadd.f32 v59, v36;
	v62 =	vmul.f32 v54, v26;
	v42 =	vmul.f32 v54, v54  }
0xd2: {  	s5 =	sor.u32 $0xC40, s31;
	v49 =	vld [tilespmem:s1+$0x200];
	v34 =	vadd.f32 v60, v34;
	v48 =	vmul.f32 v56, v27;
	v44 =	vmul.f32 v56, v56  }
0xd3: {  	v52 =	vld [tilespmem:s5+$0x200];
	v50 =	vmul.f32 v58, v27;
	v51 =	vmul.f32 v58, v58;
	v38 =	vadd.f32 v62, v38  }
0xd4: {  	s6 =	sor.u32 $0xC40, s29;
	v53 =	vmul.f32 v61, v27;
	v35 =	vadd.f32 v42, v35;
	v37 =	vadd.f32 v48, v37  }
0xd5: {  	s9 =	sor.u32 $0xC40, s28;
	v43 =	vmul.f32 v61, v61;
	v54 =	vld [tilespmem:s6+$0x200];
	v32 =	vadd.f32 v44, v32;
	v39 =	vadd.f32 v50, v39  }
0xd6: {  	s10 =	sor.u32 $0xC50, s30;
	v56 =	vld [tilespmem:s9+$0x200];
	v33 =	vadd.f32 v51, v33;
	v55 =	vmul.f32 v63, v27;
	v45 =	vmul.f32 v63, v63  }
0xd7: {  	s11 =	sor.u32 $0xC50, s31;
	v59 =	vld [tilespmem:s10+$0x200];
	v36 =	vadd.f32 v53, v36;
	v34 =	vadd.f32 v43, v34;
	v57 =	vmul.f32 v49, v28  }
0xd8: {  	v61 =	vld [tilespmem:s11+$0x200];
	v58 =	vmul.f32 v49, v49;
	v60 =	vmul.f32 v52, v28;
	v38 =	vadd.f32 v55, v38  }
0xd9: {  	s12 =	sor.u32 $0xC50, s29;
	v42 =	vmul.f32 v52, v52;
	v35 =	vadd.f32 v45, v35;
	v37 =	vadd.f32 v57, v37  }
0xda: {  	s13 =	sor.u32 $0xC50, s28;
	v63 =	vld [tilespmem:s12+$0x200];
	v32 =	vadd.f32 v58, v32;
	v62 =	vmul.f32 v54, v28;
	v44 =	vmul.f32 v54, v54  }
0xdb: {  	s14 =	sor.u32 $0xC60, s30;
	v50 =	vld [tilespmem:s13+$0x200];
	v39 =	vadd.f32 v60, v39;
	v48 =	vmul.f32 v56, v28;
	v49 =	vmul.f32 v56, v56  }
0xdc: {  	v52 =	vld [tilespmem:s14+$0x200];
	v33 =	vadd.f32 v42, v33;
	v51 =	vmul.f32 v59, v29;
	v43 =	vmul.f32 v59, v59  }
0xdd: {  	s15 =	sor.u32 $0xC60, s31;
	v53 =	vmul.f32 v61, v29;
	v36 =	vadd.f32 v62, v36;
	v34 =	vadd.f32 v44, v34  }
0xde: {  	s18 =	sor.u32 $0xC60, s29;
	v45 =	vmul.f32 v61, v61;
	v54 =	vld [tilespmem:s15+$0x200];
	v38 =	vadd.f32 v48, v38;
	v35 =	vadd.f32 v49, v35  }
0xdf: {  	s19 =	sor.u32 $0xC70, s30;
	v56 =	vld [tilespmem:s18+$0x200];
	v37 =	vadd.f32 v51, v37;
	v32 =	vadd.f32 v43, v32;
	v55 =	vmul.f32 v63, v29  }
0xe0: {  	v58 =	vld [tilespmem:s19+$0x200];
	v39 =	vadd.f32 v53, v39;
	v57 =	vmul.f32 v63, v63;
	v59 =	vmul.f32 v50, v29  }
0xe1: {  	s20 =	sor.u32 $0xC70, s31;
	v33 =	vadd.f32 v45, v33;
	v42 =	vmul.f32 v50, v50;
	v60 =	vmul.f32 v52, v30  }
0xe2: {  	s21 =	sor.u32 $0xC60, s28;
	v61 =	vld [tilespmem:s20+$0x200];
	v44 =	vmul.f32 v52, v52;
	v36 =	vadd.f32 v55, v36;
	v34 =	vadd.f32 v57, v34  }
0xe3: {  	s30 =	sor.u32 $0xC70, s29;
	v63 =	vld [tilespmem:s21+$0x200];
	v38 =	vadd.f32 v59, v38;
	v35 =	vadd.f32 v42, v35;
	v62 =	vmul.f32 v54, v30  }
0xe4: {  	v49 =	vld [tilespmem:s30+$0x200];
	v37 =	vadd.f32 v60, v37;
	v48 =	vmul.f32 v54, v54;
	v50 =	vmul.f32 v56, v30  }
0xe5: {  	s31 =	sor.u32 $0xC70, s28;
	v32 =	vadd.f32 v44, v32;
	v51 =	vmul.f32 v58, v31;
	v52 =	vmul.f32 v56, v56  }
0xe6: {  	v53 =	vmul.f32 v58, v58;
	v54 =	vld [tilespmem:s31+$0x200];
	v39 =	vadd.f32 v62, v39;
	v33 =	vadd.f32 v48, v33  }
0xe7: {  	v55 =	vmul.f32 v61, v31;
	v36 =	vadd.f32 v50, v36;
	v37 =	vadd.f32 v51, v37  }
0xe8: {  	v56 =	vmul.f32 v61, v61;
	v34 =	vadd.f32 v52, v34;
	v32 =	vadd.f32 v53, v32  }
0xe9: {  	v57 =	vmul.f32 v63, v30;
	v58 =	vmul.f32 v49, v31;
	v39 =	vadd.f32 v55, v39;
	[tilespmem:s25+$0xFFFFFFE0] =	vst v37  }
0xea: {  	v59 =	vmul.f32 v63, v63;
	v60 =	vmul.f32 v49, v49;
	v33 =	vadd.f32 v56, v33;
	[tilespmem:s24+$0xFFFFFFE0] =	vst v32  }
0xeb: {  	p2 =	sne.s32 s26, $0x3800;
	v38 =	vadd.f32 v57, v38;
	v36 =	vadd.f32 v58, v36;
	v61 =	vmul.f32 v54, v31;
	[tilespmem:s25+$0xFFFFFFF0] =	vst v39  }
.Ltmp0:
0xec: {  	v34 =	vadd.f32 v60, v34;
	v32 =	vadd.f32 v59, v35;
	v62 =	vmul.f32 v54, v54;
	[tilespmem:s24+$0xFFFFFFF0] =	vst v33;
	(pc) =	sbr.rel @p2 .LBB2_3-.Ltmp0, $4  }
0xed: {  	v63 =	vadd.f32 v61, v38;
	[tilespmem:s25+$0x0] =	vst v36  }
0xee: {  	v32 =	vadd.f32 v62, v32;
	[tilespmem:s24+$0x0] =	vst v34  }
0xef: {  	s23 =	sadd.s32 $0x200, s23;
	p1 =	por !p1, !p1;
	[tilespmem:s25+$0x10] =	vst v63  }
0xf0: {  	s26 =	sadd.s32 $0x800, s26;
	s25 =	sadd.s32 $0x40, s25;
	[tilespmem:s24+$0x10] =	vst v32;
	s24 =	sadd.s32 $0x40, s24  }
0xf1: {  	s0 =	simm.s32 @!p0 $0x0;
	s1 =	simm.s32 @!p0 $0x200  }
0xf2: {  	[tilespmem:s1], [sflag:$0x1] =	stream.linear.gather @!p0 [hbm4b:s7+s0], $0x4000, $0x38;
	[tilespmem:$0x9380] =	vst v63  }
0xf3: {  	s23 =	sadd.s32 $0x8C30, s22;
	_ =	swait.ge [sflag:s17], $0x4000  }
0xf4: {  	s22 =	sadd.s32 $0x8430, s22;
	s24 =	simm.s32 $0x0;
	[sflag:s17] =	ssyncset.done $0x0  }
0xf5: {  	p1 =	por $0x0, $0x0;
	s25 =	simm.s32 $0x0;
	[sflag:s17] =	ssyncadd.s32 $0xFFFFC000  }
.LBB2_5:
0xf6: {  	s0 =	sand.u32 $0x3000, s25;
	s1 =	sand.u32 $0x200, s24  }
0xf7: {  	s26 =	sor.u32 s1, s0  }
0xf8: {  	v32 =	vld [tilespmem:s26+$0x4200]  }
0xf9: {  	v33 =	vld [tilespmem:s26+$0x4280]  }
0xfa: {  	v34 =	vld [tilespmem:s26+$0x4300]  }
0xfb: {  	v35 =	vld [tilespmem:s26+$0x4380]  }
0xfc: {  	v36 =	vld [tilespmem:s26+$0x4210];
	_ =	sdelay $0x1  }
0xfd: {  	v38 =	vld [tilespmem:s26+$0x4290];
	v37 =	vmul.f32 v32, v0;
	v32 =	vmul.f32 v32, v32  }
0xfe: {  	v40 =	vld [tilespmem:s26+$0x4310];
	v39 =	vmul.f32 v33, v0;
	v33 =	vmul.f32 v33, v33  }
0xff: {  	v42 =	vld [tilespmem:s26+$0x4390];
	v41 =	vmul.f32 v34, v0;
	v34 =	vmul.f32 v34, v34  }
0x100: {  	v45 =	vld [tilespmem:s26+$0x4220];
	v43 =	vmul.f32 v35, v0;
	v44 =	vmul.f32 v36, v1  }
0x101: {  	v46 =	vld [tilespmem:s26+$0x42A0];
	v35 =	vmul.f32 v35, v35;
	v36 =	vmul.f32 v36, v36  }
0x102: {  	v47 =	vld [tilespmem:s26+$0x4320];
	v48 =	vmul.f32 v38, v1;
	v38 =	vmul.f32 v38, v38  }
0x103: {  	v52 =	vld [tilespmem:s26+$0x43A0];
	v49 =	vmul.f32 v40, v1;
	v40 =	vmul.f32 v40, v40  }
0x104: {  	v63 =	vld [tilespmem:s26+$0x43B0];
	v50 =	vmul.f32 v42, v1;
	v51 =	vmul.f32 v42, v42  }
0x105: {  	v53 =	vmul.f32 v45, v2;
	v54 =	vmul.f32 v45, v45  }
0x106: {  	v55 =	vld [tilespmem:s26+$0x4230];
	v56 =	vmul.f32 v46, v2;
	v57 =	vmul.f32 v46, v46  }
0x107: {  	v58 =	vld [tilespmem:s26+$0x42B0];
	v59 =	vmul.f32 v47, v2;
	v60 =	vmul.f32 v47, v47;
	v37 =	vadd.f32 v44, v37  }
0x108: {  	v62 =	vmul.f32 v52, v2;
	v32 =	vadd.f32 v36, v32;
	v39 =	vadd.f32 v48, v39  }
0x109: {  	v61 =	vld [tilespmem:s26+$0x4330];
	v45 =	vmul.f32 v63, v63;
	v33 =	vadd.f32 v38, v33;
	v36 =	vadd.f32 v49, v41  }
0x10a: {  	v34 =	vadd.f32 v40, v34;
	v38 =	vadd.f32 v50, v43;
	v41 =	vmul.f32 v52, v52  }
0x10b: {  	v35 =	vadd.f32 v51, v35;
	v48 =	vmul.f32 v55, v3;
	v44 =	vmul.f32 v55, v55  }
0x10c: {  	v50 =	vmul.f32 v58, v3;
	v37 =	vadd.f32 v53, v37;
	v32 =	vadd.f32 v54, v32  }
0x10d: {  	v49 =	vld [tilespmem:s26+$0x4240];
	v51 =	vmul.f32 v58, v58;
	v39 =	vadd.f32 v56, v39;
	v33 =	vadd.f32 v57, v33  }
0x10e: {  	v52 =	vld [tilespmem:s26+$0x42C0];
	v43 =	vmul.f32 v61, v61;
	v36 =	vadd.f32 v59, v36;
	v34 =	vadd.f32 v60, v34  }
0x10f: {  	v55 =	vmul.f32 v63, v3;
	v63 =	vld [tilespmem:s26+$0x4350];
	v38 =	vadd.f32 v62, v38;
	v35 =	vadd.f32 v41, v35  }
0x110: {  	v53 =	vmul.f32 v61, v3;
	v54 =	vld [tilespmem:s26+$0x4340];
	v37 =	vadd.f32 v48, v37;
	v32 =	vadd.f32 v44, v32  }
0x111: {  	v56 =	vld [tilespmem:s26+$0x43C0];
	v39 =	vadd.f32 v50, v39;
	v33 =	vadd.f32 v51, v33  }
0x112: {  	v59 =	vld [tilespmem:s26+$0x4250];
	v36 =	vadd.f32 v53, v36;
	v34 =	vadd.f32 v43, v34;
	v57 =	vmul.f32 v49, v4  }
0x113: {  	v61 =	vld [tilespmem:s26+$0x42D0];
	v38 =	vadd.f32 v55, v38;
	v58 =	vmul.f32 v49, v49;
	v60 =	vmul.f32 v52, v4  }
0x114: {  	v35 =	vadd.f32 v45, v35;
	v42 =	vmul.f32 v52, v52;
	v55 =	vmul.f32 v63, v5  }
0x115: {  	v37 =	vadd.f32 v57, v37;
	v32 =	vadd.f32 v58, v32;
	v62 =	vmul.f32 v54, v4  }
0x116: {  	v50 =	vld [tilespmem:s26+$0x43D0];
	v44 =	vmul.f32 v54, v54;
	v39 =	vadd.f32 v60, v39;
	v48 =	vmul.f32 v56, v4  }
0x117: {  	v52 =	vld [tilespmem:s26+$0x4260];
	v33 =	vadd.f32 v42, v33;
	v49 =	vmul.f32 v56, v56;
	v51 =	vmul.f32 v59, v5  }
0x118: {  	v43 =	vmul.f32 v59, v59;
	v53 =	vmul.f32 v61, v5;
	v36 =	vadd.f32 v62, v36  }
0x119: {  	v45 =	vmul.f32 v61, v61;
	v54 =	vld [tilespmem:s26+$0x42E0];
	v34 =	vadd.f32 v44, v34;
	v38 =	vadd.f32 v48, v38  }
0x11a: {  	v56 =	vmul.f32 v63, v63;
	v57 =	vld [tilespmem:s26+$0x4360];
	v35 =	vadd.f32 v49, v35;
	v37 =	vadd.f32 v51, v37  }
0x11b: {  	v59 =	vld [tilespmem:s26+$0x43E0];
	v32 =	vadd.f32 v43, v32;
	v39 =	vadd.f32 v53, v39;
	v58 =	vmul.f32 v50, v5  }
0x11c: {  	v33 =	vadd.f32 v45, v33;
	v42 =	vmul.f32 v50, v50;
	v60 =	vmul.f32 v52, v6  }
0x11d: {  	v61 =	vld [tilespmem:s26+$0x4270];
	v44 =	vmul.f32 v52, v52;
	v36 =	vadd.f32 v55, v36;
	v34 =	vadd.f32 v56, v34  }
0x11e: {  	v38 =	vadd.f32 v58, v38;
	v35 =	vadd.f32 v42, v35;
	v62 =	vmul.f32 v54, v6  }
0x11f: {  	v48 =	vld [tilespmem:s26+$0x42F0];
	v37 =	vadd.f32 v60, v37;
	v63 =	vmul.f32 v54, v54;
	v49 =	vmul.f32 v57, v6  }
0x120: {  	v50 =	vld [tilespmem:s26+$0x4370];
	v32 =	vadd.f32 v44, v32;
	v43 =	vmul.f32 v57, v57;
	v51 =	vmul.f32 v59, v6  }
0x121: {  	v52 =	vld [tilespmem:s26+$0x43F0];
	v45 =	vmul.f32 v59, v59;
	v39 =	vadd.f32 v62, v39;
	v33 =	vadd.f32 v63, v33  }
0x122: {  	v53 =	vmul.f32 v61, v7;
	v36 =	vadd.f32 v49, v36;
	v34 =	vadd.f32 v43, v34  }
0x123: {  	v55 =	vld [tilespmem:s26+$0x4600];
	v54 =	vmul.f32 v61, v61;
	v38 =	vadd.f32 v51, v38;
	v35 =	vadd.f32 v45, v35  }
0x124: {  	v57 =	vld [tilespmem:s26+$0x4680];
	v37 =	vadd.f32 v53, v37;
	v56 =	vmul.f32 v48, v7;
	v42 =	vmul.f32 v48, v48  }
0x125: {  	v59 =	vld [tilespmem:s26+$0x4700];
	v32 =	vadd.f32 v54, v32;
	v58 =	vmul.f32 v50, v7;
	v44 =	vmul.f32 v50, v50  }
0x126: {  	v60 =	vmul.f32 v52, v7;
	v39 =	vadd.f32 v56, v39;
	v33 =	vadd.f32 v42, v33  }
0x127: {  	v62 =	vld [tilespmem:s26+$0x4780];
	v61 =	vmul.f32 v52, v52;
	v36 =	vadd.f32 v58, v36;
	v34 =	vadd.f32 v44, v34  }
0x128: {  	v48 =	vld [tilespmem:s26+$0x4610];
	v63 =	vmul.f32 v55, v8;
	v43 =	vmul.f32 v55, v55;
	v38 =	vadd.f32 v60, v38  }
0x129: {  	v50 =	vld [tilespmem:s26+$0x4690];
	v35 =	vadd.f32 v61, v35;
	v49 =	vmul.f32 v57, v8;
	v45 =	vmul.f32 v57, v57  }
0x12a: {  	v53 =	vld [tilespmem:s26+$0x4710];
	v51 =	vmul.f32 v59, v8;
	v37 =	vadd.f32 v63, v37;
	v32 =	vadd.f32 v43, v32  }
0x12b: {  	v52 =	vmul.f32 v59, v59;
	v39 =	vadd.f32 v49, v39;
	v33 =	vadd.f32 v45, v33  }
0x12c: {  	v55 =	vld [tilespmem:s26+$0x4790];
	v36 =	vadd.f32 v51, v36;
	v54 =	vmul.f32 v62, v8;
	v42 =	vmul.f32 v62, v62  }
0x12d: {  	v57 =	vld [tilespmem:s26+$0x4620];
	v34 =	vadd.f32 v52, v34;
	v56 =	vmul.f32 v48, v9;
	v44 =	vmul.f32 v48, v48  }
0x12e: {  	v60 =	vld [tilespmem:s26+$0x46A0];
	v58 =	vmul.f32 v50, v9;
	v59 =	vmul.f32 v50, v50;
	v38 =	vadd.f32 v54, v38  }
0x12f: {  	v61 =	vmul.f32 v53, v9;
	v35 =	vadd.f32 v42, v35;
	v37 =	vadd.f32 v56, v37  }
0x130: {  	v43 =	vmul.f32 v53, v53;
	v62 =	vld [tilespmem:s26+$0x4720];
	v32 =	vadd.f32 v44, v32;
	v39 =	vadd.f32 v58, v39  }
0x131: {  	v48 =	vld [tilespmem:s26+$0x47A0];
	v33 =	vadd.f32 v59, v33;
	v63 =	vmul.f32 v55, v9;
	v45 =	vmul.f32 v55, v55  }
0x132: {  	v51 =	vld [tilespmem:s26+$0x4630];
	v36 =	vadd.f32 v61, v36;
	v34 =	vadd.f32 v43, v34;
	v49 =	vmul.f32 v57, v10  }
0x133: {  	v53 =	vld [tilespmem:s26+$0x46B0];
	v50 =	vmul.f32 v57, v57;
	v52 =	vmul.f32 v60, v10;
	v38 =	vadd.f32 v63, v38  }
0x134: {  	v42 =	vmul.f32 v60, v60;
	v35 =	vadd.f32 v45, v35;
	v37 =	vadd.f32 v49, v37  }
0x135: {  	v55 =	vld [tilespmem:s26+$0x4730];
	v32 =	vadd.f32 v50, v32;
	v54 =	vmul.f32 v62, v10;
	v44 =	vmul.f32 v62, v62  }
0x136: {  	v58 =	vld [tilespmem:s26+$0x47B0];
	v39 =	vadd.f32 v52, v39;
	v56 =	vmul.f32 v48, v10;
	v57 =	vmul.f32 v48, v48  }
0x137: {  	v60 =	vld [tilespmem:s26+$0x4640];
	v33 =	vadd.f32 v42, v33;
	v59 =	vmul.f32 v51, v11;
	v43 =	vmul.f32 v51, v51  }
0x138: {  	v61 =	vmul.f32 v53, v11;
	v36 =	vadd.f32 v54, v36;
	v34 =	vadd.f32 v44, v34  }
0x139: {  	v45 =	vmul.f32 v53, v53;
	v62 =	vld [tilespmem:s26+$0x46C0];
	v38 =	vadd.f32 v56, v38;
	v35 =	vadd.f32 v57, v35  }
0x13a: {  	v49 =	vld [tilespmem:s26+$0x4740];
	v37 =	vadd.f32 v59, v37;
	v32 =	vadd.f32 v43, v32;
	v63 =	vmul.f32 v55, v11  }
0x13b: {  	v51 =	vld [tilespmem:s26+$0x47C0];
	v39 =	vadd.f32 v61, v39;
	v48 =	vmul.f32 v55, v55;
	v50 =	vmul.f32 v58, v11  }
0x13c: {  	v33 =	vadd.f32 v45, v33;
	v42 =	vmul.f32 v58, v58;
	v52 =	vmul.f32 v60, v12  }
0x13d: {  	v53 =	vld [tilespmem:s26+$0x4650];
	v44 =	vmul.f32 v60, v60;
	v36 =	vadd.f32 v63, v36;
	v34 =	vadd.f32 v48, v34  }
0x13e: {  	v38 =	vadd.f32 v50, v38;
	v35 =	vadd.f32 v42, v35;
	v54 =	vmul.f32 v62, v12  }
0x13f: {  	v56 =	vld [tilespmem:s26+$0x46D0];
	v37 =	vadd.f32 v52, v37;
	v55 =	vmul.f32 v62, v62;
	v57 =	vmul.f32 v49, v12  }
0x140: {  	v58 =	vld [tilespmem:s26+$0x4750];
	v32 =	vadd.f32 v44, v32;
	v43 =	vmul.f32 v49, v49;
	v59 =	vmul.f32 v51, v12  }
0x141: {  	v60 =	vld [tilespmem:s26+$0x47D0];
	v45 =	vmul.f32 v51, v51;
	v39 =	vadd.f32 v54, v39;
	v33 =	vadd.f32 v55, v33  }
0x142: {  	v61 =	vmul.f32 v53, v13;
	v36 =	vadd.f32 v57, v36;
	v34 =	vadd.f32 v43, v34  }
0x143: {  	v63 =	vld [tilespmem:s26+$0x4660];
	v62 =	vmul.f32 v53, v53;
	v38 =	vadd.f32 v59, v38;
	v35 =	vadd.f32 v45, v35  }
0x144: {  	v49 =	vld [tilespmem:s26+$0x46E0];
	v37 =	vadd.f32 v61, v37;
	v48 =	vmul.f32 v56, v13;
	v42 =	vmul.f32 v56, v56  }
0x145: {  	v51 =	vld [tilespmem:s26+$0x4760];
	v32 =	vadd.f32 v62, v32;
	v50 =	vmul.f32 v58, v13;
	v44 =	vmul.f32 v58, v58  }
0x146: {  	v52 =	vmul.f32 v60, v13;
	v39 =	vadd.f32 v48, v39;
	v33 =	vadd.f32 v42, v33  }
0x147: {  	v54 =	vld [tilespmem:s26+$0x47E0];
	v53 =	vmul.f32 v60, v60;
	v36 =	vadd.f32 v50, v36;
	v34 =	vadd.f32 v44, v34  }
0x148: {  	s0 =	simm.s32 $0x1;
	v56 =	vld [tilespmem:s26+$0x4670];
	v55 =	vmul.f32 v63, v14;
	v43 =	vmul.f32 v63, v63;
	v38 =	vadd.f32 v52, v38  }
0x149: {  	s0 =	simm.s32 @!p1 $0x0;
	v58 =	vld [tilespmem:s26+$0x46F0];
	v35 =	vadd.f32 v53, v35;
	v57 =	vmul.f32 v49, v14;
	v45 =	vmul.f32 v49, v49  }
0x14a: {  	s0 =	sshll.u32 s0, $0x9;
	v61 =	vld [tilespmem:s26+$0x4770];
	v59 =	vmul.f32 v51, v14;
	v37 =	vadd.f32 v55, v37;
	v32 =	vadd.f32 v43, v32  }
0x14b: {  	s29 =	sadd.s32 s0, s25;
	v60 =	vmul.f32 v51, v51;
	v39 =	vadd.f32 v57, v39;
	v33 =	vadd.f32 v45, v33  }
0x14c: {  	s0 =	sor.u32 $0x800, s29;
	s30 =	sadd.s32 $0x80, s29;
	v63 =	vld [tilespmem:s26+$0x47F0];
	v36 =	vadd.f32 v59, v36;
	v62 =	vmul.f32 v54, v14;
	v42 =	vmul.f32 v54, v54  }
0x14d: {  	s31 =	sor.u32 $0x800, s30;
	v49 =	vld [tilespmem:s0+$0x4200];
	v34 =	vadd.f32 v60, v34;
	v48 =	vmul.f32 v56, v15;
	v44 =	vmul.f32 v56, v56  }
0x14e: {  	s28 =	sadd.s32 $0x100, s29;
	v52 =	vld [tilespmem:s31+$0x4200];
	v50 =	vmul.f32 v58, v15;
	v51 =	vmul.f32 v58, v58;
	v38 =	vadd.f32 v62, v38  }
0x14f: {  	s1 =	sor.u32 $0x800, s28;
	s26 =	sadd.s32 $0x180, s29;
	v53 =	vmul.f32 v61, v15;
	v35 =	vadd.f32 v42, v35;
	v37 =	vadd.f32 v48, v37  }
0x150: {  	s5 =	sor.u32 $0x800, s26;
	v43 =	vmul.f32 v61, v61;
	v54 =	vld [tilespmem:s1+$0x4200];
	v32 =	vadd.f32 v44, v32;
	v39 =	vadd.f32 v50, v39  }
0x151: {  	s6 =	sor.u32 $0x810, s29;
	v56 =	vld [tilespmem:s5+$0x4200];
	v33 =	vadd.f32 v51, v33;
	v55 =	vmul.f32 v63, v15;
	v45 =	vmul.f32 v63, v63  }
0x152: {  	s9 =	sor.u32 $0x810, s30;
	v59 =	vld [tilespmem:s6+$0x4200];
	v36 =	vadd.f32 v53, v36;
	v34 =	vadd.f32 v43, v34;
	v57 =	vmul.f32 v49, v16  }
0x153: {  	v61 =	vld [tilespmem:s9+$0x4200];
	v58 =	vmul.f32 v49, v49;
	v60 =	vmul.f32 v52, v16;
	v38 =	vadd.f32 v55, v38  }
0x154: {  	s10 =	sor.u32 $0x810, s28;
	v42 =	vmul.f32 v52, v52;
	v35 =	vadd.f32 v45, v35;
	v37 =	vadd.f32 v57, v37  }
0x155: {  	s11 =	sor.u32 $0x810, s26;
	v63 =	vld [tilespmem:s10+$0x4200];
	v32 =	vadd.f32 v58, v32;
	v62 =	vmul.f32 v54, v16;
	v44 =	vmul.f32 v54, v54  }
0x156: {  	s12 =	sor.u32 $0x820, s29;
	v50 =	vld [tilespmem:s11+$0x4200];
	v39 =	vadd.f32 v60, v39;
	v48 =	vmul.f32 v56, v16;
	v49 =	vmul.f32 v56, v56  }
0x157: {  	v52 =	vld [tilespmem:s12+$0x4200];
	v33 =	vadd.f32 v42, v33;
	v51 =	vmul.f32 v59, v17;
	v43 =	vmul.f32 v59, v59  }
0x158: {  	s13 =	sor.u32 $0x820, s30;
	v53 =	vmul.f32 v61, v17;
	v36 =	vadd.f32 v62, v36;
	v34 =	vadd.f32 v44, v34  }
0x159: {  	s14 =	sor.u32 $0x820, s28;
	v45 =	vmul.f32 v61, v61;
	v54 =	vld [tilespmem:s13+$0x4200];
	v38 =	vadd.f32 v48, v38;
	v35 =	vadd.f32 v49, v35  }
0x15a: {  	s15 =	sor.u32 $0x820, s26;
	v57 =	vld [tilespmem:s14+$0x4200];
	v37 =	vadd.f32 v51, v37;
	v32 =	vadd.f32 v43, v32;
	v55 =	vmul.f32 v63, v17  }
0x15b: {  	v59 =	vld [tilespmem:s15+$0x4200];
	v39 =	vadd.f32 v53, v39;
	v56 =	vmul.f32 v63, v63;
	v58 =	vmul.f32 v50, v17  }
0x15c: {  	s18 =	sor.u32 $0x830, s29;
	v33 =	vadd.f32 v45, v33;
	v42 =	vmul.f32 v50, v50;
	v60 =	vmul.f32 v52, v18  }
0x15d: {  	v61 =	vld [tilespmem:s18+$0x4200];
	v44 =	vmul.f32 v52, v52;
	v36 =	vadd.f32 v55, v36;
	v34 =	vadd.f32 v56, v34  }
0x15e: {  	s19 =	sor.u32 $0x830, s30;
	v38 =	vadd.f32 v58, v38;
	v35 =	vadd.f32 v42, v35;
	v62 =	vmul.f32 v54, v18  }
0x15f: {  	s20 =	sor.u32 $0x830, s28;
	v48 =	vld [tilespmem:s19+$0x4200];
	v37 =	vadd.f32 v60, v37;
	v63 =	vmul.f32 v54, v54;
	v49 =	vmul.f32 v57, v18  }
0x160: {  	s21 =	sor.u32 $0x830, s26;
	v50 =	vld [tilespmem:s20+$0x4200];
	v32 =	vadd.f32 v44, v32;
	v43 =	vmul.f32 v57, v57;
	v51 =	vmul.f32 v59, v18  }
0x161: {  	v52 =	vld [tilespmem:s21+$0x4200];
	v45 =	vmul.f32 v59, v59;
	v39 =	vadd.f32 v62, v39;
	v33 =	vadd.f32 v63, v33  }
0x162: {  	s31 =	sor.u32 $0x840, s29;
	v53 =	vmul.f32 v61, v19;
	v36 =	vadd.f32 v49, v36;
	v34 =	vadd.f32 v43, v34  }
0x163: {  	s1 =	sor.u32 $0x840, s30;
	v55 =	vld [tilespmem:s31+$0x4200];
	v54 =	vmul.f32 v61, v61;
	v38 =	vadd.f32 v51, v38;
	v35 =	vadd.f32 v45, v35  }
0x164: {  	s5 =	sor.u32 $0x840, s28;
	v57 =	vld [tilespmem:s1+$0x4200];
	v37 =	vadd.f32 v53, v37;
	v56 =	vmul.f32 v48, v19;
	v42 =	vmul.f32 v48, v48  }
0x165: {  	v59 =	vld [tilespmem:s5+$0x4200];
	v32 =	vadd.f32 v54, v32;
	v58 =	vmul.f32 v50, v19;
	v44 =	vmul.f32 v50, v50  }
0x166: {  	s6 =	sor.u32 $0x840, s26;
	v60 =	vmul.f32 v52, v19;
	v39 =	vadd.f32 v56, v39;
	v33 =	vadd.f32 v42, v33  }
0x167: {  	s9 =	sor.u32 $0x850, s29;
	v62 =	vld [tilespmem:s6+$0x4200];
	v61 =	vmul.f32 v52, v52;
	v36 =	vadd.f32 v58, v36;
	v34 =	vadd.f32 v44, v34  }
0x168: {  	s10 =	sor.u32 $0x850, s30;
	v48 =	vld [tilespmem:s9+$0x4200];
	v63 =	vmul.f32 v55, v20;
	v43 =	vmul.f32 v55, v55;
	v38 =	vadd.f32 v60, v38  }
0x169: {  	s11 =	sor.u32 $0x850, s28;
	v50 =	vld [tilespmem:s10+$0x4200];
	v35 =	vadd.f32 v61, v35;
	v49 =	vmul.f32 v57, v20;
	v45 =	vmul.f32 v57, v57  }
0x16a: {  	v53 =	vld [tilespmem:s11+$0x4200];
	v51 =	vmul.f32 v59, v20;
	v37 =	vadd.f32 v63, v37;
	v32 =	vadd.f32 v43, v32  }
0x16b: {  	s12 =	sor.u32 $0x850, s26;
	v52 =	vmul.f32 v59, v59;
	v39 =	vadd.f32 v49, v39;
	v33 =	vadd.f32 v45, v33  }
0x16c: {  	s13 =	sor.u32 $0x860, s29;
	v55 =	vld [tilespmem:s12+$0x4200];
	v36 =	vadd.f32 v51, v36;
	v54 =	vmul.f32 v62, v20;
	v42 =	vmul.f32 v62, v62  }
0x16d: {  	s14 =	sor.u32 $0x860, s30;
	v57 =	vld [tilespmem:s13+$0x4200];
	v34 =	vadd.f32 v52, v34;
	v56 =	vmul.f32 v48, v21;
	v44 =	vmul.f32 v48, v48  }
0x16e: {  	v60 =	vld [tilespmem:s14+$0x4200];
	v58 =	vmul.f32 v50, v21;
	v59 =	vmul.f32 v50, v50;
	v38 =	vadd.f32 v54, v38  }
0x16f: {  	s15 =	sor.u32 $0x860, s28;
	v61 =	vmul.f32 v53, v21;
	v35 =	vadd.f32 v42, v35;
	v37 =	vadd.f32 v56, v37  }
0x170: {  	s18 =	sor.u32 $0x860, s26;
	v43 =	vmul.f32 v53, v53;
	v62 =	vld [tilespmem:s15+$0x4200];
	v32 =	vadd.f32 v44, v32;
	v39 =	vadd.f32 v58, v39  }
0x171: {  	s19 =	sor.u32 $0x870, s29;
	v48 =	vld [tilespmem:s18+$0x4200];
	v33 =	vadd.f32 v59, v33;
	v63 =	vmul.f32 v55, v21;
	v45 =	vmul.f32 v55, v55  }
0x172: {  	s20 =	sor.u32 $0x870, s30;
	v51 =	vld [tilespmem:s19+$0x4200];
	v36 =	vadd.f32 v61, v36;
	v34 =	vadd.f32 v43, v34;
	v49 =	vmul.f32 v57, v22  }
0x173: {  	v53 =	vld [tilespmem:s20+$0x4200];
	v50 =	vmul.f32 v57, v57;
	v52 =	vmul.f32 v60, v22;
	v38 =	vadd.f32 v63, v38  }
0x174: {  	s21 =	sor.u32 $0x870, s28;
	v42 =	vmul.f32 v60, v60;
	v35 =	vadd.f32 v45, v35;
	v37 =	vadd.f32 v49, v37  }
0x175: {  	s31 =	sor.u32 $0x870, s26;
	v55 =	vld [tilespmem:s21+$0x4200];
	v32 =	vadd.f32 v50, v32;
	v54 =	vmul.f32 v62, v22;
	v44 =	vmul.f32 v62, v62  }
0x176: {  	s1 =	sor.u32 $0xC00, s29;
	v58 =	vld [tilespmem:s31+$0x4200];
	v39 =	vadd.f32 v52, v39;
	v56 =	vmul.f32 v48, v22;
	v57 =	vmul.f32 v48, v48  }
0x177: {  	v60 =	vld [tilespmem:s1+$0x4200];
	v33 =	vadd.f32 v42, v33;
	v59 =	vmul.f32 v51, v23;
	v43 =	vmul.f32 v51, v51  }
0x178: {  	s5 =	sor.u32 $0xC00, s30;
	v61 =	vmul.f32 v53, v23;
	v36 =	vadd.f32 v54, v36;
	v34 =	vadd.f32 v44, v34  }
0x179: {  	s6 =	sor.u32 $0xC00, s28;
	v45 =	vmul.f32 v53, v53;
	v62 =	vld [tilespmem:s5+$0x4200];
	v38 =	vadd.f32 v56, v38;
	v35 =	vadd.f32 v57, v35  }
0x17a: {  	s9 =	sor.u32 $0xC00, s26;
	v49 =	vld [tilespmem:s6+$0x4200];
	v37 =	vadd.f32 v59, v37;
	v32 =	vadd.f32 v43, v32;
	v63 =	vmul.f32 v55, v23  }
0x17b: {  	v51 =	vld [tilespmem:s9+$0x4200];
	v39 =	vadd.f32 v61, v39;
	v48 =	vmul.f32 v55, v55;
	v50 =	vmul.f32 v58, v23  }
0x17c: {  	s10 =	sor.u32 $0xC10, s29;
	v33 =	vadd.f32 v45, v33;
	v42 =	vmul.f32 v58, v58;
	v52 =	vmul.f32 v60, v24  }
0x17d: {  	v53 =	vld [tilespmem:s10+$0x4200];
	v44 =	vmul.f32 v60, v60;
	v36 =	vadd.f32 v63, v36;
	v34 =	vadd.f32 v48, v34  }
0x17e: {  	s11 =	sor.u32 $0xC10, s30;
	v38 =	vadd.f32 v50, v38;
	v35 =	vadd.f32 v42, v35;
	v54 =	vmul.f32 v62, v24  }
0x17f: {  	s12 =	sor.u32 $0xC10, s28;
	v56 =	vld [tilespmem:s11+$0x4200];
	v37 =	vadd.f32 v52, v37;
	v55 =	vmul.f32 v62, v62;
	v57 =	vmul.f32 v49, v24  }
0x180: {  	s13 =	sor.u32 $0xC10, s26;
	v58 =	vld [tilespmem:s12+$0x4200];
	v32 =	vadd.f32 v44, v32;
	v43 =	vmul.f32 v49, v49;
	v59 =	vmul.f32 v51, v24  }
0x181: {  	v60 =	vld [tilespmem:s13+$0x4200];
	v45 =	vmul.f32 v51, v51;
	v39 =	vadd.f32 v54, v39;
	v33 =	vadd.f32 v55, v33  }
0x182: {  	s14 =	sor.u32 $0xC20, s29;
	v61 =	vmul.f32 v53, v25;
	v36 =	vadd.f32 v57, v36;
	v34 =	vadd.f32 v43, v34  }
0x183: {  	s15 =	sor.u32 $0xC20, s30;
	v63 =	vld [tilespmem:s14+$0x4200];
	v62 =	vmul.f32 v53, v53;
	v38 =	vadd.f32 v59, v38;
	v35 =	vadd.f32 v45, v35  }
0x184: {  	s18 =	sor.u32 $0xC20, s28;
	v49 =	vld [tilespmem:s15+$0x4200];
	v37 =	vadd.f32 v61, v37;
	v48 =	vmul.f32 v56, v25;
	v42 =	vmul.f32 v56, v56  }
0x185: {  	v51 =	vld [tilespmem:s18+$0x4200];
	v32 =	vadd.f32 v62, v32;
	v50 =	vmul.f32 v58, v25;
	v44 =	vmul.f32 v58, v58  }
0x186: {  	s19 =	sor.u32 $0xC20, s26;
	v52 =	vmul.f32 v60, v25;
	v39 =	vadd.f32 v48, v39;
	v33 =	vadd.f32 v42, v33  }
0x187: {  	s20 =	sor.u32 $0xC30, s29;
	v54 =	vld [tilespmem:s19+$0x4200];
	v53 =	vmul.f32 v60, v60;
	v36 =	vadd.f32 v50, v36;
	v34 =	vadd.f32 v44, v34  }
0x188: {  	s21 =	sor.u32 $0xC30, s30;
	v56 =	vld [tilespmem:s20+$0x4200];
	v55 =	vmul.f32 v63, v26;
	v43 =	vmul.f32 v63, v63;
	v38 =	vadd.f32 v52, v38  }
0x189: {  	s31 =	sor.u32 $0xC30, s28;
	v58 =	vld [tilespmem:s21+$0x4200];
	v35 =	vadd.f32 v53, v35;
	v57 =	vmul.f32 v49, v26;
	v45 =	vmul.f32 v49, v49  }
0x18a: {  	v61 =	vld [tilespmem:s31+$0x4200];
	v59 =	vmul.f32 v51, v26;
	v37 =	vadd.f32 v55, v37;
	v32 =	vadd.f32 v43, v32  }
0x18b: {  	s1 =	sor.u32 $0xC30, s26;
	v60 =	vmul.f32 v51, v51;
	v39 =	vadd.f32 v57, v39;
	v33 =	vadd.f32 v45, v33  }
0x18c: {  	s5 =	sor.u32 $0xC40, s29;
	v63 =	vld [tilespmem:s1+$0x4200];
	v36 =	vadd.f32 v59, v36;
	v62 =	vmul.f32 v54, v26;
	v42 =	vmul.f32 v54, v54  }
0x18d: {  	s6 =	sor.u32 $0xC40, s30;
	v49 =	vld [tilespmem:s5+$0x4200];
	v34 =	vadd.f32 v60, v34;
	v48 =	vmul.f32 v56, v27;
	v44 =	vmul.f32 v56, v56  }
0x18e: {  	v52 =	vld [tilespmem:s6+$0x4200];
	v50 =	vmul.f32 v58, v27;
	v51 =	vmul.f32 v58, v58;
	v38 =	vadd.f32 v62, v38  }
0x18f: {  	s9 =	sor.u32 $0xC40, s28;
	v53 =	vmul.f32 v61, v27;
	v35 =	vadd.f32 v42, v35;
	v37 =	vadd.f32 v48, v37  }
0x190: {  	s10 =	sor.u32 $0xC40, s26;
	v43 =	vmul.f32 v61, v61;
	v54 =	vld [tilespmem:s9+$0x4200];
	v32 =	vadd.f32 v44, v32;
	v39 =	vadd.f32 v50, v39  }
0x191: {  	s11 =	sor.u32 $0xC50, s29;
	v56 =	vld [tilespmem:s10+$0x4200];
	v33 =	vadd.f32 v51, v33;
	v55 =	vmul.f32 v63, v27;
	v45 =	vmul.f32 v63, v63  }
0x192: {  	s12 =	sor.u32 $0xC50, s30;
	v59 =	vld [tilespmem:s11+$0x4200];
	v36 =	vadd.f32 v53, v36;
	v34 =	vadd.f32 v43, v34;
	v57 =	vmul.f32 v49, v28  }
0x193: {  	v61 =	vld [tilespmem:s12+$0x4200];
	v58 =	vmul.f32 v49, v49;
	v60 =	vmul.f32 v52, v28;
	v38 =	vadd.f32 v55, v38  }
0x194: {  	s13 =	sor.u32 $0xC50, s28;
	v42 =	vmul.f32 v52, v52;
	v35 =	vadd.f32 v45, v35;
	v37 =	vadd.f32 v57, v37  }
0x195: {  	s14 =	sor.u32 $0xC50, s26;
	v63 =	vld [tilespmem:s13+$0x4200];
	v32 =	vadd.f32 v58, v32;
	v62 =	vmul.f32 v54, v28;
	v44 =	vmul.f32 v54, v54  }
0x196: {  	s15 =	sor.u32 $0xC60, s29;
	v50 =	vld [tilespmem:s14+$0x4200];
	v39 =	vadd.f32 v60, v39;
	v48 =	vmul.f32 v56, v28;
	v49 =	vmul.f32 v56, v56  }
0x197: {  	v52 =	vld [tilespmem:s15+$0x4200];
	v33 =	vadd.f32 v42, v33;
	v51 =	vmul.f32 v59, v29;
	v43 =	vmul.f32 v59, v59  }
0x198: {  	s18 =	sor.u32 $0xC60, s30;
	v53 =	vmul.f32 v61, v29;
	v36 =	vadd.f32 v62, v36;
	v34 =	vadd.f32 v44, v34  }
0x199: {  	s19 =	sor.u32 $0xC60, s28;
	v45 =	vmul.f32 v61, v61;
	v54 =	vld [tilespmem:s18+$0x4200];
	v38 =	vadd.f32 v48, v38;
	v35 =	vadd.f32 v49, v35  }
0x19a: {  	s20 =	sor.u32 $0xC70, s29;
	v56 =	vld [tilespmem:s19+$0x4200];
	v37 =	vadd.f32 v51, v37;
	v32 =	vadd.f32 v43, v32;
	v55 =	vmul.f32 v63, v29  }
0x19b: {  	v58 =	vld [tilespmem:s20+$0x4200];
	v39 =	vadd.f32 v53, v39;
	v57 =	vmul.f32 v63, v63;
	v59 =	vmul.f32 v50, v29  }
0x19c: {  	s21 =	sor.u32 $0xC70, s30;
	v33 =	vadd.f32 v45, v33;
	v42 =	vmul.f32 v50, v50;
	v60 =	vmul.f32 v52, v30  }
0x19d: {  	s29 =	sor.u32 $0xC60, s26;
	v61 =	vld [tilespmem:s21+$0x4200];
	v44 =	vmul.f32 v52, v52;
	v36 =	vadd.f32 v55, v36;
	v34 =	vadd.f32 v57, v34  }
0x19e: {  	s30 =	sor.u32 $0xC70, s28;
	v63 =	vld [tilespmem:s29+$0x4200];
	v38 =	vadd.f32 v59, v38;
	v35 =	vadd.f32 v42, v35;
	v62 =	vmul.f32 v54, v30  }
0x19f: {  	v49 =	vld [tilespmem:s30+$0x4200];
	v37 =	vadd.f32 v60, v37;
	v48 =	vmul.f32 v54, v54;
	v50 =	vmul.f32 v56, v30  }
0x1a0: {  	s31 =	sor.u32 $0xC70, s26;
	v32 =	vadd.f32 v44, v32;
	v51 =	vmul.f32 v58, v31;
	v52 =	vmul.f32 v56, v56  }
0x1a1: {  	v53 =	vmul.f32 v58, v58;
	v54 =	vld [tilespmem:s31+$0x4200];
	v39 =	vadd.f32 v62, v39;
	v33 =	vadd.f32 v48, v33  }
0x1a2: {  	v55 =	vmul.f32 v61, v31;
	v36 =	vadd.f32 v50, v36;
	v37 =	vadd.f32 v51, v37  }
0x1a3: {  	v56 =	vmul.f32 v61, v61;
	v34 =	vadd.f32 v52, v34;
	v32 =	vadd.f32 v53, v32  }
0x1a4: {  	v57 =	vmul.f32 v63, v30;
	v58 =	vmul.f32 v49, v31;
	v39 =	vadd.f32 v55, v39;
	[tilespmem:s22+$0xFFFFFFD0] =	vst v37  }
0x1a5: {  	v59 =	vmul.f32 v63, v63;
	v60 =	vmul.f32 v49, v49;
	v33 =	vadd.f32 v56, v33;
	[tilespmem:s23+$0xFFFFFFD0] =	vst v32  }
0x1a6: {  	p2 =	sne.s32 s25, $0x3800;
	v38 =	vadd.f32 v57, v38;
	v36 =	vadd.f32 v58, v36;
	v61 =	vmul.f32 v54, v31;
	[tilespmem:s22+$0xFFFFFFE0] =	vst v39  }
.Ltmp1:
0x1a7: {  	v34 =	vadd.f32 v60, v34;
	v32 =	vadd.f32 v59, v35;
	v62 =	vmul.f32 v54, v54;
	[tilespmem:s23+$0xFFFFFFE0] =	vst v33;
	(pc) =	sbr.rel @p2 .LBB2_5-.Ltmp1, $4  }
0x1a8: {  	v63 =	vadd.f32 v61, v38;
	[tilespmem:s22+$0xFFFFFFF0] =	vst v36  }
0x1a9: {  	v32 =	vadd.f32 v62, v32;
	[tilespmem:s23+$0xFFFFFFF0] =	vst v34  }
0x1aa: {  	s24 =	sadd.s32 $0x200, s24;
	p1 =	por !p1, !p1;
	[tilespmem:s22+$0x0] =	vst v63  }
0x1ab: {  	s25 =	sadd.s32 $0x800, s25;
	s22 =	sadd.s32 $0x40, s22;
	[tilespmem:s23+$0x0] =	vst v32;
	s23 =	sadd.s32 $0x40, s23  }
.Ltmp2:
0x1ac: {  	(pc) =	sbr.rel @!p0 .LBB2_2-.Ltmp2, $2  }
0x1ad: {  	_ =	sdelay $0x2  }
0x1ae: {  	s0 =	simm.s32 $0x400;
	p1 =	por $0x1, $0x1;
	s1 =	smov.u32 s8  }
0x1af: {  	s0 =	simm.s32 $0x8A20  }
0x1b0: {  	s1 =	simm.s32 $0x8220;
	v0 =	vld [tilespmem:s0+$0xFFFFFFE0]  }
0x1b1: {  	v1 =	vld [tilespmem:s1+$0xFFFFFFE0];
	_ =	sdelay $0x3  }
0x1b2: {  	(xrf2) =	vadd.scan.msk.f32 $0xffff, v0;
	v0 =	vld [tilespmem:s0+$0xFFFFFFF0]  }
0x1b3: {  	(xrf2) =	vadd.scan.msk.f32 $0xffff, v1;
	v1 =	vld [tilespmem:s1+$0xFFFFFFF0];
	_ =	sdelay $0x3  }
0x1b4: {  	(xrf2) =	vadd.scan.msk.f32 $0xffff, v0;
	v0 =	vld [tilespmem:s0+$0x0]  }
0x1b5: {  	(xrf2) =	vadd.scan.msk.f32 $0xffff, v1;
	v1 =	vld [tilespmem:s1+$0x0];
	_ =	sdelay $0x3  }
0x1b6: {  	v2, _, _ =	vpop (xrf2);
	(xrf2) =	vadd.scan.msk.f32 $0xffff, v0  }
0x1b7: {  	v3, _, _ =	vpop (xrf2);
	(xrf2) =	vadd.scan.msk.f32 $0xffff, v1  }
0x1b8: {  	v0 =	vld [tilespmem:s0+$0x10];
	(v2sf) =	vpush v3, $0xF  }
0x1b9: {  	v1 =	vld [tilespmem:s1+$0x10];
	(v2sf) =	vpush v2, $0xF;
	_ =	sdelay $0x1  }
0x1ba: {  	v2, _, _ =	vpop (xrf2)  }
0x1bb: {  	v3, _, _ =	vpop (xrf2)  }
0x1bc: {  	(xrf2) =	vadd.scan.msk.f32 $0xffff, v0;
	(v2sf) =	vpush v3, $0xF  }
0x1bd: {  	(xrf2) =	vadd.scan.msk.f32 $0xffff, v1;
	_ =	sdelay $0x1  }
0x1be: {  	(v2sf) =	vpush v2, $0xF;
	v0, _, _ =	vpop (xrf2)  }
0x1bf: {  	v1, _, _ =	vpop (xrf2)  }
0x1c0: {  	s5 =	simm.s32 $0x8A60;
	(v2sf) =	vpush v1, $0xF  }
0x1c1: {  	s2 =	simm.s32 $0x8260;
	(v2sf) =	vpush v0, $0xF;
	v0 =	vld [tilespmem:s5+$0xFFFFFFE0]  }
0x1c2: {  	v2 =	vld [tilespmem:s2+$0xFFFFFFE0];
	_ =	sdelay $0x2  }
0x1c3: {  	v1, _, _ =	vpop (xrf2);
	s1 =	spop (v2sf)  }
0x1c4: {  	v4 =	vld [tilespmem:s5+$0xFFFFFFF0];
	v3, _, _ =	vpop (xrf2);
	s6 =	sand.u32 $0x7FFFFFFF, s1;
	s9 =	spop (v2sf);
	(xrf2) =	vadd.scan.msk.f32 $0xffff, v0  }
0x1c5: {  	s24 =	simm.f32 $-3.399999950e+38;
	(v2sf) =	vpush v3, $0xF;
	v3 =	vld [tilespmem:s2+$0xFFFFFFF0];
	s6 =	smul.f32 s6, s1;
	s10 =	smax.f32 s9, $1.000000020e-16;
	(xrf2) =	vadd.scan.msk.f32 $0xffff, v2  }
0x1c6: {  	s22 =	simm.f32 $1.000000000e+00;
	s11 =	smul.f32 s10, s24  }
0x1c7: {  	(v2sf) =	vpush v1, $0xF;
	v1 =	vld [tilespmem:s5+$0x0];
	s12 =	smul.f32 s6, s22  }
0x1c8: {  	v0 =	vld [tilespmem:s2+$0x0];
	s18 =	spop (v2sf)  }
0x1c9: {  	(xrf2) =	vadd.scan.msk.f32 $0xffff, v4;
	p0 =	sgt.f32 s12, s11;
	s7 =	sand.u32 $0x7FFFFFFF, s18  }
0x1ca: {  	s14 =	rddreg [dreg:$0x5];
	s26 =	simm.f32 $1.000000000e+00;
	(xrf2) =	vadd.scan.msk.f32 $0xffff, v3;
	s11 =	smul.f32 s7, s18  }
0x1cb: {  	s28 =	sadd.s32 $0x0, s14;
	s12 =	spop (v2sf);
	s26 =	smov.u32 @p0 s10  }
0x1cc: {  	(xrf2) =	vadd.scan.msk.f32 $0xffff, v1;
	s14 =	smax.f32 s12, $1.000000020e-16;
	s24 =	smov.u32 @p0 s6;
	s8 =	smul.f32 s26, s11  }
0x1cd: {  	s23 =	simm.s32 $0x0;
	s25 =	simm.f32 $0.0e+00;
	(xrf2) =	vadd.scan.msk.f32 $0xffff, v0;
	s10 =	smul.f32 s24, s14  }
0x1ce: {  	s23 =	smov.u32 @p0 s28;
	s22 =	smov.u32 @p0 s9;
	s31 =	spop (v2sf);
	v1, _, _ =	vpop (xrf2)  }
0x1cf: {  	s25 =	smov.u32 @p0 s1;
	p0 =	sgt.f32 s8, s10;
	s13 =	sand.u32 $0x7FFFFFFF, s31;
	v3, _, _ =	vpop (xrf2)  }
0x1d0: {  	[dreg:$0xf] =	wrdreg s3;
	s30 =	simm.s32 $0x4;
	s19 =	smul.f32 s13, s31;
	(v2sf) =	vpush v3, $0xF  }
0x1d1: {  	s0 =	simm.s32 $0x8AA0;
	v0 =	vld [tilespmem:s5+$0x10];
	s10 =	spop (v2sf);
	s26 =	smov.u32 @p0 s14;
	(v2sf) =	vpush v1, $0xF  }
0x1d2: {  	v2 =	vld [tilespmem:s2+$0x10];
	s20 =	smax.f32 s10, $1.000000020e-16;
	s24 =	smov.u32 @p0 s11;
	s14 =	smul.f32 s26, s19  }
0x1d3: {  	v63 =	vld [tilespmem:s0+$0xFFFFFFE0];
	s2 =	simm.s32 $0x82A0;
	s6 =	sadd.s32 $0x1, s28;
	v3, _, _ =	vpop (xrf2);
	s15 =	smul.f32 s24, s20  }
0x1d4: {  	v5 =	vld [tilespmem:s2+$0xFFFFFFE0];
	s23 =	smov.u32 @p0 s6;
	s22 =	smov.u32 @p0 s12;
	s1 =	spop (v2sf);
	v1, _, _ =	vpop (xrf2)  }
0x1d5: {  	s25 =	smov.u32 @p0 s18;
	p0 =	sgt.f32 s14, s15;
	s21 =	sand.u32 $0x7FFFFFFF, s1;
	(v2sf) =	vpush v1, $0xF  }
0x1d6: {  	s29 =	simm.s32 $0x8;
	(xrf2) =	vadd.scan.msk.f32 $0xffff, v0;
	s14 =	spop (v2sf);
	v1, _, _ =	vpop (xrf2);
	s6 =	smul.f32 s21, s1  }
0x1d7: {  	s11 =	sadd.s32 $0x2, s28;
	(xrf2) =	vadd.scan.msk.f32 $0xffff, v2;
	s9 =	smax.f32 s14, $1.000000020e-16;
	(v2sf) =	vpush v3, $0xF;
	v0, _, _ =	vpop (xrf2);
	s26 =	smov.u32 @p0 s20  }
0x1d8: {  	(xrf2) =	vadd.scan.msk.f32 $0xffff, v63;
	s23 =	smov.u32 @p0 s11;
	(v2sf) =	vpush v0, $0xF;
	s24 =	smov.u32 @p0 s19;
	s11 =	smul.f32 s26, s6  }
0x1d9: {  	s18 =	simm.s32 $0xC;
	(xrf2) =	vadd.scan.msk.f32 $0xffff, v5;
	v0 =	vld [tilespmem:s0+$0xFFFFFFF0];
	s22 =	smov.u32 @p0 s10;
	(v2sf) =	vpush v1, $0xF;
	s12 =	smul.f32 s24, s9  }
.LBB2_8:
0x1da: {  	_ =	sdelay $0x4  }
0x1db: {  	s25 =	smov.u32 @p0 s31;
	p0 =	sgt.f32 s11, s12;
	s10 =	spop (v2sf)  }
0x1dc: {  	v2 =	vld [tilespmem:s2+$0xFFFFFFF0];
	s19 =	sand.u32 $0x7FFFFFFF, s10;
	s20 =	spop (v2sf)  }
0x1dd: {  	v1, _, _ =	vpop (xrf2);
	s24 =	smov.u32 @p0 s6;
	s11 =	smul.f32 s19, s10;
	s12 =	smax.f32 s20, $1.000000020e-16  }
0x1de: {  	s26 =	smov.u32 @p0 s9;
	(xrf2) =	vadd.scan.msk.f32 $0xffff, v0;
	v0, _, _ =	vpop (xrf2);
	s4 =	smul.f32 s12, s24  }
0x1df: {  	s6 =	sadd.s32 $0x3, s28;
	(v2sf) =	vpush v0, $0xF;
	s5 =	smul.f32 s11, s26  }
0x1e0: {  	v3 =	vld [tilespmem:s0+$0x0];
	s22 =	smov.u32 @p0 s14;
	s25 =	smov.u32 @p0 s1;
	(v2sf) =	vpush v1, $0xF;
	s14 =	spop (v2sf)  }
0x1e1: {  	s23 =	smov.u32 @p0 s6;
	(xrf2) =	vadd.scan.msk.f32 $0xffff, v2;
	v1 =	vld [tilespmem:s2+$0x0];
	s8 =	sand.u32 $0x7FFFFFFF, s14;
	p0 =	sgt.f32 s5, s4  }
0x1e2: {  	s1 =	smul.f32 s8, s14  }
0x1e3: {  	s7 =	rddreg [dreg:$0x5];
	s6 =	spop (v2sf);
	s26 =	smov.u32 @p0 s12  }
0x1e4: {  	v0, _, _ =	vpop (xrf2);
	s9 =	smax.f32 s6, $1.000000020e-16;
	s24 =	smov.u32 @p0 s11;
	s13 =	smul.f32 s26, s1  }
0x1e5: {  	s28 =	sadd.s32 s30, s7;
	v2, _, _ =	vpop (xrf2);
	(xrf2) =	vadd.scan.msk.f32 $0xffff, v3;
	s15 =	smul.f32 s24, s9  }
0x1e6: {  	v3 =	vld [tilespmem:s0+$0x10];
	s23 =	smov.u32 @p0 s28;
	(xrf2) =	vadd.scan.msk.f32 $0xffff, v1;
	s22 =	smov.u32 @p0 s20;
	s31 =	spop (v2sf)  }
0x1e7: {  	s25 =	smov.u32 @p0 s10;
	s19 =	sand.u32 $0x7FFFFFFF, s31;
	p0 =	sgt.f32 s13, s15  }
0x1e8: {  	s10 =	smul.f32 s19, s31  }
0x1e9: {  	s0 =	sadd.s32 $0x40, s0;
	(v2sf) =	vpush v2, $0xF;
	s12 =	spop (v2sf);
	s26 =	smov.u32 @p0 s9  }
0x1ea: {  	(v2sf) =	vpush v0, $0xF;
	v0 =	vld [tilespmem:s2+$0x10];
	v1, _, _ =	vpop (xrf2);
	s19 =	smax.f32 s12, $1.000000020e-16;
	s24 =	smov.u32 @p0 s1;
	s9 =	smul.f32 s26, s10  }
0x1eb: {  	p1 =	sne.s32 s18, $0x7C;
	v2 =	vld [tilespmem:s0+$0xFFFFFFE0];
	s11 =	sadd.s32 $0x1, s28;
	(xrf2) =	vadd.scan.msk.f32 $0xffff, v3;
	v3, _, _ =	vpop (xrf2);
	s20 =	smul.f32 s24, s19  }
0x1ec: {  	s30 =	smov.u32 s29;
	s2 =	sadd.s32 $0x40, s2;
	(v2sf) =	vpush v3, $0xF;
	s23 =	smov.u32 @p0 s11  }
0x1ed: {  	(v2sf) =	vpush v1, $0xF;
	s22 =	smov.u32 @p0 s6;
	v1 =	vld [tilespmem:s2+$0xFFFFFFE0];
	s25 =	smov.u32 @p0 s14;
	p0 =	sgt.f32 s9, s20  }
.Ltmp3:
0x1ee: {  	s29 =	smov.u32 s18;
	s1 =	spop (v2sf);
	(pc) =	sbr.rel @p1 .LBB2_8-.Ltmp3, $4  }
0x1ef: {  	(xrf2) =	vadd.scan.msk.f32 $0xffff, v0;
	s11 =	sadd.s32 $0x2, s28;
	v3, _, _ =	vpop (xrf2);
	s21 =	sand.u32 $0x7FFFFFFF, s1;
	s14 =	spop (v2sf)  }
0x1f0: {  	(xrf2) =	vadd.scan.msk.f32 $0xffff, v2;
	v2, _, _ =	vpop (xrf2);
	s24 =	smov.u32 @p0 s10;
	s6 =	smul.f32 s21, s1;
	s9 =	smax.f32 s14, $1.000000020e-16  }
0x1f1: {  	s26 =	smov.u32 @p0 s19;
	s22 =	smov.u32 @p0 s12;
	(v2sf) =	vpush v2, $0xF;
	s12 =	smul.f32 s24, s9  }
0x1f2: {  	s18 =	sadd.s32 $0x4, s18;
	v0 =	vld [tilespmem:s0+$0xFFFFFFF0];
	s23 =	smov.u32 @p0 s11;
	(xrf2) =	vadd.scan.msk.f32 $0xffff, v1;
	(v2sf) =	vpush v3, $0xF;
	s11 =	smul.f32 s26, s6  }
0x1f3: {  	_ =	sdelay $0x2  }
0x1f4: {  	v1 =	vld [tilespmem:s2+$0xFFFFFFF0];
	_ =	sdelay $0x1  }
0x1f5: {  	p1 =	sgt.f32 s11, s12;
	s18 =	spop (v2sf)  }
0x1f6: {  	v2, _, _ =	vpop (xrf2);
	s10 =	sand.u32 $0x7FFFFFFF, s18;
	s19 =	spop (v2sf)  }
0x1f7: {  	s24 =	smov.u32 @p1 s6;
	(xrf2) =	vadd.scan.msk.f32 $0xffff, v0;
	v3, _, _ =	vpop (xrf2);
	s10 =	smul.f32 s10, s18;
	s11 =	smax.f32 s19, $1.000000020e-16  }
0x1f8: {  	v49 =	vld [tilespmem:s0+$0x0];
	s26 =	smov.u32 @p1 s9;
	(xrf2) =	vadd.scan.msk.f32 $0xffff, v1;
	(v2sf) =	vpush v3, $0xF;
	s6 =	smul.f32 s11, s24  }
0x1f9: {  	v50 =	vld [tilespmem:s2+$0x0];
	(v2sf) =	vpush v2, $0xF;
	s9 =	smul.f32 s10, s26  }
0x1fa: {  	s3 =	simm.s32 @!p1 $0x0;
	s20 =	spop (v2sf)  }
0x1fb: {  	s3 =	simm.s32 @p1 $0x1;
	v51, _, _ =	vpop (xrf2);
	s8 =	sand.u32 $0x7FFFFFFF, s20;
	p1 =	sgt.f32 s9, s6  }
0x1fc: {  	v52, _, _ =	vpop (xrf2);
	s6 =	smul.f32 s8, s20  }
0x1fd: {  	(xrf2) =	vadd.scan.msk.f32 $0xffff, v49;
	(v2sf) =	vpush v52, $0xF;
	s9 =	spop (v2sf);
	s26 =	smov.u32 @p1 s11  }
0x1fe: {  	(xrf2) =	vadd.scan.msk.f32 $0xffff, v50;
	s12 =	smax.f32 s9, $1.000000020e-16;
	s24 =	smov.u32 @p1 s10;
	s11 =	smul.f32 s26, s6  }
0x1ff: {  	(v2sf) =	vpush v51, $0xF;
	s5 =	smul.f32 s24, s12  }
0x200: {  	[smem:$0x7FC] =	sst s3;
	s10 =	spop (v2sf)  }
0x201: {  	s3 =	simm.s32 @!p1 $0x0;
	v53, _, _ =	vpop (xrf2);
	p3 =	sgt.f32 s11, s5;
	s11 =	sand.u32 $0x7FFFFFFF, s10  }
0x202: {  	v54 =	vld [tilespmem:s0+$0x10];
	s3 =	simm.s32 @p1 $0x1;
	v55, _, _ =	vpop (xrf2);
	s5 =	smul.f32 s11, s10  }
0x203: {  	v56 =	vld [tilespmem:s2+$0x10];
	s0 =	spop (v2sf);
	[smem:$0x7FD] =	sst s3;
	(v2sf) =	vpush v55, $0xF;
	s26 =	smov.u32 @p3 s12  }
0x204: {  	s3 =	smax.f32 s0, $1.000000020e-16;
	s24 =	smov.u32 @p3 s6;
	s13 =	smul.f32 s26, s5  }
0x205: {  	s15 =	smul.f32 s24, s3  }
0x206: {  	(v2sf) =	vpush v53, $0xF  }
0x207: {  	(xrf2) =	vadd.scan.msk.f32 $0xffff, v54;
	v57, _, _ =	vpop (xrf2);
	p4 =	sgt.f32 s13, s15;
	s2 =	spop (v2sf)  }
0x208: {  	(xrf2) =	vadd.scan.msk.f32 $0xffff, v56;
	v58, _, _ =	vpop (xrf2);
	s21 =	sand.u32 $0x7FFFFFFF, s2;
	s11 =	spop (v2sf)  }
0x209: {  	(v2sf) =	vpush v58, $0xF;
	s24 =	smov.u32 @p4 s5;
	s13 =	smul.f32 s21, s2;
	s21 =	smax.f32 s11, $1.000000020e-16  }
0x20a: {  	s26 =	smov.u32 @p4 s3;
	s5 =	smul.f32 s24, s21  }
0x20b: {  	s3 =	smul.f32 s26, s13  }
0x20c: {  	s12 =	spop (v2sf);
	(v2sf) =	vpush v57, $0xF  }
0x20d: {  	p5 =	sgt.f32 s3, s5  }
0x20e: {  	s15 =	sand.u32 $0x7FFFFFFF, s12;
	s6 =	spop (v2sf)  }
0x20f: {  	s3 =	smul.f32 s15, s12;
	s5 =	smax.f32 s6, $1.000000020e-16;
	s24 =	smov.u32 @p5 s13  }
0x210: {  	s26 =	smov.u32 @p5 s21;
	s13 =	smul.f32 s5, s24  }
0x211: {  	v59, _, _ =	vpop (xrf2);
	s15 =	smul.f32 s3, s26  }
0x212: {  	v60, _, _ =	vpop (xrf2);
	s21 =	spop (v2sf)  }
0x213: {  	(v2sf) =	vpush v60, $0xF;
	p6 =	sgt.f32 s15, s13;
	s4 =	sand.u32 $0x7FFFFFFF, s21  }
0x214: {  	s13 =	smul.f32 s4, s21  }
0x215: {  	s15 =	spop (v2sf);
	(v2sf) =	vpush v59, $0xF;
	s26 =	smov.u32 @p6 s5  }
0x216: {  	s5 =	smax.f32 s15, $1.000000020e-16;
	s24 =	smov.u32 @p6 s3;
	s7 =	smul.f32 s26, s13  }
0x217: {  	s4 =	smul.f32 s24, s5  }
0x218: {  	s3 =	spop (v2sf)  }
0x219: {  	p2 =	sgt.f32 s7, s4;
	s8 =	sand.u32 $0x7FFFFFFF, s3  }
0x21a: {  	s25 =	smov.u32 @p0 s31;
	s31 =	sld [smem:$0x7FC];
	s4 =	smul.f32 s8, s3  }
0x21b: {  	s26 =	smov.u32 @p2 s5;
	s5 =	spop (v2sf)  }
0x21c: {  	s24 =	smov.u32 @p2 s13;
	s13 =	smax.f32 s5, $1.000000020e-16;
	s7 =	smul.f32 s26, s4  }
0x21d: {  	p0 =	seq.s32 s31, $0x1;
	s31 =	sld [smem:$0x7FD];
	s8 =	smul.f32 s24, s13  }
0x21e: {  	s22 =	smov.u32 @p0 s14  }
0x21f: {  	s25 =	smov.u32 @p0 s1;
	p1 =	sgt.f32 s7, s8;
	s7 =	sadd.s32 $0x3, s28  }
0x220: {  	s14 =	rddreg [dreg:$0x5];
	s23 =	smov.u32 @p0 s7;
	p0 =	seq.s32 s31, $0x1  }
0x221: {  	s26 =	smov.u32 @p1 s13;
	s24 =	smov.u32 @p1 s4;
	s22 =	smov.u32 @p0 s19  }
0x222: {  	s25 =	smov.u32 @p0 s18;
	s7 =	spop (v2sf);
	s22 =	smov.u32 @p3 s9  }
0x223: {  	s25 =	smov.u32 @p3 s20;
	s20 =	rddreg [dreg:$0x5];
	s8 =	sand.u32 $0x7FFFFFFF, s7  }
0x224: {  	s4 =	spop (v2sf);
	s22 =	smov.u32 @p4 s0;
	s25 =	smov.u32 @p4 s10  }
0x225: {  	s1 =	smul.f32 s8, s7;
	s28 =	smax.f32 s4, $1.000000020e-16;
	s8 =	sadd.s32 s30, s14  }
0x226: {  	s22 =	smov.u32 @p5 s11;
	s25 =	smov.u32 @p5 s2;
	s13 =	smul.f32 s24, s28  }
0x227: {  	s23 =	smov.u32 @p0 s8;
	s14 =	sadd.s32 $0x1, s8;
	s1 =	smul.f32 s26, s1  }
0x228: {  	s0 =	sadd.s32 $0x3, s8;
	s22 =	smov.u32 @p6 s6;
	s25 =	smov.u32 @p6 s12  }
0x229: {  	s23 =	smov.u32 @p3 s14;
	p0 =	sgt.f32 s1, s13;
	s1 =	sadd.s32 $0x2, s8  }
0x22a: {  	s25 =	smov.u32 @p2 s21;
	s22 =	smov.u32 @p2 s15;
	s23 =	smov.u32 @p4 s1  }
0x22b: {  	s25 =	smov.u32 @p1 s3;
	s23 =	smov.u32 @p5 s0;
	s0 =	sadd.s32 s29, s20  }
0x22c: {  	s22 =	smov.u32 @p1 s5;
	s23 =	smov.u32 @p6 s0;
	s1 =	sadd.s32 $0x1, s0  }
0x22d: {  	s25 =	smov.u32 @p0 s7;
	s23 =	smov.u32 @p2 s1;
	s1 =	sadd.s32 $0x2, s0  }
0x22e: {  	s22 =	smov.u32 @p0 s4;
	v61 =	vmov s25;
	s0 =	sadd.s32 $0x3, s0;
	s23 =	smov.u32 @p1 s1  }
0x22f: {  	v62 =	vmov s22;
	[tilespmem:$0x9200] =	vst v61;
	s23 =	smov.u32 @p0 s0  }
0x230: {  	s24 =	simm.s32 $0x9200;
	[tilespmem:$0x9280] =	vst v62;
	v63 =	vmov s23  }
0x231: {  	s5 =	simm.s32 $0x0;
	s1 =	simm.s32 $0x3;
	s23 =	rddreg [dreg:$0xb];
	[tilespmem:$0x9300] =	vst v63  }
0x232: {  	[hbm4b:s23+s5] =	stream.linear.scatter [tilespmem:s24], [sflag:$0x3], $0x10, $0x38;
	[tilespmem:$0x9380] =	vst v63  }
0x233: {  	_ =	swait.ge [sflag:s1], $0x10  }
0x234: {  	[sflag:s1] =	ssyncset.done $0x0  }
0x235: {  	s26 =	simm.s32 $0x9280;
	s25 =	rddreg [dreg:$0xc];
	[sflag:s1] =	ssyncadd.s32 $0xFFFFFFF0  }
0x236: {  	[hbm4b:s25+s5] =	stream.linear.scatter [tilespmem:s26], [sflag:$0x3], $0x10, $0x38;
	[tilespmem:$0x9380] =	vst v63  }
0x237: {  	_ =	swait.ge [sflag:s1], $0x10  }
0x238: {  	[sflag:s1] =	ssyncset.done $0x0  }
0x239: {  	s29 =	simm.s32 $0x9300;
	s28 =	rddreg [dreg:$0xd];
	[sflag:s1] =	ssyncadd.s32 $0xFFFFFFF0  }
0x23a: {  	[hbm4b:s28+s5] =	stream.linear.scatter [tilespmem:s29], [sflag:$0x3], $0x10, $0x38;
	[tilespmem:$0x9380] =	vst v63  }
0x23b: {  	_ =	swait.ge [sflag:s1], $0x10  }
0x23c: {  	s30 =	rddreg [dreg:$0xf]  }
0x23d: {  	s31 =	rddreg [dreg:$0xe];
	s3 =	sadd.s32 $0x1, s30  }
0x23e: {  	p0 =	sne.s32 s3, s31  }
.Ltmp4:
0x23f: {  	_ = 	snop;
	(pc) =	sbr.rel @p0 .LBB2_1-.Ltmp4, $4  }
0x240: {  	_ = 	snop  }
0x241: {  	s4 =	rddreg [dreg:$0x6]  }
0x242: {  	[sflag:s1] =	ssyncset.done $0x0;
	s7 =	rddreg [dreg:$0x9]  }
0x243: {  	s2 =	simm.s32 $0x4200;
	s8 =	rddreg [dreg:$0xa];
	[sflag:s1] =	ssyncadd.s32 $0xFFFFFFF0  }
0x244: {  	_ =	sfence.sel $0x180000  }
0x245: {  	[bflag:$0x0] =	sbarrier.arrive $0xFFFF  }
0x246: {  	_ =	strace $0x90000047  }
0x247: {  	s0 =	stileid.u32;
	[bflag:$0x2] =	sbarrier.arrive $0xFFFF  }
0x248: {  	p0 =	sne.s32 s0, $0x0;
	s0 =	rddreg [dreg:$0x4]  }
0x249: {  	s0 =	sadd.s32 @!p0 $0x100000, s0  }
0x24a: {  	[sflag:s0] =	ssyncadd.tile.s32 @!p0 $0x1;
	_ =	shalt  }
.Lfunc_end2:
_tile_overlayer_lowered:
.L_overlay_start_2:
0x24b: {  	(tag) =	ssettag $0x2  }
0x24c: {  	s0 =	rddreg [dreg:$0x0];
	s2 =	stileid.u32  }
0x24d: {  	s1 =	rddreg [dreg:$0x1];
	p0 =	sne.s32 s2, $0x0  }
0x24e: {  	s3 =	rddreg [dreg:$0x2];
	[bflag:$0x3] =	sbarrier.arrive $0xFFFF;
	s2 =	simm.s32 @!p0 $0x1C03  }
0x24f: {  	[timem:s3], [sflag:s2] =	dma.local @!p0 [hbm:s0], s1  }
0x250: {  	s0 =	simm.s32 @!p0 $0x3  }
0x251: {  	_ =	swait.ge @!p0 [sflag:s0], s1  }
0x252: {  	s1 =	ssub.s32 @!p0 $0x0, s1;
	[sflag:s0] =	ssyncset.done @!p0 $0x0  }
0x253: {  	[sflag:s0] =	ssyncadd.s32 @!p0 s1  }
0x254: {  	[bflag:$0x3] =	sbarrier.arrive $0xFFFF  }
0x255: {  	_ =	shalt  }

</sc_bundles>
